<compile_context>
chip_gen: v7x
topology: tpu7x:2x2x1
jax: 0.10.2.dev20260603
libtpu: 0.0.44.dev20260713+nightly
codegen_flags: <defaults>
</compile_context>

<pallas_src>
import functools

import jax
import jax.numpy as jnp
from jax import lax
from jax.experimental import pallas as pl
from jax.experimental.pallas import tpu as pltpu
from jax.experimental.pallas import tpu_sc as plsc

TOTAL = 32768
DIM = 2048
SEGS = 16
LANES = 16

NC = 2
NS = 16
NW = NC * NS
COLS = DIM // NW
VECS = COLS // LANES
CHUNK = 512
NCHUNK = TOTAL // CHUNK


def _seg_sum_body(
    flat_hbm, ids_hbm, out_hbm, ids_v, buf_v, buf2_v, acc_v, sem_a, sem_b
):
    cid = lax.axis_index("c")
    sid = lax.axis_index("s")
    wid = sid * NC + cid
    c0 = wid * COLS

    pltpu.async_copy(
        flat_hbm.at[pl.ds(0, CHUNK), pl.ds(c0, COLS)], buf_v, sem_a
    )

    pltpu.sync_copy(ids_hbm, ids_v)

    zero = jnp.zeros((LANES,), jnp.float32)
    for s in range(SEGS):
        for j in range(VECS):
            acc_v[s, pl.ds(j * LANES, LANES)] = zero

    s_iota = lax.iota(jnp.int32, LANES)
    lo0 = jnp.zeros((LANES,), jnp.int32)
    hi0 = jnp.full((LANES,), TOTAL, jnp.int32)

    def bs_body(_, carry):
        lo, hi = carry
        mid = lax.div(lo + hi, 2)
        midc = jnp.minimum(mid, TOTAL - 1)
        v = plsc.load_gather(ids_v, [midc])
        go = lo < hi
        pred = v < s_iota
        lo2 = jnp.where(jnp.logical_and(go, pred), mid + 1, lo)
        hi2 = jnp.where(jnp.logical_and(go, jnp.logical_not(pred)), mid, hi)
        return lo2, hi2

    lovec, _ = lax.fori_loop(0, 16, bs_body, (lo0, hi0))

    bnd = [
        jnp.sum(jnp.where(s_iota == s, lovec, 0))
        for s in range(SEGS)
    ] + [jnp.int32(TOTAL)]

    def start(k, buf, sem):
        pltpu.async_copy(
            flat_hbm.at[pl.ds(k * CHUNK, CHUNK), pl.ds(c0, COLS)], buf, sem
        )

    def wait(buf, sem):
        pltpu.make_async_copy(
            flat_hbm.at[pl.ds(0, CHUNK), pl.ds(c0, COLS)], buf, sem
        ).wait()

    def process_slow(k, buf):
        t0 = k * CHUNK
        for s in range(SEGS):
            lo_s = jnp.maximum(bnd[s], t0)
            hi_s = jnp.minimum(bnd[s + 1], t0 + CHUNK)

            def tok_body(t, accs, _t0=t0, _buf=buf):
                r = t - _t0
                return tuple(
                    accs[j] + _buf[r, pl.ds(j * LANES, LANES)]
                    for j in range(VECS)
                )

            accs = lax.fori_loop(
                lo_s, hi_s, tok_body, tuple(zero for _ in range(VECS))
            )
            for j in range(VECS):
                sl = pl.ds(j * LANES, LANES)
                acc_v[s, sl] = acc_v[s, sl] + accs[j]

    UNROLL = 8
    NSETS = 4

    def process_fast(seg, buf):
        def body(i, carry, _buf=buf):
            accs = list(carry)
            r0 = i * UNROLL
            for u in range(UNROLL):
                st = u % NSETS
                for j in range(VECS):
                    idx = st * VECS + j
                    accs[idx] = accs[idx] + _buf[r0 + u, pl.ds(j * LANES, LANES)]
            return tuple(accs)

        accs = lax.fori_loop(
            0, CHUNK // UNROLL, body, tuple(zero for _ in range(NSETS * VECS))
        )
        for j in range(VECS):
            tot = accs[j]
            for st in range(1, NSETS):
                tot = tot + accs[st * VECS + j]
            sl = pl.ds(j * LANES, LANES)
            acc_v[seg, sl] = acc_v[seg, sl] + tot

    def process(k, buf):
        t0 = k * CHUNK
        seg = jnp.sum((lovec <= t0).astype(jnp.int32)) - 1
        crossing = jnp.sum(
            jnp.logical_and(lovec > t0, lovec < t0 + CHUNK).astype(jnp.int32)
        )
        is_pure = crossing == 0

        @pl.when(is_pure)
        def _():
            process_fast(seg, buf)

        @pl.when(jnp.logical_not(is_pure))
        def _():
            process_slow(k, buf)

    def chunk_body(k2, carry):
        k = 2 * k2
        start(k + 1, buf2_v, sem_b)
        wait(buf_v, sem_a)
        process(k, buf_v)

        @pl.when(k + 2 < NCHUNK)
        def _():
            start(k + 2, buf_v, sem_a)

        wait(buf2_v, sem_b)
        process(k + 1, buf2_v)
        return carry

    lax.fori_loop(0, NCHUNK // 2, chunk_body, 0)

    pltpu.sync_copy(acc_v, out_hbm.at[:, pl.ds(c0, COLS)])


@jax.jit
def _seg_sum(flat, segment_ids):
    mesh = plsc.VectorSubcoreMesh(core_axis_name="c", subcore_axis_name="s")
    k = pl.kernel(
        _seg_sum_body,
        mesh=mesh,
        out_type=jax.ShapeDtypeStruct((SEGS, DIM), jnp.float32),
        scratch_types=[
            pltpu.VMEM((TOTAL,), jnp.int32),
            pltpu.VMEM((CHUNK, COLS), jnp.float32),
            pltpu.VMEM((CHUNK, COLS), jnp.float32),
            pltpu.VMEM((SEGS, COLS), jnp.float32),
            pltpu.SemaphoreType.DMA,
            pltpu.SemaphoreType.DMA,
        ],
        compiler_params=pltpu.CompilerParams(
            use_tc_tiling_on_sc=False, needs_layout_passes=False
        ),
    )
    return k(flat, segment_ids)


def kernel(flat, segment_ids):
    return _seg_sum(flat, segment_ids)

# --- scband reference (transcript-rebuilt; emitter-appended) ---
"""Pipeline reference for scband-permop-ragged-30863634989380 (READ-ONLY COPY).

The authoritative reference and input builder live on the scoring server;
editing this copy changes nothing except your own understanding.
"""

import jax, jax.numpy as jnp
import numpy as np

TOTAL_TOK = 32768
D = 2048
BATCH = 16

def setup_inputs(seed: int = 0) -> dict:
    key = jax.random.key(seed)
    k1, k2 = jax.random.split(key)
    flat = jax.random.normal(k1, (TOTAL_TOK, D), dtype=jnp.float32)
    segment_ids = jnp.sort(jax.random.randint(k2, (TOTAL_TOK,), 0, BATCH, dtype=jnp.int32))
    return {"flat": flat, "segment_ids": segment_ids}

def reference(flat, segment_ids):
    # PermopRagged: tf.math.reduce_sum(ragged_inputs, axis=1)
    # Ragged tensor represented as flat values + row segment ids.
    # Sum over the ragged (per-row variable-length) axis == segment_sum.
    out = jax.ops.segment_sum(flat, segment_ids, num_segments=BATCH)
    return out

if __name__ == "__main__":
    import jax
    _d = setup_inputs()
    print(jax.jit(kernel)(*tuple(_d.values())))

</pallas_src>

<mosaic_0001>
#map = affine_map<(d0, d1) -> (0, 0)>
#map1 = affine_map<(d0, d1) -> (0)>
module attributes {stable_mosaic.version = 14 : i64} {
  func.func @_seg_sum_body(%arg0: i32, %arg1: i32, %arg2: memref<32768x2048xf32, #tpu.memory_space<hbm>>, %arg3: memref<32768xi32, #tpu.memory_space<hbm>>, %arg4: memref<16x2048xf32, #tpu.memory_space<hbm>>, %arg5: memref<32768xi32, #tpu.memory_space<vmem>>, %arg6: memref<512x64xf32, #tpu.memory_space<vmem>>, %arg7: memref<512x64xf32, #tpu.memory_space<vmem>>, %arg8: memref<16x64xf32, #tpu.memory_space<vmem>>, %arg9: memref<!tpu.dma_semaphore, #tpu.memory_space<semaphore_mem>>, %arg10: memref<!tpu.dma_semaphore, #tpu.memory_space<semaphore_mem>>) attributes {dimension_semantics = [#tpu.dimension_semantics<core_parallel>, #tpu.dimension_semantics<subcore_parallel>], iteration_bounds = array<i64: 2, 16>, scalar_prefetch = 0 : i64, scratch_operands = 6 : i64, tpu.core_type = #tpu.core_type<sc_vector_subcore>, window_params = [{transform_indices = #map}, {transform_indices = #map1}, {transform_indices = #map}]} {
    %mul3A = arith.constant 2 : i32
    %mul3A_0 = arith.muli %arg1, %mul3A : i32
    %add3A = arith.addi %mul3A_0, %arg0 : i32
    %mul3A_1 = arith.constant 64 : i32
    %mul3A_2 = arith.muli %add3A, %mul3A_1 : i32
    %dma_start3A = arith.constant 0 : i32
    %dma_start3A_3 = tpu.memref_slice %arg2[%dma_start3A, %mul3A_2] : memref<32768x2048xf32, #tpu.memory_space<hbm>> -> memref<512x64xf32, #tpu.memory_space<hbm>>
    %dma_start3A_4 = arith.constant 0 : i32
    %dma_start3A_5 = tpu.memref_slice %arg2[%dma_start3A_4, %mul3A_2] : memref<32768x2048xf32, #tpu.memory_space<hbm>> -> memref<512x64xf32, #tpu.memory_space<hbm>>
    tpu.enqueue_dma source(%dma_start3A_5 : memref<512x64xf32, #tpu.memory_space<hbm>>) target(%arg6 : memref<512x64xf32, #tpu.memory_space<vmem>>) target_semaphore(%arg9 : memref<!tpu.dma_semaphore, #tpu.memory_space<semaphore_mem>>)
    "tpu.region"() ({
      %run_scoped3A = tpu.sem_alloc : memref<!tpu.dma_semaphore, #tpu.memory_space<semaphore_mem>>
      tpu.enqueue_dma source(%arg3 : memref<32768xi32, #tpu.memory_space<hbm>>) target(%arg5 : memref<32768xi32, #tpu.memory_space<vmem>>) target_semaphore(%run_scoped3A : memref<!tpu.dma_semaphore, #tpu.memory_space<semaphore_mem>>)
      tpu.wait_dma2 semaphore(%run_scoped3A : memref<!tpu.dma_semaphore, #tpu.memory_space<semaphore_mem>>) src(%arg3 : memref<32768xi32, #tpu.memory_space<hbm>>) dst(%arg5 : memref<32768xi32, #tpu.memory_space<vmem>>)
      tpu.yield
    }) : () -> ()
    %broadcast_in_dim3A = arith.constant 0.000000e+00 : f32
    %broadcast_in_dim3A_6 = vector.broadcast %broadcast_in_dim3A : f32 to vector<16xf32>
    %swap3A = arith.constant 0 : i32
    %swap3A_7 = arith.index_cast %swap3A : i32 to index
    %swap3A_8 = arith.constant 0 : index
    %swap3A_9 = tpu.vector_load %arg8[%swap3A_7, %swap3A_8] {strides = array<i32>} : memref<16x64xf32, #tpu.memory_space<vmem>>, vector<16xf32>,
    tpu.vector_store %arg8[%swap3A_7, %swap3A_8], %broadcast_in_dim3A_6 {strides = array<i32>} : memref<16x64xf32, #tpu.memory_space<vmem>>, vector<16xf32>,
    %swap3A_10 = arith.constant 0 : i32
    %swap3A_11 = arith.index_cast %swap3A_10 : i32 to index
    %swap3A_12 = arith.constant 16 : index
    %swap3A_13 = tpu.vector_load %arg8[%swap3A_11, %swap3A_12] {strides = array<i32>} : memref<16x64xf32, #tpu.memory_space<vmem>>, vector<16xf32>,
    tpu.vector_store %arg8[%swap3A_11, %swap3A_12], %broadcast_in_dim3A_6 {strides = array<i32>} : memref<16x64xf32, #tpu.memory_space<vmem>>, vector<16xf32>,
    %swap3A_14 = arith.constant 0 : i32
    %swap3A_15 = arith.index_cast %swap3A_14 : i32 to index
    %swap3A_16 = arith.constant 32 : index
    %swap3A_17 = tpu.vector_load %arg8[%swap3A_15, %swap3A_16] {strides = array<i32>} : memref<16x64xf32, #tpu.memory_space<vmem>>, vector<16xf32>,
    tpu.vector_store %arg8[%swap3A_15, %swap3A_16], %broadcast_in_dim3A_6 {strides = array<i32>} : memref<16x64xf32, #tpu.memory_space<vmem>>, vector<16xf32>,
    %swap3A_18 = arith.constant 0 : i32
    %swap3A_19 = arith.index_cast %swap3A_18 : i32 to index
    %swap3A_20 = arith.constant 48 : index
    %swap3A_21 = tpu.vector_load %arg8[%swap3A_19, %swap3A_20] {strides = array<i32>} : memref<16x64xf32, #tpu.memory_space<vmem>>, vector<16xf32>,
    tpu.vector_store %arg8[%swap3A_19, %swap3A_20], %broadcast_in_dim3A_6 {strides = array<i32>} : memref<16x64xf32, #tpu.memory_space<vmem>>, vector<16xf32>,
    %swap3A_22 = arith.constant 1 : i32
    %swap3A_23 = arith.index_cast %swap3A_22 : i32 to index
    %swap3A_24 = arith.constant 0 : index
    %swap3A_25 = tpu.vector_load %arg8[%swap3A_23, %swap3A_24] {strides = array<i32>} : memref<16x64xf32, #tpu.memory_space<vmem>>, vector<16xf32>,
    tpu.vector_store %arg8[%swap3A_23, %swap3A_24], %broadcast_in_dim3A_6 {strides = array<i32>} : memref<16x64xf32, #tpu.memory_space<vmem>>, vector<16xf32>,
    %swap3A_26 = arith.constant 1 : i32
    %swap3A_27 = arith.index_cast %swap3A_26 : i32 to index
    %swap3A_28 = arith.constant 16 : index
    %swap3A_29 = tpu.vector_load %arg8[%swap3A_27, %swap3A_28] {strides = array<i32>} : memref<16x64xf32, #tpu.memory_space<vmem>>, vector<16xf32>,
    tpu.vector_store %arg8[%swap3A_27, %swap3A_28], %broadcast_in_dim3A_6 {strides = array<i32>} : memref<16x64xf32, #tpu.memory_space<vmem>>, vector<16xf32>,
    %swap3A_30 = arith.constant 1 : i32
    %swap3A_31 = arith.index_cast %swap3A_30 : i32 to index
    %swap3A_32 = arith.constant 32 : index
    %swap3A_33 = tpu.vector_load %arg8[%swap3A_31, %swap3A_32] {strides = array<i32>} : memref<16x64xf32, #tpu.memory_space<vmem>>, vector<16xf32>,
    tpu.vector_store %arg8[%swap3A_31, %swap3A_32], %broadcast_in_dim3A_6 {strides = array<i32>} : memref<16x64xf32, #tpu.memory_space<vmem>>, vector<16xf32>,
    %swap3A_34 = arith.constant 1 : i32
    %swap3A_35 = arith.index_cast %swap3A_34 : i32 to index
    %swap3A_36 = arith.constant 48 : index
    %swap3A_37 = tpu.vector_load %arg8[%swap3A_35, %swap3A_36] {strides = array<i32>} : memref<16x64xf32, #tpu.memory_space<vmem>>, vector<16xf32>,
    tpu.vector_store %arg8[%swap3A_35, %swap3A_36], %broadcast_in_dim3A_6 {strides = array<i32>} : memref<16x64xf32, #tpu.memory_space<vmem>>, vector<16xf32>,
    %swap3A_38 = arith.constant 2 : i32
    %swap3A_39 = arith.index_cast %swap3A_38 : i32 to index
    %swap3A_40 = arith.constant 0 : index
    %swap3A_41 = tpu.vector_load %arg8[%swap3A_39, %swap3A_40] {strides = array<i32>} : memref<16x64xf32, #tpu.memory_space<vmem>>, vector<16xf32>,
    tpu.vector_store %arg8[%swap3A_39, %swap3A_40], %broadcast_in_dim3A_6 {strides = array<i32>} : memref<16x64xf32, #tpu.memory_space<vmem>>, vector<16xf32>,
    %swap3A_42 = arith.constant 2 : i32
    %swap3A_43 = arith.index_cast %swap3A_42 : i32 to index
    %swap3A_44 = arith.constant 16 : index
    %swap3A_45 = tpu.vector_load %arg8[%swap3A_43, %swap3A_44] {strides = array<i32>} : memref<16x64xf32, #tpu.memory_space<vmem>>, vector<16xf32>,
    tpu.vector_store %arg8[%swap3A_43, %swap3A_44], %broadcast_in_dim3A_6 {strides = array<i32>} : memref<16x64xf32, #tpu.memory_space<vmem>>, vector<16xf32>,
    %swap3A_46 = arith.constant 2 : i32
    %swap3A_47 = arith.index_cast %swap3A_46 : i32 to index
    %swap3A_48 = arith.constant 32 : index
    %swap3A_49 = tpu.vector_load %arg8[%swap3A_47, %swap3A_48] {strides = array<i32>} : memref<16x64xf32, #tpu.memory_space<vmem>>, vector<16xf32>,
    tpu.vector_store %arg8[%swap3A_47, %swap3A_48], %broadcast_in_dim3A_6 {strides = array<i32>} : memref<16x64xf32, #tpu.memory_space<vmem>>, vector<16xf32>,
    %swap3A_50 = arith.constant 2 : i32
    %swap3A_51 = arith.index_cast %swap3A_50 : i32 to index
    %swap3A_52 = arith.constant 48 : index
    %swap3A_53 = tpu.vector_load %arg8[%swap3A_51, %swap3A_52] {strides = array<i32>} : memref<16x64xf32, #tpu.memory_space<vmem>>, vector<16xf32>,
    tpu.vector_store %arg8[%swap3A_51, %swap3A_52], %broadcast_in_dim3A_6 {strides = array<i32>} : memref<16x64xf32, #tpu.memory_space<vmem>>, vector<16xf32>,
    %swap3A_54 = arith.constant 3 : i32
    %swap3A_55 = arith.index_cast %swap3A_54 : i32 to index
    %swap3A_56 = arith.constant 0 : index
    %swap3A_57 = tpu.vector_load %arg8[%swap3A_55, %swap3A_56] {strides = array<i32>} : memref<16x64xf32, #tpu.memory_space<vmem>>, vector<16xf32>,
    tpu.vector_store %arg8[%swap3A_55, %swap3A_56], %broadcast_in_dim3A_6 {strides = array<i32>} : memref<16x64xf32, #tpu.memory_space<vmem>>, vector<16xf32>,
    %swap3A_58 = arith.constant 3 : i32
    %swap3A_59 = arith.index_cast %swap3A_58 : i32 to index
    %swap3A_60 = arith.constant 16 : index
    %swap3A_61 = tpu.vector_load %arg8[%swap3A_59, %swap3A_60] {strides = array<i32>} : memref<16x64xf32, #tpu.memory_space<vmem>>, vector<16xf32>,
    tpu.vector_store %arg8[%swap3A_59, %swap3A_60], %broadcast_in_dim3A_6 {strides = array<i32>} : memref<16x64xf32, #tpu.memory_space<vmem>>, vector<16xf32>,
    %swap3A_62 = arith.constant 3 : i32
    %swap3A_63 = arith.index_cast %swap3A_62 : i32 to index
    %swap3A_64 = arith.constant 32 : index
    %swap3A_65 = tpu.vector_load %arg8[%swap3A_63, %swap3A_64] {strides = array<i32>} : memref<16x64xf32, #tpu.memory_space<vmem>>, vector<16xf32>,
    tpu.vector_store %arg8[%swap3A_63, %swap3A_64], %broadcast_in_dim3A_6 {strides = array<i32>} : memref<16x64xf32, #tpu.memory_space<vmem>>, vector<16xf32>,
    %swap3A_66 = arith.constant 3 : i32
    %swap3A_67 = arith.index_cast %swap3A_66 : i32 to index
    %swap3A_68 = arith.constant 48 : index
    %swap3A_69 = tpu.vector_load %arg8[%swap3A_67, %swap3A_68] {strides = array<i32>} : memref<16x64xf32, #tpu.memory_space<vmem>>, vector<16xf32>,
    tpu.vector_store %arg8[%swap3A_67, %swap3A_68], %broadcast_in_dim3A_6 {strides = array<i32>} : memref<16x64xf32, #tpu.memory_space<vmem>>, vector<16xf32>,
    %swap3A_70 = arith.constant 4 : i32
    %swap3A_71 = arith.index_cast %swap3A_70 : i32 to index
    %swap3A_72 = arith.constant 0 : index
    %swap3A_73 = tpu.vector_load %arg8[%swap3A_71, %swap3A_72] {strides = array<i32>} : memref<16x64xf32, #tpu.memory_space<vmem>>, vector<16xf32>,
    tpu.vector_store %arg8[%swap3A_71, %swap3A_72], %broadcast_in_dim3A_6 {strides = array<i32>} : memref<16x64xf32, #tpu.memory_space<vmem>>, vector<16xf32>,
    %swap3A_74 = arith.constant 4 : i32
    %swap3A_75 = arith.index_cast %swap3A_74 : i32 to index
    %swap3A_76 = arith.constant 16 : index
    %swap3A_77 = tpu.vector_load %arg8[%swap3A_75, %swap3A_76] {strides = array<i32>} : memref<16x64xf32, #tpu.memory_space<vmem>>, vector<16xf32>,
    tpu.vector_store %arg8[%swap3A_75, %swap3A_76], %broadcast_in_dim3A_6 {strides = array<i32>} : memref<16x64xf32, #tpu.memory_space<vmem>>, vector<16xf32>,
    %swap3A_78 = arith.constant 4 : i32
    %swap3A_79 = arith.index_cast %swap3A_78 : i32 to index
    %swap3A_80 = arith.constant 32 : index
    %swap3A_81 = tpu.vector_load %arg8[%swap3A_79, %swap3A_80] {strides = array<i32>} : memref<16x64xf32, #tpu.memory_space<vmem>>, vector<16xf32>,
    tpu.vector_store %arg8[%swap3A_79, %swap3A_80], %broadcast_in_dim3A_6 {strides = array<i32>} : memref<16x64xf32, #tpu.memory_space<vmem>>, vector<16xf32>,
    %swap3A_82 = arith.constant 4 : i32
    %swap3A_83 = arith.index_cast %swap3A_82 : i32 to index
    %swap3A_84 = arith.constant 48 : index
    %swap3A_85 = tpu.vector_load %arg8[%swap3A_83, %swap3A_84] {strides = array<i32>} : memref<16x64xf32, #tpu.memory_space<vmem>>, vector<16xf32>,
    tpu.vector_store %arg8[%swap3A_83, %swap3A_84], %broadcast_in_dim3A_6 {strides = array<i32>} : memref<16x64xf32, #tpu.memory_space<vmem>>, vector<16xf32>,
    %swap3A_86 = arith.constant 5 : i32
    %swap3A_87 = arith.index_cast %swap3A_86 : i32 to index
    %swap3A_88 = arith.constant 0 : index
    %swap3A_89 = tpu.vector_load %arg8[%swap3A_87, %swap3A_88] {strides = array<i32>} : memref<16x64xf32, #tpu.memory_space<vmem>>, vector<16xf32>,
    tpu.vector_store %arg8[%swap3A_87, %swap3A_88], %broadcast_in_dim3A_6 {strides = array<i32>} : memref<16x64xf32, #tpu.memory_space<vmem>>, vector<16xf32>,
    %swap3A_90 = arith.constant 5 : i32
    %swap3A_91 = arith.index_cast %swap3A_90 : i32 to index
    %swap3A_92 = arith.constant 16 : index
    %swap3A_93 = tpu.vector_load %arg8[%swap3A_91, %swap3A_92] {strides = array<i32>} : memref<16x64xf32, #tpu.memory_space<vmem>>, vector<16xf32>,
    tpu.vector_store %arg8[%swap3A_91, %swap3A_92], %broadcast_in_dim3A_6 {strides = array<i32>} : memref<16x64xf32, #tpu.memory_space<vmem>>, vector<16xf32>,
    %swap3A_94 = arith.constant 5 : i32
    %swap3A_95 = arith.index_cast %swap3A_94 : i32 to index
    %swap3A_96 = arith.constant 32 : index
    %swap3A_97 = tpu.vector_load %arg8[%swap3A_95, %swap3A_96] {strides = array<i32>} : memref<16x64xf32, #tpu.memory_space<vmem>>, vector<16xf32>,
    tpu.vector_store %arg8[%swap3A_95, %swap3A_96], %broadcast_in_dim3A_6 {strides = array<i32>} : memref<16x64xf32, #tpu.memory_space<vmem>>, vector<16xf32>,
    %swap3A_98 = arith.constant 5 : i32
    %swap3A_99 = arith.index_cast %swap3A_98 : i32 to index
    %swap3A_100 = arith.constant 48 : index
    %swap3A_101 = tpu.vector_load %arg8[%swap3A_99, %swap3A_100] {strides = array<i32>} : memref<16x64xf32, #tpu.memory_space<vmem>>, vector<16xf32>,
    tpu.vector_store %arg8[%swap3A_99, %swap3A_100], %broadcast_in_dim3A_6 {strides = array<i32>} : memref<16x64xf32, #tpu.memory_space<vmem>>, vector<16xf32>,
    %swap3A_102 = arith.constant 6 : i32
    %swap3A_103 = arith.index_cast %swap3A_102 : i32 to index
    %swap3A_104 = arith.constant 0 : index
    %swap3A_105 = tpu.vector_load %arg8[%swap3A_103, %swap3A_104] {strides = array<i32>} : memref<16x64xf32, #tpu.memory_space<vmem>>, vector<16xf32>,
    tpu.vector_store %arg8[%swap3A_103, %swap3A_104], %broadcast_in_dim3A_6 {strides = array<i32>} : memref<16x64xf32, #tpu.memory_space<vmem>>, vector<16xf32>,
    %swap3A_106 = arith.constant 6 : i32
    %swap3A_107 = arith.index_cast %swap3A_106 : i32 to index
    %swap3A_108 = arith.constant 16 : index
    %swap3A_109 = tpu.vector_load %arg8[%swap3A_107, %swap3A_108] {strides = array<i32>} : memref<16x64xf32, #tpu.memory_space<vmem>>, vector<16xf32>,
    tpu.vector_store %arg8[%swap3A_107, %swap3A_108], %broadcast_in_dim3A_6 {strides = array<i32>} : memref<16x64xf32, #tpu.memory_space<vmem>>, vector<16xf32>,
    %swap3A_110 = arith.constant 6 : i32
    %swap3A_111 = arith.index_cast %swap3A_110 : i32 to index
    %swap3A_112 = arith.constant 32 : index
    %swap3A_113 = tpu.vector_load %arg8[%swap3A_111, %swap3A_112] {strides = array<i32>} : memref<16x64xf32, #tpu.memory_space<vmem>>, vector<16xf32>,
    tpu.vector_store %arg8[%swap3A_111, %swap3A_112], %broadcast_in_dim3A_6 {strides = array<i32>} : memref<16x64xf32, #tpu.memory_space<vmem>>, vector<16xf32>,
    %swap3A_114 = arith.constant 6 : i32
    %swap3A_115 = arith.index_cast %swap3A_114 : i32 to index
    %swap3A_116 = arith.constant 48 : index
    %swap3A_117 = tpu.vector_load %arg8[%swap3A_115, %swap3A_116] {strides = array<i32>} : memref<16x64xf32, #tpu.memory_space<vmem>>, vector<16xf32>,
    tpu.vector_store %arg8[%swap3A_115, %swap3A_116], %broadcast_in_dim3A_6 {strides = array<i32>} : memref<16x64xf32, #tpu.memory_space<vmem>>, vector<16xf32>,
    %swap3A_118 = arith.constant 7 : i32
    %swap3A_119 = arith.index_cast %swap3A_118 : i32 to index
    %swap3A_120 = arith.constant 0 : index
    %swap3A_121 = tpu.vector_load %arg8[%swap3A_119, %swap3A_120] {strides = array<i32>} : memref<16x64xf32, #tpu.memory_space<vmem>>, vector<16xf32>,
    tpu.vector_store %arg8[%swap3A_119, %swap3A_120], %broadcast_in_dim3A_6 {strides = array<i32>} : memref<16x64xf32, #tpu.memory_space<vmem>>, vector<16xf32>,
    %swap3A_122 = arith.constant 7 : i32
    %swap3A_123 = arith.index_cast %swap3A_122 : i32 to index
    %swap3A_124 = arith.constant 16 : index
    %swap3A_125 = tpu.vector_load %arg8[%swap3A_123, %swap3A_124] {strides = array<i32>} : memref<16x64xf32, #tpu.memory_space<vmem>>, vector<16xf32>,
    tpu.vector_store %arg8[%swap3A_123, %swap3A_124], %broadcast_in_dim3A_6 {strides = array<i32>} : memref<16x64xf32, #tpu.memory_space<vmem>>, vector<16xf32>,
    %swap3A_126 = arith.constant 7 : i32
    %swap3A_127 = arith.index_cast %swap3A_126 : i32 to index
    %swap3A_128 = arith.constant 32 : index
    %swap3A_129 = tpu.vector_load %arg8[%swap3A_127, %swap3A_128] {strides = array<i32>} : memref<16x64xf32, #tpu.memory_space<vmem>>, vector<16xf32>,
    tpu.vector_store %arg8[%swap3A_127, %swap3A_128], %broadcast_in_dim3A_6 {strides = array<i32>} : memref<16x64xf32, #tpu.memory_space<vmem>>, vector<16xf32>,
    %swap3A_130 = arith.constant 7 : i32
    %swap3A_131 = arith.index_cast %swap3A_130 : i32 to index
    %swap3A_132 = arith.constant 48 : index
    %swap3A_133 = tpu.vector_load %arg8[%swap3A_131, %swap3A_132] {strides = array<i32>} : memref<16x64xf32, #tpu.memory_space<vmem>>, vector<16xf32>,
    tpu.vector_store %arg8[%swap3A_131, %swap3A_132], %broadcast_in_dim3A_6 {strides = array<i32>} : memref<16x64xf32, #tpu.memory_space<vmem>>, vector<16xf32>,
    %swap3A_134 = arith.constant 8 : i32
    %swap3A_135 = arith.index_cast %swap3A_134 : i32 to index
    %swap3A_136 = arith.constant 0 : index
    %swap3A_137 = tpu.vector_load %arg8[%swap3A_135, %swap3A_136] {strides = array<i32>} : memref<16x64xf32, #tpu.memory_space<vmem>>, vector<16xf32>,
    tpu.vector_store %arg8[%swap3A_135, %swap3A_136], %broadcast_in_dim3A_6 {strides = array<i32>} : memref<16x64xf32, #tpu.memory_space<vmem>>, vector<16xf32>,
    %swap3A_138 = arith.constant 8 : i32
    %swap3A_139 = arith.index_cast %swap3A_138 : i32 to index
    %swap3A_140 = arith.constant 16 : index
    %swap3A_141 = tpu.vector_load %arg8[%swap3A_139, %swap3A_140] {strides = array<i32>} : memref<16x64xf32, #tpu.memory_space<vmem>>, vector<16xf32>,
    tpu.vector_store %arg8[%swap3A_139, %swap3A_140], %broadcast_in_dim3A_6 {strides = array<i32>} : memref<16x64xf32, #tpu.memory_space<vmem>>, vector<16xf32>,
    %swap3A_142 = arith.constant 8 : i32
    %swap3A_143 = arith.index_cast %swap3A_142 : i32 to index
    %swap3A_144 = arith.constant 32 : index
    %swap3A_145 = tpu.vector_load %arg8[%swap3A_143, %swap3A_144] {strides = array<i32>} : memref<16x64xf32, #tpu.memory_space<vmem>>, vector<16xf32>,
    tpu.vector_store %arg8[%swap3A_143, %swap3A_144], %broadcast_in_dim3A_6 {strides = array<i32>} : memref<16x64xf32, #tpu.memory_space<vmem>>, vector<16xf32>,
    %swap3A_146 = arith.constant 8 : i32
    %swap3A_147 = arith.index_cast %swap3A_146 : i32 to index
    %swap3A_148 = arith.constant 48 : index
    %swap3A_149 = tpu.vector_load %arg8[%swap3A_147, %swap3A_148] {strides = array<i32>} : memref<16x64xf32, #tpu.memory_space<vmem>>, vector<16xf32>,
    tpu.vector_store %arg8[%swap3A_147, %swap3A_148], %broadcast_in_dim3A_6 {strides = array<i32>} : memref<16x64xf32, #tpu.memory_space<vmem>>, vector<16xf32>,
    %swap3A_150 = arith.constant 9 : i32
    %swap3A_151 = arith.index_cast %swap3A_150 : i32 to index
    %swap3A_152 = arith.constant 0 : index
    %swap3A_153 = tpu.vector_load %arg8[%swap3A_151, %swap3A_152] {strides = array<i32>} : memref<16x64xf32, #tpu.memory_space<vmem>>, vector<16xf32>,
    tpu.vector_store %arg8[%swap3A_151, %swap3A_152], %broadcast_in_dim3A_6 {strides = array<i32>} : memref<16x64xf32, #tpu.memory_space<vmem>>, vector<16xf32>,
    %swap3A_154 = arith.constant 9 : i32
    %swap3A_155 = arith.index_cast %swap3A_154 : i32 to index
    %swap3A_156 = arith.constant 16 : index
    %swap3A_157 = tpu.vector_load %arg8[%swap3A_155, %swap3A_156] {strides = array<i32>} : memref<16x64xf32, #tpu.memory_space<vmem>>, vector<16xf32>,
    tpu.vector_store %arg8[%swap3A_155, %swap3A_156], %broadcast_in_dim3A_6 {strides = array<i32>} : memref<16x64xf32, #tpu.memory_space<vmem>>, vector<16xf32>,
    %swap3A_158 = arith.constant 9 : i32
    %swap3A_159 = arith.index_cast %swap3A_158 : i32 to index
    %swap3A_160 = arith.constant 32 : index
    %swap3A_161 = tpu.vector_load %arg8[%swap3A_159, %swap3A_160] {strides = array<i32>} : memref<16x64xf32, #tpu.memory_space<vmem>>, vector<16xf32>,
    tpu.vector_store %arg8[%swap3A_159, %swap3A_160], %broadcast_in_dim3A_6 {strides = array<i32>} : memref<16x64xf32, #tpu.memory_space<vmem>>, vector<16xf32>,
    %swap3A_162 = arith.constant 9 : i32
    %swap3A_163 = arith.index_cast %swap3A_162 : i32 to index
    %swap3A_164 = arith.constant 48 : index
    %swap3A_165 = tpu.vector_load %arg8[%swap3A_163, %swap3A_164] {strides = array<i32>} : memref<16x64xf32, #tpu.memory_space<vmem>>, vector<16xf32>,
    tpu.vector_store %arg8[%swap3A_163, %swap3A_164], %broadcast_in_dim3A_6 {strides = array<i32>} : memref<16x64xf32, #tpu.memory_space<vmem>>, vector<16xf32>,
    %swap3A_166 = arith.constant 10 : i32
    %swap3A_167 = arith.index_cast %swap3A_166 : i32 to index
    %swap3A_168 = arith.constant 0 : index
    %swap3A_169 = tpu.vector_load %arg8[%swap3A_167, %swap3A_168] {strides = array<i32>} : memref<16x64xf32, #tpu.memory_space<vmem>>, vector<16xf32>,
    tpu.vector_store %arg8[%swap3A_167, %swap3A_168], %broadcast_in_dim3A_6 {strides = array<i32>} : memref<16x64xf32, #tpu.memory_space<vmem>>, vector<16xf32>,
    %swap3A_170 = arith.constant 10 : i32
    %swap3A_171 = arith.index_cast %swap3A_170 : i32 to index
    %swap3A_172 = arith.constant 16 : index
    %swap3A_173 = tpu.vector_load %arg8[%swap3A_171, %swap3A_172] {strides = array<i32>} : memref<16x64xf32, #tpu.memory_space<vmem>>, vector<16xf32>,
    tpu.vector_store %arg8[%swap3A_171, %swap3A_172], %broadcast_in_dim3A_6 {strides = array<i32>} : memref<16x64xf32, #tpu.memory_space<vmem>>, vector<16xf32>,
    %swap3A_174 = arith.constant 10 : i32
    %swap3A_175 = arith.index_cast %swap3A_174 : i32 to index
    %swap3A_176 = arith.constant 32 : index
    %swap3A_177 = tpu.vector_load %arg8[%swap3A_175, %swap3A_176] {strides = array<i32>} : memref<16x64xf32, #tpu.memory_space<vmem>>, vector<16xf32>,
    tpu.vector_store %arg8[%swap3A_175, %swap3A_176], %broadcast_in_dim3A_6 {strides = array<i32>} : memref<16x64xf32, #tpu.memory_space<vmem>>, vector<16xf32>,
    %swap3A_178 = arith.constant 10 : i32
    %swap3A_179 = arith.index_cast %swap3A_178 : i32 to index
    %swap3A_180 = arith.constant 48 : index
    %swap3A_181 = tpu.vector_load %arg8[%swap3A_179, %swap3A_180] {strides = array<i32>} : memref<16x64xf32, #tpu.memory_space<vmem>>, vector<16xf32>,
    tpu.vector_store %arg8[%swap3A_179, %swap3A_180], %broadcast_in_dim3A_6 {strides = array<i32>} : memref<16x64xf32, #tpu.memory_space<vmem>>, vector<16xf32>,
    %swap3A_182 = arith.constant 11 : i32
    %swap3A_183 = arith.index_cast %swap3A_182 : i32 to index
    %swap3A_184 = arith.constant 0 : index
    %swap3A_185 = tpu.vector_load %arg8[%swap3A_183, %swap3A_184] {strides = array<i32>} : memref<16x64xf32, #tpu.memory_space<vmem>>, vector<16xf32>,
    tpu.vector_store %arg8[%swap3A_183, %swap3A_184], %broadcast_in_dim3A_6 {strides = array<i32>} : memref<16x64xf32, #tpu.memory_space<vmem>>, vector<16xf32>,
    %swap3A_186 = arith.constant 11 : i32
    %swap3A_187 = arith.index_cast %swap3A_186 : i32 to index
    %swap3A_188 = arith.constant 16 : index
    %swap3A_189 = tpu.vector_load %arg8[%swap3A_187, %swap3A_188] {strides = array<i32>} : memref<16x64xf32, #tpu.memory_space<vmem>>, vector<16xf32>,
    tpu.vector_store %arg8[%swap3A_187, %swap3A_188], %broadcast_in_dim3A_6 {strides = array<i32>} : memref<16x64xf32, #tpu.memory_space<vmem>>, vector<16xf32>,
    %swap3A_190 = arith.constant 11 : i32
    %swap3A_191 = arith.index_cast %swap3A_190 : i32 to index
    %swap3A_192 = arith.constant 32 : index
    %swap3A_193 = tpu.vector_load %arg8[%swap3A_191, %swap3A_192] {strides = array<i32>} : memref<16x64xf32, #tpu.memory_space<vmem>>, vector<16xf32>,
    tpu.vector_store %arg8[%swap3A_191, %swap3A_192], %broadcast_in_dim3A_6 {strides = array<i32>} : memref<16x64xf32, #tpu.memory_space<vmem>>, vector<16xf32>,
    %swap3A_194 = arith.constant 11 : i32
    %swap3A_195 = arith.index_cast %swap3A_194 : i32 to index
    %swap3A_196 = arith.constant 48 : index
    %swap3A_197 = tpu.vector_load %arg8[%swap3A_195, %swap3A_196] {strides = array<i32>} : memref<16x64xf32, #tpu.memory_space<vmem>>, vector<16xf32>,
    tpu.vector_store %arg8[%swap3A_195, %swap3A_196], %broadcast_in_dim3A_6 {strides = array<i32>} : memref<16x64xf32, #tpu.memory_space<vmem>>, vector<16xf32>,
    %swap3A_198 = arith.constant 12 : i32
    %swap3A_199 = arith.index_cast %swap3A_198 : i32 to index
    %swap3A_200 = arith.constant 0 : index
    %swap3A_201 = tpu.vector_load %arg8[%swap3A_199, %swap3A_200] {strides = array<i32>} : memref<16x64xf32, #tpu.memory_space<vmem>>, vector<16xf32>,
    tpu.vector_store %arg8[%swap3A_199, %swap3A_200], %broadcast_in_dim3A_6 {strides = array<i32>} : memref<16x64xf32, #tpu.memory_space<vmem>>, vector<16xf32>,
    %swap3A_202 = arith.constant 12 : i32
    %swap3A_203 = arith.index_cast %swap3A_202 : i32 to index
    %swap3A_204 = arith.constant 16 : index
    %swap3A_205 = tpu.vector_load %arg8[%swap3A_203, %swap3A_204] {strides = array<i32>} : memref<16x64xf32, #tpu.memory_space<vmem>>, vector<16xf32>,
    tpu.vector_store %arg8[%swap3A_203, %swap3A_204], %broadcast_in_dim3A_6 {strides = array<i32>} : memref<16x64xf32, #tpu.memory_space<vmem>>, vector<16xf32>,
    %swap3A_206 = arith.constant 12 : i32
    %swap3A_207 = arith.index_cast %swap3A_206 : i32 to index
    %swap3A_208 = arith.constant 32 : index
    %swap3A_209 = tpu.vector_load %arg8[%swap3A_207, %swap3A_208] {strides = array<i32>} : memref<16x64xf32, #tpu.memory_space<vmem>>, vector<16xf32>,
    tpu.vector_store %arg8[%swap3A_207, %swap3A_208], %broadcast_in_dim3A_6 {strides = array<i32>} : memref<16x64xf32, #tpu.memory_space<vmem>>, vector<16xf32>,
    %swap3A_210 = arith.constant 12 : i32
    %swap3A_211 = arith.index_cast %swap3A_210 : i32 to index
    %swap3A_212 = arith.constant 48 : index
    %swap3A_213 = tpu.vector_load %arg8[%swap3A_211, %swap3A_212] {strides = array<i32>} : memref<16x64xf32, #tpu.memory_space<vmem>>, vector<16xf32>,
    tpu.vector_store %arg8[%swap3A_211, %swap3A_212], %broadcast_in_dim3A_6 {strides = array<i32>} : memref<16x64xf32, #tpu.memory_space<vmem>>, vector<16xf32>,
    %swap3A_214 = arith.constant 13 : i32
    %swap3A_215 = arith.index_cast %swap3A_214 : i32 to index
    %swap3A_216 = arith.constant 0 : index
    %swap3A_217 = tpu.vector_load %arg8[%swap3A_215, %swap3A_216] {strides = array<i32>} : memref<16x64xf32, #tpu.memory_space<vmem>>, vector<16xf32>,
    tpu.vector_store %arg8[%swap3A_215, %swap3A_216], %broadcast_in_dim3A_6 {strides = array<i32>} : memref<16x64xf32, #tpu.memory_space<vmem>>, vector<16xf32>,
    %swap3A_218 = arith.constant 13 : i32
    %swap3A_219 = arith.index_cast %swap3A_218 : i32 to index
    %swap3A_220 = arith.constant 16 : index
    %swap3A_221 = tpu.vector_load %arg8[%swap3A_219, %swap3A_220] {strides = array<i32>} : memref<16x64xf32, #tpu.memory_space<vmem>>, vector<16xf32>,
    tpu.vector_store %arg8[%swap3A_219, %swap3A_220], %broadcast_in_dim3A_6 {strides = array<i32>} : memref<16x64xf32, #tpu.memory_space<vmem>>, vector<16xf32>,
    %swap3A_222 = arith.constant 13 : i32
    %swap3A_223 = arith.index_cast %swap3A_222 : i32 to index
    %swap3A_224 = arith.constant 32 : index
    %swap3A_225 = tpu.vector_load %arg8[%swap3A_223, %swap3A_224] {strides = array<i32>} : memref<16x64xf32, #tpu.memory_space<vmem>>, vector<16xf32>,
    tpu.vector_store %arg8[%swap3A_223, %swap3A_224], %broadcast_in_dim3A_6 {strides = array<i32>} : memref<16x64xf32, #tpu.memory_space<vmem>>, vector<16xf32>,
    %swap3A_226 = arith.constant 13 : i32
    %swap3A_227 = arith.index_cast %swap3A_226 : i32 to index
    %swap3A_228 = arith.constant 48 : index
    %swap3A_229 = tpu.vector_load %arg8[%swap3A_227, %swap3A_228] {strides = array<i32>} : memref<16x64xf32, #tpu.memory_space<vmem>>, vector<16xf32>,
    tpu.vector_store %arg8[%swap3A_227, %swap3A_228], %broadcast_in_dim3A_6 {strides = array<i32>} : memref<16x64xf32, #tpu.memory_space<vmem>>, vector<16xf32>,
    %swap3A_230 = arith.constant 14 : i32
    %swap3A_231 = arith.index_cast %swap3A_230 : i32 to index
    %swap3A_232 = arith.constant 0 : index
    %swap3A_233 = tpu.vector_load %arg8[%swap3A_231, %swap3A_232] {strides = array<i32>} : memref<16x64xf32, #tpu.memory_space<vmem>>, vector<16xf32>,
    tpu.vector_store %arg8[%swap3A_231, %swap3A_232], %broadcast_in_dim3A_6 {strides = array<i32>} : memref<16x64xf32, #tpu.memory_space<vmem>>, vector<16xf32>,
    %swap3A_234 = arith.constant 14 : i32
    %swap3A_235 = arith.index_cast %swap3A_234 : i32 to index
    %swap3A_236 = arith.constant 16 : index
    %swap3A_237 = tpu.vector_load %arg8[%swap3A_235, %swap3A_236] {strides = array<i32>} : memref<16x64xf32, #tpu.memory_space<vmem>>, vector<16xf32>,
    tpu.vector_store %arg8[%swap3A_235, %swap3A_236], %broadcast_in_dim3A_6 {strides = array<i32>} : memref<16x64xf32, #tpu.memory_space<vmem>>, vector<16xf32>,
    %swap3A_238 = arith.constant 14 : i32
    %swap3A_239 = arith.index_cast %swap3A_238 : i32 to index
    %swap3A_240 = arith.constant 32 : index
    %swap3A_241 = tpu.vector_load %arg8[%swap3A_239, %swap3A_240] {strides = array<i32>} : memref<16x64xf32, #tpu.memory_space<vmem>>, vector<16xf32>,
    tpu.vector_store %arg8[%swap3A_239, %swap3A_240], %broadcast_in_dim3A_6 {strides = array<i32>} : memref<16x64xf32, #tpu.memory_space<vmem>>, vector<16xf32>,
    %swap3A_242 = arith.constant 14 : i32
    %swap3A_243 = arith.index_cast %swap3A_242 : i32 to index
    %swap3A_244 = arith.constant 48 : index
    %swap3A_245 = tpu.vector_load %arg8[%swap3A_243, %swap3A_244] {strides = array<i32>} : memref<16x64xf32, #tpu.memory_space<vmem>>, vector<16xf32>,
    tpu.vector_store %arg8[%swap3A_243, %swap3A_244], %broadcast_in_dim3A_6 {strides = array<i32>} : memref<16x64xf32, #tpu.memory_space<vmem>>, vector<16xf32>,
    %swap3A_246 = arith.constant 15 : i32
    %swap3A_247 = arith.index_cast %swap3A_246 : i32 to index
    %swap3A_248 = arith.constant 0 : index
    %swap3A_249 = tpu.vector_load %arg8[%swap3A_247, %swap3A_248] {strides = array<i32>} : memref<16x64xf32, #tpu.memory_space<vmem>>, vector<16xf32>,
    tpu.vector_store %arg8[%swap3A_247, %swap3A_248], %broadcast_in_dim3A_6 {strides = array<i32>} : memref<16x64xf32, #tpu.memory_space<vmem>>, vector<16xf32>,
    %swap3A_250 = arith.constant 15 : i32
    %swap3A_251 = arith.index_cast %swap3A_250 : i32 to index
    %swap3A_252 = arith.constant 16 : index
    %swap3A_253 = tpu.vector_load %arg8[%swap3A_251, %swap3A_252] {strides = array<i32>} : memref<16x64xf32, #tpu.memory_space<vmem>>, vector<16xf32>,
    tpu.vector_store %arg8[%swap3A_251, %swap3A_252], %broadcast_in_dim3A_6 {strides = array<i32>} : memref<16x64xf32, #tpu.memory_space<vmem>>, vector<16xf32>,
    %swap3A_254 = arith.constant 15 : i32
    %swap3A_255 = arith.index_cast %swap3A_254 : i32 to index
    %swap3A_256 = arith.constant 32 : index
    %swap3A_257 = tpu.vector_load %arg8[%swap3A_255, %swap3A_256] {strides = array<i32>} : memref<16x64xf32, #tpu.memory_space<vmem>>, vector<16xf32>,
    tpu.vector_store %arg8[%swap3A_255, %swap3A_256], %broadcast_in_dim3A_6 {strides = array<i32>} : memref<16x64xf32, #tpu.memory_space<vmem>>, vector<16xf32>,
    %swap3A_258 = arith.constant 15 : i32
    %swap3A_259 = arith.index_cast %swap3A_258 : i32 to index
    %swap3A_260 = arith.constant 48 : index
    %swap3A_261 = tpu.vector_load %arg8[%swap3A_259, %swap3A_260] {strides = array<i32>} : memref<16x64xf32, #tpu.memory_space<vmem>>, vector<16xf32>,
    tpu.vector_store %arg8[%swap3A_259, %swap3A_260], %broadcast_in_dim3A_6 {strides = array<i32>} : memref<16x64xf32, #tpu.memory_space<vmem>>, vector<16xf32>,
    %iota3A = tpu.iota {dimensions = array<i32: 0>} : vector<16xi32>
    %broadcast_in_dim3A_262 = arith.constant 0 : i32
    %broadcast_in_dim3A_263 = vector.broadcast %broadcast_in_dim3A_262 : i32 to vector<16xi32>
    %broadcast_in_dim3A_264 = arith.constant 32768 : i32
    %broadcast_in_dim3A_265 = vector.broadcast %broadcast_in_dim3A_264 : i32 to vector<16xi32>
    %scan3A = arith.constant 0 : i32
    %scan3A_266 = arith.constant 16 : i32
    %scan3A_267 = arith.addi %scan3A, %scan3A_266 : i32
    %scan3A_268 = arith.constant 1 : i32
    %scan3A_269:2 = scf.for %scan3A_434 = %scan3A to %scan3A_267 step %scan3A_268 iter_args(%scan3A_435 = %broadcast_in_dim3A_263, %scan3A_436 = %broadcast_in_dim3A_265) -> (vector<16xi32>, vector<16xi32>)  : i32 {
      %add3A_437 = arith.addi %scan3A_435, %scan3A_436 : vector<16xi32>
      %div3A = arith.constant 2 : i32
      %div3A_438 = vector.broadcast %div3A : i32 to vector<16xi32>
      %div3A_439 = arith.divsi %add3A_437, %div3A_438 : vector<16xi32>
      %min3A = arith.constant 32767 : i32
      %min3A_440 = vector.broadcast %min3A : i32 to vector<16xi32>
      %min3A_441 = arith.minsi %div3A_439, %min3A_440 : vector<16xi32>
      %gather3A = tpu.vector_load_idx %arg5[%min3A_441] : memref<32768xi32, #tpu.memory_space<vmem>>[vector<16xi32>], vector<16xi32>,
      %lt3A = arith.cmpi slt, %scan3A_435, %scan3A_436 : vector<16xi32>
      %lt3A_442 = arith.cmpi slt, %gather3A, %iota3A : vector<16xi32>
      %and3A = arith.andi %lt3A, %lt3A_442 : vector<16xi1>
      %add3A_443 = arith.constant 1 : i32
      %add3A_444 = vector.broadcast %add3A_443 : i32 to vector<16xi32>
      %add3A_445 = arith.addi %div3A_439, %add3A_444 : vector<16xi32>
      %select_n3A_446 = arith.select %and3A, %add3A_445, %scan3A_435 : vector<16xi1>, vector<16xi32>
      %not3A = arith.constant dense<true> : vector<16xi1>
      %not3A_447 = arith.xori %lt3A_442, %not3A : vector<16xi1>
      %and3A_448 = arith.andi %lt3A, %not3A_447 : vector<16xi1>
      %select_n3A_449 = arith.select %and3A_448, %div3A_439, %scan3A_436 : vector<16xi1>, vector<16xi32>
      scf.yield %select_n3A_446, %select_n3A_449 : vector<16xi32>, vector<16xi32>
    }
    %scan3A_270 = arith.constant 16 : i32
    %eq3A = arith.constant 0 : i32
    %eq3A_271 = vector.broadcast %eq3A : i32 to vector<16xi32>
    %eq3A_272 = arith.cmpi eq, %iota3A, %eq3A_271 : vector<16xi32>
    %jit3A = arith.constant 0 : i32
    %broadcast_in_dim3A_273 = vector.broadcast %jit3A : i32 to vector<16xi32>
    %select_n3A = arith.select %eq3A_272, %scan3A_269#0, %broadcast_in_dim3A_273 : vector<16xi1>, vector<16xi32>
    %reduce_sum3A = arith.constant true
    %reduce_sum3A_274 = vector.broadcast %reduce_sum3A : i1 to vector<16xi1>
    %reduce_sum3A_275 = tpu.scan <sum>, %select_n3A masked %reduce_sum3A_274 : vector<16xi32>, vector<16xi1> -> vector<16xi32>
    %reduce_sum3A_276 = vector.extract %reduce_sum3A_275[15] : i32 from vector<16xi32>
    %eq3A_277 = arith.constant 1 : i32
    %eq3A_278 = vector.broadcast %eq3A_277 : i32 to vector<16xi32>
    %eq3A_279 = arith.cmpi eq, %iota3A, %eq3A_278 : vector<16xi32>
    %jit3A_280 = arith.constant 0 : i32
    %broadcast_in_dim3A_281 = vector.broadcast %jit3A_280 : i32 to vector<16xi32>
    %select_n3A_282 = arith.select %eq3A_279, %scan3A_269#0, %broadcast_in_dim3A_281 : vector<16xi1>, vector<16xi32>
    %reduce_sum3A_283 = arith.constant true
    %reduce_sum3A_284 = vector.broadcast %reduce_sum3A_283 : i1 to vector<16xi1>
    %reduce_sum3A_285 = tpu.scan <sum>, %select_n3A_282 masked %reduce_sum3A_284 : vector<16xi32>, vector<16xi1> -> vector<16xi32>
    %reduce_sum3A_286 = vector.extract %reduce_sum3A_285[15] : i32 from vector<16xi32>
    %eq3A_287 = arith.constant 2 : i32
    %eq3A_288 = vector.broadcast %eq3A_287 : i32 to vector<16xi32>
    %eq3A_289 = arith.cmpi eq, %iota3A, %eq3A_288 : vector<16xi32>
    %jit3A_290 = arith.constant 0 : i32
    %broadcast_in_dim3A_291 = vector.broadcast %jit3A_290 : i32 to vector<16xi32>
    %select_n3A_292 = arith.select %eq3A_289, %scan3A_269#0, %broadcast_in_dim3A_291 : vector<16xi1>, vector<16xi32>
    %reduce_sum3A_293 = arith.constant true
    %reduce_sum3A_294 = vector.broadcast %reduce_sum3A_293 : i1 to vector<16xi1>
    %reduce_sum3A_295 = tpu.scan <sum>, %select_n3A_292 masked %reduce_sum3A_294 : vector<16xi32>, vector<16xi1> -> vector<16xi32>
    %reduce_sum3A_296 = vector.extract %reduce_sum3A_295[15] : i32 from vector<16xi32>
    %eq3A_297 = arith.constant 3 : i32
    %eq3A_298 = vector.broadcast %eq3A_297 : i32 to vector<16xi32>
    %eq3A_299 = arith.cmpi eq, %iota3A, %eq3A_298 : vector<16xi32>
    %jit3A_300 = arith.constant 0 : i32
    %broadcast_in_dim3A_301 = vector.broadcast %jit3A_300 : i32 to vector<16xi32>
    %select_n3A_302 = arith.select %eq3A_299, %scan3A_269#0, %broadcast_in_dim3A_301 : vector<16xi1>, vector<16xi32>
    %reduce_sum3A_303 = arith.constant true
    %reduce_sum3A_304 = vector.broadcast %reduce_sum3A_303 : i1 to vector<16xi1>
    %reduce_sum3A_305 = tpu.scan <sum>, %select_n3A_302 masked %reduce_sum3A_304 : vector<16xi32>, vector<16xi1> -> vector<16xi32>
    %reduce_sum3A_306 = vector.extract %reduce_sum3A_305[15] : i32 from vector<16xi32>
    %eq3A_307 = arith.constant 4 : i32
    %eq3A_308 = vector.broadcast %eq3A_307 : i32 to vector<16xi32>
    %eq3A_309 = arith.cmpi eq, %iota3A, %eq3A_308 : vector<16xi32>
    %jit3A_310 = arith.constant 0 : i32
    %broadcast_in_dim3A_311 = vector.broadcast %jit3A_310 : i32 to vector<16xi32>
    %select_n3A_312 = arith.select %eq3A_309, %scan3A_269#0, %broadcast_in_dim3A_311 : vector<16xi1>, vector<16xi32>
    %reduce_sum3A_313 = arith.constant true
    %reduce_sum3A_314 = vector.broadcast %reduce_sum3A_313 : i1 to vector<16xi1>
    %reduce_sum3A_315 = tpu.scan <sum>, %select_n3A_312 masked %reduce_sum3A_314 : vector<16xi32>, vector<16xi1> -> vector<16xi32>
    %reduce_sum3A_316 = vector.extract %reduce_sum3A_315[15] : i32 from vector<16xi32>
    %eq3A_317 = arith.constant 5 : i32
    %eq3A_318 = vector.broadcast %eq3A_317 : i32 to vector<16xi32>
    %eq3A_319 = arith.cmpi eq, %iota3A, %eq3A_318 : vector<16xi32>
    %jit3A_320 = arith.constant 0 : i32
    %broadcast_in_dim3A_321 = vector.broadcast %jit3A_320 : i32 to vector<16xi32>
    %select_n3A_322 = arith.select %eq3A_319, %scan3A_269#0, %broadcast_in_dim3A_321 : vector<16xi1>, vector<16xi32>
    %reduce_sum3A_323 = arith.constant true
    %reduce_sum3A_324 = vector.broadcast %reduce_sum3A_323 : i1 to vector<16xi1>
    %reduce_sum3A_325 = tpu.scan <sum>, %select_n3A_322 masked %reduce_sum3A_324 : vector<16xi32>, vector<16xi1> -> vector<16xi32>
    %reduce_sum3A_326 = vector.extract %reduce_sum3A_325[15] : i32 from vector<16xi32>
    %eq3A_327 = arith.constant 6 : i32
    %eq3A_328 = vector.broadcast %eq3A_327 : i32 to vector<16xi32>
    %eq3A_329 = arith.cmpi eq, %iota3A, %eq3A_328 : vector<16xi32>
    %jit3A_330 = arith.constant 0 : i32
    %broadcast_in_dim3A_331 = vector.broadcast %jit3A_330 : i32 to vector<16xi32>
    %select_n3A_332 = arith.select %eq3A_329, %scan3A_269#0, %broadcast_in_dim3A_331 : vector<16xi1>, vector<16xi32>
    %reduce_sum3A_333 = arith.constant true
    %reduce_sum3A_334 = vector.broadcast %reduce_sum3A_333 : i1 to vector<16xi1>
    %reduce_sum3A_335 = tpu.scan <sum>, %select_n3A_332 masked %reduce_sum3A_334 : vector<16xi32>, vector<16xi1> -> vector<16xi32>
    %reduce_sum3A_336 = vector.extract %reduce_sum3A_335[15] : i32 from vector<16xi32>
    %eq3A_337 = arith.constant 7 : i32
    %eq3A_338 = vector.broadcast %eq3A_337 : i32 to vector<16xi32>
    %eq3A_339 = arith.cmpi eq, %iota3A, %eq3A_338 : vector<16xi32>
    %jit3A_340 = arith.constant 0 : i32
    %broadcast_in_dim3A_341 = vector.broadcast %jit3A_340 : i32 to vector<16xi32>
    %select_n3A_342 = arith.select %eq3A_339, %scan3A_269#0, %broadcast_in_dim3A_341 : vector<16xi1>, vector<16xi32>
    %reduce_sum3A_343 = arith.constant true
    %reduce_sum3A_344 = vector.broadcast %reduce_sum3A_343 : i1 to vector<16xi1>
    %reduce_sum3A_345 = tpu.scan <sum>, %select_n3A_342 masked %reduce_sum3A_344 : vector<16xi32>, vector<16xi1> -> vector<16xi32>
    %reduce_sum3A_346 = vector.extract %reduce_sum3A_345[15] : i32 from vector<16xi32>
    %eq3A_347 = arith.constant 8 : i32
    %eq3A_348 = vector.broadcast %eq3A_347 : i32 to vector<16xi32>
    %eq3A_349 = arith.cmpi eq, %iota3A, %eq3A_348 : vector<16xi32>
    %jit3A_350 = arith.constant 0 : i32
    %broadcast_in_dim3A_351 = vector.broadcast %jit3A_350 : i32 to vector<16xi32>
    %select_n3A_352 = arith.select %eq3A_349, %scan3A_269#0, %broadcast_in_dim3A_351 : vector<16xi1>, vector<16xi32>
    %reduce_sum3A_353 = arith.constant true
    %reduce_sum3A_354 = vector.broadcast %reduce_sum3A_353 : i1 to vector<16xi1>
    %reduce_sum3A_355 = tpu.scan <sum>, %select_n3A_352 masked %reduce_sum3A_354 : vector<16xi32>, vector<16xi1> -> vector<16xi32>
    %reduce_sum3A_356 = vector.extract %reduce_sum3A_355[15] : i32 from vector<16xi32>
    %eq3A_357 = arith.constant 9 : i32
    %eq3A_358 = vector.broadcast %eq3A_357 : i32 to vector<16xi32>
    %eq3A_359 = arith.cmpi eq, %iota3A, %eq3A_358 : vector<16xi32>
    %jit3A_360 = arith.constant 0 : i32
    %broadcast_in_dim3A_361 = vector.broadcast %jit3A_360 : i32 to vector<16xi32>
    %select_n3A_362 = arith.select %eq3A_359, %scan3A_269#0, %broadcast_in_dim3A_361 : vector<16xi1>, vector<16xi32>
    %reduce_sum3A_363 = arith.constant true
    %reduce_sum3A_364 = vector.broadcast %reduce_sum3A_363 : i1 to vector<16xi1>
    %reduce_sum3A_365 = tpu.scan <sum>, %select_n3A_362 masked %reduce_sum3A_364 : vector<16xi32>, vector<16xi1> -> vector<16xi32>
    %reduce_sum3A_366 = vector.extract %reduce_sum3A_365[15] : i32 from vector<16xi32>
    %eq3A_367 = arith.constant 10 : i32
    %eq3A_368 = vector.broadcast %eq3A_367 : i32 to vector<16xi32>
    %eq3A_369 = arith.cmpi eq, %iota3A, %eq3A_368 : vector<16xi32>
    %jit3A_370 = arith.constant 0 : i32
    %broadcast_in_dim3A_371 = vector.broadcast %jit3A_370 : i32 to vector<16xi32>
    %select_n3A_372 = arith.select %eq3A_369, %scan3A_269#0, %broadcast_in_dim3A_371 : vector<16xi1>, vector<16xi32>
    %reduce_sum3A_373 = arith.constant true
    %reduce_sum3A_374 = vector.broadcast %reduce_sum3A_373 : i1 to vector<16xi1>
    %reduce_sum3A_375 = tpu.scan <sum>, %select_n3A_372 masked %reduce_sum3A_374 : vector<16xi32>, vector<16xi1> -> vector<16xi32>
    %reduce_sum3A_376 = vector.extract %reduce_sum3A_375[15] : i32 from vector<16xi32>
    %eq3A_377 = arith.constant 11 : i32
    %eq3A_378 = vector.broadcast %eq3A_377 : i32 to vector<16xi32>
    %eq3A_379 = arith.cmpi eq, %iota3A, %eq3A_378 : vector<16xi32>
    %jit3A_380 = arith.constant 0 : i32
    %broadcast_in_dim3A_381 = vector.broadcast %jit3A_380 : i32 to vector<16xi32>
    %select_n3A_382 = arith.select %eq3A_379, %scan3A_269#0, %broadcast_in_dim3A_381 : vector<16xi1>, vector<16xi32>
    %reduce_sum3A_383 = arith.constant true
    %reduce_sum3A_384 = vector.broadcast %reduce_sum3A_383 : i1 to vector<16xi1>
    %reduce_sum3A_385 = tpu.scan <sum>, %select_n3A_382 masked %reduce_sum3A_384 : vector<16xi32>, vector<16xi1> -> vector<16xi32>
    %reduce_sum3A_386 = vector.extract %reduce_sum3A_385[15] : i32 from vector<16xi32>
    %eq3A_387 = arith.constant 12 : i32
    %eq3A_388 = vector.broadcast %eq3A_387 : i32 to vector<16xi32>
    %eq3A_389 = arith.cmpi eq, %iota3A, %eq3A_388 : vector<16xi32>
    %jit3A_390 = arith.constant 0 : i32
    %broadcast_in_dim3A_391 = vector.broadcast %jit3A_390 : i32 to vector<16xi32>
    %select_n3A_392 = arith.select %eq3A_389, %scan3A_269#0, %broadcast_in_dim3A_391 : vector<16xi1>, vector<16xi32>
    %reduce_sum3A_393 = arith.constant true
    %reduce_sum3A_394 = vector.broadcast %reduce_sum3A_393 : i1 to vector<16xi1>
    %reduce_sum3A_395 = tpu.scan <sum>, %select_n3A_392 masked %reduce_sum3A_394 : vector<16xi32>, vector<16xi1> -> vector<16xi32>
    %reduce_sum3A_396 = vector.extract %reduce_sum3A_395[15] : i32 from vector<16xi32>
    %eq3A_397 = arith.constant 13 : i32
    %eq3A_398 = vector.broadcast %eq3A_397 : i32 to vector<16xi32>
    %eq3A_399 = arith.cmpi eq, %iota3A, %eq3A_398 : vector<16xi32>
    %jit3A_400 = arith.constant 0 : i32
    %broadcast_in_dim3A_401 = vector.broadcast %jit3A_400 : i32 to vector<16xi32>
    %select_n3A_402 = arith.select %eq3A_399, %scan3A_269#0, %broadcast_in_dim3A_401 : vector<16xi1>, vector<16xi32>
    %reduce_sum3A_403 = arith.constant true
    %reduce_sum3A_404 = vector.broadcast %reduce_sum3A_403 : i1 to vector<16xi1>
    %reduce_sum3A_405 = tpu.scan <sum>, %select_n3A_402 masked %reduce_sum3A_404 : vector<16xi32>, vector<16xi1> -> vector<16xi32>
    %reduce_sum3A_406 = vector.extract %reduce_sum3A_405[15] : i32 from vector<16xi32>
    %eq3A_407 = arith.constant 14 : i32
    %eq3A_408 = vector.broadcast %eq3A_407 : i32 to vector<16xi32>
    %eq3A_409 = arith.cmpi eq, %iota3A, %eq3A_408 : vector<16xi32>
    %jit3A_410 = arith.constant 0 : i32
    %broadcast_in_dim3A_411 = vector.broadcast %jit3A_410 : i32 to vector<16xi32>
    %select_n3A_412 = arith.select %eq3A_409, %scan3A_269#0, %broadcast_in_dim3A_411 : vector<16xi1>, vector<16xi32>
    %reduce_sum3A_413 = arith.constant true
    %reduce_sum3A_414 = vector.broadcast %reduce_sum3A_413 : i1 to vector<16xi1>
    %reduce_sum3A_415 = tpu.scan <sum>, %select_n3A_412 masked %reduce_sum3A_414 : vector<16xi32>, vector<16xi1> -> vector<16xi32>
    %reduce_sum3A_416 = vector.extract %reduce_sum3A_415[15] : i32 from vector<16xi32>
    %eq3A_417 = arith.constant 15 : i32
    %eq3A_418 = vector.broadcast %eq3A_417 : i32 to vector<16xi32>
    %eq3A_419 = arith.cmpi eq, %iota3A, %eq3A_418 : vector<16xi32>
    %jit3A_420 = arith.constant 0 : i32
    %broadcast_in_dim3A_421 = vector.broadcast %jit3A_420 : i32 to vector<16xi32>
    %select_n3A_422 = arith.select %eq3A_419, %scan3A_269#0, %broadcast_in_dim3A_421 : vector<16xi1>, vector<16xi32>
    %reduce_sum3A_423 = arith.constant true
    %reduce_sum3A_424 = vector.broadcast %reduce_sum3A_423 : i1 to vector<16xi1>
    %reduce_sum3A_425 = tpu.scan <sum>, %select_n3A_422 masked %reduce_sum3A_424 : vector<16xi32>, vector<16xi1> -> vector<16xi32>
    %reduce_sum3A_426 = vector.extract %reduce_sum3A_425[15] : i32 from vector<16xi32>
    %scan3A_427 = arith.constant 0 : i32
    %scan3A_428 = arith.constant 32768 : i32
    %scan3A_429 = arith.constant 0 : i32
    %scan3A_430 = arith.constant 32 : i32
    %scan3A_431 = arith.addi %scan3A_429, %scan3A_430 : i32
    %scan3A_432 = arith.constant 1 : i32
    scf.for %scan3A_434 = %scan3A_429 to %scan3A_431 step %scan3A_432  : i32 {
      %mul3A_435 = arith.constant 2 : i32
      %mul3A_436 = arith.muli %mul3A_435, %scan3A_434 : i32
      %add3A_437 = arith.constant 1 : i32
      %add3A_438 = arith.addi %mul3A_436, %add3A_437 : i32
      %mul3A_439 = arith.constant 512 : i32
      %mul3A_440 = arith.muli %add3A_438, %mul3A_439 : i32
      %dma_start3A_441 = tpu.memref_slice %arg2[%mul3A_440, %mul3A_2] : memref<32768x2048xf32, #tpu.memory_space<hbm>> -> memref<512x64xf32, #tpu.memory_space<hbm>>
      %dma_start3A_442 = tpu.memref_slice %arg2[%mul3A_440, %mul3A_2] : memref<32768x2048xf32, #tpu.memory_space<hbm>> -> memref<512x64xf32, #tpu.memory_space<hbm>>
      tpu.enqueue_dma source(%dma_start3A_442 : memref<512x64xf32, #tpu.memory_space<hbm>>) target(%arg7 : memref<512x64xf32, #tpu.memory_space<vmem>>) target_semaphore(%arg10 : memref<!tpu.dma_semaphore, #tpu.memory_space<semaphore_mem>>)
      %dma_wait3A = arith.constant 0 : i32
      %dma_wait3A_443 = tpu.memref_slice %arg2[%dma_wait3A, %mul3A_2] : memref<32768x2048xf32, #tpu.memory_space<hbm>> -> memref<512x64xf32, #tpu.memory_space<hbm>>
      %dma_wait3A_444 = arith.constant 0 : i32
      %dma_wait3A_445 = tpu.memref_slice %arg2[%dma_wait3A_444, %mul3A_2] : memref<32768x2048xf32, #tpu.memory_space<hbm>> -> memref<512x64xf32, #tpu.memory_space<hbm>>
      tpu.wait_dma2 semaphore(%arg9 : memref<!tpu.dma_semaphore, #tpu.memory_space<semaphore_mem>>) src(%dma_wait3A_445 : memref<512x64xf32, #tpu.memory_space<hbm>>) dst(%arg6 : memref<512x64xf32, #tpu.memory_space<vmem>>)
      %mul3A_446 = arith.constant 512 : i32
      %mul3A_447 = arith.muli %mul3A_436, %mul3A_446 : i32
      %le3A = vector.broadcast %mul3A_447 : i32 to vector<16xi32>
      %le3A_448 = arith.cmpi sle, %scan3A_269#0, %le3A : vector<16xi32>
      %convert_element_type3A = arith.extui %le3A_448 : vector<16xi1> to vector<16xi32>
      %reduce_sum3A_449 = arith.constant true
      %reduce_sum3A_450 = vector.broadcast %reduce_sum3A_449 : i1 to vector<16xi1>
      %reduce_sum3A_451 = tpu.scan <sum>, %convert_element_type3A masked %reduce_sum3A_450 : vector<16xi32>, vector<16xi1> -> vector<16xi32>
      %reduce_sum3A_452 = vector.extract %reduce_sum3A_451[15] : i32 from vector<16xi32>
      %sub3A = arith.constant 1 : i32
      %sub3A_453 = arith.subi %reduce_sum3A_452, %sub3A : i32
      %gt3A = vector.broadcast %mul3A_447 : i32 to vector<16xi32>
      %gt3A_454 = arith.cmpi sgt, %scan3A_269#0, %gt3A : vector<16xi32>
      %add3A_455 = arith.constant 512 : i32
      %add3A_456 = arith.addi %mul3A_447, %add3A_455 : i32
      %lt3A = vector.broadcast %add3A_456 : i32 to vector<16xi32>
      %lt3A_457 = arith.cmpi slt, %scan3A_269#0, %lt3A : vector<16xi32>
      %and3A = arith.andi %gt3A_454, %lt3A_457 : vector<16xi1>
      %convert_element_type3A_458 = arith.extui %and3A : vector<16xi1> to vector<16xi32>
      %reduce_sum3A_459 = arith.constant true
      %reduce_sum3A_460 = vector.broadcast %reduce_sum3A_459 : i1 to vector<16xi1>
      %reduce_sum3A_461 = tpu.scan <sum>, %convert_element_type3A_458 masked %reduce_sum3A_460 : vector<16xi32>, vector<16xi1> -> vector<16xi32>
      %reduce_sum3A_462 = vector.extract %reduce_sum3A_461[15] : i32 from vector<16xi32>
      %eq3A_463 = arith.constant 0 : i32
      %eq3A_464 = arith.cmpi eq, %reduce_sum3A_462, %eq3A_463 : i32
      %convert_element_type3A_465 = arith.extui %eq3A_464 : i1 to i32
      %cond3A = arith.constant 0 : i32
      %cond3A_466 = arith.cmpi ne, %convert_element_type3A_465, %cond3A : i32
      scf.if %cond3A_466 {
        %scan3A_517 = arith.constant 0 : i32
        %scan3A_518 = arith.constant 64 : i32
        %scan3A_519 = arith.addi %scan3A_517, %scan3A_518 : i32
        %scan3A_520 = arith.constant 1 : i32
        %scan3A_521:16 = scf.for %scan3A_562 = %scan3A_517 to %scan3A_519 step %scan3A_520 iter_args(%scan3A_563 = %broadcast_in_dim3A_6, %scan3A_564 = %broadcast_in_dim3A_6, %scan3A_565 = %broadcast_in_dim3A_6, %scan3A_566 = %broadcast_in_dim3A_6, %scan3A_567 = %broadcast_in_dim3A_6, %scan3A_568 = %broadcast_in_dim3A_6, %scan3A_569 = %broadcast_in_dim3A_6, %scan3A_570 = %broadcast_in_dim3A_6, %scan3A_571 = %broadcast_in_dim3A_6, %scan3A_572 = %broadcast_in_dim3A_6, %scan3A_573 = %broadcast_in_dim3A_6, %scan3A_574 = %broadcast_in_dim3A_6, %scan3A_575 = %broadcast_in_dim3A_6, %scan3A_576 = %broadcast_in_dim3A_6, %scan3A_577 = %broadcast_in_dim3A_6, %scan3A_578 = %broadcast_in_dim3A_6) -> (vector<16xf32>, vector<16xf32>, vector<16xf32>, vector<16xf32>, vector<16xf32>, vector<16xf32>, vector<16xf32>, vector<16xf32>, vector<16xf32>, vector<16xf32>, vector<16xf32>, vector<16xf32>, vector<16xf32>, vector<16xf32>, vector<16xf32>, vector<16xf32>)  : i32 {
          %mul3A_579 = arith.constant 8 : i32
          %mul3A_580 = arith.muli %scan3A_562, %mul3A_579 : i32
          %add3A_581 = arith.constant 0 : i32
          %add3A_582 = arith.addi %mul3A_580, %add3A_581 : i32
          %get3A_583 = arith.index_cast %add3A_582 : i32 to index
          %get3A_584 = arith.constant 0 : index
          %get3A_585 = tpu.vector_load %arg6[%get3A_583, %get3A_584] {strides = array<i32>} : memref<512x64xf32, #tpu.memory_space<vmem>>, vector<16xf32>,
          %add3A_586 = arith.addf %scan3A_563, %get3A_585 : vector<16xf32>
          %add3A_587 = arith.constant 0 : i32
          %add3A_588 = arith.addi %mul3A_580, %add3A_587 : i32
          %get3A_589 = arith.index_cast %add3A_588 : i32 to index
          %get3A_590 = arith.constant 16 : index
          %get3A_591 = tpu.vector_load %arg6[%get3A_589, %get3A_590] {strides = array<i32>} : memref<512x64xf32, #tpu.memory_space<vmem>>, vector<16xf32>,
          %add3A_592 = arith.addf %scan3A_564, %get3A_591 : vector<16xf32>
          %add3A_593 = arith.constant 0 : i32
          %add3A_594 = arith.addi %mul3A_580, %add3A_593 : i32
          %get3A_595 = arith.index_cast %add3A_594 : i32 to index
          %get3A_596 = arith.constant 32 : index
          %get3A_597 = tpu.vector_load %arg6[%get3A_595, %get3A_596] {strides = array<i32>} : memref<512x64xf32, #tpu.memory_space<vmem>>, vector<16xf32>,
          %add3A_598 = arith.addf %scan3A_565, %get3A_597 : vector<16xf32>
          %add3A_599 = arith.constant 0 : i32
          %add3A_600 = arith.addi %mul3A_580, %add3A_599 : i32
          %get3A_601 = arith.index_cast %add3A_600 : i32 to index
          %get3A_602 = arith.constant 48 : index
          %get3A_603 = tpu.vector_load %arg6[%get3A_601, %get3A_602] {strides = array<i32>} : memref<512x64xf32, #tpu.memory_space<vmem>>, vector<16xf32>,
          %add3A_604 = arith.addf %scan3A_566, %get3A_603 : vector<16xf32>
          %add3A_605 = arith.constant 1 : i32
          %add3A_606 = arith.addi %mul3A_580, %add3A_605 : i32
          %get3A_607 = arith.index_cast %add3A_606 : i32 to index
          %get3A_608 = arith.constant 0 : index
          %get3A_609 = tpu.vector_load %arg6[%get3A_607, %get3A_608] {strides = array<i32>} : memref<512x64xf32, #tpu.memory_space<vmem>>, vector<16xf32>,
          %add3A_610 = arith.addf %scan3A_567, %get3A_609 : vector<16xf32>
          %add3A_611 = arith.constant 1 : i32
          %add3A_612 = arith.addi %mul3A_580, %add3A_611 : i32
          %get3A_613 = arith.index_cast %add3A_612 : i32 to index
          %get3A_614 = arith.constant 16 : index
          %get3A_615 = tpu.vector_load %arg6[%get3A_613, %get3A_614] {strides = array<i32>} : memref<512x64xf32, #tpu.memory_space<vmem>>, vector<16xf32>,
          %add3A_616 = arith.addf %scan3A_568, %get3A_615 : vector<16xf32>
          %add3A_617 = arith.constant 1 : i32
          %add3A_618 = arith.addi %mul3A_580, %add3A_617 : i32
          %get3A_619 = arith.index_cast %add3A_618 : i32 to index
          %get3A_620 = arith.constant 32 : index
          %get3A_621 = tpu.vector_load %arg6[%get3A_619, %get3A_620] {strides = array<i32>} : memref<512x64xf32, #tpu.memory_space<vmem>>, vector<16xf32>,
          %add3A_622 = arith.addf %scan3A_569, %get3A_621 : vector<16xf32>
          %add3A_623 = arith.constant 1 : i32
          %add3A_624 = arith.addi %mul3A_580, %add3A_623 : i32
          %get3A_625 = arith.index_cast %add3A_624 : i32 to index
          %get3A_626 = arith.constant 48 : index
          %get3A_627 = tpu.vector_load %arg6[%get3A_625, %get3A_626] {strides = array<i32>} : memref<512x64xf32, #tpu.memory_space<vmem>>, vector<16xf32>,
          %add3A_628 = arith.addf %scan3A_570, %get3A_627 : vector<16xf32>
          %add3A_629 = arith.constant 2 : i32
          %add3A_630 = arith.addi %mul3A_580, %add3A_629 : i32
          %get3A_631 = arith.index_cast %add3A_630 : i32 to index
          %get3A_632 = arith.constant 0 : index
          %get3A_633 = tpu.vector_load %arg6[%get3A_631, %get3A_632] {strides = array<i32>} : memref<512x64xf32, #tpu.memory_space<vmem>>, vector<16xf32>,
          %add3A_634 = arith.addf %scan3A_571, %get3A_633 : vector<16xf32>
          %add3A_635 = arith.constant 2 : i32
          %add3A_636 = arith.addi %mul3A_580, %add3A_635 : i32
          %get3A_637 = arith.index_cast %add3A_636 : i32 to index
          %get3A_638 = arith.constant 16 : index
          %get3A_639 = tpu.vector_load %arg6[%get3A_637, %get3A_638] {strides = array<i32>} : memref<512x64xf32, #tpu.memory_space<vmem>>, vector<16xf32>,
          %add3A_640 = arith.addf %scan3A_572, %get3A_639 : vector<16xf32>
          %add3A_641 = arith.constant 2 : i32
          %add3A_642 = arith.addi %mul3A_580, %add3A_641 : i32
          %get3A_643 = arith.index_cast %add3A_642 : i32 to index
          %get3A_644 = arith.constant 32 : index
          %get3A_645 = tpu.vector_load %arg6[%get3A_643, %get3A_644] {strides = array<i32>} : memref<512x64xf32, #tpu.memory_space<vmem>>, vector<16xf32>,
          %add3A_646 = arith.addf %scan3A_573, %get3A_645 : vector<16xf32>
          %add3A_647 = arith.constant 2 : i32
          %add3A_648 = arith.addi %mul3A_580, %add3A_647 : i32
          %get3A_649 = arith.index_cast %add3A_648 : i32 to index
          %get3A_650 = arith.constant 48 : index
          %get3A_651 = tpu.vector_load %arg6[%get3A_649, %get3A_650] {strides = array<i32>} : memref<512x64xf32, #tpu.memory_space<vmem>>, vector<16xf32>,
          %add3A_652 = arith.addf %scan3A_574, %get3A_651 : vector<16xf32>
          %add3A_653 = arith.constant 3 : i32
          %add3A_654 = arith.addi %mul3A_580, %add3A_653 : i32
          %get3A_655 = arith.index_cast %add3A_654 : i32 to index
          %get3A_656 = arith.constant 0 : index
          %get3A_657 = tpu.vector_load %arg6[%get3A_655, %get3A_656] {strides = array<i32>} : memref<512x64xf32, #tpu.memory_space<vmem>>, vector<16xf32>,
          %add3A_658 = arith.addf %scan3A_575, %get3A_657 : vector<16xf32>
          %add3A_659 = arith.constant 3 : i32
          %add3A_660 = arith.addi %mul3A_580, %add3A_659 : i32
          %get3A_661 = arith.index_cast %add3A_660 : i32 to index
          %get3A_662 = arith.constant 16 : index
          %get3A_663 = tpu.vector_load %arg6[%get3A_661, %get3A_662] {strides = array<i32>} : memref<512x64xf32, #tpu.memory_space<vmem>>, vector<16xf32>,
          %add3A_664 = arith.addf %scan3A_576, %get3A_663 : vector<16xf32>
          %add3A_665 = arith.constant 3 : i32
          %add3A_666 = arith.addi %mul3A_580, %add3A_665 : i32
          %get3A_667 = arith.index_cast %add3A_666 : i32 to index
          %get3A_668 = arith.constant 32 : index
          %get3A_669 = tpu.vector_load %arg6[%get3A_667, %get3A_668] {strides = array<i32>} : memref<512x64xf32, #tpu.memory_space<vmem>>, vector<16xf32>,
          %add3A_670 = arith.addf %scan3A_577, %get3A_669 : vector<16xf32>
          %add3A_671 = arith.constant 3 : i32
          %add3A_672 = arith.addi %mul3A_580, %add3A_671 : i32
          %get3A_673 = arith.index_cast %add3A_672 : i32 to index
          %get3A_674 = arith.constant 48 : index
          %get3A_675 = tpu.vector_load %arg6[%get3A_673, %get3A_674] {strides = array<i32>} : memref<512x64xf32, #tpu.memory_space<vmem>>, vector<16xf32>,
          %add3A_676 = arith.addf %scan3A_578, %get3A_675 : vector<16xf32>
          %add3A_677 = arith.constant 4 : i32
          %add3A_678 = arith.addi %mul3A_580, %add3A_677 : i32
          %get3A_679 = arith.index_cast %add3A_678 : i32 to index
          %get3A_680 = arith.constant 0 : index
          %get3A_681 = tpu.vector_load %arg6[%get3A_679, %get3A_680] {strides = array<i32>} : memref<512x64xf32, #tpu.memory_space<vmem>>, vector<16xf32>,
          %add3A_682 = arith.addf %add3A_586, %get3A_681 : vector<16xf32>
          %add3A_683 = arith.constant 4 : i32
          %add3A_684 = arith.addi %mul3A_580, %add3A_683 : i32
          %get3A_685 = arith.index_cast %add3A_684 : i32 to index
          %get3A_686 = arith.constant 16 : index
          %get3A_687 = tpu.vector_load %arg6[%get3A_685, %get3A_686] {strides = array<i32>} : memref<512x64xf32, #tpu.memory_space<vmem>>, vector<16xf32>,
          %add3A_688 = arith.addf %add3A_592, %get3A_687 : vector<16xf32>
          %add3A_689 = arith.constant 4 : i32
          %add3A_690 = arith.addi %mul3A_580, %add3A_689 : i32
          %get3A_691 = arith.index_cast %add3A_690 : i32 to index
          %get3A_692 = arith.constant 32 : index
          %get3A_693 = tpu.vector_load %arg6[%get3A_691, %get3A_692] {strides = array<i32>} : memref<512x64xf32, #tpu.memory_space<vmem>>, vector<16xf32>,
          %add3A_694 = arith.addf %add3A_598, %get3A_693 : vector<16xf32>
          %add3A_695 = arith.constant 4 : i32
          %add3A_696 = arith.addi %mul3A_580, %add3A_695 : i32
          %get3A_697 = arith.index_cast %add3A_696 : i32 to index
          %get3A_698 = arith.constant 48 : index
          %get3A_699 = tpu.vector_load %arg6[%get3A_697, %get3A_698] {strides = array<i32>} : memref<512x64xf32, #tpu.memory_space<vmem>>, vector<16xf32>,
          %add3A_700 = arith.addf %add3A_604, %get3A_699 : vector<16xf32>
          %add3A_701 = arith.constant 5 : i32
          %add3A_702 = arith.addi %mul3A_580, %add3A_701 : i32
          %get3A_703 = arith.index_cast %add3A_702 : i32 to index
          %get3A_704 = arith.constant 0 : index
          %get3A_705 = tpu.vector_load %arg6[%get3A_703, %get3A_704] {strides = array<i32>} : memref<512x64xf32, #tpu.memory_space<vmem>>, vector<16xf32>,
          %add3A_706 = arith.addf %add3A_610, %get3A_705 : vector<16xf32>
          %add3A_707 = arith.constant 5 : i32
          %add3A_708 = arith.addi %mul3A_580, %add3A_707 : i32
          %get3A_709 = arith.index_cast %add3A_708 : i32 to index
          %get3A_710 = arith.constant 16 : index
          %get3A_711 = tpu.vector_load %arg6[%get3A_709, %get3A_710] {strides = array<i32>} : memref<512x64xf32, #tpu.memory_space<vmem>>, vector<16xf32>,
          %add3A_712 = arith.addf %add3A_616, %get3A_711 : vector<16xf32>
          %add3A_713 = arith.constant 5 : i32
          %add3A_714 = arith.addi %mul3A_580, %add3A_713 : i32
          %get3A_715 = arith.index_cast %add3A_714 : i32 to index
          %get3A_716 = arith.constant 32 : index
          %get3A_717 = tpu.vector_load %arg6[%get3A_715, %get3A_716] {strides = array<i32>} : memref<512x64xf32, #tpu.memory_space<vmem>>, vector<16xf32>,
          %add3A_718 = arith.addf %add3A_622, %get3A_717 : vector<16xf32>
          %add3A_719 = arith.constant 5 : i32
          %add3A_720 = arith.addi %mul3A_580, %add3A_719 : i32
          %get3A_721 = arith.index_cast %add3A_720 : i32 to index
          %get3A_722 = arith.constant 48 : index
          %get3A_723 = tpu.vector_load %arg6[%get3A_721, %get3A_722] {strides = array<i32>} : memref<512x64xf32, #tpu.memory_space<vmem>>, vector<16xf32>,
          %add3A_724 = arith.addf %add3A_628, %get3A_723 : vector<16xf32>
          %add3A_725 = arith.constant 6 : i32
          %add3A_726 = arith.addi %mul3A_580, %add3A_725 : i32
          %get3A_727 = arith.index_cast %add3A_726 : i32 to index
          %get3A_728 = arith.constant 0 : index
          %get3A_729 = tpu.vector_load %arg6[%get3A_727, %get3A_728] {strides = array<i32>} : memref<512x64xf32, #tpu.memory_space<vmem>>, vector<16xf32>,
          %add3A_730 = arith.addf %add3A_634, %get3A_729 : vector<16xf32>
          %add3A_731 = arith.constant 6 : i32
          %add3A_732 = arith.addi %mul3A_580, %add3A_731 : i32
          %get3A_733 = arith.index_cast %add3A_732 : i32 to index
          %get3A_734 = arith.constant 16 : index
          %get3A_735 = tpu.vector_load %arg6[%get3A_733, %get3A_734] {strides = array<i32>} : memref<512x64xf32, #tpu.memory_space<vmem>>, vector<16xf32>,
          %add3A_736 = arith.addf %add3A_640, %get3A_735 : vector<16xf32>
          %add3A_737 = arith.constant 6 : i32
          %add3A_738 = arith.addi %mul3A_580, %add3A_737 : i32
          %get3A_739 = arith.index_cast %add3A_738 : i32 to index
          %get3A_740 = arith.constant 32 : index
          %get3A_741 = tpu.vector_load %arg6[%get3A_739, %get3A_740] {strides = array<i32>} : memref<512x64xf32, #tpu.memory_space<vmem>>, vector<16xf32>,
          %add3A_742 = arith.addf %add3A_646, %get3A_741 : vector<16xf32>
          %add3A_743 = arith.constant 6 : i32
          %add3A_744 = arith.addi %mul3A_580, %add3A_743 : i32
          %get3A_745 = arith.index_cast %add3A_744 : i32 to index
          %get3A_746 = arith.constant 48 : index
          %get3A_747 = tpu.vector_load %arg6[%get3A_745, %get3A_746] {strides = array<i32>} : memref<512x64xf32, #tpu.memory_space<vmem>>, vector<16xf32>,
          %add3A_748 = arith.addf %add3A_652, %get3A_747 : vector<16xf32>
          %add3A_749 = arith.constant 7 : i32
          %add3A_750 = arith.addi %mul3A_580, %add3A_749 : i32
          %get3A_751 = arith.index_cast %add3A_750 : i32 to index
          %get3A_752 = arith.constant 0 : index
          %get3A_753 = tpu.vector_load %arg6[%get3A_751, %get3A_752] {strides = array<i32>} : memref<512x64xf32, #tpu.memory_space<vmem>>, vector<16xf32>,
          %add3A_754 = arith.addf %add3A_658, %get3A_753 : vector<16xf32>
          %add3A_755 = arith.constant 7 : i32
          %add3A_756 = arith.addi %mul3A_580, %add3A_755 : i32
          %get3A_757 = arith.index_cast %add3A_756 : i32 to index
          %get3A_758 = arith.constant 16 : index
          %get3A_759 = tpu.vector_load %arg6[%get3A_757, %get3A_758] {strides = array<i32>} : memref<512x64xf32, #tpu.memory_space<vmem>>, vector<16xf32>,
          %add3A_760 = arith.addf %add3A_664, %get3A_759 : vector<16xf32>
          %add3A_761 = arith.constant 7 : i32
          %add3A_762 = arith.addi %mul3A_580, %add3A_761 : i32
          %get3A_763 = arith.index_cast %add3A_762 : i32 to index
          %get3A_764 = arith.constant 32 : index
          %get3A_765 = tpu.vector_load %arg6[%get3A_763, %get3A_764] {strides = array<i32>} : memref<512x64xf32, #tpu.memory_space<vmem>>, vector<16xf32>,
          %add3A_766 = arith.addf %add3A_670, %get3A_765 : vector<16xf32>
          %add3A_767 = arith.constant 7 : i32
          %add3A_768 = arith.addi %mul3A_580, %add3A_767 : i32
          %get3A_769 = arith.index_cast %add3A_768 : i32 to index
          %get3A_770 = arith.constant 48 : index
          %get3A_771 = tpu.vector_load %arg6[%get3A_769, %get3A_770] {strides = array<i32>} : memref<512x64xf32, #tpu.memory_space<vmem>>, vector<16xf32>,
          %add3A_772 = arith.addf %add3A_676, %get3A_771 : vector<16xf32>
          scf.yield %add3A_682, %add3A_688, %add3A_694, %add3A_700, %add3A_706, %add3A_712, %add3A_718, %add3A_724, %add3A_730, %add3A_736, %add3A_742, %add3A_748, %add3A_754, %add3A_760, %add3A_766, %add3A_772 : vector<16xf32>, vector<16xf32>, vector<16xf32>, vector<16xf32>, vector<16xf32>, vector<16xf32>, vector<16xf32>, vector<16xf32>, vector<16xf32>, vector<16xf32>, vector<16xf32>, vector<16xf32>, vector<16xf32>, vector<16xf32>, vector<16xf32>, vector<16xf32>
        }
        %scan3A_522 = arith.constant 64 : i32
        %add3A_523 = arith.addf %scan3A_521#0, %scan3A_521#4 : vector<16xf32>
        %add3A_524 = arith.addf %add3A_523, %scan3A_521#8 : vector<16xf32>
        %add3A_525 = arith.addf %add3A_524, %scan3A_521#12 : vector<16xf32>
        %get3A = arith.index_cast %sub3A_453 : i32 to index
        %get3A_526 = arith.constant 0 : index
        %get3A_527 = tpu.vector_load %arg8[%get3A, %get3A_526] {strides = array<i32>} : memref<16x64xf32, #tpu.memory_space<vmem>>, vector<16xf32>,
        %add3A_528 = arith.addf %get3A_527, %add3A_525 : vector<16xf32>
        %swap3A_529 = arith.index_cast %sub3A_453 : i32 to index
        %swap3A_530 = arith.constant 0 : index
        %swap3A_531 = tpu.vector_load %arg8[%swap3A_529, %swap3A_530] {strides = array<i32>} : memref<16x64xf32, #tpu.memory_space<vmem>>, vector<16xf32>,
        tpu.vector_store %arg8[%swap3A_529, %swap3A_530], %add3A_528 {strides = array<i32>} : memref<16x64xf32, #tpu.memory_space<vmem>>, vector<16xf32>,
        %add3A_532 = arith.addf %scan3A_521#1, %scan3A_521#5 : vector<16xf32>
        %add3A_533 = arith.addf %add3A_532, %scan3A_521#9 : vector<16xf32>
        %add3A_534 = arith.addf %add3A_533, %scan3A_521#13 : vector<16xf32>
        %get3A_535 = arith.index_cast %sub3A_453 : i32 to index
        %get3A_536 = arith.constant 16 : index
        %get3A_537 = tpu.vector_load %arg8[%get3A_535, %get3A_536] {strides = array<i32>} : memref<16x64xf32, #tpu.memory_space<vmem>>, vector<16xf32>,
        %add3A_538 = arith.addf %get3A_537, %add3A_534 : vector<16xf32>
        %swap3A_539 = arith.index_cast %sub3A_453 : i32 to index
        %swap3A_540 = arith.constant 16 : index
        %swap3A_541 = tpu.vector_load %arg8[%swap3A_539, %swap3A_540] {strides = array<i32>} : memref<16x64xf32, #tpu.memory_space<vmem>>, vector<16xf32>,
        tpu.vector_store %arg8[%swap3A_539, %swap3A_540], %add3A_538 {strides = array<i32>} : memref<16x64xf32, #tpu.memory_space<vmem>>, vector<16xf32>,
        %add3A_542 = arith.addf %scan3A_521#2, %scan3A_521#6 : vector<16xf32>
        %add3A_543 = arith.addf %add3A_542, %scan3A_521#10 : vector<16xf32>
        %add3A_544 = arith.addf %add3A_543, %scan3A_521#14 : vector<16xf32>
        %get3A_545 = arith.index_cast %sub3A_453 : i32 to index
        %get3A_546 = arith.constant 32 : index
        %get3A_547 = tpu.vector_load %arg8[%get3A_545, %get3A_546] {strides = array<i32>} : memref<16x64xf32, #tpu.memory_space<vmem>>, vector<16xf32>,
        %add3A_548 = arith.addf %get3A_547, %add3A_544 : vector<16xf32>
        %swap3A_549 = arith.index_cast %sub3A_453 : i32 to index
        %swap3A_550 = arith.constant 32 : index
        %swap3A_551 = tpu.vector_load %arg8[%swap3A_549, %swap3A_550] {strides = array<i32>} : memref<16x64xf32, #tpu.memory_space<vmem>>, vector<16xf32>,
        tpu.vector_store %arg8[%swap3A_549, %swap3A_550], %add3A_548 {strides = array<i32>} : memref<16x64xf32, #tpu.memory_space<vmem>>, vector<16xf32>,
        %add3A_552 = arith.addf %scan3A_521#3, %scan3A_521#7 : vector<16xf32>
        %add3A_553 = arith.addf %add3A_552, %scan3A_521#11 : vector<16xf32>
        %add3A_554 = arith.addf %add3A_553, %scan3A_521#15 : vector<16xf32>
        %get3A_555 = arith.index_cast %sub3A_453 : i32 to index
        %get3A_556 = arith.constant 48 : index
        %get3A_557 = tpu.vector_load %arg8[%get3A_555, %get3A_556] {strides = array<i32>} : memref<16x64xf32, #tpu.memory_space<vmem>>, vector<16xf32>,
        %add3A_558 = arith.addf %get3A_557, %add3A_554 : vector<16xf32>
        %swap3A_559 = arith.index_cast %sub3A_453 : i32 to index
        %swap3A_560 = arith.constant 48 : index
        %swap3A_561 = tpu.vector_load %arg8[%swap3A_559, %swap3A_560] {strides = array<i32>} : memref<16x64xf32, #tpu.memory_space<vmem>>, vector<16xf32>,
        tpu.vector_store %arg8[%swap3A_559, %swap3A_560], %add3A_558 {strides = array<i32>} : memref<16x64xf32, #tpu.memory_space<vmem>>, vector<16xf32>,
      } else {
      }
      %not3A = arith.constant true
      %not3A_467 = arith.xori %eq3A_464, %not3A : i1
      %convert_element_type3A_468 = arith.extui %not3A_467 : i1 to i32
      %cond3A_469 = arith.constant 0 : i32
      %cond3A_470 = arith.cmpi ne, %convert_element_type3A_468, %cond3A_469 : i32
      scf.if %cond3A_470 {
        %mul3A_517 = arith.constant 512 : i32
        %mul3A_518 = arith.muli %mul3A_436, %mul3A_517 : i32
        %max3A = arith.maxsi %reduce_sum3A_276, %mul3A_518 : i32
        %add3A_519 = arith.constant 512 : i32
        %add3A_520 = arith.addi %mul3A_518, %add3A_519 : i32
        %min3A = arith.minsi %reduce_sum3A_286, %add3A_520 : i32
        %while3A = arith.subi %min3A, %max3A : i32
        %while3A_521 = arith.addi %max3A, %while3A : i32
        %while3A_522 = arith.constant 1 : i32
        %while3A_523 = arith.divsi %while3A, %while3A_522 : i32
        %while3A_524 = arith.muli %while3A_523, %while3A_522 : i32
        %while3A_525 = arith.addi %max3A, %while3A_524 : i32
        %while3A_526 = arith.constant 1 : i32
        %while3A_527:4 = scf.for %while3A_1315 = %max3A to %while3A_525 step %while3A_526 iter_args(%while3A_1316 = %broadcast_in_dim3A_6, %while3A_1317 = %broadcast_in_dim3A_6, %while3A_1318 = %broadcast_in_dim3A_6, %while3A_1319 = %broadcast_in_dim3A_6) -> (vector<16xf32>, vector<16xf32>, vector<16xf32>, vector<16xf32>)  : i32 {
          %sub3A_1320 = arith.subi %while3A_1315, %mul3A_518 : i32
          %get3A_1321 = arith.index_cast %sub3A_1320 : i32 to index
          %get3A_1322 = arith.constant 0 : index
          %get3A_1323 = tpu.vector_load %arg6[%get3A_1321, %get3A_1322] {strides = array<i32>} : memref<512x64xf32, #tpu.memory_space<vmem>>, vector<16xf32>,
          %add3A_1324 = arith.addf %while3A_1316, %get3A_1323 : vector<16xf32>
          %get3A_1325 = arith.index_cast %sub3A_1320 : i32 to index
          %get3A_1326 = arith.constant 16 : index
          %get3A_1327 = tpu.vector_load %arg6[%get3A_1325, %get3A_1326] {strides = array<i32>} : memref<512x64xf32, #tpu.memory_space<vmem>>, vector<16xf32>,
          %add3A_1328 = arith.addf %while3A_1317, %get3A_1327 : vector<16xf32>
          %get3A_1329 = arith.index_cast %sub3A_1320 : i32 to index
          %get3A_1330 = arith.constant 32 : index
          %get3A_1331 = tpu.vector_load %arg6[%get3A_1329, %get3A_1330] {strides = array<i32>} : memref<512x64xf32, #tpu.memory_space<vmem>>, vector<16xf32>,
          %add3A_1332 = arith.addf %while3A_1318, %get3A_1331 : vector<16xf32>
          %get3A_1333 = arith.index_cast %sub3A_1320 : i32 to index
          %get3A_1334 = arith.constant 48 : index
          %get3A_1335 = tpu.vector_load %arg6[%get3A_1333, %get3A_1334] {strides = array<i32>} : memref<512x64xf32, #tpu.memory_space<vmem>>, vector<16xf32>,
          %add3A_1336 = arith.addf %while3A_1319, %get3A_1335 : vector<16xf32>
          scf.yield %add3A_1324, %add3A_1328, %add3A_1332, %add3A_1336 : vector<16xf32>, vector<16xf32>, vector<16xf32>, vector<16xf32>
        }
        %while3A_528 = arith.constant 1 : i32
        %while3A_529:4 = scf.for %while3A_1315 = %while3A_525 to %while3A_521 step %while3A_528 iter_args(%while3A_1316 = %while3A_527#0, %while3A_1317 = %while3A_527#1, %while3A_1318 = %while3A_527#2, %while3A_1319 = %while3A_527#3) -> (vector<16xf32>, vector<16xf32>, vector<16xf32>, vector<16xf32>)  : i32 {
          %sub3A_1320 = arith.subi %while3A_1315, %mul3A_518 : i32
          %get3A_1321 = arith.index_cast %sub3A_1320 : i32 to index
          %get3A_1322 = arith.constant 0 : index
          %get3A_1323 = tpu.vector_load %arg6[%get3A_1321, %get3A_1322] {strides = array<i32>} : memref<512x64xf32, #tpu.memory_space<vmem>>, vector<16xf32>,
          %add3A_1324 = arith.addf %while3A_1316, %get3A_1323 : vector<16xf32>
          %get3A_1325 = arith.index_cast %sub3A_1320 : i32 to index
          %get3A_1326 = arith.constant 16 : index
          %get3A_1327 = tpu.vector_load %arg6[%get3A_1325, %get3A_1326] {strides = array<i32>} : memref<512x64xf32, #tpu.memory_space<vmem>>, vector<16xf32>,
          %add3A_1328 = arith.addf %while3A_1317, %get3A_1327 : vector<16xf32>
          %get3A_1329 = arith.index_cast %sub3A_1320 : i32 to index
          %get3A_1330 = arith.constant 32 : index
          %get3A_1331 = tpu.vector_load %arg6[%get3A_1329, %get3A_1330] {strides = array<i32>} : memref<512x64xf32, #tpu.memory_space<vmem>>, vector<16xf32>,
          %add3A_1332 = arith.addf %while3A_1318, %get3A_1331 : vector<16xf32>
          %get3A_1333 = arith.index_cast %sub3A_1320 : i32 to index
          %get3A_1334 = arith.constant 48 : index
          %get3A_1335 = tpu.vector_load %arg6[%get3A_1333, %get3A_1334] {strides = array<i32>} : memref<512x64xf32, #tpu.memory_space<vmem>>, vector<16xf32>,
          %add3A_1336 = arith.addf %while3A_1319, %get3A_1335 : vector<16xf32>
          scf.yield %add3A_1324, %add3A_1328, %add3A_1332, %add3A_1336 : vector<16xf32>, vector<16xf32>, vector<16xf32>, vector<16xf32>
        }
        %get3A = arith.constant 0 : i32
        %get3A_530 = arith.index_cast %get3A : i32 to index
        %get3A_531 = arith.constant 0 : index
        %get3A_532 = tpu.vector_load %arg8[%get3A_530, %get3A_531] {strides = array<i32>} : memref<16x64xf32, #tpu.memory_space<vmem>>, vector<16xf32>,
        %add3A_533 = arith.addf %get3A_532, %while3A_529#0 : vector<16xf32>
        %swap3A_534 = arith.constant 0 : i32
        %swap3A_535 = arith.index_cast %swap3A_534 : i32 to index
        %swap3A_536 = arith.constant 0 : index
        %swap3A_537 = tpu.vector_load %arg8[%swap3A_535, %swap3A_536] {strides = array<i32>} : memref<16x64xf32, #tpu.memory_space<vmem>>, vector<16xf32>,
        tpu.vector_store %arg8[%swap3A_535, %swap3A_536], %add3A_533 {strides = array<i32>} : memref<16x64xf32, #tpu.memory_space<vmem>>, vector<16xf32>,
        %get3A_538 = arith.constant 0 : i32
        %get3A_539 = arith.index_cast %get3A_538 : i32 to index
        %get3A_540 = arith.constant 16 : index
        %get3A_541 = tpu.vector_load %arg8[%get3A_539, %get3A_540] {strides = array<i32>} : memref<16x64xf32, #tpu.memory_space<vmem>>, vector<16xf32>,
        %add3A_542 = arith.addf %get3A_541, %while3A_529#1 : vector<16xf32>
        %swap3A_543 = arith.constant 0 : i32
        %swap3A_544 = arith.index_cast %swap3A_543 : i32 to index
        %swap3A_545 = arith.constant 16 : index
        %swap3A_546 = tpu.vector_load %arg8[%swap3A_544, %swap3A_545] {strides = array<i32>} : memref<16x64xf32, #tpu.memory_space<vmem>>, vector<16xf32>,
        tpu.vector_store %arg8[%swap3A_544, %swap3A_545], %add3A_542 {strides = array<i32>} : memref<16x64xf32, #tpu.memory_space<vmem>>, vector<16xf32>,
        %get3A_547 = arith.constant 0 : i32
        %get3A_548 = arith.index_cast %get3A_547 : i32 to index
        %get3A_549 = arith.constant 32 : index
        %get3A_550 = tpu.vector_load %arg8[%get3A_548, %get3A_549] {strides = array<i32>} : memref<16x64xf32, #tpu.memory_space<vmem>>, vector<16xf32>,
        %add3A_551 = arith.addf %get3A_550, %while3A_529#2 : vector<16xf32>
        %swap3A_552 = arith.constant 0 : i32
        %swap3A_553 = arith.index_cast %swap3A_552 : i32 to index
        %swap3A_554 = arith.constant 32 : index
        %swap3A_555 = tpu.vector_load %arg8[%swap3A_553, %swap3A_554] {strides = array<i32>} : memref<16x64xf32, #tpu.memory_space<vmem>>, vector<16xf32>,
        tpu.vector_store %arg8[%swap3A_553, %swap3A_554], %add3A_551 {strides = array<i32>} : memref<16x64xf32, #tpu.memory_space<vmem>>, vector<16xf32>,
        %get3A_556 = arith.constant 0 : i32
        %get3A_557 = arith.index_cast %get3A_556 : i32 to index
        %get3A_558 = arith.constant 48 : index
        %get3A_559 = tpu.vector_load %arg8[%get3A_557, %get3A_558] {strides = array<i32>} : memref<16x64xf32, #tpu.memory_space<vmem>>, vector<16xf32>,
        %add3A_560 = arith.addf %get3A_559, %while3A_529#3 : vector<16xf32>
        %swap3A_561 = arith.constant 0 : i32
        %swap3A_562 = arith.index_cast %swap3A_561 : i32 to index
        %swap3A_563 = arith.constant 48 : index
        %swap3A_564 = tpu.vector_load %arg8[%swap3A_562, %swap3A_563] {strides = array<i32>} : memref<16x64xf32, #tpu.memory_space<vmem>>, vector<16xf32>,
        tpu.vector_store %arg8[%swap3A_562, %swap3A_563], %add3A_560 {strides = array<i32>} : memref<16x64xf32, #tpu.memory_space<vmem>>, vector<16xf32>,
        %max3A_565 = arith.maxsi %reduce_sum3A_286, %mul3A_518 : i32
        %add3A_566 = arith.constant 512 : i32
        %add3A_567 = arith.addi %mul3A_518, %add3A_566 : i32
        %min3A_568 = arith.minsi %reduce_sum3A_296, %add3A_567 : i32
        %while3A_569 = arith.subi %min3A_568, %max3A_565 : i32
        %while3A_570 = arith.addi %max3A_565, %while3A_569 : i32
        %while3A_571 = arith.constant 1 : i32
        %while3A_572 = arith.divsi %while3A_569, %while3A_571 : i32
        %while3A_573 = arith.muli %while3A_572, %while3A_571 : i32
        %while3A_574 = arith.addi %max3A_565, %while3A_573 : i32
        %while3A_575 = arith.constant 1 : i32
        %while3A_576:4 = scf.for %while3A_1315 = %max3A_565 to %while3A_574 step %while3A_575 iter_args(%while3A_1316 = %broadcast_in_dim3A_6, %while3A_1317 = %broadcast_in_dim3A_6, %while3A_1318 = %broadcast_in_dim3A_6, %while3A_1319 = %broadcast_in_dim3A_6) -> (vector<16xf32>, vector<16xf32>, vector<16xf32>, vector<16xf32>)  : i32 {
          %sub3A_1320 = arith.subi %while3A_1315, %mul3A_518 : i32
          %get3A_1321 = arith.index_cast %sub3A_1320 : i32 to index
          %get3A_1322 = arith.constant 0 : index
          %get3A_1323 = tpu.vector_load %arg6[%get3A_1321, %get3A_1322] {strides = array<i32>} : memref<512x64xf32, #tpu.memory_space<vmem>>, vector<16xf32>,
          %add3A_1324 = arith.addf %while3A_1316, %get3A_1323 : vector<16xf32>
          %get3A_1325 = arith.index_cast %sub3A_1320 : i32 to index
          %get3A_1326 = arith.constant 16 : index
          %get3A_1327 = tpu.vector_load %arg6[%get3A_1325, %get3A_1326] {strides = array<i32>} : memref<512x64xf32, #tpu.memory_space<vmem>>, vector<16xf32>,
          %add3A_1328 = arith.addf %while3A_1317, %get3A_1327 : vector<16xf32>
          %get3A_1329 = arith.index_cast %sub3A_1320 : i32 to index
          %get3A_1330 = arith.constant 32 : index
          %get3A_1331 = tpu.vector_load %arg6[%get3A_1329, %get3A_1330] {strides = array<i32>} : memref<512x64xf32, #tpu.memory_space<vmem>>, vector<16xf32>,
          %add3A_1332 = arith.addf %while3A_1318, %get3A_1331 : vector<16xf32>
          %get3A_1333 = arith.index_cast %sub3A_1320 : i32 to index
          %get3A_1334 = arith.constant 48 : index
          %get3A_1335 = tpu.vector_load %arg6[%get3A_1333, %get3A_1334] {strides = array<i32>} : memref<512x64xf32, #tpu.memory_space<vmem>>, vector<16xf32>,
          %add3A_1336 = arith.addf %while3A_1319, %get3A_1335 : vector<16xf32>
          scf.yield %add3A_1324, %add3A_1328, %add3A_1332, %add3A_1336 : vector<16xf32>, vector<16xf32>, vector<16xf32>, vector<16xf32>
        }
        %while3A_577 = arith.constant 1 : i32
        %while3A_578:4 = scf.for %while3A_1315 = %while3A_574 to %while3A_570 step %while3A_577 iter_args(%while3A_1316 = %while3A_576#0, %while3A_1317 = %while3A_576#1, %while3A_1318 = %while3A_576#2, %while3A_1319 = %while3A_576#3) -> (vector<16xf32>, vector<16xf32>, vector<16xf32>, vector<16xf32>)  : i32 {
          %sub3A_1320 = arith.subi %while3A_1315, %mul3A_518 : i32
          %get3A_1321 = arith.index_cast %sub3A_1320 : i32 to index
          %get3A_1322 = arith.constant 0 : index
          %get3A_1323 = tpu.vector_load %arg6[%get3A_1321, %get3A_1322] {strides = array<i32>} : memref<512x64xf32, #tpu.memory_space<vmem>>, vector<16xf32>,
          %add3A_1324 = arith.addf %while3A_1316, %get3A_1323 : vector<16xf32>
          %get3A_1325 = arith.index_cast %sub3A_1320 : i32 to index
          %get3A_1326 = arith.constant 16 : index
          %get3A_1327 = tpu.vector_load %arg6[%get3A_1325, %get3A_1326] {strides = array<i32>} : memref<512x64xf32, #tpu.memory_space<vmem>>, vector<16xf32>,
          %add3A_1328 = arith.addf %while3A_1317, %get3A_1327 : vector<16xf32>
          %get3A_1329 = arith.index_cast %sub3A_1320 : i32 to index
          %get3A_1330 = arith.constant 32 : index
          %get3A_1331 = tpu.vector_load %arg6[%get3A_1329, %get3A_1330] {strides = array<i32>} : memref<512x64xf32, #tpu.memory_space<vmem>>, vector<16xf32>,
          %add3A_1332 = arith.addf %while3A_1318, %get3A_1331 : vector<16xf32>
          %get3A_1333 = arith.index_cast %sub3A_1320 : i32 to index
          %get3A_1334 = arith.constant 48 : index
          %get3A_1335 = tpu.vector_load %arg6[%get3A_1333, %get3A_1334] {strides = array<i32>} : memref<512x64xf32, #tpu.memory_space<vmem>>, vector<16xf32>,
          %add3A_1336 = arith.addf %while3A_1319, %get3A_1335 : vector<16xf32>
          scf.yield %add3A_1324, %add3A_1328, %add3A_1332, %add3A_1336 : vector<16xf32>, vector<16xf32>, vector<16xf32>, vector<16xf32>
        }
        %get3A_579 = arith.constant 1 : i32
        %get3A_580 = arith.index_cast %get3A_579 : i32 to index
        %get3A_581 = arith.constant 0 : index
        %get3A_582 = tpu.vector_load %arg8[%get3A_580, %get3A_581] {strides = array<i32>} : memref<16x64xf32, #tpu.memory_space<vmem>>, vector<16xf32>,
        %add3A_583 = arith.addf %get3A_582, %while3A_578#0 : vector<16xf32>
        %swap3A_584 = arith.constant 1 : i32
        %swap3A_585 = arith.index_cast %swap3A_584 : i32 to index
        %swap3A_586 = arith.constant 0 : index
        %swap3A_587 = tpu.vector_load %arg8[%swap3A_585, %swap3A_586] {strides = array<i32>} : memref<16x64xf32, #tpu.memory_space<vmem>>, vector<16xf32>,
        tpu.vector_store %arg8[%swap3A_585, %swap3A_586], %add3A_583 {strides = array<i32>} : memref<16x64xf32, #tpu.memory_space<vmem>>, vector<16xf32>,
        %get3A_588 = arith.constant 1 : i32
        %get3A_589 = arith.index_cast %get3A_588 : i32 to index
        %get3A_590 = arith.constant 16 : index
        %get3A_591 = tpu.vector_load %arg8[%get3A_589, %get3A_590] {strides = array<i32>} : memref<16x64xf32, #tpu.memory_space<vmem>>, vector<16xf32>,
        %add3A_592 = arith.addf %get3A_591, %while3A_578#1 : vector<16xf32>
        %swap3A_593 = arith.constant 1 : i32
        %swap3A_594 = arith.index_cast %swap3A_593 : i32 to index
        %swap3A_595 = arith.constant 16 : index
        %swap3A_596 = tpu.vector_load %arg8[%swap3A_594, %swap3A_595] {strides = array<i32>} : memref<16x64xf32, #tpu.memory_space<vmem>>, vector<16xf32>,
        tpu.vector_store %arg8[%swap3A_594, %swap3A_595], %add3A_592 {strides = array<i32>} : memref<16x64xf32, #tpu.memory_space<vmem>>, vector<16xf32>,
        %get3A_597 = arith.constant 1 : i32
        %get3A_598 = arith.index_cast %get3A_597 : i32 to index
        %get3A_599 = arith.constant 32 : index
        %get3A_600 = tpu.vector_load %arg8[%get3A_598, %get3A_599] {strides = array<i32>} : memref<16x64xf32, #tpu.memory_space<vmem>>, vector<16xf32>,
        %add3A_601 = arith.addf %get3A_600, %while3A_578#2 : vector<16xf32>
        %swap3A_602 = arith.constant 1 : i32
        %swap3A_603 = arith.index_cast %swap3A_602 : i32 to index
        %swap3A_604 = arith.constant 32 : index
        %swap3A_605 = tpu.vector_load %arg8[%swap3A_603, %swap3A_604] {strides = array<i32>} : memref<16x64xf32, #tpu.memory_space<vmem>>, vector<16xf32>,
        tpu.vector_store %arg8[%swap3A_603, %swap3A_604], %add3A_601 {strides = array<i32>} : memref<16x64xf32, #tpu.memory_space<vmem>>, vector<16xf32>,
        %get3A_606 = arith.constant 1 : i32
        %get3A_607 = arith.index_cast %get3A_606 : i32 to index
        %get3A_608 = arith.constant 48 : index
        %get3A_609 = tpu.vector_load %arg8[%get3A_607, %get3A_608] {strides = array<i32>} : memref<16x64xf32, #tpu.memory_space<vmem>>, vector<16xf32>,
        %add3A_610 = arith.addf %get3A_609, %while3A_578#3 : vector<16xf32>
        %swap3A_611 = arith.constant 1 : i32
        %swap3A_612 = arith.index_cast %swap3A_611 : i32 to index
        %swap3A_613 = arith.constant 48 : index
        %swap3A_614 = tpu.vector_load %arg8[%swap3A_612, %swap3A_613] {strides = array<i32>} : memref<16x64xf32, #tpu.memory_space<vmem>>, vector<16xf32>,
        tpu.vector_store %arg8[%swap3A_612, %swap3A_613], %add3A_610 {strides = array<i32>} : memref<16x64xf32, #tpu.memory_space<vmem>>, vector<16xf32>,
        %max3A_615 = arith.maxsi %reduce_sum3A_296, %mul3A_518 : i32
        %add3A_616 = arith.constant 512 : i32
        %add3A_617 = arith.addi %mul3A_518, %add3A_616 : i32
        %min3A_618 = arith.minsi %reduce_sum3A_306, %add3A_617 : i32
        %while3A_619 = arith.subi %min3A_618, %max3A_615 : i32
        %while3A_620 = arith.addi %max3A_615, %while3A_619 : i32
        %while3A_621 = arith.constant 1 : i32
        %while3A_622 = arith.divsi %while3A_619, %while3A_621 : i32
        %while3A_623 = arith.muli %while3A_622, %while3A_621 : i32
        %while3A_624 = arith.addi %max3A_615, %while3A_623 : i32
        %while3A_625 = arith.constant 1 : i32
        %while3A_626:4 = scf.for %while3A_1315 = %max3A_615 to %while3A_624 step %while3A_625 iter_args(%while3A_1316 = %broadcast_in_dim3A_6, %while3A_1317 = %broadcast_in_dim3A_6, %while3A_1318 = %broadcast_in_dim3A_6, %while3A_1319 = %broadcast_in_dim3A_6) -> (vector<16xf32>, vector<16xf32>, vector<16xf32>, vector<16xf32>)  : i32 {
          %sub3A_1320 = arith.subi %while3A_1315, %mul3A_518 : i32
          %get3A_1321 = arith.index_cast %sub3A_1320 : i32 to index
          %get3A_1322 = arith.constant 0 : index
          %get3A_1323 = tpu.vector_load %arg6[%get3A_1321, %get3A_1322] {strides = array<i32>} : memref<512x64xf32, #tpu.memory_space<vmem>>, vector<16xf32>,
          %add3A_1324 = arith.addf %while3A_1316, %get3A_1323 : vector<16xf32>
          %get3A_1325 = arith.index_cast %sub3A_1320 : i32 to index
          %get3A_1326 = arith.constant 16 : index
          %get3A_1327 = tpu.vector_load %arg6[%get3A_1325, %get3A_1326] {strides = array<i32>} : memref<512x64xf32, #tpu.memory_space<vmem>>, vector<16xf32>,
          %add3A_1328 = arith.addf %while3A_1317, %get3A_1327 : vector<16xf32>
          %get3A_1329 = arith.index_cast %sub3A_1320 : i32 to index
          %get3A_1330 = arith.constant 32 : index
          %get3A_1331 = tpu.vector_load %arg6[%get3A_1329, %get3A_1330] {strides = array<i32>} : memref<512x64xf32, #tpu.memory_space<vmem>>, vector<16xf32>,
          %add3A_1332 = arith.addf %while3A_1318, %get3A_1331 : vector<16xf32>
          %get3A_1333 = arith.index_cast %sub3A_1320 : i32 to index
          %get3A_1334 = arith.constant 48 : index
          %get3A_1335 = tpu.vector_load %arg6[%get3A_1333, %get3A_1334] {strides = array<i32>} : memref<512x64xf32, #tpu.memory_space<vmem>>, vector<16xf32>,
          %add3A_1336 = arith.addf %while3A_1319, %get3A_1335 : vector<16xf32>
          scf.yield %add3A_1324, %add3A_1328, %add3A_1332, %add3A_1336 : vector<16xf32>, vector<16xf32>, vector<16xf32>, vector<16xf32>
        }
        %while3A_627 = arith.constant 1 : i32
        %while3A_628:4 = scf.for %while3A_1315 = %while3A_624 to %while3A_620 step %while3A_627 iter_args(%while3A_1316 = %while3A_626#0, %while3A_1317 = %while3A_626#1, %while3A_1318 = %while3A_626#2, %while3A_1319 = %while3A_626#3) -> (vector<16xf32>, vector<16xf32>, vector<16xf32>, vector<16xf32>)  : i32 {
          %sub3A_1320 = arith.subi %while3A_1315, %mul3A_518 : i32
          %get3A_1321 = arith.index_cast %sub3A_1320 : i32 to index
          %get3A_1322 = arith.constant 0 : index
          %get3A_1323 = tpu.vector_load %arg6[%get3A_1321, %get3A_1322] {strides = array<i32>} : memref<512x64xf32, #tpu.memory_space<vmem>>, vector<16xf32>,
          %add3A_1324 = arith.addf %while3A_1316, %get3A_1323 : vector<16xf32>
          %get3A_1325 = arith.index_cast %sub3A_1320 : i32 to index
          %get3A_1326 = arith.constant 16 : index
          %get3A_1327 = tpu.vector_load %arg6[%get3A_1325, %get3A_1326] {strides = array<i32>} : memref<512x64xf32, #tpu.memory_space<vmem>>, vector<16xf32>,
          %add3A_1328 = arith.addf %while3A_1317, %get3A_1327 : vector<16xf32>
          %get3A_1329 = arith.index_cast %sub3A_1320 : i32 to index
          %get3A_1330 = arith.constant 32 : index
          %get3A_1331 = tpu.vector_load %arg6[%get3A_1329, %get3A_1330] {strides = array<i32>} : memref<512x64xf32, #tpu.memory_space<vmem>>, vector<16xf32>,
          %add3A_1332 = arith.addf %while3A_1318, %get3A_1331 : vector<16xf32>
          %get3A_1333 = arith.index_cast %sub3A_1320 : i32 to index
          %get3A_1334 = arith.constant 48 : index
          %get3A_1335 = tpu.vector_load %arg6[%get3A_1333, %get3A_1334] {strides = array<i32>} : memref<512x64xf32, #tpu.memory_space<vmem>>, vector<16xf32>,
          %add3A_1336 = arith.addf %while3A_1319, %get3A_1335 : vector<16xf32>
          scf.yield %add3A_1324, %add3A_1328, %add3A_1332, %add3A_1336 : vector<16xf32>, vector<16xf32>, vector<16xf32>, vector<16xf32>
        }
        %get3A_629 = arith.constant 2 : i32
        %get3A_630 = arith.index_cast %get3A_629 : i32 to index
        %get3A_631 = arith.constant 0 : index
        %get3A_632 = tpu.vector_load %arg8[%get3A_630, %get3A_631] {strides = array<i32>} : memref<16x64xf32, #tpu.memory_space<vmem>>, vector<16xf32>,
        %add3A_633 = arith.addf %get3A_632, %while3A_628#0 : vector<16xf32>
        %swap3A_634 = arith.constant 2 : i32
        %swap3A_635 = arith.index_cast %swap3A_634 : i32 to index
        %swap3A_636 = arith.constant 0 : index
        %swap3A_637 = tpu.vector_load %arg8[%swap3A_635, %swap3A_636] {strides = array<i32>} : memref<16x64xf32, #tpu.memory_space<vmem>>, vector<16xf32>,
        tpu.vector_store %arg8[%swap3A_635, %swap3A_636], %add3A_633 {strides = array<i32>} : memref<16x64xf32, #tpu.memory_space<vmem>>, vector<16xf32>,
        %get3A_638 = arith.constant 2 : i32
        %get3A_639 = arith.index_cast %get3A_638 : i32 to index
        %get3A_640 = arith.constant 16 : index
        %get3A_641 = tpu.vector_load %arg8[%get3A_639, %get3A_640] {strides = array<i32>} : memref<16x64xf32, #tpu.memory_space<vmem>>, vector<16xf32>,
        %add3A_642 = arith.addf %get3A_641, %while3A_628#1 : vector<16xf32>
        %swap3A_643 = arith.constant 2 : i32
        %swap3A_644 = arith.index_cast %swap3A_643 : i32 to index
        %swap3A_645 = arith.constant 16 : index
        %swap3A_646 = tpu.vector_load %arg8[%swap3A_644, %swap3A_645] {strides = array<i32>} : memref<16x64xf32, #tpu.memory_space<vmem>>, vector<16xf32>,
        tpu.vector_store %arg8[%swap3A_644, %swap3A_645], %add3A_642 {strides = array<i32>} : memref<16x64xf32, #tpu.memory_space<vmem>>, vector<16xf32>,
        %get3A_647 = arith.constant 2 : i32
        %get3A_648 = arith.index_cast %get3A_647 : i32 to index
        %get3A_649 = arith.constant 32 : index
        %get3A_650 = tpu.vector_load %arg8[%get3A_648, %get3A_649] {strides = array<i32>} : memref<16x64xf32, #tpu.memory_space<vmem>>, vector<16xf32>,
        %add3A_651 = arith.addf %get3A_650, %while3A_628#2 : vector<16xf32>
        %swap3A_652 = arith.constant 2 : i32
        %swap3A_653 = arith.index_cast %swap3A_652 : i32 to index
        %swap3A_654 = arith.constant 32 : index
        %swap3A_655 = tpu.vector_load %arg8[%swap3A_653, %swap3A_654] {strides = array<i32>} : memref<16x64xf32, #tpu.memory_space<vmem>>, vector<16xf32>,
        tpu.vector_store %arg8[%swap3A_653, %swap3A_654], %add3A_651 {strides = array<i32>} : memref<16x64xf32, #tpu.memory_space<vmem>>, vector<16xf32>,
        %get3A_656 = arith.constant 2 : i32
        %get3A_657 = arith.index_cast %get3A_656 : i32 to index
        %get3A_658 = arith.constant 48 : index
        %get3A_659 = tpu.vector_load %arg8[%get3A_657, %get3A_658] {strides = array<i32>} : memref<16x64xf32, #tpu.memory_space<vmem>>, vector<16xf32>,
        %add3A_660 = arith.addf %get3A_659, %while3A_628#3 : vector<16xf32>
        %swap3A_661 = arith.constant 2 : i32
        %swap3A_662 = arith.index_cast %swap3A_661 : i32 to index
        %swap3A_663 = arith.constant 48 : index
        %swap3A_664 = tpu.vector_load %arg8[%swap3A_662, %swap3A_663] {strides = array<i32>} : memref<16x64xf32, #tpu.memory_space<vmem>>, vector<16xf32>,
        tpu.vector_store %arg8[%swap3A_662, %swap3A_663], %add3A_660 {strides = array<i32>} : memref<16x64xf32, #tpu.memory_space<vmem>>, vector<16xf32>,
        %max3A_665 = arith.maxsi %reduce_sum3A_306, %mul3A_518 : i32
        %add3A_666 = arith.constant 512 : i32
        %add3A_667 = arith.addi %mul3A_518, %add3A_666 : i32
        %min3A_668 = arith.minsi %reduce_sum3A_316, %add3A_667 : i32
        %while3A_669 = arith.subi %min3A_668, %max3A_665 : i32
        %while3A_670 = arith.addi %max3A_665, %while3A_669 : i32
        %while3A_671 = arith.constant 1 : i32
        %while3A_672 = arith.divsi %while3A_669, %while3A_671 : i32
        %while3A_673 = arith.muli %while3A_672, %while3A_671 : i32
        %while3A_674 = arith.addi %max3A_665, %while3A_673 : i32
        %while3A_675 = arith.constant 1 : i32
        %while3A_676:4 = scf.for %while3A_1315 = %max3A_665 to %while3A_674 step %while3A_675 iter_args(%while3A_1316 = %broadcast_in_dim3A_6, %while3A_1317 = %broadcast_in_dim3A_6, %while3A_1318 = %broadcast_in_dim3A_6, %while3A_1319 = %broadcast_in_dim3A_6) -> (vector<16xf32>, vector<16xf32>, vector<16xf32>, vector<16xf32>)  : i32 {
          %sub3A_1320 = arith.subi %while3A_1315, %mul3A_518 : i32
          %get3A_1321 = arith.index_cast %sub3A_1320 : i32 to index
          %get3A_1322 = arith.constant 0 : index
          %get3A_1323 = tpu.vector_load %arg6[%get3A_1321, %get3A_1322] {strides = array<i32>} : memref<512x64xf32, #tpu.memory_space<vmem>>, vector<16xf32>,
          %add3A_1324 = arith.addf %while3A_1316, %get3A_1323 : vector<16xf32>
          %get3A_1325 = arith.index_cast %sub3A_1320 : i32 to index
          %get3A_1326 = arith.constant 16 : index
          %get3A_1327 = tpu.vector_load %arg6[%get3A_1325, %get3A_1326] {strides = array<i32>} : memref<512x64xf32, #tpu.memory_space<vmem>>, vector<16xf32>,
          %add3A_1328 = arith.addf %while3A_1317, %get3A_1327 : vector<16xf32>
          %get3A_1329 = arith.index_cast %sub3A_1320 : i32 to index
          %get3A_1330 = arith.constant 32 : index
          %get3A_1331 = tpu.vector_load %arg6[%get3A_1329, %get3A_1330] {strides = array<i32>} : memref<512x64xf32, #tpu.memory_space<vmem>>, vector<16xf32>,
          %add3A_1332 = arith.addf %while3A_1318, %get3A_1331 : vector<16xf32>
          %get3A_1333 = arith.index_cast %sub3A_1320 : i32 to index
          %get3A_1334 = arith.constant 48 : index
          %get3A_1335 = tpu.vector_load %arg6[%get3A_1333, %get3A_1334] {strides = array<i32>} : memref<512x64xf32, #tpu.memory_space<vmem>>, vector<16xf32>,
          %add3A_1336 = arith.addf %while3A_1319, %get3A_1335 : vector<16xf32>
          scf.yield %add3A_1324, %add3A_1328, %add3A_1332, %add3A_1336 : vector<16xf32>, vector<16xf32>, vector<16xf32>, vector<16xf32>
        }
        %while3A_677 = arith.constant 1 : i32
        %while3A_678:4 = scf.for %while3A_1315 = %while3A_674 to %while3A_670 step %while3A_677 iter_args(%while3A_1316 = %while3A_676#0, %while3A_1317 = %while3A_676#1, %while3A_1318 = %while3A_676#2, %while3A_1319 = %while3A_676#3) -> (vector<16xf32>, vector<16xf32>, vector<16xf32>, vector<16xf32>)  : i32 {
          %sub3A_1320 = arith.subi %while3A_1315, %mul3A_518 : i32
          %get3A_1321 = arith.index_cast %sub3A_1320 : i32 to index
          %get3A_1322 = arith.constant 0 : index
          %get3A_1323 = tpu.vector_load %arg6[%get3A_1321, %get3A_1322] {strides = array<i32>} : memref<512x64xf32, #tpu.memory_space<vmem>>, vector<16xf32>,
          %add3A_1324 = arith.addf %while3A_1316, %get3A_1323 : vector<16xf32>
          %get3A_1325 = arith.index_cast %sub3A_1320 : i32 to index
          %get3A_1326 = arith.constant 16 : index
          %get3A_1327 = tpu.vector_load %arg6[%get3A_1325, %get3A_1326] {strides = array<i32>} : memref<512x64xf32, #tpu.memory_space<vmem>>, vector<16xf32>,
          %add3A_1328 = arith.addf %while3A_1317, %get3A_1327 : vector<16xf32>
          %get3A_1329 = arith.index_cast %sub3A_1320 : i32 to index
          %get3A_1330 = arith.constant 32 : index
          %get3A_1331 = tpu.vector_load %arg6[%get3A_1329, %get3A_1330] {strides = array<i32>} : memref<512x64xf32, #tpu.memory_space<vmem>>, vector<16xf32>,
          %add3A_1332 = arith.addf %while3A_1318, %get3A_1331 : vector<16xf32>
          %get3A_1333 = arith.index_cast %sub3A_1320 : i32 to index
          %get3A_1334 = arith.constant 48 : index
          %get3A_1335 = tpu.vector_load %arg6[%get3A_1333, %get3A_1334] {strides = array<i32>} : memref<512x64xf32, #tpu.memory_space<vmem>>, vector<16xf32>,
          %add3A_1336 = arith.addf %while3A_1319, %get3A_1335 : vector<16xf32>
          scf.yield %add3A_1324, %add3A_1328, %add3A_1332, %add3A_1336 : vector<16xf32>, vector<16xf32>, vector<16xf32>, vector<16xf32>
        }
        %get3A_679 = arith.constant 3 : i32
        %get3A_680 = arith.index_cast %get3A_679 : i32 to index
        %get3A_681 = arith.constant 0 : index
        %get3A_682 = tpu.vector_load %arg8[%get3A_680, %get3A_681] {strides = array<i32>} : memref<16x64xf32, #tpu.memory_space<vmem>>, vector<16xf32>,
        %add3A_683 = arith.addf %get3A_682, %while3A_678#0 : vector<16xf32>
        %swap3A_684 = arith.constant 3 : i32
        %swap3A_685 = arith.index_cast %swap3A_684 : i32 to index
        %swap3A_686 = arith.constant 0 : index
        %swap3A_687 = tpu.vector_load %arg8[%swap3A_685, %swap3A_686] {strides = array<i32>} : memref<16x64xf32, #tpu.memory_space<vmem>>, vector<16xf32>,
        tpu.vector_store %arg8[%swap3A_685, %swap3A_686], %add3A_683 {strides = array<i32>} : memref<16x64xf32, #tpu.memory_space<vmem>>, vector<16xf32>,
        %get3A_688 = arith.constant 3 : i32
        %get3A_689 = arith.index_cast %get3A_688 : i32 to index
        %get3A_690 = arith.constant 16 : index
        %get3A_691 = tpu.vector_load %arg8[%get3A_689, %get3A_690] {strides = array<i32>} : memref<16x64xf32, #tpu.memory_space<vmem>>, vector<16xf32>,
        %add3A_692 = arith.addf %get3A_691, %while3A_678#1 : vector<16xf32>
        %swap3A_693 = arith.constant 3 : i32
        %swap3A_694 = arith.index_cast %swap3A_693 : i32 to index
        %swap3A_695 = arith.constant 16 : index
        %swap3A_696 = tpu.vector_load %arg8[%swap3A_694, %swap3A_695] {strides = array<i32>} : memref<16x64xf32, #tpu.memory_space<vmem>>, vector<16xf32>,
        tpu.vector_store %arg8[%swap3A_694, %swap3A_695], %add3A_692 {strides = array<i32>} : memref<16x64xf32, #tpu.memory_space<vmem>>, vector<16xf32>,
        %get3A_697 = arith.constant 3 : i32
        %get3A_698 = arith.index_cast %get3A_697 : i32 to index
        %get3A_699 = arith.constant 32 : index
        %get3A_700 = tpu.vector_load %arg8[%get3A_698, %get3A_699] {strides = array<i32>} : memref<16x64xf32, #tpu.memory_space<vmem>>, vector<16xf32>,
        %add3A_701 = arith.addf %get3A_700, %while3A_678#2 : vector<16xf32>
        %swap3A_702 = arith.constant 3 : i32
        %swap3A_703 = arith.index_cast %swap3A_702 : i32 to index
        %swap3A_704 = arith.constant 32 : index
        %swap3A_705 = tpu.vector_load %arg8[%swap3A_703, %swap3A_704] {strides = array<i32>} : memref<16x64xf32, #tpu.memory_space<vmem>>, vector<16xf32>,
        tpu.vector_store %arg8[%swap3A_703, %swap3A_704], %add3A_701 {strides = array<i32>} : memref<16x64xf32, #tpu.memory_space<vmem>>, vector<16xf32>,
        %get3A_706 = arith.constant 3 : i32
        %get3A_707 = arith.index_cast %get3A_706 : i32 to index
        %get3A_708 = arith.constant 48 : index
        %get3A_709 = tpu.vector_load %arg8[%get3A_707, %get3A_708] {strides = array<i32>} : memref<16x64xf32, #tpu.memory_space<vmem>>, vector<16xf32>,
        %add3A_710 = arith.addf %get3A_709, %while3A_678#3 : vector<16xf32>
        %swap3A_711 = arith.constant 3 : i32
        %swap3A_712 = arith.index_cast %swap3A_711 : i32 to index
        %swap3A_713 = arith.constant 48 : index
        %swap3A_714 = tpu.vector_load %arg8[%swap3A_712, %swap3A_713] {strides = array<i32>} : memref<16x64xf32, #tpu.memory_space<vmem>>, vector<16xf32>,
        tpu.vector_store %arg8[%swap3A_712, %swap3A_713], %add3A_710 {strides = array<i32>} : memref<16x64xf32, #tpu.memory_space<vmem>>, vector<16xf32>,
        %max3A_715 = arith.maxsi %reduce_sum3A_316, %mul3A_518 : i32
        %add3A_716 = arith.constant 512 : i32
        %add3A_717 = arith.addi %mul3A_518, %add3A_716 : i32
        %min3A_718 = arith.minsi %reduce_sum3A_326, %add3A_717 : i32
        %while3A_719 = arith.subi %min3A_718, %max3A_715 : i32
        %while3A_720 = arith.addi %max3A_715, %while3A_719 : i32
        %while3A_721 = arith.constant 1 : i32
        %while3A_722 = arith.divsi %while3A_719, %while3A_721 : i32
        %while3A_723 = arith.muli %while3A_722, %while3A_721 : i32
        %while3A_724 = arith.addi %max3A_715, %while3A_723 : i32
        %while3A_725 = arith.constant 1 : i32
        %while3A_726:4 = scf.for %while3A_1315 = %max3A_715 to %while3A_724 step %while3A_725 iter_args(%while3A_1316 = %broadcast_in_dim3A_6, %while3A_1317 = %broadcast_in_dim3A_6, %while3A_1318 = %broadcast_in_dim3A_6, %while3A_1319 = %broadcast_in_dim3A_6) -> (vector<16xf32>, vector<16xf32>, vector<16xf32>, vector<16xf32>)  : i32 {
          %sub3A_1320 = arith.subi %while3A_1315, %mul3A_518 : i32
          %get3A_1321 = arith.index_cast %sub3A_1320 : i32 to index
          %get3A_1322 = arith.constant 0 : index
          %get3A_1323 = tpu.vector_load %arg6[%get3A_1321, %get3A_1322] {strides = array<i32>} : memref<512x64xf32, #tpu.memory_space<vmem>>, vector<16xf32>,
          %add3A_1324 = arith.addf %while3A_1316, %get3A_1323 : vector<16xf32>
          %get3A_1325 = arith.index_cast %sub3A_1320 : i32 to index
          %get3A_1326 = arith.constant 16 : index
          %get3A_1327 = tpu.vector_load %arg6[%get3A_1325, %get3A_1326] {strides = array<i32>} : memref<512x64xf32, #tpu.memory_space<vmem>>, vector<16xf32>,
          %add3A_1328 = arith.addf %while3A_1317, %get3A_1327 : vector<16xf32>
          %get3A_1329 = arith.index_cast %sub3A_1320 : i32 to index
          %get3A_1330 = arith.constant 32 : index
          %get3A_1331 = tpu.vector_load %arg6[%get3A_1329, %get3A_1330] {strides = array<i32>} : memref<512x64xf32, #tpu.memory_space<vmem>>, vector<16xf32>,
          %add3A_1332 = arith.addf %while3A_1318, %get3A_1331 : vector<16xf32>
          %get3A_1333 = arith.index_cast %sub3A_1320 : i32 to index
          %get3A_1334 = arith.constant 48 : index
          %get3A_1335 = tpu.vector_load %arg6[%get3A_1333, %get3A_1334] {strides = array<i32>} : memref<512x64xf32, #tpu.memory_space<vmem>>, vector<16xf32>,
          %add3A_1336 = arith.addf %while3A_1319, %get3A_1335 : vector<16xf32>
          scf.yield %add3A_1324, %add3A_1328, %add3A_1332, %add3A_1336 : vector<16xf32>, vector<16xf32>, vector<16xf32>, vector<16xf32>
        }
        %while3A_727 = arith.constant 1 : i32
        %while3A_728:4 = scf.for %while3A_1315 = %while3A_724 to %while3A_720 step %while3A_727 iter_args(%while3A_1316 = %while3A_726#0, %while3A_1317 = %while3A_726#1, %while3A_1318 = %while3A_726#2, %while3A_1319 = %while3A_726#3) -> (vector<16xf32>, vector<16xf32>, vector<16xf32>, vector<16xf32>)  : i32 {
          %sub3A_1320 = arith.subi %while3A_1315, %mul3A_518 : i32
          %get3A_1321 = arith.index_cast %sub3A_1320 : i32 to index
          %get3A_1322 = arith.constant 0 : index
          %get3A_1323 = tpu.vector_load %arg6[%get3A_1321, %get3A_1322] {strides = array<i32>} : memref<512x64xf32, #tpu.memory_space<vmem>>, vector<16xf32>,
          %add3A_1324 = arith.addf %while3A_1316, %get3A_1323 : vector<16xf32>
          %get3A_1325 = arith.index_cast %sub3A_1320 : i32 to index
          %get3A_1326 = arith.constant 16 : index
          %get3A_1327 = tpu.vector_load %arg6[%get3A_1325, %get3A_1326] {strides = array<i32>} : memref<512x64xf32, #tpu.memory_space<vmem>>, vector<16xf32>,
          %add3A_1328 = arith.addf %while3A_1317, %get3A_1327 : vector<16xf32>
          %get3A_1329 = arith.index_cast %sub3A_1320 : i32 to index
          %get3A_1330 = arith.constant 32 : index
          %get3A_1331 = tpu.vector_load %arg6[%get3A_1329, %get3A_1330] {strides = array<i32>} : memref<512x64xf32, #tpu.memory_space<vmem>>, vector<16xf32>,
          %add3A_1332 = arith.addf %while3A_1318, %get3A_1331 : vector<16xf32>
          %get3A_1333 = arith.index_cast %sub3A_1320 : i32 to index
          %get3A_1334 = arith.constant 48 : index
          %get3A_1335 = tpu.vector_load %arg6[%get3A_1333, %get3A_1334] {strides = array<i32>} : memref<512x64xf32, #tpu.memory_space<vmem>>, vector<16xf32>,
          %add3A_1336 = arith.addf %while3A_1319, %get3A_1335 : vector<16xf32>
          scf.yield %add3A_1324, %add3A_1328, %add3A_1332, %add3A_1336 : vector<16xf32>, vector<16xf32>, vector<16xf32>, vector<16xf32>
        }
        %get3A_729 = arith.constant 4 : i32
        %get3A_730 = arith.index_cast %get3A_729 : i32 to index
        %get3A_731 = arith.constant 0 : index
        %get3A_732 = tpu.vector_load %arg8[%get3A_730, %get3A_731] {strides = array<i32>} : memref<16x64xf32, #tpu.memory_space<vmem>>, vector<16xf32>,
        %add3A_733 = arith.addf %get3A_732, %while3A_728#0 : vector<16xf32>
        %swap3A_734 = arith.constant 4 : i32
        %swap3A_735 = arith.index_cast %swap3A_734 : i32 to index
        %swap3A_736 = arith.constant 0 : index
        %swap3A_737 = tpu.vector_load %arg8[%swap3A_735, %swap3A_736] {strides = array<i32>} : memref<16x64xf32, #tpu.memory_space<vmem>>, vector<16xf32>,
        tpu.vector_store %arg8[%swap3A_735, %swap3A_736], %add3A_733 {strides = array<i32>} : memref<16x64xf32, #tpu.memory_space<vmem>>, vector<16xf32>,
        %get3A_738 = arith.constant 4 : i32
        %get3A_739 = arith.index_cast %get3A_738 : i32 to index
        %get3A_740 = arith.constant 16 : index
        %get3A_741 = tpu.vector_load %arg8[%get3A_739, %get3A_740] {strides = array<i32>} : memref<16x64xf32, #tpu.memory_space<vmem>>, vector<16xf32>,
        %add3A_742 = arith.addf %get3A_741, %while3A_728#1 : vector<16xf32>
        %swap3A_743 = arith.constant 4 : i32
        %swap3A_744 = arith.index_cast %swap3A_743 : i32 to index
        %swap3A_745 = arith.constant 16 : index
        %swap3A_746 = tpu.vector_load %arg8[%swap3A_744, %swap3A_745] {strides = array<i32>} : memref<16x64xf32, #tpu.memory_space<vmem>>, vector<16xf32>,
        tpu.vector_store %arg8[%swap3A_744, %swap3A_745], %add3A_742 {strides = array<i32>} : memref<16x64xf32, #tpu.memory_space<vmem>>, vector<16xf32>,
        %get3A_747 = arith.constant 4 : i32
        %get3A_748 = arith.index_cast %get3A_747 : i32 to index
        %get3A_749 = arith.constant 32 : index
        %get3A_750 = tpu.vector_load %arg8[%get3A_748, %get3A_749] {strides = array<i32>} : memref<16x64xf32, #tpu.memory_space<vmem>>, vector<16xf32>,
        %add3A_751 = arith.addf %get3A_750, %while3A_728#2 : vector<16xf32>
        %swap3A_752 = arith.constant 4 : i32
        %swap3A_753 = arith.index_cast %swap3A_752 : i32 to index
        %swap3A_754 = arith.constant 32 : index
        %swap3A_755 = tpu.vector_load %arg8[%swap3A_753, %swap3A_754] {strides = array<i32>} : memref<16x64xf32, #tpu.memory_space<vmem>>, vector<16xf32>,
        tpu.vector_store %arg8[%swap3A_753, %swap3A_754], %add3A_751 {strides = array<i32>} : memref<16x64xf32, #tpu.memory_space<vmem>>, vector<16xf32>,
        %get3A_756 = arith.constant 4 : i32
        %get3A_757 = arith.index_cast %get3A_756 : i32 to index
        %get3A_758 = arith.constant 48 : index
        %get3A_759 = tpu.vector_load %arg8[%get3A_757, %get3A_758] {strides = array<i32>} : memref<16x64xf32, #tpu.memory_space<vmem>>, vector<16xf32>,
        %add3A_760 = arith.addf %get3A_759, %while3A_728#3 : vector<16xf32>
        %swap3A_761 = arith.constant 4 : i32
        %swap3A_762 = arith.index_cast %swap3A_761 : i32 to index
        %swap3A_763 = arith.constant 48 : index
        %swap3A_764 = tpu.vector_load %arg8[%swap3A_762, %swap3A_763] {strides = array<i32>} : memref<16x64xf32, #tpu.memory_space<vmem>>, vector<16xf32>,
        tpu.vector_store %arg8[%swap3A_762, %swap3A_763], %add3A_760 {strides = array<i32>} : memref<16x64xf32, #tpu.memory_space<vmem>>, vector<16xf32>,
        %max3A_765 = arith.maxsi %reduce_sum3A_326, %mul3A_518 : i32
        %add3A_766 = arith.constant 512 : i32
        %add3A_767 = arith.addi %mul3A_518, %add3A_766 : i32
        %min3A_768 = arith.minsi %reduce_sum3A_336, %add3A_767 : i32
        %while3A_769 = arith.subi %min3A_768, %max3A_765 : i32
        %while3A_770 = arith.addi %max3A_765, %while3A_769 : i32
        %while3A_771 = arith.constant 1 : i32
        %while3A_772 = arith.divsi %while3A_769, %while3A_771 : i32
        %while3A_773 = arith.muli %while3A_772, %while3A_771 : i32
        %while3A_774 = arith.addi %max3A_765, %while3A_773 : i32
        %while3A_775 = arith.constant 1 : i32
        %while3A_776:4 = scf.for %while3A_1315 = %max3A_765 to %while3A_774 step %while3A_775 iter_args(%while3A_1316 = %broadcast_in_dim3A_6, %while3A_1317 = %broadcast_in_dim3A_6, %while3A_1318 = %broadcast_in_dim3A_6, %while3A_1319 = %broadcast_in_dim3A_6) -> (vector<16xf32>, vector<16xf32>, vector<16xf32>, vector<16xf32>)  : i32 {
          %sub3A_1320 = arith.subi %while3A_1315, %mul3A_518 : i32
          %get3A_1321 = arith.index_cast %sub3A_1320 : i32 to index
          %get3A_1322 = arith.constant 0 : index
          %get3A_1323 = tpu.vector_load %arg6[%get3A_1321, %get3A_1322] {strides = array<i32>} : memref<512x64xf32, #tpu.memory_space<vmem>>, vector<16xf32>,
          %add3A_1324 = arith.addf %while3A_1316, %get3A_1323 : vector<16xf32>
          %get3A_1325 = arith.index_cast %sub3A_1320 : i32 to index
          %get3A_1326 = arith.constant 16 : index
          %get3A_1327 = tpu.vector_load %arg6[%get3A_1325, %get3A_1326] {strides = array<i32>} : memref<512x64xf32, #tpu.memory_space<vmem>>, vector<16xf32>,
          %add3A_1328 = arith.addf %while3A_1317, %get3A_1327 : vector<16xf32>
          %get3A_1329 = arith.index_cast %sub3A_1320 : i32 to index
          %get3A_1330 = arith.constant 32 : index
          %get3A_1331 = tpu.vector_load %arg6[%get3A_1329, %get3A_1330] {strides = array<i32>} : memref<512x64xf32, #tpu.memory_space<vmem>>, vector<16xf32>,
          %add3A_1332 = arith.addf %while3A_1318, %get3A_1331 : vector<16xf32>
          %get3A_1333 = arith.index_cast %sub3A_1320 : i32 to index
          %get3A_1334 = arith.constant 48 : index
          %get3A_1335 = tpu.vector_load %arg6[%get3A_1333, %get3A_1334] {strides = array<i32>} : memref<512x64xf32, #tpu.memory_space<vmem>>, vector<16xf32>,
          %add3A_1336 = arith.addf %while3A_1319, %get3A_1335 : vector<16xf32>
          scf.yield %add3A_1324, %add3A_1328, %add3A_1332, %add3A_1336 : vector<16xf32>, vector<16xf32>, vector<16xf32>, vector<16xf32>
        }
        %while3A_777 = arith.constant 1 : i32
        %while3A_778:4 = scf.for %while3A_1315 = %while3A_774 to %while3A_770 step %while3A_777 iter_args(%while3A_1316 = %while3A_776#0, %while3A_1317 = %while3A_776#1, %while3A_1318 = %while3A_776#2, %while3A_1319 = %while3A_776#3) -> (vector<16xf32>, vector<16xf32>, vector<16xf32>, vector<16xf32>)  : i32 {
          %sub3A_1320 = arith.subi %while3A_1315, %mul3A_518 : i32
          %get3A_1321 = arith.index_cast %sub3A_1320 : i32 to index
          %get3A_1322 = arith.constant 0 : index
          %get3A_1323 = tpu.vector_load %arg6[%get3A_1321, %get3A_1322] {strides = array<i32>} : memref<512x64xf32, #tpu.memory_space<vmem>>, vector<16xf32>,
          %add3A_1324 = arith.addf %while3A_1316, %get3A_1323 : vector<16xf32>
          %get3A_1325 = arith.index_cast %sub3A_1320 : i32 to index
          %get3A_1326 = arith.constant 16 : index
          %get3A_1327 = tpu.vector_load %arg6[%get3A_1325, %get3A_1326] {strides = array<i32>} : memref<512x64xf32, #tpu.memory_space<vmem>>, vector<16xf32>,
          %add3A_1328 = arith.addf %while3A_1317, %get3A_1327 : vector<16xf32>
          %get3A_1329 = arith.index_cast %sub3A_1320 : i32 to index
          %get3A_1330 = arith.constant 32 : index
          %get3A_1331 = tpu.vector_load %arg6[%get3A_1329, %get3A_1330] {strides = array<i32>} : memref<512x64xf32, #tpu.memory_space<vmem>>, vector<16xf32>,
          %add3A_1332 = arith.addf %while3A_1318, %get3A_1331 : vector<16xf32>
          %get3A_1333 = arith.index_cast %sub3A_1320 : i32 to index
          %get3A_1334 = arith.constant 48 : index
          %get3A_1335 = tpu.vector_load %arg6[%get3A_1333, %get3A_1334] {strides = array<i32>} : memref<512x64xf32, #tpu.memory_space<vmem>>, vector<16xf32>,
          %add3A_1336 = arith.addf %while3A_1319, %get3A_1335 : vector<16xf32>
          scf.yield %add3A_1324, %add3A_1328, %add3A_1332, %add3A_1336 : vector<16xf32>, vector<16xf32>, vector<16xf32>, vector<16xf32>
        }
        %get3A_779 = arith.constant 5 : i32
        %get3A_780 = arith.index_cast %get3A_779 : i32 to index
        %get3A_781 = arith.constant 0 : index
        %get3A_782 = tpu.vector_load %arg8[%get3A_780, %get3A_781] {strides = array<i32>} : memref<16x64xf32, #tpu.memory_space<vmem>>, vector<16xf32>,
        %add3A_783 = arith.addf %get3A_782, %while3A_778#0 : vector<16xf32>
        %swap3A_784 = arith.constant 5 : i32
        %swap3A_785 = arith.index_cast %swap3A_784 : i32 to index
        %swap3A_786 = arith.constant 0 : index
        %swap3A_787 = tpu.vector_load %arg8[%swap3A_785, %swap3A_786] {strides = array<i32>} : memref<16x64xf32, #tpu.memory_space<vmem>>, vector<16xf32>,
        tpu.vector_store %arg8[%swap3A_785, %swap3A_786], %add3A_783 {strides = array<i32>} : memref<16x64xf32, #tpu.memory_space<vmem>>, vector<16xf32>,
        %get3A_788 = arith.constant 5 : i32
        %get3A_789 = arith.index_cast %get3A_788 : i32 to index
        %get3A_790 = arith.constant 16 : index
        %get3A_791 = tpu.vector_load %arg8[%get3A_789, %get3A_790] {strides = array<i32>} : memref<16x64xf32, #tpu.memory_space<vmem>>, vector<16xf32>,
        %add3A_792 = arith.addf %get3A_791, %while3A_778#1 : vector<16xf32>
        %swap3A_793 = arith.constant 5 : i32
        %swap3A_794 = arith.index_cast %swap3A_793 : i32 to index
        %swap3A_795 = arith.constant 16 : index
        %swap3A_796 = tpu.vector_load %arg8[%swap3A_794, %swap3A_795] {strides = array<i32>} : memref<16x64xf32, #tpu.memory_space<vmem>>, vector<16xf32>,
        tpu.vector_store %arg8[%swap3A_794, %swap3A_795], %add3A_792 {strides = array<i32>} : memref<16x64xf32, #tpu.memory_space<vmem>>, vector<16xf32>,
        %get3A_797 = arith.constant 5 : i32
        %get3A_798 = arith.index_cast %get3A_797 : i32 to index
        %get3A_799 = arith.constant 32 : index
        %get3A_800 = tpu.vector_load %arg8[%get3A_798, %get3A_799] {strides = array<i32>} : memref<16x64xf32, #tpu.memory_space<vmem>>, vector<16xf32>,
        %add3A_801 = arith.addf %get3A_800, %while3A_778#2 : vector<16xf32>
        %swap3A_802 = arith.constant 5 : i32
        %swap3A_803 = arith.index_cast %swap3A_802 : i32 to index
        %swap3A_804 = arith.constant 32 : index
        %swap3A_805 = tpu.vector_load %arg8[%swap3A_803, %swap3A_804] {strides = array<i32>} : memref<16x64xf32, #tpu.memory_space<vmem>>, vector<16xf32>,
        tpu.vector_store %arg8[%swap3A_803, %swap3A_804], %add3A_801 {strides = array<i32>} : memref<16x64xf32, #tpu.memory_space<vmem>>, vector<16xf32>,
        %get3A_806 = arith.constant 5 : i32
        %get3A_807 = arith.index_cast %get3A_806 : i32 to index
        %get3A_808 = arith.constant 48 : index
        %get3A_809 = tpu.vector_load %arg8[%get3A_807, %get3A_808] {strides = array<i32>} : memref<16x64xf32, #tpu.memory_space<vmem>>, vector<16xf32>,
        %add3A_810 = arith.addf %get3A_809, %while3A_778#3 : vector<16xf32>
        %swap3A_811 = arith.constant 5 : i32
        %swap3A_812 = arith.index_cast %swap3A_811 : i32 to index
        %swap3A_813 = arith.constant 48 : index
        %swap3A_814 = tpu.vector_load %arg8[%swap3A_812, %swap3A_813] {strides = array<i32>} : memref<16x64xf32, #tpu.memory_space<vmem>>, vector<16xf32>,
        tpu.vector_store %arg8[%swap3A_812, %swap3A_813], %add3A_810 {strides = array<i32>} : memref<16x64xf32, #tpu.memory_space<vmem>>, vector<16xf32>,
        %max3A_815 = arith.maxsi %reduce_sum3A_336, %mul3A_518 : i32
        %add3A_816 = arith.constant 512 : i32
        %add3A_817 = arith.addi %mul3A_518, %add3A_816 : i32
        %min3A_818 = arith.minsi %reduce_sum3A_346, %add3A_817 : i32
        %while3A_819 = arith.subi %min3A_818, %max3A_815 : i32
        %while3A_820 = arith.addi %max3A_815, %while3A_819 : i32
        %while3A_821 = arith.constant 1 : i32
        %while3A_822 = arith.divsi %while3A_819, %while3A_821 : i32
        %while3A_823 = arith.muli %while3A_822, %while3A_821 : i32
        %while3A_824 = arith.addi %max3A_815, %while3A_823 : i32
        %while3A_825 = arith.constant 1 : i32
        %while3A_826:4 = scf.for %while3A_1315 = %max3A_815 to %while3A_824 step %while3A_825 iter_args(%while3A_1316 = %broadcast_in_dim3A_6, %while3A_1317 = %broadcast_in_dim3A_6, %while3A_1318 = %broadcast_in_dim3A_6, %while3A_1319 = %broadcast_in_dim3A_6) -> (vector<16xf32>, vector<16xf32>, vector<16xf32>, vector<16xf32>)  : i32 {
          %sub3A_1320 = arith.subi %while3A_1315, %mul3A_518 : i32
          %get3A_1321 = arith.index_cast %sub3A_1320 : i32 to index
          %get3A_1322 = arith.constant 0 : index
          %get3A_1323 = tpu.vector_load %arg6[%get3A_1321, %get3A_1322] {strides = array<i32>} : memref<512x64xf32, #tpu.memory_space<vmem>>, vector<16xf32>,
          %add3A_1324 = arith.addf %while3A_1316, %get3A_1323 : vector<16xf32>
          %get3A_1325 = arith.index_cast %sub3A_1320 : i32 to index
          %get3A_1326 = arith.constant 16 : index
          %get3A_1327 = tpu.vector_load %arg6[%get3A_1325, %get3A_1326] {strides = array<i32>} : memref<512x64xf32, #tpu.memory_space<vmem>>, vector<16xf32>,
          %add3A_1328 = arith.addf %while3A_1317, %get3A_1327 : vector<16xf32>
          %get3A_1329 = arith.index_cast %sub3A_1320 : i32 to index
          %get3A_1330 = arith.constant 32 : index
          %get3A_1331 = tpu.vector_load %arg6[%get3A_1329, %get3A_1330] {strides = array<i32>} : memref<512x64xf32, #tpu.memory_space<vmem>>, vector<16xf32>,
          %add3A_1332 = arith.addf %while3A_1318, %get3A_1331 : vector<16xf32>
          %get3A_1333 = arith.index_cast %sub3A_1320 : i32 to index
          %get3A_1334 = arith.constant 48 : index
          %get3A_1335 = tpu.vector_load %arg6[%get3A_1333, %get3A_1334] {strides = array<i32>} : memref<512x64xf32, #tpu.memory_space<vmem>>, vector<16xf32>,
          %add3A_1336 = arith.addf %while3A_1319, %get3A_1335 : vector<16xf32>
          scf.yield %add3A_1324, %add3A_1328, %add3A_1332, %add3A_1336 : vector<16xf32>, vector<16xf32>, vector<16xf32>, vector<16xf32>
        }
        %while3A_827 = arith.constant 1 : i32
        %while3A_828:4 = scf.for %while3A_1315 = %while3A_824 to %while3A_820 step %while3A_827 iter_args(%while3A_1316 = %while3A_826#0, %while3A_1317 = %while3A_826#1, %while3A_1318 = %while3A_826#2, %while3A_1319 = %while3A_826#3) -> (vector<16xf32>, vector<16xf32>, vector<16xf32>, vector<16xf32>)  : i32 {
          %sub3A_1320 = arith.subi %while3A_1315, %mul3A_518 : i32
          %get3A_1321 = arith.index_cast %sub3A_1320 : i32 to index
          %get3A_1322 = arith.constant 0 : index
          %get3A_1323 = tpu.vector_load %arg6[%get3A_1321, %get3A_1322] {strides = array<i32>} : memref<512x64xf32, #tpu.memory_space<vmem>>, vector<16xf32>,
          %add3A_1324 = arith.addf %while3A_1316, %get3A_1323 : vector<16xf32>
          %get3A_1325 = arith.index_cast %sub3A_1320 : i32 to index
          %get3A_1326 = arith.constant 16 : index
          %get3A_1327 = tpu.vector_load %arg6[%get3A_1325, %get3A_1326] {strides = array<i32>} : memref<512x64xf32, #tpu.memory_space<vmem>>, vector<16xf32>,
          %add3A_1328 = arith.addf %while3A_1317, %get3A_1327 : vector<16xf32>
          %get3A_1329 = arith.index_cast %sub3A_1320 : i32 to index
          %get3A_1330 = arith.constant 32 : index
          %get3A_1331 = tpu.vector_load %arg6[%get3A_1329, %get3A_1330] {strides = array<i32>} : memref<512x64xf32, #tpu.memory_space<vmem>>, vector<16xf32>,
          %add3A_1332 = arith.addf %while3A_1318, %get3A_1331 : vector<16xf32>
          %get3A_1333 = arith.index_cast %sub3A_1320 : i32 to index
          %get3A_1334 = arith.constant 48 : index
          %get3A_1335 = tpu.vector_load %arg6[%get3A_1333, %get3A_1334] {strides = array<i32>} : memref<512x64xf32, #tpu.memory_space<vmem>>, vector<16xf32>,
          %add3A_1336 = arith.addf %while3A_1319, %get3A_1335 : vector<16xf32>
          scf.yield %add3A_1324, %add3A_1328, %add3A_1332, %add3A_1336 : vector<16xf32>, vector<16xf32>, vector<16xf32>, vector<16xf32>
        }
        %get3A_829 = arith.constant 6 : i32
        %get3A_830 = arith.index_cast %get3A_829 : i32 to index
        %get3A_831 = arith.constant 0 : index
        %get3A_832 = tpu.vector_load %arg8[%get3A_830, %get3A_831] {strides = array<i32>} : memref<16x64xf32, #tpu.memory_space<vmem>>, vector<16xf32>,
        %add3A_833 = arith.addf %get3A_832, %while3A_828#0 : vector<16xf32>
        %swap3A_834 = arith.constant 6 : i32
        %swap3A_835 = arith.index_cast %swap3A_834 : i32 to index
        %swap3A_836 = arith.constant 0 : index
        %swap3A_837 = tpu.vector_load %arg8[%swap3A_835, %swap3A_836] {strides = array<i32>} : memref<16x64xf32, #tpu.memory_space<vmem>>, vector<16xf32>,
        tpu.vector_store %arg8[%swap3A_835, %swap3A_836], %add3A_833 {strides = array<i32>} : memref<16x64xf32, #tpu.memory_space<vmem>>, vector<16xf32>,
        %get3A_838 = arith.constant 6 : i32
        %get3A_839 = arith.index_cast %get3A_838 : i32 to index
        %get3A_840 = arith.constant 16 : index
        %get3A_841 = tpu.vector_load %arg8[%get3A_839, %get3A_840] {strides = array<i32>} : memref<16x64xf32, #tpu.memory_space<vmem>>, vector<16xf32>,
        %add3A_842 = arith.addf %get3A_841, %while3A_828#1 : vector<16xf32>
        %swap3A_843 = arith.constant 6 : i32
        %swap3A_844 = arith.index_cast %swap3A_843 : i32 to index
        %swap3A_845 = arith.constant 16 : index
        %swap3A_846 = tpu.vector_load %arg8[%swap3A_844, %swap3A_845] {strides = array<i32>} : memref<16x64xf32, #tpu.memory_space<vmem>>, vector<16xf32>,
        tpu.vector_store %arg8[%swap3A_844, %swap3A_845], %add3A_842 {strides = array<i32>} : memref<16x64xf32, #tpu.memory_space<vmem>>, vector<16xf32>,
        %get3A_847 = arith.constant 6 : i32
        %get3A_848 = arith.index_cast %get3A_847 : i32 to index
        %get3A_849 = arith.constant 32 : index
        %get3A_850 = tpu.vector_load %arg8[%get3A_848, %get3A_849] {strides = array<i32>} : memref<16x64xf32, #tpu.memory_space<vmem>>, vector<16xf32>,
        %add3A_851 = arith.addf %get3A_850, %while3A_828#2 : vector<16xf32>
        %swap3A_852 = arith.constant 6 : i32
        %swap3A_853 = arith.index_cast %swap3A_852 : i32 to index
        %swap3A_854 = arith.constant 32 : index
        %swap3A_855 = tpu.vector_load %arg8[%swap3A_853, %swap3A_854] {strides = array<i32>} : memref<16x64xf32, #tpu.memory_space<vmem>>, vector<16xf32>,
        tpu.vector_store %arg8[%swap3A_853, %swap3A_854], %add3A_851 {strides = array<i32>} : memref<16x64xf32, #tpu.memory_space<vmem>>, vector<16xf32>,
        %get3A_856 = arith.constant 6 : i32
        %get3A_857 = arith.index_cast %get3A_856 : i32 to index
        %get3A_858 = arith.constant 48 : index
        %get3A_859 = tpu.vector_load %arg8[%get3A_857, %get3A_858] {strides = array<i32>} : memref<16x64xf32, #tpu.memory_space<vmem>>, vector<16xf32>,
        %add3A_860 = arith.addf %get3A_859, %while3A_828#3 : vector<16xf32>
        %swap3A_861 = arith.constant 6 : i32
        %swap3A_862 = arith.index_cast %swap3A_861 : i32 to index
        %swap3A_863 = arith.constant 48 : index
        %swap3A_864 = tpu.vector_load %arg8[%swap3A_862, %swap3A_863] {strides = array<i32>} : memref<16x64xf32, #tpu.memory_space<vmem>>, vector<16xf32>,
        tpu.vector_store %arg8[%swap3A_862, %swap3A_863], %add3A_860 {strides = array<i32>} : memref<16x64xf32, #tpu.memory_space<vmem>>, vector<16xf32>,
        %max3A_865 = arith.maxsi %reduce_sum3A_346, %mul3A_518 : i32
        %add3A_866 = arith.constant 512 : i32
        %add3A_867 = arith.addi %mul3A_518, %add3A_866 : i32
        %min3A_868 = arith.minsi %reduce_sum3A_356, %add3A_867 : i32
        %while3A_869 = arith.subi %min3A_868, %max3A_865 : i32
        %while3A_870 = arith.addi %max3A_865, %while3A_869 : i32
        %while3A_871 = arith.constant 1 : i32
        %while3A_872 = arith.divsi %while3A_869, %while3A_871 : i32
        %while3A_873 = arith.muli %while3A_872, %while3A_871 : i32
        %while3A_874 = arith.addi %max3A_865, %while3A_873 : i32
        %while3A_875 = arith.constant 1 : i32
        %while3A_876:4 = scf.for %while3A_1315 = %max3A_865 to %while3A_874 step %while3A_875 iter_args(%while3A_1316 = %broadcast_in_dim3A_6, %while3A_1317 = %broadcast_in_dim3A_6, %while3A_1318 = %broadcast_in_dim3A_6, %while3A_1319 = %broadcast_in_dim3A_6) -> (vector<16xf32>, vector<16xf32>, vector<16xf32>, vector<16xf32>)  : i32 {
          %sub3A_1320 = arith.subi %while3A_1315, %mul3A_518 : i32
          %get3A_1321 = arith.index_cast %sub3A_1320 : i32 to index
          %get3A_1322 = arith.constant 0 : index
          %get3A_1323 = tpu.vector_load %arg6[%get3A_1321, %get3A_1322] {strides = array<i32>} : memref<512x64xf32, #tpu.memory_space<vmem>>, vector<16xf32>,
          %add3A_1324 = arith.addf %while3A_1316, %get3A_1323 : vector<16xf32>
          %get3A_1325 = arith.index_cast %sub3A_1320 : i32 to index
          %get3A_1326 = arith.constant 16 : index
          %get3A_1327 = tpu.vector_load %arg6[%get3A_1325, %get3A_1326] {strides = array<i32>} : memref<512x64xf32, #tpu.memory_space<vmem>>, vector<16xf32>,
          %add3A_1328 = arith.addf %while3A_1317, %get3A_1327 : vector<16xf32>
          %get3A_1329 = arith.index_cast %sub3A_1320 : i32 to index
          %get3A_1330 = arith.constant 32 : index
          %get3A_1331 = tpu.vector_load %arg6[%get3A_1329, %get3A_1330] {strides = array<i32>} : memref<512x64xf32, #tpu.memory_space<vmem>>, vector<16xf32>,
          %add3A_1332 = arith.addf %while3A_1318, %get3A_1331 : vector<16xf32>
          %get3A_1333 = arith.index_cast %sub3A_1320 : i32 to index
          %get3A_1334 = arith.constant 48 : index
          %get3A_1335 = tpu.vector_load %arg6[%get3A_1333, %get3A_1334] {strides = array<i32>} : memref<512x64xf32, #tpu.memory_space<vmem>>, vector<16xf32>,
          %add3A_1336 = arith.addf %while3A_1319, %get3A_1335 : vector<16xf32>
          scf.yield %add3A_1324, %add3A_1328, %add3A_1332, %add3A_1336 : vector<16xf32>, vector<16xf32>, vector<16xf32>, vector<16xf32>
        }
        %while3A_877 = arith.constant 1 : i32
        %while3A_878:4 = scf.for %while3A_1315 = %while3A_874 to %while3A_870 step %while3A_877 iter_args(%while3A_1316 = %while3A_876#0, %while3A_1317 = %while3A_876#1, %while3A_1318 = %while3A_876#2, %while3A_1319 = %while3A_876#3) -> (vector<16xf32>, vector<16xf32>, vector<16xf32>, vector<16xf32>)  : i32 {
          %sub3A_1320 = arith.subi %while3A_1315, %mul3A_518 : i32
          %get3A_1321 = arith.index_cast %sub3A_1320 : i32 to index
          %get3A_1322 = arith.constant 0 : index
          %get3A_1323 = tpu.vector_load %arg6[%get3A_1321, %get3A_1322] {strides = array<i32>} : memref<512x64xf32, #tpu.memory_space<vmem>>, vector<16xf32>,
          %add3A_1324 = arith.addf %while3A_1316, %get3A_1323 : vector<16xf32>
          %get3A_1325 = arith.index_cast %sub3A_1320 : i32 to index
          %get3A_1326 = arith.constant 16 : index
          %get3A_1327 = tpu.vector_load %arg6[%get3A_1325, %get3A_1326] {strides = array<i32>} : memref<512x64xf32, #tpu.memory_space<vmem>>, vector<16xf32>,
          %add3A_1328 = arith.addf %while3A_1317, %get3A_1327 : vector<16xf32>
          %get3A_1329 = arith.index_cast %sub3A_1320 : i32 to index
          %get3A_1330 = arith.constant 32 : index
          %get3A_1331 = tpu.vector_load %arg6[%get3A_1329, %get3A_1330] {strides = array<i32>} : memref<512x64xf32, #tpu.memory_space<vmem>>, vector<16xf32>,
          %add3A_1332 = arith.addf %while3A_1318, %get3A_1331 : vector<16xf32>
          %get3A_1333 = arith.index_cast %sub3A_1320 : i32 to index
          %get3A_1334 = arith.constant 48 : index
          %get3A_1335 = tpu.vector_load %arg6[%get3A_1333, %get3A_1334] {strides = array<i32>} : memref<512x64xf32, #tpu.memory_space<vmem>>, vector<16xf32>,
          %add3A_1336 = arith.addf %while3A_1319, %get3A_1335 : vector<16xf32>
          scf.yield %add3A_1324, %add3A_1328, %add3A_1332, %add3A_1336 : vector<16xf32>, vector<16xf32>, vector<16xf32>, vector<16xf32>
        }
        %get3A_879 = arith.constant 7 : i32
        %get3A_880 = arith.index_cast %get3A_879 : i32 to index
        %get3A_881 = arith.constant 0 : index
        %get3A_882 = tpu.vector_load %arg8[%get3A_880, %get3A_881] {strides = array<i32>} : memref<16x64xf32, #tpu.memory_space<vmem>>, vector<16xf32>,
        %add3A_883 = arith.addf %get3A_882, %while3A_878#0 : vector<16xf32>
        %swap3A_884 = arith.constant 7 : i32
        %swap3A_885 = arith.index_cast %swap3A_884 : i32 to index
        %swap3A_886 = arith.constant 0 : index
        %swap3A_887 = tpu.vector_load %arg8[%swap3A_885, %swap3A_886] {strides = array<i32>} : memref<16x64xf32, #tpu.memory_space<vmem>>, vector<16xf32>,
        tpu.vector_store %arg8[%swap3A_885, %swap3A_886], %add3A_883 {strides = array<i32>} : memref<16x64xf32, #tpu.memory_space<vmem>>, vector<16xf32>,
        %get3A_888 = arith.constant 7 : i32
        %get3A_889 = arith.index_cast %get3A_888 : i32 to index
        %get3A_890 = arith.constant 16 : index
        %get3A_891 = tpu.vector_load %arg8[%get3A_889, %get3A_890] {strides = array<i32>} : memref<16x64xf32, #tpu.memory_space<vmem>>, vector<16xf32>,
        %add3A_892 = arith.addf %get3A_891, %while3A_878#1 : vector<16xf32>
        %swap3A_893 = arith.constant 7 : i32
        %swap3A_894 = arith.index_cast %swap3A_893 : i32 to index
        %swap3A_895 = arith.constant 16 : index
        %swap3A_896 = tpu.vector_load %arg8[%swap3A_894, %swap3A_895] {strides = array<i32>} : memref<16x64xf32, #tpu.memory_space<vmem>>, vector<16xf32>,
        tpu.vector_store %arg8[%swap3A_894, %swap3A_895], %add3A_892 {strides = array<i32>} : memref<16x64xf32, #tpu.memory_space<vmem>>, vector<16xf32>,
        %get3A_897 = arith.constant 7 : i32
        %get3A_898 = arith.index_cast %get3A_897 : i32 to index
        %get3A_899 = arith.constant 32 : index
        %get3A_900 = tpu.vector_load %arg8[%get3A_898, %get3A_899] {strides = array<i32>} : memref<16x64xf32, #tpu.memory_space<vmem>>, vector<16xf32>,
        %add3A_901 = arith.addf %get3A_900, %while3A_878#2 : vector<16xf32>
        %swap3A_902 = arith.constant 7 : i32
        %swap3A_903 = arith.index_cast %swap3A_902 : i32 to index
        %swap3A_904 = arith.constant 32 : index
        %swap3A_905 = tpu.vector_load %arg8[%swap3A_903, %swap3A_904] {strides = array<i32>} : memref<16x64xf32, #tpu.memory_space<vmem>>, vector<16xf32>,
        tpu.vector_store %arg8[%swap3A_903, %swap3A_904], %add3A_901 {strides = array<i32>} : memref<16x64xf32, #tpu.memory_space<vmem>>, vector<16xf32>,
        %get3A_906 = arith.constant 7 : i32
        %get3A_907 = arith.index_cast %get3A_906 : i32 to index
        %get3A_908 = arith.constant 48 : index
        %get3A_909 = tpu.vector_load %arg8[%get3A_907, %get3A_908] {strides = array<i32>} : memref<16x64xf32, #tpu.memory_space<vmem>>, vector<16xf32>,
        %add3A_910 = arith.addf %get3A_909, %while3A_878#3 : vector<16xf32>
        %swap3A_911 = arith.constant 7 : i32
        %swap3A_912 = arith.index_cast %swap3A_911 : i32 to index
        %swap3A_913 = arith.constant 48 : index
        %swap3A_914 = tpu.vector_load %arg8[%swap3A_912, %swap3A_913] {strides = array<i32>} : memref<16x64xf32, #tpu.memory_space<vmem>>, vector<16xf32>,
        tpu.vector_store %arg8[%swap3A_912, %swap3A_913], %add3A_910 {strides = array<i32>} : memref<16x64xf32, #tpu.memory_space<vmem>>, vector<16xf32>,
        %max3A_915 = arith.maxsi %reduce_sum3A_356, %mul3A_518 : i32
        %add3A_916 = arith.constant 512 : i32
        %add3A_917 = arith.addi %mul3A_518, %add3A_916 : i32
        %min3A_918 = arith.minsi %reduce_sum3A_366, %add3A_917 : i32
        %while3A_919 = arith.subi %min3A_918, %max3A_915 : i32
        %while3A_920 = arith.addi %max3A_915, %while3A_919 : i32
        %while3A_921 = arith.constant 1 : i32
        %while3A_922 = arith.divsi %while3A_919, %while3A_921 : i32
        %while3A_923 = arith.muli %while3A_922, %while3A_921 : i32
        %while3A_924 = arith.addi %max3A_915, %while3A_923 : i32
        %while3A_925 = arith.constant 1 : i32
        %while3A_926:4 = scf.for %while3A_1315 = %max3A_915 to %while3A_924 step %while3A_925 iter_args(%while3A_1316 = %broadcast_in_dim3A_6, %while3A_1317 = %broadcast_in_dim3A_6, %while3A_1318 = %broadcast_in_dim3A_6, %while3A_1319 = %broadcast_in_dim3A_6) -> (vector<16xf32>, vector<16xf32>, vector<16xf32>, vector<16xf32>)  : i32 {
          %sub3A_1320 = arith.subi %while3A_1315, %mul3A_518 : i32
          %get3A_1321 = arith.index_cast %sub3A_1320 : i32 to index
          %get3A_1322 = arith.constant 0 : index
          %get3A_1323 = tpu.vector_load %arg6[%get3A_1321, %get3A_1322] {strides = array<i32>} : memref<512x64xf32, #tpu.memory_space<vmem>>, vector<16xf32>,
          %add3A_1324 = arith.addf %while3A_1316, %get3A_1323 : vector<16xf32>
          %get3A_1325 = arith.index_cast %sub3A_1320 : i32 to index
          %get3A_1326 = arith.constant 16 : index
          %get3A_1327 = tpu.vector_load %arg6[%get3A_1325, %get3A_1326] {strides = array<i32>} : memref<512x64xf32, #tpu.memory_space<vmem>>, vector<16xf32>,
          %add3A_1328 = arith.addf %while3A_1317, %get3A_1327 : vector<16xf32>
          %get3A_1329 = arith.index_cast %sub3A_1320 : i32 to index
          %get3A_1330 = arith.constant 32 : index
          %get3A_1331 = tpu.vector_load %arg6[%get3A_1329, %get3A_1330] {strides = array<i32>} : memref<512x64xf32, #tpu.memory_space<vmem>>, vector<16xf32>,
          %add3A_1332 = arith.addf %while3A_1318, %get3A_1331 : vector<16xf32>
          %get3A_1333 = arith.index_cast %sub3A_1320 : i32 to index
          %get3A_1334 = arith.constant 48 : index
          %get3A_1335 = tpu.vector_load %arg6[%get3A_1333, %get3A_1334] {strides = array<i32>} : memref<512x64xf32, #tpu.memory_space<vmem>>, vector<16xf32>,
          %add3A_1336 = arith.addf %while3A_1319, %get3A_1335 : vector<16xf32>
          scf.yield %add3A_1324, %add3A_1328, %add3A_1332, %add3A_1336 : vector<16xf32>, vector<16xf32>, vector<16xf32>, vector<16xf32>
        }
        %while3A_927 = arith.constant 1 : i32
        %while3A_928:4 = scf.for %while3A_1315 = %while3A_924 to %while3A_920 step %while3A_927 iter_args(%while3A_1316 = %while3A_926#0, %while3A_1317 = %while3A_926#1, %while3A_1318 = %while3A_926#2, %while3A_1319 = %while3A_926#3) -> (vector<16xf32>, vector<16xf32>, vector<16xf32>, vector<16xf32>)  : i32 {
          %sub3A_1320 = arith.subi %while3A_1315, %mul3A_518 : i32
          %get3A_1321 = arith.index_cast %sub3A_1320 : i32 to index
          %get3A_1322 = arith.constant 0 : index
          %get3A_1323 = tpu.vector_load %arg6[%get3A_1321, %get3A_1322] {strides = array<i32>} : memref<512x64xf32, #tpu.memory_space<vmem>>, vector<16xf32>,
          %add3A_1324 = arith.addf %while3A_1316, %get3A_1323 : vector<16xf32>
          %get3A_1325 = arith.index_cast %sub3A_1320 : i32 to index
          %get3A_1326 = arith.constant 16 : index
          %get3A_1327 = tpu.vector_load %arg6[%get3A_1325, %get3A_1326] {strides = array<i32>} : memref<512x64xf32, #tpu.memory_space<vmem>>, vector<16xf32>,
          %add3A_1328 = arith.addf %while3A_1317, %get3A_1327 : vector<16xf32>
          %get3A_1329 = arith.index_cast %sub3A_1320 : i32 to index
          %get3A_1330 = arith.constant 32 : index
          %get3A_1331 = tpu.vector_load %arg6[%get3A_1329, %get3A_1330] {strides = array<i32>} : memref<512x64xf32, #tpu.memory_space<vmem>>, vector<16xf32>,
          %add3A_1332 = arith.addf %while3A_1318, %get3A_1331 : vector<16xf32>
          %get3A_1333 = arith.index_cast %sub3A_1320 : i32 to index
          %get3A_1334 = arith.constant 48 : index
          %get3A_1335 = tpu.vector_load %arg6[%get3A_1333, %get3A_1334] {strides = array<i32>} : memref<512x64xf32, #tpu.memory_space<vmem>>, vector<16xf32>,
          %add3A_1336 = arith.addf %while3A_1319, %get3A_1335 : vector<16xf32>
          scf.yield %add3A_1324, %add3A_1328, %add3A_1332, %add3A_1336 : vector<16xf32>, vector<16xf32>, vector<16xf32>, vector<16xf32>
        }
        %get3A_929 = arith.constant 8 : i32
        %get3A_930 = arith.index_cast %get3A_929 : i32 to index
        %get3A_931 = arith.constant 0 : index
        %get3A_932 = tpu.vector_load %arg8[%get3A_930, %get3A_931] {strides = array<i32>} : memref<16x64xf32, #tpu.memory_space<vmem>>, vector<16xf32>,
        %add3A_933 = arith.addf %get3A_932, %while3A_928#0 : vector<16xf32>
        %swap3A_934 = arith.constant 8 : i32
        %swap3A_935 = arith.index_cast %swap3A_934 : i32 to index
        %swap3A_936 = arith.constant 0 : index
        %swap3A_937 = tpu.vector_load %arg8[%swap3A_935, %swap3A_936] {strides = array<i32>} : memref<16x64xf32, #tpu.memory_space<vmem>>, vector<16xf32>,
        tpu.vector_store %arg8[%swap3A_935, %swap3A_936], %add3A_933 {strides = array<i32>} : memref<16x64xf32, #tpu.memory_space<vmem>>, vector<16xf32>,
        %get3A_938 = arith.constant 8 : i32
        %get3A_939 = arith.index_cast %get3A_938 : i32 to index
        %get3A_940 = arith.constant 16 : index
        %get3A_941 = tpu.vector_load %arg8[%get3A_939, %get3A_940] {strides = array<i32>} : memref<16x64xf32, #tpu.memory_space<vmem>>, vector<16xf32>,
        %add3A_942 = arith.addf %get3A_941, %while3A_928#1 : vector<16xf32>
        %swap3A_943 = arith.constant 8 : i32
        %swap3A_944 = arith.index_cast %swap3A_943 : i32 to index
        %swap3A_945 = arith.constant 16 : index
        %swap3A_946 = tpu.vector_load %arg8[%swap3A_944, %swap3A_945] {strides = array<i32>} : memref<16x64xf32, #tpu.memory_space<vmem>>, vector<16xf32>,
        tpu.vector_store %arg8[%swap3A_944, %swap3A_945], %add3A_942 {strides = array<i32>} : memref<16x64xf32, #tpu.memory_space<vmem>>, vector<16xf32>,
        %get3A_947 = arith.constant 8 : i32
        %get3A_948 = arith.index_cast %get3A_947 : i32 to index
        %get3A_949 = arith.constant 32 : index
        %get3A_950 = tpu.vector_load %arg8[%get3A_948, %get3A_949] {strides = array<i32>} : memref<16x64xf32, #tpu.memory_space<vmem>>, vector<16xf32>,
        %add3A_951 = arith.addf %get3A_950, %while3A_928#2 : vector<16xf32>
        %swap3A_952 = arith.constant 8 : i32
        %swap3A_953 = arith.index_cast %swap3A_952 : i32 to index
        %swap3A_954 = arith.constant 32 : index
        %swap3A_955 = tpu.vector_load %arg8[%swap3A_953, %swap3A_954] {strides = array<i32>} : memref<16x64xf32, #tpu.memory_space<vmem>>, vector<16xf32>,
        tpu.vector_store %arg8[%swap3A_953, %swap3A_954], %add3A_951 {strides = array<i32>} : memref<16x64xf32, #tpu.memory_space<vmem>>, vector<16xf32>,
        %get3A_956 = arith.constant 8 : i32
        %get3A_957 = arith.index_cast %get3A_956 : i32 to index
        %get3A_958 = arith.constant 48 : index
        %get3A_959 = tpu.vector_load %arg8[%get3A_957, %get3A_958] {strides = array<i32>} : memref<16x64xf32, #tpu.memory_space<vmem>>, vector<16xf32>,
        %add3A_960 = arith.addf %get3A_959, %while3A_928#3 : vector<16xf32>
        %swap3A_961 = arith.constant 8 : i32
        %swap3A_962 = arith.index_cast %swap3A_961 : i32 to index
        %swap3A_963 = arith.constant 48 : index
        %swap3A_964 = tpu.vector_load %arg8[%swap3A_962, %swap3A_963] {strides = array<i32>} : memref<16x64xf32, #tpu.memory_space<vmem>>, vector<16xf32>,
        tpu.vector_store %arg8[%swap3A_962, %swap3A_963], %add3A_960 {strides = array<i32>} : memref<16x64xf32, #tpu.memory_space<vmem>>, vector<16xf32>,
        %max3A_965 = arith.maxsi %reduce_sum3A_366, %mul3A_518 : i32
        %add3A_966 = arith.constant 512 : i32
        %add3A_967 = arith.addi %mul3A_518, %add3A_966 : i32
        %min3A_968 = arith.minsi %reduce_sum3A_376, %add3A_967 : i32
        %while3A_969 = arith.subi %min3A_968, %max3A_965 : i32
        %while3A_970 = arith.addi %max3A_965, %while3A_969 : i32
        %while3A_971 = arith.constant 1 : i32
        %while3A_972 = arith.divsi %while3A_969, %while3A_971 : i32
        %while3A_973 = arith.muli %while3A_972, %while3A_971 : i32
        %while3A_974 = arith.addi %max3A_965, %while3A_973 : i32
        %while3A_975 = arith.constant 1 : i32
        %while3A_976:4 = scf.for %while3A_1315 = %max3A_965 to %while3A_974 step %while3A_975 iter_args(%while3A_1316 = %broadcast_in_dim3A_6, %while3A_1317 = %broadcast_in_dim3A_6, %while3A_1318 = %broadcast_in_dim3A_6, %while3A_1319 = %broadcast_in_dim3A_6) -> (vector<16xf32>, vector<16xf32>, vector<16xf32>, vector<16xf32>)  : i32 {
          %sub3A_1320 = arith.subi %while3A_1315, %mul3A_518 : i32
          %get3A_1321 = arith.index_cast %sub3A_1320 : i32 to index
          %get3A_1322 = arith.constant 0 : index
          %get3A_1323 = tpu.vector_load %arg6[%get3A_1321, %get3A_1322] {strides = array<i32>} : memref<512x64xf32, #tpu.memory_space<vmem>>, vector<16xf32>,
          %add3A_1324 = arith.addf %while3A_1316, %get3A_1323 : vector<16xf32>
          %get3A_1325 = arith.index_cast %sub3A_1320 : i32 to index
          %get3A_1326 = arith.constant 16 : index
          %get3A_1327 = tpu.vector_load %arg6[%get3A_1325, %get3A_1326] {strides = array<i32>} : memref<512x64xf32, #tpu.memory_space<vmem>>, vector<16xf32>,
          %add3A_1328 = arith.addf %while3A_1317, %get3A_1327 : vector<16xf32>
          %get3A_1329 = arith.index_cast %sub3A_1320 : i32 to index
          %get3A_1330 = arith.constant 32 : index
          %get3A_1331 = tpu.vector_load %arg6[%get3A_1329, %get3A_1330] {strides = array<i32>} : memref<512x64xf32, #tpu.memory_space<vmem>>, vector<16xf32>,
          %add3A_1332 = arith.addf %while3A_1318, %get3A_1331 : vector<16xf32>
          %get3A_1333 = arith.index_cast %sub3A_1320 : i32 to index
          %get3A_1334 = arith.constant 48 : index
          %get3A_1335 = tpu.vector_load %arg6[%get3A_1333, %get3A_1334] {strides = array<i32>} : memref<512x64xf32, #tpu.memory_space<vmem>>, vector<16xf32>,
          %add3A_1336 = arith.addf %while3A_1319, %get3A_1335 : vector<16xf32>
          scf.yield %add3A_1324, %add3A_1328, %add3A_1332, %add3A_1336 : vector<16xf32>, vector<16xf32>, vector<16xf32>, vector<16xf32>
        }
        %while3A_977 = arith.constant 1 : i32
        %while3A_978:4 = scf.for %while3A_1315 = %while3A_974 to %while3A_970 step %while3A_977 iter_args(%while3A_1316 = %while3A_976#0, %while3A_1317 = %while3A_976#1, %while3A_1318 = %while3A_976#2, %while3A_1319 = %while3A_976#3) -> (vector<16xf32>, vector<16xf32>, vector<16xf32>, vector<16xf32>)  : i32 {
          %sub3A_1320 = arith.subi %while3A_1315, %mul3A_518 : i32
          %get3A_1321 = arith.index_cast %sub3A_1320 : i32 to index
          %get3A_1322 = arith.constant 0 : index
          %get3A_1323 = tpu.vector_load %arg6[%get3A_1321, %get3A_1322] {strides = array<i32>} : memref<512x64xf32, #tpu.memory_space<vmem>>, vector<16xf32>,
          %add3A_1324 = arith.addf %while3A_1316, %get3A_1323 : vector<16xf32>
          %get3A_1325 = arith.index_cast %sub3A_1320 : i32 to index
          %get3A_1326 = arith.constant 16 : index
          %get3A_1327 = tpu.vector_load %arg6[%get3A_1325, %get3A_1326] {strides = array<i32>} : memref<512x64xf32, #tpu.memory_space<vmem>>, vector<16xf32>,
          %add3A_1328 = arith.addf %while3A_1317, %get3A_1327 : vector<16xf32>
          %get3A_1329 = arith.index_cast %sub3A_1320 : i32 to index
          %get3A_1330 = arith.constant 32 : index
          %get3A_1331 = tpu.vector_load %arg6[%get3A_1329, %get3A_1330] {strides = array<i32>} : memref<512x64xf32, #tpu.memory_space<vmem>>, vector<16xf32>,
          %add3A_1332 = arith.addf %while3A_1318, %get3A_1331 : vector<16xf32>
          %get3A_1333 = arith.index_cast %sub3A_1320 : i32 to index
          %get3A_1334 = arith.constant 48 : index
          %get3A_1335 = tpu.vector_load %arg6[%get3A_1333, %get3A_1334] {strides = array<i32>} : memref<512x64xf32, #tpu.memory_space<vmem>>, vector<16xf32>,
          %add3A_1336 = arith.addf %while3A_1319, %get3A_1335 : vector<16xf32>
          scf.yield %add3A_1324, %add3A_1328, %add3A_1332, %add3A_1336 : vector<16xf32>, vector<16xf32>, vector<16xf32>, vector<16xf32>
        }
        %get3A_979 = arith.constant 9 : i32
        %get3A_980 = arith.index_cast %get3A_979 : i32 to index
        %get3A_981 = arith.constant 0 : index
        %get3A_982 = tpu.vector_load %arg8[%get3A_980, %get3A_981] {strides = array<i32>} : memref<16x64xf32, #tpu.memory_space<vmem>>, vector<16xf32>,
        %add3A_983 = arith.addf %get3A_982, %while3A_978#0 : vector<16xf32>
        %swap3A_984 = arith.constant 9 : i32
        %swap3A_985 = arith.index_cast %swap3A_984 : i32 to index
        %swap3A_986 = arith.constant 0 : index
        %swap3A_987 = tpu.vector_load %arg8[%swap3A_985, %swap3A_986] {strides = array<i32>} : memref<16x64xf32, #tpu.memory_space<vmem>>, vector<16xf32>,
        tpu.vector_store %arg8[%swap3A_985, %swap3A_986], %add3A_983 {strides = array<i32>} : memref<16x64xf32, #tpu.memory_space<vmem>>, vector<16xf32>,
        %get3A_988 = arith.constant 9 : i32
        %get3A_989 = arith.index_cast %get3A_988 : i32 to index
        %get3A_990 = arith.constant 16 : index
        %get3A_991 = tpu.vector_load %arg8[%get3A_989, %get3A_990] {strides = array<i32>} : memref<16x64xf32, #tpu.memory_space<vmem>>, vector<16xf32>,
        %add3A_992 = arith.addf %get3A_991, %while3A_978#1 : vector<16xf32>
        %swap3A_993 = arith.constant 9 : i32
        %swap3A_994 = arith.index_cast %swap3A_993 : i32 to index
        %swap3A_995 = arith.constant 16 : index
        %swap3A_996 = tpu.vector_load %arg8[%swap3A_994, %swap3A_995] {strides = array<i32>} : memref<16x64xf32, #tpu.memory_space<vmem>>, vector<16xf32>,
        tpu.vector_store %arg8[%swap3A_994, %swap3A_995], %add3A_992 {strides = array<i32>} : memref<16x64xf32, #tpu.memory_space<vmem>>, vector<16xf32>,
        %get3A_997 = arith.constant 9 : i32
        %get3A_998 = arith.index_cast %get3A_997 : i32 to index
        %get3A_999 = arith.constant 32 : index
        %get3A_1000 = tpu.vector_load %arg8[%get3A_998, %get3A_999] {strides = array<i32>} : memref<16x64xf32, #tpu.memory_space<vmem>>, vector<16xf32>,
        %add3A_1001 = arith.addf %get3A_1000, %while3A_978#2 : vector<16xf32>
        %swap3A_1002 = arith.constant 9 : i32
        %swap3A_1003 = arith.index_cast %swap3A_1002 : i32 to index
        %swap3A_1004 = arith.constant 32 : index
        %swap3A_1005 = tpu.vector_load %arg8[%swap3A_1003, %swap3A_1004] {strides = array<i32>} : memref<16x64xf32, #tpu.memory_space<vmem>>, vector<16xf32>,
        tpu.vector_store %arg8[%swap3A_1003, %swap3A_1004], %add3A_1001 {strides = array<i32>} : memref<16x64xf32, #tpu.memory_space<vmem>>, vector<16xf32>,
        %get3A_1006 = arith.constant 9 : i32
        %get3A_1007 = arith.index_cast %get3A_1006 : i32 to index
        %get3A_1008 = arith.constant 48 : index
        %get3A_1009 = tpu.vector_load %arg8[%get3A_1007, %get3A_1008] {strides = array<i32>} : memref<16x64xf32, #tpu.memory_space<vmem>>, vector<16xf32>,
        %add3A_1010 = arith.addf %get3A_1009, %while3A_978#3 : vector<16xf32>
        %swap3A_1011 = arith.constant 9 : i32
        %swap3A_1012 = arith.index_cast %swap3A_1011 : i32 to index
        %swap3A_1013 = arith.constant 48 : index
        %swap3A_1014 = tpu.vector_load %arg8[%swap3A_1012, %swap3A_1013] {strides = array<i32>} : memref<16x64xf32, #tpu.memory_space<vmem>>, vector<16xf32>,
        tpu.vector_store %arg8[%swap3A_1012, %swap3A_1013], %add3A_1010 {strides = array<i32>} : memref<16x64xf32, #tpu.memory_space<vmem>>, vector<16xf32>,
        %max3A_1015 = arith.maxsi %reduce_sum3A_376, %mul3A_518 : i32
        %add3A_1016 = arith.constant 512 : i32
        %add3A_1017 = arith.addi %mul3A_518, %add3A_1016 : i32
        %min3A_1018 = arith.minsi %reduce_sum3A_386, %add3A_1017 : i32
        %while3A_1019 = arith.subi %min3A_1018, %max3A_1015 : i32
        %while3A_1020 = arith.addi %max3A_1015, %while3A_1019 : i32
        %while3A_1021 = arith.constant 1 : i32
        %while3A_1022 = arith.divsi %while3A_1019, %while3A_1021 : i32
        %while3A_1023 = arith.muli %while3A_1022, %while3A_1021 : i32
        %while3A_1024 = arith.addi %max3A_1015, %while3A_1023 : i32
        %while3A_1025 = arith.constant 1 : i32
        %while3A_1026:4 = scf.for %while3A_1315 = %max3A_1015 to %while3A_1024 step %while3A_1025 iter_args(%while3A_1316 = %broadcast_in_dim3A_6, %while3A_1317 = %broadcast_in_dim3A_6, %while3A_1318 = %broadcast_in_dim3A_6, %while3A_1319 = %broadcast_in_dim3A_6) -> (vector<16xf32>, vector<16xf32>, vector<16xf32>, vector<16xf32>)  : i32 {
          %sub3A_1320 = arith.subi %while3A_1315, %mul3A_518 : i32
          %get3A_1321 = arith.index_cast %sub3A_1320 : i32 to index
          %get3A_1322 = arith.constant 0 : index
          %get3A_1323 = tpu.vector_load %arg6[%get3A_1321, %get3A_1322] {strides = array<i32>} : memref<512x64xf32, #tpu.memory_space<vmem>>, vector<16xf32>,
          %add3A_1324 = arith.addf %while3A_1316, %get3A_1323 : vector<16xf32>
          %get3A_1325 = arith.index_cast %sub3A_1320 : i32 to index
          %get3A_1326 = arith.constant 16 : index
          %get3A_1327 = tpu.vector_load %arg6[%get3A_1325, %get3A_1326] {strides = array<i32>} : memref<512x64xf32, #tpu.memory_space<vmem>>, vector<16xf32>,
          %add3A_1328 = arith.addf %while3A_1317, %get3A_1327 : vector<16xf32>
          %get3A_1329 = arith.index_cast %sub3A_1320 : i32 to index
          %get3A_1330 = arith.constant 32 : index
          %get3A_1331 = tpu.vector_load %arg6[%get3A_1329, %get3A_1330] {strides = array<i32>} : memref<512x64xf32, #tpu.memory_space<vmem>>, vector<16xf32>,
          %add3A_1332 = arith.addf %while3A_1318, %get3A_1331 : vector<16xf32>
          %get3A_1333 = arith.index_cast %sub3A_1320 : i32 to index
          %get3A_1334 = arith.constant 48 : index
          %get3A_1335 = tpu.vector_load %arg6[%get3A_1333, %get3A_1334] {strides = array<i32>} : memref<512x64xf32, #tpu.memory_space<vmem>>, vector<16xf32>,
          %add3A_1336 = arith.addf %while3A_1319, %get3A_1335 : vector<16xf32>
          scf.yield %add3A_1324, %add3A_1328, %add3A_1332, %add3A_1336 : vector<16xf32>, vector<16xf32>, vector<16xf32>, vector<16xf32>
        }
        %while3A_1027 = arith.constant 1 : i32
        %while3A_1028:4 = scf.for %while3A_1315 = %while3A_1024 to %while3A_1020 step %while3A_1027 iter_args(%while3A_1316 = %while3A_1026#0, %while3A_1317 = %while3A_1026#1, %while3A_1318 = %while3A_1026#2, %while3A_1319 = %while3A_1026#3) -> (vector<16xf32>, vector<16xf32>, vector<16xf32>, vector<16xf32>)  : i32 {
          %sub3A_1320 = arith.subi %while3A_1315, %mul3A_518 : i32
          %get3A_1321 = arith.index_cast %sub3A_1320 : i32 to index
          %get3A_1322 = arith.constant 0 : index
          %get3A_1323 = tpu.vector_load %arg6[%get3A_1321, %get3A_1322] {strides = array<i32>} : memref<512x64xf32, #tpu.memory_space<vmem>>, vector<16xf32>,
          %add3A_1324 = arith.addf %while3A_1316, %get3A_1323 : vector<16xf32>
          %get3A_1325 = arith.index_cast %sub3A_1320 : i32 to index
          %get3A_1326 = arith.constant 16 : index
          %get3A_1327 = tpu.vector_load %arg6[%get3A_1325, %get3A_1326] {strides = array<i32>} : memref<512x64xf32, #tpu.memory_space<vmem>>, vector<16xf32>,
          %add3A_1328 = arith.addf %while3A_1317, %get3A_1327 : vector<16xf32>
          %get3A_1329 = arith.index_cast %sub3A_1320 : i32 to index
          %get3A_1330 = arith.constant 32 : index
          %get3A_1331 = tpu.vector_load %arg6[%get3A_1329, %get3A_1330] {strides = array<i32>} : memref<512x64xf32, #tpu.memory_space<vmem>>, vector<16xf32>,
          %add3A_1332 = arith.addf %while3A_1318, %get3A_1331 : vector<16xf32>
          %get3A_1333 = arith.index_cast %sub3A_1320 : i32 to index
          %get3A_1334 = arith.constant 48 : index
          %get3A_1335 = tpu.vector_load %arg6[%get3A_1333, %get3A_1334] {strides = array<i32>} : memref<512x64xf32, #tpu.memory_space<vmem>>, vector<16xf32>,
          %add3A_1336 = arith.addf %while3A_1319, %get3A_1335 : vector<16xf32>
          scf.yield %add3A_1324, %add3A_1328, %add3A_1332, %add3A_1336 : vector<16xf32>, vector<16xf32>, vector<16xf32>, vector<16xf32>
        }
        %get3A_1029 = arith.constant 10 : i32
        %get3A_1030 = arith.index_cast %get3A_1029 : i32 to index
        %get3A_1031 = arith.constant 0 : index
        %get3A_1032 = tpu.vector_load %arg8[%get3A_1030, %get3A_1031] {strides = array<i32>} : memref<16x64xf32, #tpu.memory_space<vmem>>, vector<16xf32>,
        %add3A_1033 = arith.addf %get3A_1032, %while3A_1028#0 : vector<16xf32>
        %swap3A_1034 = arith.constant 10 : i32
        %swap3A_1035 = arith.index_cast %swap3A_1034 : i32 to index
        %swap3A_1036 = arith.constant 0 : index
        %swap3A_1037 = tpu.vector_load %arg8[%swap3A_1035, %swap3A_1036] {strides = array<i32>} : memref<16x64xf32, #tpu.memory_space<vmem>>, vector<16xf32>,
        tpu.vector_store %arg8[%swap3A_1035, %swap3A_1036], %add3A_1033 {strides = array<i32>} : memref<16x64xf32, #tpu.memory_space<vmem>>, vector<16xf32>,
        %get3A_1038 = arith.constant 10 : i32
        %get3A_1039 = arith.index_cast %get3A_1038 : i32 to index
        %get3A_1040 = arith.constant 16 : index
        %get3A_1041 = tpu.vector_load %arg8[%get3A_1039, %get3A_1040] {strides = array<i32>} : memref<16x64xf32, #tpu.memory_space<vmem>>, vector<16xf32>,
        %add3A_1042 = arith.addf %get3A_1041, %while3A_1028#1 : vector<16xf32>
        %swap3A_1043 = arith.constant 10 : i32
        %swap3A_1044 = arith.index_cast %swap3A_1043 : i32 to index
        %swap3A_1045 = arith.constant 16 : index
        %swap3A_1046 = tpu.vector_load %arg8[%swap3A_1044, %swap3A_1045] {strides = array<i32>} : memref<16x64xf32, #tpu.memory_space<vmem>>, vector<16xf32>,
        tpu.vector_store %arg8[%swap3A_1044, %swap3A_1045], %add3A_1042 {strides = array<i32>} : memref<16x64xf32, #tpu.memory_space<vmem>>, vector<16xf32>,
        %get3A_1047 = arith.constant 10 : i32
        %get3A_1048 = arith.index_cast %get3A_1047 : i32 to index
        %get3A_1049 = arith.constant 32 : index
        %get3A_1050 = tpu.vector_load %arg8[%get3A_1048, %get3A_1049] {strides = array<i32>} : memref<16x64xf32, #tpu.memory_space<vmem>>, vector<16xf32>,
        %add3A_1051 = arith.addf %get3A_1050, %while3A_1028#2 : vector<16xf32>
        %swap3A_1052 = arith.constant 10 : i32
        %swap3A_1053 = arith.index_cast %swap3A_1052 : i32 to index
        %swap3A_1054 = arith.constant 32 : index
        %swap3A_1055 = tpu.vector_load %arg8[%swap3A_1053, %swap3A_1054] {strides = array<i32>} : memref<16x64xf32, #tpu.memory_space<vmem>>, vector<16xf32>,
        tpu.vector_store %arg8[%swap3A_1053, %swap3A_1054], %add3A_1051 {strides = array<i32>} : memref<16x64xf32, #tpu.memory_space<vmem>>, vector<16xf32>,
        %get3A_1056 = arith.constant 10 : i32
        %get3A_1057 = arith.index_cast %get3A_1056 : i32 to index
        %get3A_1058 = arith.constant 48 : index
        %get3A_1059 = tpu.vector_load %arg8[%get3A_1057, %get3A_1058] {strides = array<i32>} : memref<16x64xf32, #tpu.memory_space<vmem>>, vector<16xf32>,
        %add3A_1060 = arith.addf %get3A_1059, %while3A_1028#3 : vector<16xf32>
        %swap3A_1061 = arith.constant 10 : i32
        %swap3A_1062 = arith.index_cast %swap3A_1061 : i32 to index
        %swap3A_1063 = arith.constant 48 : index
        %swap3A_1064 = tpu.vector_load %arg8[%swap3A_1062, %swap3A_1063] {strides = array<i32>} : memref<16x64xf32, #tpu.memory_space<vmem>>, vector<16xf32>,
        tpu.vector_store %arg8[%swap3A_1062, %swap3A_1063], %add3A_1060 {strides = array<i32>} : memref<16x64xf32, #tpu.memory_space<vmem>>, vector<16xf32>,
        %max3A_1065 = arith.maxsi %reduce_sum3A_386, %mul3A_518 : i32
        %add3A_1066 = arith.constant 512 : i32
        %add3A_1067 = arith.addi %mul3A_518, %add3A_1066 : i32
        %min3A_1068 = arith.minsi %reduce_sum3A_396, %add3A_1067 : i32
        %while3A_1069 = arith.subi %min3A_1068, %max3A_1065 : i32
        %while3A_1070 = arith.addi %max3A_1065, %while3A_1069 : i32
        %while3A_1071 = arith.constant 1 : i32
        %while3A_1072 = arith.divsi %while3A_1069, %while3A_1071 : i32
        %while3A_1073 = arith.muli %while3A_1072, %while3A_1071 : i32
        %while3A_1074 = arith.addi %max3A_1065, %while3A_1073 : i32
        %while3A_1075 = arith.constant 1 : i32
        %while3A_1076:4 = scf.for %while3A_1315 = %max3A_1065 to %while3A_1074 step %while3A_1075 iter_args(%while3A_1316 = %broadcast_in_dim3A_6, %while3A_1317 = %broadcast_in_dim3A_6, %while3A_1318 = %broadcast_in_dim3A_6, %while3A_1319 = %broadcast_in_dim3A_6) -> (vector<16xf32>, vector<16xf32>, vector<16xf32>, vector<16xf32>)  : i32 {
          %sub3A_1320 = arith.subi %while3A_1315, %mul3A_518 : i32
          %get3A_1321 = arith.index_cast %sub3A_1320 : i32 to index
          %get3A_1322 = arith.constant 0 : index
          %get3A_1323 = tpu.vector_load %arg6[%get3A_1321, %get3A_1322] {strides = array<i32>} : memref<512x64xf32, #tpu.memory_space<vmem>>, vector<16xf32>,
          %add3A_1324 = arith.addf %while3A_1316, %get3A_1323 : vector<16xf32>
          %get3A_1325 = arith.index_cast %sub3A_1320 : i32 to index
          %get3A_1326 = arith.constant 16 : index
          %get3A_1327 = tpu.vector_load %arg6[%get3A_1325, %get3A_1326] {strides = array<i32>} : memref<512x64xf32, #tpu.memory_space<vmem>>, vector<16xf32>,
          %add3A_1328 = arith.addf %while3A_1317, %get3A_1327 : vector<16xf32>
          %get3A_1329 = arith.index_cast %sub3A_1320 : i32 to index
          %get3A_1330 = arith.constant 32 : index
          %get3A_1331 = tpu.vector_load %arg6[%get3A_1329, %get3A_1330] {strides = array<i32>} : memref<512x64xf32, #tpu.memory_space<vmem>>, vector<16xf32>,
          %add3A_1332 = arith.addf %while3A_1318, %get3A_1331 : vector<16xf32>
          %get3A_1333 = arith.index_cast %sub3A_1320 : i32 to index
          %get3A_1334 = arith.constant 48 : index
          %get3A_1335 = tpu.vector_load %arg6[%get3A_1333, %get3A_1334] {strides = array<i32>} : memref<512x64xf32, #tpu.memory_space<vmem>>, vector<16xf32>,
          %add3A_1336 = arith.addf %while3A_1319, %get3A_1335 : vector<16xf32>
          scf.yield %add3A_1324, %add3A_1328, %add3A_1332, %add3A_1336 : vector<16xf32>, vector<16xf32>, vector<16xf32>, vector<16xf32>
        }
        %while3A_1077 = arith.constant 1 : i32
        %while3A_1078:4 = scf.for %while3A_1315 = %while3A_1074 to %while3A_1070 step %while3A_1077 iter_args(%while3A_1316 = %while3A_1076#0, %while3A_1317 = %while3A_1076#1, %while3A_1318 = %while3A_1076#2, %while3A_1319 = %while3A_1076#3) -> (vector<16xf32>, vector<16xf32>, vector<16xf32>, vector<16xf32>)  : i32 {
          %sub3A_1320 = arith.subi %while3A_1315, %mul3A_518 : i32
          %get3A_1321 = arith.index_cast %sub3A_1320 : i32 to index
          %get3A_1322 = arith.constant 0 : index
          %get3A_1323 = tpu.vector_load %arg6[%get3A_1321, %get3A_1322] {strides = array<i32>} : memref<512x64xf32, #tpu.memory_space<vmem>>, vector<16xf32>,
          %add3A_1324 = arith.addf %while3A_1316, %get3A_1323 : vector<16xf32>
          %get3A_1325 = arith.index_cast %sub3A_1320 : i32 to index
          %get3A_1326 = arith.constant 16 : index
          %get3A_1327 = tpu.vector_load %arg6[%get3A_1325, %get3A_1326] {strides = array<i32>} : memref<512x64xf32, #tpu.memory_space<vmem>>, vector<16xf32>,
          %add3A_1328 = arith.addf %while3A_1317, %get3A_1327 : vector<16xf32>
          %get3A_1329 = arith.index_cast %sub3A_1320 : i32 to index
          %get3A_1330 = arith.constant 32 : index
          %get3A_1331 = tpu.vector_load %arg6[%get3A_1329, %get3A_1330] {strides = array<i32>} : memref<512x64xf32, #tpu.memory_space<vmem>>, vector<16xf32>,
          %add3A_1332 = arith.addf %while3A_1318, %get3A_1331 : vector<16xf32>
          %get3A_1333 = arith.index_cast %sub3A_1320 : i32 to index
          %get3A_1334 = arith.constant 48 : index
          %get3A_1335 = tpu.vector_load %arg6[%get3A_1333, %get3A_1334] {strides = array<i32>} : memref<512x64xf32, #tpu.memory_space<vmem>>, vector<16xf32>,
          %add3A_1336 = arith.addf %while3A_1319, %get3A_1335 : vector<16xf32>
          scf.yield %add3A_1324, %add3A_1328, %add3A_1332, %add3A_1336 : vector<16xf32>, vector<16xf32>, vector<16xf32>, vector<16xf32>
        }
        %get3A_1079 = arith.constant 11 : i32
        %get3A_1080 = arith.index_cast %get3A_1079 : i32 to index
        %get3A_1081 = arith.constant 0 : index
        %get3A_1082 = tpu.vector_load %arg8[%get3A_1080, %get3A_1081] {strides = array<i32>} : memref<16x64xf32, #tpu.memory_space<vmem>>, vector<16xf32>,
        %add3A_1083 = arith.addf %get3A_1082, %while3A_1078#0 : vector<16xf32>
        %swap3A_1084 = arith.constant 11 : i32
        %swap3A_1085 = arith.index_cast %swap3A_1084 : i32 to index
        %swap3A_1086 = arith.constant 0 : index
        %swap3A_1087 = tpu.vector_load %arg8[%swap3A_1085, %swap3A_1086] {strides = array<i32>} : memref<16x64xf32, #tpu.memory_space<vmem>>, vector<16xf32>,
        tpu.vector_store %arg8[%swap3A_1085, %swap3A_1086], %add3A_1083 {strides = array<i32>} : memref<16x64xf32, #tpu.memory_space<vmem>>, vector<16xf32>,
        %get3A_1088 = arith.constant 11 : i32
        %get3A_1089 = arith.index_cast %get3A_1088 : i32 to index
        %get3A_1090 = arith.constant 16 : index
        %get3A_1091 = tpu.vector_load %arg8[%get3A_1089, %get3A_1090] {strides = array<i32>} : memref<16x64xf32, #tpu.memory_space<vmem>>, vector<16xf32>,
        %add3A_1092 = arith.addf %get3A_1091, %while3A_1078#1 : vector<16xf32>
        %swap3A_1093 = arith.constant 11 : i32
        %swap3A_1094 = arith.index_cast %swap3A_1093 : i32 to index
        %swap3A_1095 = arith.constant 16 : index
        %swap3A_1096 = tpu.vector_load %arg8[%swap3A_1094, %swap3A_1095] {strides = array<i32>} : memref<16x64xf32, #tpu.memory_space<vmem>>, vector<16xf32>,
        tpu.vector_store %arg8[%swap3A_1094, %swap3A_1095], %add3A_1092 {strides = array<i32>} : memref<16x64xf32, #tpu.memory_space<vmem>>, vector<16xf32>,
        %get3A_1097 = arith.constant 11 : i32
        %get3A_1098 = arith.index_cast %get3A_1097 : i32 to index
        %get3A_1099 = arith.constant 32 : index
        %get3A_1100 = tpu.vector_load %arg8[%get3A_1098, %get3A_1099] {strides = array<i32>} : memref<16x64xf32, #tpu.memory_space<vmem>>, vector<16xf32>,
        %add3A_1101 = arith.addf %get3A_1100, %while3A_1078#2 : vector<16xf32>
        %swap3A_1102 = arith.constant 11 : i32
        %swap3A_1103 = arith.index_cast %swap3A_1102 : i32 to index
        %swap3A_1104 = arith.constant 32 : index
        %swap3A_1105 = tpu.vector_load %arg8[%swap3A_1103, %swap3A_1104] {strides = array<i32>} : memref<16x64xf32, #tpu.memory_space<vmem>>, vector<16xf32>,
        tpu.vector_store %arg8[%swap3A_1103, %swap3A_1104], %add3A_1101 {strides = array<i32>} : memref<16x64xf32, #tpu.memory_space<vmem>>, vector<16xf32>,
        %get3A_1106 = arith.constant 11 : i32
        %get3A_1107 = arith.index_cast %get3A_1106 : i32 to index
        %get3A_1108 = arith.constant 48 : index
        %get3A_1109 = tpu.vector_load %arg8[%get3A_1107, %get3A_1108] {strides = array<i32>} : memref<16x64xf32, #tpu.memory_space<vmem>>, vector<16xf32>,
        %add3A_1110 = arith.addf %get3A_1109, %while3A_1078#3 : vector<16xf32>
        %swap3A_1111 = arith.constant 11 : i32
        %swap3A_1112 = arith.index_cast %swap3A_1111 : i32 to index
        %swap3A_1113 = arith.constant 48 : index
        %swap3A_1114 = tpu.vector_load %arg8[%swap3A_1112, %swap3A_1113] {strides = array<i32>} : memref<16x64xf32, #tpu.memory_space<vmem>>, vector<16xf32>,
        tpu.vector_store %arg8[%swap3A_1112, %swap3A_1113], %add3A_1110 {strides = array<i32>} : memref<16x64xf32, #tpu.memory_space<vmem>>, vector<16xf32>,
        %max3A_1115 = arith.maxsi %reduce_sum3A_396, %mul3A_518 : i32
        %add3A_1116 = arith.constant 512 : i32
        %add3A_1117 = arith.addi %mul3A_518, %add3A_1116 : i32
        %min3A_1118 = arith.minsi %reduce_sum3A_406, %add3A_1117 : i32
        %while3A_1119 = arith.subi %min3A_1118, %max3A_1115 : i32
        %while3A_1120 = arith.addi %max3A_1115, %while3A_1119 : i32
        %while3A_1121 = arith.constant 1 : i32
        %while3A_1122 = arith.divsi %while3A_1119, %while3A_1121 : i32
        %while3A_1123 = arith.muli %while3A_1122, %while3A_1121 : i32
        %while3A_1124 = arith.addi %max3A_1115, %while3A_1123 : i32
        %while3A_1125 = arith.constant 1 : i32
        %while3A_1126:4 = scf.for %while3A_1315 = %max3A_1115 to %while3A_1124 step %while3A_1125 iter_args(%while3A_1316 = %broadcast_in_dim3A_6, %while3A_1317 = %broadcast_in_dim3A_6, %while3A_1318 = %broadcast_in_dim3A_6, %while3A_1319 = %broadcast_in_dim3A_6) -> (vector<16xf32>, vector<16xf32>, vector<16xf32>, vector<16xf32>)  : i32 {
          %sub3A_1320 = arith.subi %while3A_1315, %mul3A_518 : i32
          %get3A_1321 = arith.index_cast %sub3A_1320 : i32 to index
          %get3A_1322 = arith.constant 0 : index
          %get3A_1323 = tpu.vector_load %arg6[%get3A_1321, %get3A_1322] {strides = array<i32>} : memref<512x64xf32, #tpu.memory_space<vmem>>, vector<16xf32>,
          %add3A_1324 = arith.addf %while3A_1316, %get3A_1323 : vector<16xf32>
          %get3A_1325 = arith.index_cast %sub3A_1320 : i32 to index
          %get3A_1326 = arith.constant 16 : index
          %get3A_1327 = tpu.vector_load %arg6[%get3A_1325, %get3A_1326] {strides = array<i32>} : memref<512x64xf32, #tpu.memory_space<vmem>>, vector<16xf32>,
          %add3A_1328 = arith.addf %while3A_1317, %get3A_1327 : vector<16xf32>
          %get3A_1329 = arith.index_cast %sub3A_1320 : i32 to index
          %get3A_1330 = arith.constant 32 : index
          %get3A_1331 = tpu.vector_load %arg6[%get3A_1329, %get3A_1330] {strides = array<i32>} : memref<512x64xf32, #tpu.memory_space<vmem>>, vector<16xf32>,
          %add3A_1332 = arith.addf %while3A_1318, %get3A_1331 : vector<16xf32>
          %get3A_1333 = arith.index_cast %sub3A_1320 : i32 to index
          %get3A_1334 = arith.constant 48 : index
          %get3A_1335 = tpu.vector_load %arg6[%get3A_1333, %get3A_1334] {strides = array<i32>} : memref<512x64xf32, #tpu.memory_space<vmem>>, vector<16xf32>,
          %add3A_1336 = arith.addf %while3A_1319, %get3A_1335 : vector<16xf32>
          scf.yield %add3A_1324, %add3A_1328, %add3A_1332, %add3A_1336 : vector<16xf32>, vector<16xf32>, vector<16xf32>, vector<16xf32>
        }
        %while3A_1127 = arith.constant 1 : i32
        %while3A_1128:4 = scf.for %while3A_1315 = %while3A_1124 to %while3A_1120 step %while3A_1127 iter_args(%while3A_1316 = %while3A_1126#0, %while3A_1317 = %while3A_1126#1, %while3A_1318 = %while3A_1126#2, %while3A_1319 = %while3A_1126#3) -> (vector<16xf32>, vector<16xf32>, vector<16xf32>, vector<16xf32>)  : i32 {
          %sub3A_1320 = arith.subi %while3A_1315, %mul3A_518 : i32
          %get3A_1321 = arith.index_cast %sub3A_1320 : i32 to index
          %get3A_1322 = arith.constant 0 : index
          %get3A_1323 = tpu.vector_load %arg6[%get3A_1321, %get3A_1322] {strides = array<i32>} : memref<512x64xf32, #tpu.memory_space<vmem>>, vector<16xf32>,
          %add3A_1324 = arith.addf %while3A_1316, %get3A_1323 : vector<16xf32>
          %get3A_1325 = arith.index_cast %sub3A_1320 : i32 to index
          %get3A_1326 = arith.constant 16 : index
          %get3A_1327 = tpu.vector_load %arg6[%get3A_1325, %get3A_1326] {strides = array<i32>} : memref<512x64xf32, #tpu.memory_space<vmem>>, vector<16xf32>,
          %add3A_1328 = arith.addf %while3A_1317, %get3A_1327 : vector<16xf32>
          %get3A_1329 = arith.index_cast %sub3A_1320 : i32 to index
          %get3A_1330 = arith.constant 32 : index
          %get3A_1331 = tpu.vector_load %arg6[%get3A_1329, %get3A_1330] {strides = array<i32>} : memref<512x64xf32, #tpu.memory_space<vmem>>, vector<16xf32>,
          %add3A_1332 = arith.addf %while3A_1318, %get3A_1331 : vector<16xf32>
          %get3A_1333 = arith.index_cast %sub3A_1320 : i32 to index
          %get3A_1334 = arith.constant 48 : index
          %get3A_1335 = tpu.vector_load %arg6[%get3A_1333, %get3A_1334] {strides = array<i32>} : memref<512x64xf32, #tpu.memory_space<vmem>>, vector<16xf32>,
          %add3A_1336 = arith.addf %while3A_1319, %get3A_1335 : vector<16xf32>
          scf.yield %add3A_1324, %add3A_1328, %add3A_1332, %add3A_1336 : vector<16xf32>, vector<16xf32>, vector<16xf32>, vector<16xf32>
        }
        %get3A_1129 = arith.constant 12 : i32
        %get3A_1130 = arith.index_cast %get3A_1129 : i32 to index
        %get3A_1131 = arith.constant 0 : index
        %get3A_1132 = tpu.vector_load %arg8[%get3A_1130, %get3A_1131] {strides = array<i32>} : memref<16x64xf32, #tpu.memory_space<vmem>>, vector<16xf32>,
        %add3A_1133 = arith.addf %get3A_1132, %while3A_1128#0 : vector<16xf32>
        %swap3A_1134 = arith.constant 12 : i32
        %swap3A_1135 = arith.index_cast %swap3A_1134 : i32 to index
        %swap3A_1136 = arith.constant 0 : index
        %swap3A_1137 = tpu.vector_load %arg8[%swap3A_1135, %swap3A_1136] {strides = array<i32>} : memref<16x64xf32, #tpu.memory_space<vmem>>, vector<16xf32>,
        tpu.vector_store %arg8[%swap3A_1135, %swap3A_1136], %add3A_1133 {strides = array<i32>} : memref<16x64xf32, #tpu.memory_space<vmem>>, vector<16xf32>,
        %get3A_1138 = arith.constant 12 : i32
        %get3A_1139 = arith.index_cast %get3A_1138 : i32 to index
        %get3A_1140 = arith.constant 16 : index
        %get3A_1141 = tpu.vector_load %arg8[%get3A_1139, %get3A_1140] {strides = array<i32>} : memref<16x64xf32, #tpu.memory_space<vmem>>, vector<16xf32>,
        %add3A_1142 = arith.addf %get3A_1141, %while3A_1128#1 : vector<16xf32>
        %swap3A_1143 = arith.constant 12 : i32
        %swap3A_1144 = arith.index_cast %swap3A_1143 : i32 to index
        %swap3A_1145 = arith.constant 16 : index
        %swap3A_1146 = tpu.vector_load %arg8[%swap3A_1144, %swap3A_1145] {strides = array<i32>} : memref<16x64xf32, #tpu.memory_space<vmem>>, vector<16xf32>,
        tpu.vector_store %arg8[%swap3A_1144, %swap3A_1145], %add3A_1142 {strides = array<i32>} : memref<16x64xf32, #tpu.memory_space<vmem>>, vector<16xf32>,
        %get3A_1147 = arith.constant 12 : i32
        %get3A_1148 = arith.index_cast %get3A_1147 : i32 to index
        %get3A_1149 = arith.constant 32 : index
        %get3A_1150 = tpu.vector_load %arg8[%get3A_1148, %get3A_1149] {strides = array<i32>} : memref<16x64xf32, #tpu.memory_space<vmem>>, vector<16xf32>,
        %add3A_1151 = arith.addf %get3A_1150, %while3A_1128#2 : vector<16xf32>
        %swap3A_1152 = arith.constant 12 : i32
        %swap3A_1153 = arith.index_cast %swap3A_1152 : i32 to index
        %swap3A_1154 = arith.constant 32 : index
        %swap3A_1155 = tpu.vector_load %arg8[%swap3A_1153, %swap3A_1154] {strides = array<i32>} : memref<16x64xf32, #tpu.memory_space<vmem>>, vector<16xf32>,
        tpu.vector_store %arg8[%swap3A_1153, %swap3A_1154], %add3A_1151 {strides = array<i32>} : memref<16x64xf32, #tpu.memory_space<vmem>>, vector<16xf32>,
        %get3A_1156 = arith.constant 12 : i32
        %get3A_1157 = arith.index_cast %get3A_1156 : i32 to index
        %get3A_1158 = arith.constant 48 : index
        %get3A_1159 = tpu.vector_load %arg8[%get3A_1157, %get3A_1158] {strides = array<i32>} : memref<16x64xf32, #tpu.memory_space<vmem>>, vector<16xf32>,
        %add3A_1160 = arith.addf %get3A_1159, %while3A_1128#3 : vector<16xf32>
        %swap3A_1161 = arith.constant 12 : i32
        %swap3A_1162 = arith.index_cast %swap3A_1161 : i32 to index
        %swap3A_1163 = arith.constant 48 : index
        %swap3A_1164 = tpu.vector_load %arg8[%swap3A_1162, %swap3A_1163] {strides = array<i32>} : memref<16x64xf32, #tpu.memory_space<vmem>>, vector<16xf32>,
        tpu.vector_store %arg8[%swap3A_1162, %swap3A_1163], %add3A_1160 {strides = array<i32>} : memref<16x64xf32, #tpu.memory_space<vmem>>, vector<16xf32>,
        %max3A_1165 = arith.maxsi %reduce_sum3A_406, %mul3A_518 : i32
        %add3A_1166 = arith.constant 512 : i32
        %add3A_1167 = arith.addi %mul3A_518, %add3A_1166 : i32
        %min3A_1168 = arith.minsi %reduce_sum3A_416, %add3A_1167 : i32
        %while3A_1169 = arith.subi %min3A_1168, %max3A_1165 : i32
        %while3A_1170 = arith.addi %max3A_1165, %while3A_1169 : i32
        %while3A_1171 = arith.constant 1 : i32
        %while3A_1172 = arith.divsi %while3A_1169, %while3A_1171 : i32
        %while3A_1173 = arith.muli %while3A_1172, %while3A_1171 : i32
        %while3A_1174 = arith.addi %max3A_1165, %while3A_1173 : i32
        %while3A_1175 = arith.constant 1 : i32
        %while3A_1176:4 = scf.for %while3A_1315 = %max3A_1165 to %while3A_1174 step %while3A_1175 iter_args(%while3A_1316 = %broadcast_in_dim3A_6, %while3A_1317 = %broadcast_in_dim3A_6, %while3A_1318 = %broadcast_in_dim3A_6, %while3A_1319 = %broadcast_in_dim3A_6) -> (vector<16xf32>, vector<16xf32>, vector<16xf32>, vector<16xf32>)  : i32 {
          %sub3A_1320 = arith.subi %while3A_1315, %mul3A_518 : i32
          %get3A_1321 = arith.index_cast %sub3A_1320 : i32 to index
          %get3A_1322 = arith.constant 0 : index
          %get3A_1323 = tpu.vector_load %arg6[%get3A_1321, %get3A_1322] {strides = array<i32>} : memref<512x64xf32, #tpu.memory_space<vmem>>, vector<16xf32>,
          %add3A_1324 = arith.addf %while3A_1316, %get3A_1323 : vector<16xf32>
          %get3A_1325 = arith.index_cast %sub3A_1320 : i32 to index
          %get3A_1326 = arith.constant 16 : index
          %get3A_1327 = tpu.vector_load %arg6[%get3A_1325, %get3A_1326] {strides = array<i32>} : memref<512x64xf32, #tpu.memory_space<vmem>>, vector<16xf32>,
          %add3A_1328 = arith.addf %while3A_1317, %get3A_1327 : vector<16xf32>
          %get3A_1329 = arith.index_cast %sub3A_1320 : i32 to index
          %get3A_1330 = arith.constant 32 : index
          %get3A_1331 = tpu.vector_load %arg6[%get3A_1329, %get3A_1330] {strides = array<i32>} : memref<512x64xf32, #tpu.memory_space<vmem>>, vector<16xf32>,
          %add3A_1332 = arith.addf %while3A_1318, %get3A_1331 : vector<16xf32>
          %get3A_1333 = arith.index_cast %sub3A_1320 : i32 to index
          %get3A_1334 = arith.constant 48 : index
          %get3A_1335 = tpu.vector_load %arg6[%get3A_1333, %get3A_1334] {strides = array<i32>} : memref<512x64xf32, #tpu.memory_space<vmem>>, vector<16xf32>,
          %add3A_1336 = arith.addf %while3A_1319, %get3A_1335 : vector<16xf32>
          scf.yield %add3A_1324, %add3A_1328, %add3A_1332, %add3A_1336 : vector<16xf32>, vector<16xf32>, vector<16xf32>, vector<16xf32>
        }
        %while3A_1177 = arith.constant 1 : i32
        %while3A_1178:4 = scf.for %while3A_1315 = %while3A_1174 to %while3A_1170 step %while3A_1177 iter_args(%while3A_1316 = %while3A_1176#0, %while3A_1317 = %while3A_1176#1, %while3A_1318 = %while3A_1176#2, %while3A_1319 = %while3A_1176#3) -> (vector<16xf32>, vector<16xf32>, vector<16xf32>, vector<16xf32>)  : i32 {
          %sub3A_1320 = arith.subi %while3A_1315, %mul3A_518 : i32
          %get3A_1321 = arith.index_cast %sub3A_1320 : i32 to index
          %get3A_1322 = arith.constant 0 : index
          %get3A_1323 = tpu.vector_load %arg6[%get3A_1321, %get3A_1322] {strides = array<i32>} : memref<512x64xf32, #tpu.memory_space<vmem>>, vector<16xf32>,
          %add3A_1324 = arith.addf %while3A_1316, %get3A_1323 : vector<16xf32>
          %get3A_1325 = arith.index_cast %sub3A_1320 : i32 to index
          %get3A_1326 = arith.constant 16 : index
          %get3A_1327 = tpu.vector_load %arg6[%get3A_1325, %get3A_1326] {strides = array<i32>} : memref<512x64xf32, #tpu.memory_space<vmem>>, vector<16xf32>,
          %add3A_1328 = arith.addf %while3A_1317, %get3A_1327 : vector<16xf32>
          %get3A_1329 = arith.index_cast %sub3A_1320 : i32 to index
          %get3A_1330 = arith.constant 32 : index
          %get3A_1331 = tpu.vector_load %arg6[%get3A_1329, %get3A_1330] {strides = array<i32>} : memref<512x64xf32, #tpu.memory_space<vmem>>, vector<16xf32>,
          %add3A_1332 = arith.addf %while3A_1318, %get3A_1331 : vector<16xf32>
          %get3A_1333 = arith.index_cast %sub3A_1320 : i32 to index
          %get3A_1334 = arith.constant 48 : index
          %get3A_1335 = tpu.vector_load %arg6[%get3A_1333, %get3A_1334] {strides = array<i32>} : memref<512x64xf32, #tpu.memory_space<vmem>>, vector<16xf32>,
          %add3A_1336 = arith.addf %while3A_1319, %get3A_1335 : vector<16xf32>
          scf.yield %add3A_1324, %add3A_1328, %add3A_1332, %add3A_1336 : vector<16xf32>, vector<16xf32>, vector<16xf32>, vector<16xf32>
        }
        %get3A_1179 = arith.constant 13 : i32
        %get3A_1180 = arith.index_cast %get3A_1179 : i32 to index
        %get3A_1181 = arith.constant 0 : index
        %get3A_1182 = tpu.vector_load %arg8[%get3A_1180, %get3A_1181] {strides = array<i32>} : memref<16x64xf32, #tpu.memory_space<vmem>>, vector<16xf32>,
        %add3A_1183 = arith.addf %get3A_1182, %while3A_1178#0 : vector<16xf32>
        %swap3A_1184 = arith.constant 13 : i32
        %swap3A_1185 = arith.index_cast %swap3A_1184 : i32 to index
        %swap3A_1186 = arith.constant 0 : index
        %swap3A_1187 = tpu.vector_load %arg8[%swap3A_1185, %swap3A_1186] {strides = array<i32>} : memref<16x64xf32, #tpu.memory_space<vmem>>, vector<16xf32>,
        tpu.vector_store %arg8[%swap3A_1185, %swap3A_1186], %add3A_1183 {strides = array<i32>} : memref<16x64xf32, #tpu.memory_space<vmem>>, vector<16xf32>,
        %get3A_1188 = arith.constant 13 : i32
        %get3A_1189 = arith.index_cast %get3A_1188 : i32 to index
        %get3A_1190 = arith.constant 16 : index
        %get3A_1191 = tpu.vector_load %arg8[%get3A_1189, %get3A_1190] {strides = array<i32>} : memref<16x64xf32, #tpu.memory_space<vmem>>, vector<16xf32>,
        %add3A_1192 = arith.addf %get3A_1191, %while3A_1178#1 : vector<16xf32>
        %swap3A_1193 = arith.constant 13 : i32
        %swap3A_1194 = arith.index_cast %swap3A_1193 : i32 to index
        %swap3A_1195 = arith.constant 16 : index
        %swap3A_1196 = tpu.vector_load %arg8[%swap3A_1194, %swap3A_1195] {strides = array<i32>} : memref<16x64xf32, #tpu.memory_space<vmem>>, vector<16xf32>,
        tpu.vector_store %arg8[%swap3A_1194, %swap3A_1195], %add3A_1192 {strides = array<i32>} : memref<16x64xf32, #tpu.memory_space<vmem>>, vector<16xf32>,
        %get3A_1197 = arith.constant 13 : i32
        %get3A_1198 = arith.index_cast %get3A_1197 : i32 to index
        %get3A_1199 = arith.constant 32 : index
        %get3A_1200 = tpu.vector_load %arg8[%get3A_1198, %get3A_1199] {strides = array<i32>} : memref<16x64xf32, #tpu.memory_space<vmem>>, vector<16xf32>,
        %add3A_1201 = arith.addf %get3A_1200, %while3A_1178#2 : vector<16xf32>
        %swap3A_1202 = arith.constant 13 : i32
        %swap3A_1203 = arith.index_cast %swap3A_1202 : i32 to index
        %swap3A_1204 = arith.constant 32 : index
        %swap3A_1205 = tpu.vector_load %arg8[%swap3A_1203, %swap3A_1204] {strides = array<i32>} : memref<16x64xf32, #tpu.memory_space<vmem>>, vector<16xf32>,
        tpu.vector_store %arg8[%swap3A_1203, %swap3A_1204], %add3A_1201 {strides = array<i32>} : memref<16x64xf32, #tpu.memory_space<vmem>>, vector<16xf32>,
        %get3A_1206 = arith.constant 13 : i32
        %get3A_1207 = arith.index_cast %get3A_1206 : i32 to index
        %get3A_1208 = arith.constant 48 : index
        %get3A_1209 = tpu.vector_load %arg8[%get3A_1207, %get3A_1208] {strides = array<i32>} : memref<16x64xf32, #tpu.memory_space<vmem>>, vector<16xf32>,
        %add3A_1210 = arith.addf %get3A_1209, %while3A_1178#3 : vector<16xf32>
        %swap3A_1211 = arith.constant 13 : i32
        %swap3A_1212 = arith.index_cast %swap3A_1211 : i32 to index
        %swap3A_1213 = arith.constant 48 : index
        %swap3A_1214 = tpu.vector_load %arg8[%swap3A_1212, %swap3A_1213] {strides = array<i32>} : memref<16x64xf32, #tpu.memory_space<vmem>>, vector<16xf32>,
        tpu.vector_store %arg8[%swap3A_1212, %swap3A_1213], %add3A_1210 {strides = array<i32>} : memref<16x64xf32, #tpu.memory_space<vmem>>, vector<16xf32>,
        %max3A_1215 = arith.maxsi %reduce_sum3A_416, %mul3A_518 : i32
        %add3A_1216 = arith.constant 512 : i32
        %add3A_1217 = arith.addi %mul3A_518, %add3A_1216 : i32
        %min3A_1218 = arith.minsi %reduce_sum3A_426, %add3A_1217 : i32
        %while3A_1219 = arith.subi %min3A_1218, %max3A_1215 : i32
        %while3A_1220 = arith.addi %max3A_1215, %while3A_1219 : i32
        %while3A_1221 = arith.constant 1 : i32
        %while3A_1222 = arith.divsi %while3A_1219, %while3A_1221 : i32
        %while3A_1223 = arith.muli %while3A_1222, %while3A_1221 : i32
        %while3A_1224 = arith.addi %max3A_1215, %while3A_1223 : i32
        %while3A_1225 = arith.constant 1 : i32
        %while3A_1226:4 = scf.for %while3A_1315 = %max3A_1215 to %while3A_1224 step %while3A_1225 iter_args(%while3A_1316 = %broadcast_in_dim3A_6, %while3A_1317 = %broadcast_in_dim3A_6, %while3A_1318 = %broadcast_in_dim3A_6, %while3A_1319 = %broadcast_in_dim3A_6) -> (vector<16xf32>, vector<16xf32>, vector<16xf32>, vector<16xf32>)  : i32 {
          %sub3A_1320 = arith.subi %while3A_1315, %mul3A_518 : i32
          %get3A_1321 = arith.index_cast %sub3A_1320 : i32 to index
          %get3A_1322 = arith.constant 0 : index
          %get3A_1323 = tpu.vector_load %arg6[%get3A_1321, %get3A_1322] {strides = array<i32>} : memref<512x64xf32, #tpu.memory_space<vmem>>, vector<16xf32>,
          %add3A_1324 = arith.addf %while3A_1316, %get3A_1323 : vector<16xf32>
          %get3A_1325 = arith.index_cast %sub3A_1320 : i32 to index
          %get3A_1326 = arith.constant 16 : index
          %get3A_1327 = tpu.vector_load %arg6[%get3A_1325, %get3A_1326] {strides = array<i32>} : memref<512x64xf32, #tpu.memory_space<vmem>>, vector<16xf32>,
          %add3A_1328 = arith.addf %while3A_1317, %get3A_1327 : vector<16xf32>
          %get3A_1329 = arith.index_cast %sub3A_1320 : i32 to index
          %get3A_1330 = arith.constant 32 : index
          %get3A_1331 = tpu.vector_load %arg6[%get3A_1329, %get3A_1330] {strides = array<i32>} : memref<512x64xf32, #tpu.memory_space<vmem>>, vector<16xf32>,
          %add3A_1332 = arith.addf %while3A_1318, %get3A_1331 : vector<16xf32>
          %get3A_1333 = arith.index_cast %sub3A_1320 : i32 to index
          %get3A_1334 = arith.constant 48 : index
          %get3A_1335 = tpu.vector_load %arg6[%get3A_1333, %get3A_1334] {strides = array<i32>} : memref<512x64xf32, #tpu.memory_space<vmem>>, vector<16xf32>,
          %add3A_1336 = arith.addf %while3A_1319, %get3A_1335 : vector<16xf32>
          scf.yield %add3A_1324, %add3A_1328, %add3A_1332, %add3A_1336 : vector<16xf32>, vector<16xf32>, vector<16xf32>, vector<16xf32>
        }
        %while3A_1227 = arith.constant 1 : i32
        %while3A_1228:4 = scf.for %while3A_1315 = %while3A_1224 to %while3A_1220 step %while3A_1227 iter_args(%while3A_1316 = %while3A_1226#0, %while3A_1317 = %while3A_1226#1, %while3A_1318 = %while3A_1226#2, %while3A_1319 = %while3A_1226#3) -> (vector<16xf32>, vector<16xf32>, vector<16xf32>, vector<16xf32>)  : i32 {
          %sub3A_1320 = arith.subi %while3A_1315, %mul3A_518 : i32
          %get3A_1321 = arith.index_cast %sub3A_1320 : i32 to index
          %get3A_1322 = arith.constant 0 : index
          %get3A_1323 = tpu.vector_load %arg6[%get3A_1321, %get3A_1322] {strides = array<i32>} : memref<512x64xf32, #tpu.memory_space<vmem>>, vector<16xf32>,
          %add3A_1324 = arith.addf %while3A_1316, %get3A_1323 : vector<16xf32>
          %get3A_1325 = arith.index_cast %sub3A_1320 : i32 to index
          %get3A_1326 = arith.constant 16 : index
          %get3A_1327 = tpu.vector_load %arg6[%get3A_1325, %get3A_1326] {strides = array<i32>} : memref<512x64xf32, #tpu.memory_space<vmem>>, vector<16xf32>,
          %add3A_1328 = arith.addf %while3A_1317, %get3A_1327 : vector<16xf32>
          %get3A_1329 = arith.index_cast %sub3A_1320 : i32 to index
          %get3A_1330 = arith.constant 32 : index
          %get3A_1331 = tpu.vector_load %arg6[%get3A_1329, %get3A_1330] {strides = array<i32>} : memref<512x64xf32, #tpu.memory_space<vmem>>, vector<16xf32>,
          %add3A_1332 = arith.addf %while3A_1318, %get3A_1331 : vector<16xf32>
          %get3A_1333 = arith.index_cast %sub3A_1320 : i32 to index
          %get3A_1334 = arith.constant 48 : index
          %get3A_1335 = tpu.vector_load %arg6[%get3A_1333, %get3A_1334] {strides = array<i32>} : memref<512x64xf32, #tpu.memory_space<vmem>>, vector<16xf32>,
          %add3A_1336 = arith.addf %while3A_1319, %get3A_1335 : vector<16xf32>
          scf.yield %add3A_1324, %add3A_1328, %add3A_1332, %add3A_1336 : vector<16xf32>, vector<16xf32>, vector<16xf32>, vector<16xf32>
        }
        %get3A_1229 = arith.constant 14 : i32
        %get3A_1230 = arith.index_cast %get3A_1229 : i32 to index
        %get3A_1231 = arith.constant 0 : index
        %get3A_1232 = tpu.vector_load %arg8[%get3A_1230, %get3A_1231] {strides = array<i32>} : memref<16x64xf32, #tpu.memory_space<vmem>>, vector<16xf32>,
        %add3A_1233 = arith.addf %get3A_1232, %while3A_1228#0 : vector<16xf32>
        %swap3A_1234 = arith.constant 14 : i32
        %swap3A_1235 = arith.index_cast %swap3A_1234 : i32 to index
        %swap3A_1236 = arith.constant 0 : index
        %swap3A_1237 = tpu.vector_load %arg8[%swap3A_1235, %swap3A_1236] {strides = array<i32>} : memref<16x64xf32, #tpu.memory_space<vmem>>, vector<16xf32>,
        tpu.vector_store %arg8[%swap3A_1235, %swap3A_1236], %add3A_1233 {strides = array<i32>} : memref<16x64xf32, #tpu.memory_space<vmem>>, vector<16xf32>,
        %get3A_1238 = arith.constant 14 : i32
        %get3A_1239 = arith.index_cast %get3A_1238 : i32 to index
        %get3A_1240 = arith.constant 16 : index
        %get3A_1241 = tpu.vector_load %arg8[%get3A_1239, %get3A_1240] {strides = array<i32>} : memref<16x64xf32, #tpu.memory_space<vmem>>, vector<16xf32>,
        %add3A_1242 = arith.addf %get3A_1241, %while3A_1228#1 : vector<16xf32>
        %swap3A_1243 = arith.constant 14 : i32
        %swap3A_1244 = arith.index_cast %swap3A_1243 : i32 to index
        %swap3A_1245 = arith.constant 16 : index
        %swap3A_1246 = tpu.vector_load %arg8[%swap3A_1244, %swap3A_1245] {strides = array<i32>} : memref<16x64xf32, #tpu.memory_space<vmem>>, vector<16xf32>,
        tpu.vector_store %arg8[%swap3A_1244, %swap3A_1245], %add3A_1242 {strides = array<i32>} : memref<16x64xf32, #tpu.memory_space<vmem>>, vector<16xf32>,
        %get3A_1247 = arith.constant 14 : i32
        %get3A_1248 = arith.index_cast %get3A_1247 : i32 to index
        %get3A_1249 = arith.constant 32 : index
        %get3A_1250 = tpu.vector_load %arg8[%get3A_1248, %get3A_1249] {strides = array<i32>} : memref<16x64xf32, #tpu.memory_space<vmem>>, vector<16xf32>,
        %add3A_1251 = arith.addf %get3A_1250, %while3A_1228#2 : vector<16xf32>
        %swap3A_1252 = arith.constant 14 : i32
        %swap3A_1253 = arith.index_cast %swap3A_1252 : i32 to index
        %swap3A_1254 = arith.constant 32 : index
        %swap3A_1255 = tpu.vector_load %arg8[%swap3A_1253, %swap3A_1254] {strides = array<i32>} : memref<16x64xf32, #tpu.memory_space<vmem>>, vector<16xf32>,
        tpu.vector_store %arg8[%swap3A_1253, %swap3A_1254], %add3A_1251 {strides = array<i32>} : memref<16x64xf32, #tpu.memory_space<vmem>>, vector<16xf32>,
        %get3A_1256 = arith.constant 14 : i32
        %get3A_1257 = arith.index_cast %get3A_1256 : i32 to index
        %get3A_1258 = arith.constant 48 : index
        %get3A_1259 = tpu.vector_load %arg8[%get3A_1257, %get3A_1258] {strides = array<i32>} : memref<16x64xf32, #tpu.memory_space<vmem>>, vector<16xf32>,
        %add3A_1260 = arith.addf %get3A_1259, %while3A_1228#3 : vector<16xf32>
        %swap3A_1261 = arith.constant 14 : i32
        %swap3A_1262 = arith.index_cast %swap3A_1261 : i32 to index
        %swap3A_1263 = arith.constant 48 : index
        %swap3A_1264 = tpu.vector_load %arg8[%swap3A_1262, %swap3A_1263] {strides = array<i32>} : memref<16x64xf32, #tpu.memory_space<vmem>>, vector<16xf32>,
        tpu.vector_store %arg8[%swap3A_1262, %swap3A_1263], %add3A_1260 {strides = array<i32>} : memref<16x64xf32, #tpu.memory_space<vmem>>, vector<16xf32>,
        %max3A_1265 = arith.maxsi %reduce_sum3A_426, %mul3A_518 : i32
        %add3A_1266 = arith.constant 512 : i32
        %add3A_1267 = arith.addi %mul3A_518, %add3A_1266 : i32
        %min3A_1268 = arith.minsi %scan3A_428, %add3A_1267 : i32
        %while3A_1269 = arith.subi %min3A_1268, %max3A_1265 : i32
        %while3A_1270 = arith.addi %max3A_1265, %while3A_1269 : i32
        %while3A_1271 = arith.constant 1 : i32
        %while3A_1272 = arith.divsi %while3A_1269, %while3A_1271 : i32
        %while3A_1273 = arith.muli %while3A_1272, %while3A_1271 : i32
        %while3A_1274 = arith.addi %max3A_1265, %while3A_1273 : i32
        %while3A_1275 = arith.constant 1 : i32
        %while3A_1276:4 = scf.for %while3A_1315 = %max3A_1265 to %while3A_1274 step %while3A_1275 iter_args(%while3A_1316 = %broadcast_in_dim3A_6, %while3A_1317 = %broadcast_in_dim3A_6, %while3A_1318 = %broadcast_in_dim3A_6, %while3A_1319 = %broadcast_in_dim3A_6) -> (vector<16xf32>, vector<16xf32>, vector<16xf32>, vector<16xf32>)  : i32 {
          %sub3A_1320 = arith.subi %while3A_1315, %mul3A_518 : i32
          %get3A_1321 = arith.index_cast %sub3A_1320 : i32 to index
          %get3A_1322 = arith.constant 0 : index
          %get3A_1323 = tpu.vector_load %arg6[%get3A_1321, %get3A_1322] {strides = array<i32>} : memref<512x64xf32, #tpu.memory_space<vmem>>, vector<16xf32>,
          %add3A_1324 = arith.addf %while3A_1316, %get3A_1323 : vector<16xf32>
          %get3A_1325 = arith.index_cast %sub3A_1320 : i32 to index
          %get3A_1326 = arith.constant 16 : index
          %get3A_1327 = tpu.vector_load %arg6[%get3A_1325, %get3A_1326] {strides = array<i32>} : memref<512x64xf32, #tpu.memory_space<vmem>>, vector<16xf32>,
          %add3A_1328 = arith.addf %while3A_1317, %get3A_1327 : vector<16xf32>
          %get3A_1329 = arith.index_cast %sub3A_1320 : i32 to index
          %get3A_1330 = arith.constant 32 : index
          %get3A_1331 = tpu.vector_load %arg6[%get3A_1329, %get3A_1330] {strides = array<i32>} : memref<512x64xf32, #tpu.memory_space<vmem>>, vector<16xf32>,
          %add3A_1332 = arith.addf %while3A_1318, %get3A_1331 : vector<16xf32>
          %get3A_1333 = arith.index_cast %sub3A_1320 : i32 to index
          %get3A_1334 = arith.constant 48 : index
          %get3A_1335 = tpu.vector_load %arg6[%get3A_1333, %get3A_1334] {strides = array<i32>} : memref<512x64xf32, #tpu.memory_space<vmem>>, vector<16xf32>,
          %add3A_1336 = arith.addf %while3A_1319, %get3A_1335 : vector<16xf32>
          scf.yield %add3A_1324, %add3A_1328, %add3A_1332, %add3A_1336 : vector<16xf32>, vector<16xf32>, vector<16xf32>, vector<16xf32>
        }
        %while3A_1277 = arith.constant 1 : i32
        %while3A_1278:4 = scf.for %while3A_1315 = %while3A_1274 to %while3A_1270 step %while3A_1277 iter_args(%while3A_1316 = %while3A_1276#0, %while3A_1317 = %while3A_1276#1, %while3A_1318 = %while3A_1276#2, %while3A_1319 = %while3A_1276#3) -> (vector<16xf32>, vector<16xf32>, vector<16xf32>, vector<16xf32>)  : i32 {
          %sub3A_1320 = arith.subi %while3A_1315, %mul3A_518 : i32
          %get3A_1321 = arith.index_cast %sub3A_1320 : i32 to index
          %get3A_1322 = arith.constant 0 : index
          %get3A_1323 = tpu.vector_load %arg6[%get3A_1321, %get3A_1322] {strides = array<i32>} : memref<512x64xf32, #tpu.memory_space<vmem>>, vector<16xf32>,
          %add3A_1324 = arith.addf %while3A_1316, %get3A_1323 : vector<16xf32>
          %get3A_1325 = arith.index_cast %sub3A_1320 : i32 to index
          %get3A_1326 = arith.constant 16 : index
          %get3A_1327 = tpu.vector_load %arg6[%get3A_1325, %get3A_1326] {strides = array<i32>} : memref<512x64xf32, #tpu.memory_space<vmem>>, vector<16xf32>,
          %add3A_1328 = arith.addf %while3A_1317, %get3A_1327 : vector<16xf32>
          %get3A_1329 = arith.index_cast %sub3A_1320 : i32 to index
          %get3A_1330 = arith.constant 32 : index
          %get3A_1331 = tpu.vector_load %arg6[%get3A_1329, %get3A_1330] {strides = array<i32>} : memref<512x64xf32, #tpu.memory_space<vmem>>, vector<16xf32>,
          %add3A_1332 = arith.addf %while3A_1318, %get3A_1331 : vector<16xf32>
          %get3A_1333 = arith.index_cast %sub3A_1320 : i32 to index
          %get3A_1334 = arith.constant 48 : index
          %get3A_1335 = tpu.vector_load %arg6[%get3A_1333, %get3A_1334] {strides = array<i32>} : memref<512x64xf32, #tpu.memory_space<vmem>>, vector<16xf32>,
          %add3A_1336 = arith.addf %while3A_1319, %get3A_1335 : vector<16xf32>
          scf.yield %add3A_1324, %add3A_1328, %add3A_1332, %add3A_1336 : vector<16xf32>, vector<16xf32>, vector<16xf32>, vector<16xf32>
        }
        %get3A_1279 = arith.constant 15 : i32
        %get3A_1280 = arith.index_cast %get3A_1279 : i32 to index
        %get3A_1281 = arith.constant 0 : index
        %get3A_1282 = tpu.vector_load %arg8[%get3A_1280, %get3A_1281] {strides = array<i32>} : memref<16x64xf32, #tpu.memory_space<vmem>>, vector<16xf32>,
        %add3A_1283 = arith.addf %get3A_1282, %while3A_1278#0 : vector<16xf32>
        %swap3A_1284 = arith.constant 15 : i32
        %swap3A_1285 = arith.index_cast %swap3A_1284 : i32 to index
        %swap3A_1286 = arith.constant 0 : index
        %swap3A_1287 = tpu.vector_load %arg8[%swap3A_1285, %swap3A_1286] {strides = array<i32>} : memref<16x64xf32, #tpu.memory_space<vmem>>, vector<16xf32>,
        tpu.vector_store %arg8[%swap3A_1285, %swap3A_1286], %add3A_1283 {strides = array<i32>} : memref<16x64xf32, #tpu.memory_space<vmem>>, vector<16xf32>,
        %get3A_1288 = arith.constant 15 : i32
        %get3A_1289 = arith.index_cast %get3A_1288 : i32 to index
        %get3A_1290 = arith.constant 16 : index
        %get3A_1291 = tpu.vector_load %arg8[%get3A_1289, %get3A_1290] {strides = array<i32>} : memref<16x64xf32, #tpu.memory_space<vmem>>, vector<16xf32>,
        %add3A_1292 = arith.addf %get3A_1291, %while3A_1278#1 : vector<16xf32>
        %swap3A_1293 = arith.constant 15 : i32
        %swap3A_1294 = arith.index_cast %swap3A_1293 : i32 to index
        %swap3A_1295 = arith.constant 16 : index
        %swap3A_1296 = tpu.vector_load %arg8[%swap3A_1294, %swap3A_1295] {strides = array<i32>} : memref<16x64xf32, #tpu.memory_space<vmem>>, vector<16xf32>,
        tpu.vector_store %arg8[%swap3A_1294, %swap3A_1295], %add3A_1292 {strides = array<i32>} : memref<16x64xf32, #tpu.memory_space<vmem>>, vector<16xf32>,
        %get3A_1297 = arith.constant 15 : i32
        %get3A_1298 = arith.index_cast %get3A_1297 : i32 to index
        %get3A_1299 = arith.constant 32 : index
        %get3A_1300 = tpu.vector_load %arg8[%get3A_1298, %get3A_1299] {strides = array<i32>} : memref<16x64xf32, #tpu.memory_space<vmem>>, vector<16xf32>,
        %add3A_1301 = arith.addf %get3A_1300, %while3A_1278#2 : vector<16xf32>
        %swap3A_1302 = arith.constant 15 : i32
        %swap3A_1303 = arith.index_cast %swap3A_1302 : i32 to index
        %swap3A_1304 = arith.constant 32 : index
        %swap3A_1305 = tpu.vector_load %arg8[%swap3A_1303, %swap3A_1304] {strides = array<i32>} : memref<16x64xf32, #tpu.memory_space<vmem>>, vector<16xf32>,
        tpu.vector_store %arg8[%swap3A_1303, %swap3A_1304], %add3A_1301 {strides = array<i32>} : memref<16x64xf32, #tpu.memory_space<vmem>>, vector<16xf32>,
        %get3A_1306 = arith.constant 15 : i32
        %get3A_1307 = arith.index_cast %get3A_1306 : i32 to index
        %get3A_1308 = arith.constant 48 : index
        %get3A_1309 = tpu.vector_load %arg8[%get3A_1307, %get3A_1308] {strides = array<i32>} : memref<16x64xf32, #tpu.memory_space<vmem>>, vector<16xf32>,
        %add3A_1310 = arith.addf %get3A_1309, %while3A_1278#3 : vector<16xf32>
        %swap3A_1311 = arith.constant 15 : i32
        %swap3A_1312 = arith.index_cast %swap3A_1311 : i32 to index
        %swap3A_1313 = arith.constant 48 : index
        %swap3A_1314 = tpu.vector_load %arg8[%swap3A_1312, %swap3A_1313] {strides = array<i32>} : memref<16x64xf32, #tpu.memory_space<vmem>>, vector<16xf32>,
        tpu.vector_store %arg8[%swap3A_1312, %swap3A_1313], %add3A_1310 {strides = array<i32>} : memref<16x64xf32, #tpu.memory_space<vmem>>, vector<16xf32>,
      } else {
      }
      %add3A_471 = arith.constant 2 : i32
      %add3A_472 = arith.addi %mul3A_436, %add3A_471 : i32
      %lt3A_473 = arith.constant 64 : i32
      %lt3A_474 = arith.cmpi slt, %add3A_472, %lt3A_473 : i32
      %convert_element_type3A_475 = arith.extui %lt3A_474 : i1 to i32
      %cond3A_476 = arith.constant 0 : i32
      %cond3A_477 = arith.cmpi ne, %convert_element_type3A_475, %cond3A_476 : i32
      scf.if %cond3A_477 {
        %add3A_517 = arith.constant 2 : i32
        %add3A_518 = arith.addi %mul3A_436, %add3A_517 : i32
        %mul3A_519 = arith.constant 512 : i32
        %mul3A_520 = arith.muli %add3A_518, %mul3A_519 : i32
        %dma_start3A_521 = tpu.memref_slice %arg2[%mul3A_520, %mul3A_2] : memref<32768x2048xf32, #tpu.memory_space<hbm>> -> memref<512x64xf32, #tpu.memory_space<hbm>>
        %dma_start3A_522 = tpu.memref_slice %arg2[%mul3A_520, %mul3A_2] : memref<32768x2048xf32, #tpu.memory_space<hbm>> -> memref<512x64xf32, #tpu.memory_space<hbm>>
        tpu.enqueue_dma source(%dma_start3A_522 : memref<512x64xf32, #tpu.memory_space<hbm>>) target(%arg6 : memref<512x64xf32, #tpu.memory_space<vmem>>) target_semaphore(%arg9 : memref<!tpu.dma_semaphore, #tpu.memory_space<semaphore_mem>>)
      } else {
      }
      %dma_wait3A_478 = arith.constant 0 : i32
      %dma_wait3A_479 = tpu.memref_slice %arg2[%dma_wait3A_478, %mul3A_2] : memref<32768x2048xf32, #tpu.memory_space<hbm>> -> memref<512x64xf32, #tpu.memory_space<hbm>>
      %dma_wait3A_480 = arith.constant 0 : i32
      %dma_wait3A_481 = tpu.memref_slice %arg2[%dma_wait3A_480, %mul3A_2] : memref<32768x2048xf32, #tpu.memory_space<hbm>> -> memref<512x64xf32, #tpu.memory_space<hbm>>
      tpu.wait_dma2 semaphore(%arg10 : memref<!tpu.dma_semaphore, #tpu.memory_space<semaphore_mem>>) src(%dma_wait3A_481 : memref<512x64xf32, #tpu.memory_space<hbm>>) dst(%arg7 : memref<512x64xf32, #tpu.memory_space<vmem>>)
      %add3A_482 = arith.constant 1 : i32
      %add3A_483 = arith.addi %mul3A_436, %add3A_482 : i32
      %mul3A_484 = arith.constant 512 : i32
      %mul3A_485 = arith.muli %add3A_483, %mul3A_484 : i32
      %le3A_486 = vector.broadcast %mul3A_485 : i32 to vector<16xi32>
      %le3A_487 = arith.cmpi sle, %scan3A_269#0, %le3A_486 : vector<16xi32>
      %convert_element_type3A_488 = arith.extui %le3A_487 : vector<16xi1> to vector<16xi32>
      %reduce_sum3A_489 = arith.constant true
      %reduce_sum3A_490 = vector.broadcast %reduce_sum3A_489 : i1 to vector<16xi1>
      %reduce_sum3A_491 = tpu.scan <sum>, %convert_element_type3A_488 masked %reduce_sum3A_490 : vector<16xi32>, vector<16xi1> -> vector<16xi32>
      %reduce_sum3A_492 = vector.extract %reduce_sum3A_491[15] : i32 from vector<16xi32>
      %sub3A_493 = arith.constant 1 : i32
      %sub3A_494 = arith.subi %reduce_sum3A_492, %sub3A_493 : i32
      %gt3A_495 = vector.broadcast %mul3A_485 : i32 to vector<16xi32>
      %gt3A_496 = arith.cmpi sgt, %scan3A_269#0, %gt3A_495 : vector<16xi32>
      %add3A_497 = arith.constant 512 : i32
      %add3A_498 = arith.addi %mul3A_485, %add3A_497 : i32
      %lt3A_499 = vector.broadcast %add3A_498 : i32 to vector<16xi32>
      %lt3A_500 = arith.cmpi slt, %scan3A_269#0, %lt3A_499 : vector<16xi32>
      %and3A_501 = arith.andi %gt3A_496, %lt3A_500 : vector<16xi1>
      %convert_element_type3A_502 = arith.extui %and3A_501 : vector<16xi1> to vector<16xi32>
      %reduce_sum3A_503 = arith.constant true
      %reduce_sum3A_504 = vector.broadcast %reduce_sum3A_503 : i1 to vector<16xi1>
      %reduce_sum3A_505 = tpu.scan <sum>, %convert_element_type3A_502 masked %reduce_sum3A_504 : vector<16xi32>, vector<16xi1> -> vector<16xi32>
      %reduce_sum3A_506 = vector.extract %reduce_sum3A_505[15] : i32 from vector<16xi32>
      %eq3A_507 = arith.constant 0 : i32
      %eq3A_508 = arith.cmpi eq, %reduce_sum3A_506, %eq3A_507 : i32
      %convert_element_type3A_509 = arith.extui %eq3A_508 : i1 to i32
      %cond3A_510 = arith.constant 0 : i32
      %cond3A_511 = arith.cmpi ne, %convert_element_type3A_509, %cond3A_510 : i32
      scf.if %cond3A_511 {
        %scan3A_517 = arith.constant 0 : i32
        %scan3A_518 = arith.constant 64 : i32
        %scan3A_519 = arith.addi %scan3A_517, %scan3A_518 : i32
        %scan3A_520 = arith.constant 1 : i32
        %scan3A_521:16 = scf.for %scan3A_562 = %scan3A_517 to %scan3A_519 step %scan3A_520 iter_args(%scan3A_563 = %broadcast_in_dim3A_6, %scan3A_564 = %broadcast_in_dim3A_6, %scan3A_565 = %broadcast_in_dim3A_6, %scan3A_566 = %broadcast_in_dim3A_6, %scan3A_567 = %broadcast_in_dim3A_6, %scan3A_568 = %broadcast_in_dim3A_6, %scan3A_569 = %broadcast_in_dim3A_6, %scan3A_570 = %broadcast_in_dim3A_6, %scan3A_571 = %broadcast_in_dim3A_6, %scan3A_572 = %broadcast_in_dim3A_6, %scan3A_573 = %broadcast_in_dim3A_6, %scan3A_574 = %broadcast_in_dim3A_6, %scan3A_575 = %broadcast_in_dim3A_6, %scan3A_576 = %broadcast_in_dim3A_6, %scan3A_577 = %broadcast_in_dim3A_6, %scan3A_578 = %broadcast_in_dim3A_6) -> (vector<16xf32>, vector<16xf32>, vector<16xf32>, vector<16xf32>, vector<16xf32>, vector<16xf32>, vector<16xf32>, vector<16xf32>, vector<16xf32>, vector<16xf32>, vector<16xf32>, vector<16xf32>, vector<16xf32>, vector<16xf32>, vector<16xf32>, vector<16xf32>)  : i32 {
          %mul3A_579 = arith.constant 8 : i32
          %mul3A_580 = arith.muli %scan3A_562, %mul3A_579 : i32
          %add3A_581 = arith.constant 0 : i32
          %add3A_582 = arith.addi %mul3A_580, %add3A_581 : i32
          %get3A_583 = arith.index_cast %add3A_582 : i32 to index
          %get3A_584 = arith.constant 0 : index
          %get3A_585 = tpu.vector_load %arg7[%get3A_583, %get3A_584] {strides = array<i32>} : memref<512x64xf32, #tpu.memory_space<vmem>>, vector<16xf32>,
          %add3A_586 = arith.addf %scan3A_563, %get3A_585 : vector<16xf32>
          %add3A_587 = arith.constant 0 : i32
          %add3A_588 = arith.addi %mul3A_580, %add3A_587 : i32
          %get3A_589 = arith.index_cast %add3A_588 : i32 to index
          %get3A_590 = arith.constant 16 : index
          %get3A_591 = tpu.vector_load %arg7[%get3A_589, %get3A_590] {strides = array<i32>} : memref<512x64xf32, #tpu.memory_space<vmem>>, vector<16xf32>,
          %add3A_592 = arith.addf %scan3A_564, %get3A_591 : vector<16xf32>
          %add3A_593 = arith.constant 0 : i32
          %add3A_594 = arith.addi %mul3A_580, %add3A_593 : i32
          %get3A_595 = arith.index_cast %add3A_594 : i32 to index
          %get3A_596 = arith.constant 32 : index
          %get3A_597 = tpu.vector_load %arg7[%get3A_595, %get3A_596] {strides = array<i32>} : memref<512x64xf32, #tpu.memory_space<vmem>>, vector<16xf32>,
          %add3A_598 = arith.addf %scan3A_565, %get3A_597 : vector<16xf32>
          %add3A_599 = arith.constant 0 : i32
          %add3A_600 = arith.addi %mul3A_580, %add3A_599 : i32
          %get3A_601 = arith.index_cast %add3A_600 : i32 to index
          %get3A_602 = arith.constant 48 : index
          %get3A_603 = tpu.vector_load %arg7[%get3A_601, %get3A_602] {strides = array<i32>} : memref<512x64xf32, #tpu.memory_space<vmem>>, vector<16xf32>,
          %add3A_604 = arith.addf %scan3A_566, %get3A_603 : vector<16xf32>
          %add3A_605 = arith.constant 1 : i32
          %add3A_606 = arith.addi %mul3A_580, %add3A_605 : i32
          %get3A_607 = arith.index_cast %add3A_606 : i32 to index
          %get3A_608 = arith.constant 0 : index
          %get3A_609 = tpu.vector_load %arg7[%get3A_607, %get3A_608] {strides = array<i32>} : memref<512x64xf32, #tpu.memory_space<vmem>>, vector<16xf32>,
          %add3A_610 = arith.addf %scan3A_567, %get3A_609 : vector<16xf32>
          %add3A_611 = arith.constant 1 : i32
          %add3A_612 = arith.addi %mul3A_580, %add3A_611 : i32
          %get3A_613 = arith.index_cast %add3A_612 : i32 to index
          %get3A_614 = arith.constant 16 : index
          %get3A_615 = tpu.vector_load %arg7[%get3A_613, %get3A_614] {strides = array<i32>} : memref<512x64xf32, #tpu.memory_space<vmem>>, vector<16xf32>,
          %add3A_616 = arith.addf %scan3A_568, %get3A_615 : vector<16xf32>
          %add3A_617 = arith.constant 1 : i32
          %add3A_618 = arith.addi %mul3A_580, %add3A_617 : i32
          %get3A_619 = arith.index_cast %add3A_618 : i32 to index
          %get3A_620 = arith.constant 32 : index
          %get3A_621 = tpu.vector_load %arg7[%get3A_619, %get3A_620] {strides = array<i32>} : memref<512x64xf32, #tpu.memory_space<vmem>>, vector<16xf32>,
          %add3A_622 = arith.addf %scan3A_569, %get3A_621 : vector<16xf32>
          %add3A_623 = arith.constant 1 : i32
          %add3A_624 = arith.addi %mul3A_580, %add3A_623 : i32
          %get3A_625 = arith.index_cast %add3A_624 : i32 to index
          %get3A_626 = arith.constant 48 : index
          %get3A_627 = tpu.vector_load %arg7[%get3A_625, %get3A_626] {strides = array<i32>} : memref<512x64xf32, #tpu.memory_space<vmem>>, vector<16xf32>,
          %add3A_628 = arith.addf %scan3A_570, %get3A_627 : vector<16xf32>
          %add3A_629 = arith.constant 2 : i32
          %add3A_630 = arith.addi %mul3A_580, %add3A_629 : i32
          %get3A_631 = arith.index_cast %add3A_630 : i32 to index
          %get3A_632 = arith.constant 0 : index
          %get3A_633 = tpu.vector_load %arg7[%get3A_631, %get3A_632] {strides = array<i32>} : memref<512x64xf32, #tpu.memory_space<vmem>>, vector<16xf32>,
          %add3A_634 = arith.addf %scan3A_571, %get3A_633 : vector<16xf32>
          %add3A_635 = arith.constant 2 : i32
          %add3A_636 = arith.addi %mul3A_580, %add3A_635 : i32
          %get3A_637 = arith.index_cast %add3A_636 : i32 to index
          %get3A_638 = arith.constant 16 : index
          %get3A_639 = tpu.vector_load %arg7[%get3A_637, %get3A_638] {strides = array<i32>} : memref<512x64xf32, #tpu.memory_space<vmem>>, vector<16xf32>,
          %add3A_640 = arith.addf %scan3A_572, %get3A_639 : vector<16xf32>
          %add3A_641 = arith.constant 2 : i32
          %add3A_642 = arith.addi %mul3A_580, %add3A_641 : i32
          %get3A_643 = arith.index_cast %add3A_642 : i32 to index
          %get3A_644 = arith.constant 32 : index
          %get3A_645 = tpu.vector_load %arg7[%get3A_643, %get3A_644] {strides = array<i32>} : memref<512x64xf32, #tpu.memory_space<vmem>>, vector<16xf32>,
          %add3A_646 = arith.addf %scan3A_573, %get3A_645 : vector<16xf32>
          %add3A_647 = arith.constant 2 : i32
          %add3A_648 = arith.addi %mul3A_580, %add3A_647 : i32
          %get3A_649 = arith.index_cast %add3A_648 : i32 to index
          %get3A_650 = arith.constant 48 : index
          %get3A_651 = tpu.vector_load %arg7[%get3A_649, %get3A_650] {strides = array<i32>} : memref<512x64xf32, #tpu.memory_space<vmem>>, vector<16xf32>,
          %add3A_652 = arith.addf %scan3A_574, %get3A_651 : vector<16xf32>
          %add3A_653 = arith.constant 3 : i32
          %add3A_654 = arith.addi %mul3A_580, %add3A_653 : i32
          %get3A_655 = arith.index_cast %add3A_654 : i32 to index
          %get3A_656 = arith.constant 0 : index
          %get3A_657 = tpu.vector_load %arg7[%get3A_655, %get3A_656] {strides = array<i32>} : memref<512x64xf32, #tpu.memory_space<vmem>>, vector<16xf32>,
          %add3A_658 = arith.addf %scan3A_575, %get3A_657 : vector<16xf32>
          %add3A_659 = arith.constant 3 : i32
          %add3A_660 = arith.addi %mul3A_580, %add3A_659 : i32
          %get3A_661 = arith.index_cast %add3A_660 : i32 to index
          %get3A_662 = arith.constant 16 : index
          %get3A_663 = tpu.vector_load %arg7[%get3A_661, %get3A_662] {strides = array<i32>} : memref<512x64xf32, #tpu.memory_space<vmem>>, vector<16xf32>,
          %add3A_664 = arith.addf %scan3A_576, %get3A_663 : vector<16xf32>
          %add3A_665 = arith.constant 3 : i32
          %add3A_666 = arith.addi %mul3A_580, %add3A_665 : i32
          %get3A_667 = arith.index_cast %add3A_666 : i32 to index
          %get3A_668 = arith.constant 32 : index
          %get3A_669 = tpu.vector_load %arg7[%get3A_667, %get3A_668] {strides = array<i32>} : memref<512x64xf32, #tpu.memory_space<vmem>>, vector<16xf32>,
          %add3A_670 = arith.addf %scan3A_577, %get3A_669 : vector<16xf32>
          %add3A_671 = arith.constant 3 : i32
          %add3A_672 = arith.addi %mul3A_580, %add3A_671 : i32
          %get3A_673 = arith.index_cast %add3A_672 : i32 to index
          %get3A_674 = arith.constant 48 : index
          %get3A_675 = tpu.vector_load %arg7[%get3A_673, %get3A_674] {strides = array<i32>} : memref<512x64xf32, #tpu.memory_space<vmem>>, vector<16xf32>,
          %add3A_676 = arith.addf %scan3A_578, %get3A_675 : vector<16xf32>
          %add3A_677 = arith.constant 4 : i32
          %add3A_678 = arith.addi %mul3A_580, %add3A_677 : i32
          %get3A_679 = arith.index_cast %add3A_678 : i32 to index
          %get3A_680 = arith.constant 0 : index
          %get3A_681 = tpu.vector_load %arg7[%get3A_679, %get3A_680] {strides = array<i32>} : memref<512x64xf32, #tpu.memory_space<vmem>>, vector<16xf32>,
          %add3A_682 = arith.addf %add3A_586, %get3A_681 : vector<16xf32>
          %add3A_683 = arith.constant 4 : i32
          %add3A_684 = arith.addi %mul3A_580, %add3A_683 : i32
          %get3A_685 = arith.index_cast %add3A_684 : i32 to index
          %get3A_686 = arith.constant 16 : index
          %get3A_687 = tpu.vector_load %arg7[%get3A_685, %get3A_686] {strides = array<i32>} : memref<512x64xf32, #tpu.memory_space<vmem>>, vector<16xf32>,
          %add3A_688 = arith.addf %add3A_592, %get3A_687 : vector<16xf32>
          %add3A_689 = arith.constant 4 : i32
          %add3A_690 = arith.addi %mul3A_580, %add3A_689 : i32
          %get3A_691 = arith.index_cast %add3A_690 : i32 to index
          %get3A_692 = arith.constant 32 : index
          %get3A_693 = tpu.vector_load %arg7[%get3A_691, %get3A_692] {strides = array<i32>} : memref<512x64xf32, #tpu.memory_space<vmem>>, vector<16xf32>,
          %add3A_694 = arith.addf %add3A_598, %get3A_693 : vector<16xf32>
          %add3A_695 = arith.constant 4 : i32
          %add3A_696 = arith.addi %mul3A_580, %add3A_695 : i32
          %get3A_697 = arith.index_cast %add3A_696 : i32 to index
          %get3A_698 = arith.constant 48 : index
          %get3A_699 = tpu.vector_load %arg7[%get3A_697, %get3A_698] {strides = array<i32>} : memref<512x64xf32, #tpu.memory_space<vmem>>, vector<16xf32>,
          %add3A_700 = arith.addf %add3A_604, %get3A_699 : vector<16xf32>
          %add3A_701 = arith.constant 5 : i32
          %add3A_702 = arith.addi %mul3A_580, %add3A_701 : i32
          %get3A_703 = arith.index_cast %add3A_702 : i32 to index
          %get3A_704 = arith.constant 0 : index
          %get3A_705 = tpu.vector_load %arg7[%get3A_703, %get3A_704] {strides = array<i32>} : memref<512x64xf32, #tpu.memory_space<vmem>>, vector<16xf32>,
          %add3A_706 = arith.addf %add3A_610, %get3A_705 : vector<16xf32>
          %add3A_707 = arith.constant 5 : i32
          %add3A_708 = arith.addi %mul3A_580, %add3A_707 : i32
          %get3A_709 = arith.index_cast %add3A_708 : i32 to index
          %get3A_710 = arith.constant 16 : index
          %get3A_711 = tpu.vector_load %arg7[%get3A_709, %get3A_710] {strides = array<i32>} : memref<512x64xf32, #tpu.memory_space<vmem>>, vector<16xf32>,
          %add3A_712 = arith.addf %add3A_616, %get3A_711 : vector<16xf32>
          %add3A_713 = arith.constant 5 : i32
          %add3A_714 = arith.addi %mul3A_580, %add3A_713 : i32
          %get3A_715 = arith.index_cast %add3A_714 : i32 to index
          %get3A_716 = arith.constant 32 : index
          %get3A_717 = tpu.vector_load %arg7[%get3A_715, %get3A_716] {strides = array<i32>} : memref<512x64xf32, #tpu.memory_space<vmem>>, vector<16xf32>,
          %add3A_718 = arith.addf %add3A_622, %get3A_717 : vector<16xf32>
          %add3A_719 = arith.constant 5 : i32
          %add3A_720 = arith.addi %mul3A_580, %add3A_719 : i32
          %get3A_721 = arith.index_cast %add3A_720 : i32 to index
          %get3A_722 = arith.constant 48 : index
          %get3A_723 = tpu.vector_load %arg7[%get3A_721, %get3A_722] {strides = array<i32>} : memref<512x64xf32, #tpu.memory_space<vmem>>, vector<16xf32>,
          %add3A_724 = arith.addf %add3A_628, %get3A_723 : vector<16xf32>
          %add3A_725 = arith.constant 6 : i32
          %add3A_726 = arith.addi %mul3A_580, %add3A_725 : i32
          %get3A_727 = arith.index_cast %add3A_726 : i32 to index
          %get3A_728 = arith.constant 0 : index
          %get3A_729 = tpu.vector_load %arg7[%get3A_727, %get3A_728] {strides = array<i32>} : memref<512x64xf32, #tpu.memory_space<vmem>>, vector<16xf32>,
          %add3A_730 = arith.addf %add3A_634, %get3A_729 : vector<16xf32>
          %add3A_731 = arith.constant 6 : i32
          %add3A_732 = arith.addi %mul3A_580, %add3A_731 : i32
          %get3A_733 = arith.index_cast %add3A_732 : i32 to index
          %get3A_734 = arith.constant 16 : index
          %get3A_735 = tpu.vector_load %arg7[%get3A_733, %get3A_734] {strides = array<i32>} : memref<512x64xf32, #tpu.memory_space<vmem>>, vector<16xf32>,
          %add3A_736 = arith.addf %add3A_640, %get3A_735 : vector<16xf32>
          %add3A_737 = arith.constant 6 : i32
          %add3A_738 = arith.addi %mul3A_580, %add3A_737 : i32
          %get3A_739 = arith.index_cast %add3A_738 : i32 to index
          %get3A_740 = arith.constant 32 : index
          %get3A_741 = tpu.vector_load %arg7[%get3A_739, %get3A_740] {strides = array<i32>} : memref<512x64xf32, #tpu.memory_space<vmem>>, vector<16xf32>,
          %add3A_742 = arith.addf %add3A_646, %get3A_741 : vector<16xf32>
          %add3A_743 = arith.constant 6 : i32
          %add3A_744 = arith.addi %mul3A_580, %add3A_743 : i32
          %get3A_745 = arith.index_cast %add3A_744 : i32 to index
          %get3A_746 = arith.constant 48 : index
          %get3A_747 = tpu.vector_load %arg7[%get3A_745, %get3A_746] {strides = array<i32>} : memref<512x64xf32, #tpu.memory_space<vmem>>, vector<16xf32>,
          %add3A_748 = arith.addf %add3A_652, %get3A_747 : vector<16xf32>
          %add3A_749 = arith.constant 7 : i32
          %add3A_750 = arith.addi %mul3A_580, %add3A_749 : i32
          %get3A_751 = arith.index_cast %add3A_750 : i32 to index
          %get3A_752 = arith.constant 0 : index
          %get3A_753 = tpu.vector_load %arg7[%get3A_751, %get3A_752] {strides = array<i32>} : memref<512x64xf32, #tpu.memory_space<vmem>>, vector<16xf32>,
          %add3A_754 = arith.addf %add3A_658, %get3A_753 : vector<16xf32>
          %add3A_755 = arith.constant 7 : i32
          %add3A_756 = arith.addi %mul3A_580, %add3A_755 : i32
          %get3A_757 = arith.index_cast %add3A_756 : i32 to index
          %get3A_758 = arith.constant 16 : index
          %get3A_759 = tpu.vector_load %arg7[%get3A_757, %get3A_758] {strides = array<i32>} : memref<512x64xf32, #tpu.memory_space<vmem>>, vector<16xf32>,
          %add3A_760 = arith.addf %add3A_664, %get3A_759 : vector<16xf32>
          %add3A_761 = arith.constant 7 : i32
          %add3A_762 = arith.addi %mul3A_580, %add3A_761 : i32
          %get3A_763 = arith.index_cast %add3A_762 : i32 to index
          %get3A_764 = arith.constant 32 : index
          %get3A_765 = tpu.vector_load %arg7[%get3A_763, %get3A_764] {strides = array<i32>} : memref<512x64xf32, #tpu.memory_space<vmem>>, vector<16xf32>,
          %add3A_766 = arith.addf %add3A_670, %get3A_765 : vector<16xf32>
          %add3A_767 = arith.constant 7 : i32
          %add3A_768 = arith.addi %mul3A_580, %add3A_767 : i32
          %get3A_769 = arith.index_cast %add3A_768 : i32 to index
          %get3A_770 = arith.constant 48 : index
          %get3A_771 = tpu.vector_load %arg7[%get3A_769, %get3A_770] {strides = array<i32>} : memref<512x64xf32, #tpu.memory_space<vmem>>, vector<16xf32>,
          %add3A_772 = arith.addf %add3A_676, %get3A_771 : vector<16xf32>
          scf.yield %add3A_682, %add3A_688, %add3A_694, %add3A_700, %add3A_706, %add3A_712, %add3A_718, %add3A_724, %add3A_730, %add3A_736, %add3A_742, %add3A_748, %add3A_754, %add3A_760, %add3A_766, %add3A_772 : vector<16xf32>, vector<16xf32>, vector<16xf32>, vector<16xf32>, vector<16xf32>, vector<16xf32>, vector<16xf32>, vector<16xf32>, vector<16xf32>, vector<16xf32>, vector<16xf32>, vector<16xf32>, vector<16xf32>, vector<16xf32>, vector<16xf32>, vector<16xf32>
        }
        %scan3A_522 = arith.constant 64 : i32
        %add3A_523 = arith.addf %scan3A_521#0, %scan3A_521#4 : vector<16xf32>
        %add3A_524 = arith.addf %add3A_523, %scan3A_521#8 : vector<16xf32>
        %add3A_525 = arith.addf %add3A_524, %scan3A_521#12 : vector<16xf32>
        %get3A = arith.index_cast %sub3A_494 : i32 to index
        %get3A_526 = arith.constant 0 : index
        %get3A_527 = tpu.vector_load %arg8[%get3A, %get3A_526] {strides = array<i32>} : memref<16x64xf32, #tpu.memory_space<vmem>>, vector<16xf32>,
        %add3A_528 = arith.addf %get3A_527, %add3A_525 : vector<16xf32>
        %swap3A_529 = arith.index_cast %sub3A_494 : i32 to index
        %swap3A_530 = arith.constant 0 : index
        %swap3A_531 = tpu.vector_load %arg8[%swap3A_529, %swap3A_530] {strides = array<i32>} : memref<16x64xf32, #tpu.memory_space<vmem>>, vector<16xf32>,
        tpu.vector_store %arg8[%swap3A_529, %swap3A_530], %add3A_528 {strides = array<i32>} : memref<16x64xf32, #tpu.memory_space<vmem>>, vector<16xf32>,
        %add3A_532 = arith.addf %scan3A_521#1, %scan3A_521#5 : vector<16xf32>
        %add3A_533 = arith.addf %add3A_532, %scan3A_521#9 : vector<16xf32>
        %add3A_534 = arith.addf %add3A_533, %scan3A_521#13 : vector<16xf32>
        %get3A_535 = arith.index_cast %sub3A_494 : i32 to index
        %get3A_536 = arith.constant 16 : index
        %get3A_537 = tpu.vector_load %arg8[%get3A_535, %get3A_536] {strides = array<i32>} : memref<16x64xf32, #tpu.memory_space<vmem>>, vector<16xf32>,
        %add3A_538 = arith.addf %get3A_537, %add3A_534 : vector<16xf32>
        %swap3A_539 = arith.index_cast %sub3A_494 : i32 to index
        %swap3A_540 = arith.constant 16 : index
        %swap3A_541 = tpu.vector_load %arg8[%swap3A_539, %swap3A_540] {strides = array<i32>} : memref<16x64xf32, #tpu.memory_space<vmem>>, vector<16xf32>,
        tpu.vector_store %arg8[%swap3A_539, %swap3A_540], %add3A_538 {strides = array<i32>} : memref<16x64xf32, #tpu.memory_space<vmem>>, vector<16xf32>,
        %add3A_542 = arith.addf %scan3A_521#2, %scan3A_521#6 : vector<16xf32>
        %add3A_543 = arith.addf %add3A_542, %scan3A_521#10 : vector<16xf32>
        %add3A_544 = arith.addf %add3A_543, %scan3A_521#14 : vector<16xf32>
        %get3A_545 = arith.index_cast %sub3A_494 : i32 to index
        %get3A_546 = arith.constant 32 : index
        %get3A_547 = tpu.vector_load %arg8[%get3A_545, %get3A_546] {strides = array<i32>} : memref<16x64xf32, #tpu.memory_space<vmem>>, vector<16xf32>,
        %add3A_548 = arith.addf %get3A_547, %add3A_544 : vector<16xf32>
        %swap3A_549 = arith.index_cast %sub3A_494 : i32 to index
        %swap3A_550 = arith.constant 32 : index
        %swap3A_551 = tpu.vector_load %arg8[%swap3A_549, %swap3A_550] {strides = array<i32>} : memref<16x64xf32, #tpu.memory_space<vmem>>, vector<16xf32>,
        tpu.vector_store %arg8[%swap3A_549, %swap3A_550], %add3A_548 {strides = array<i32>} : memref<16x64xf32, #tpu.memory_space<vmem>>, vector<16xf32>,
        %add3A_552 = arith.addf %scan3A_521#3, %scan3A_521#7 : vector<16xf32>
        %add3A_553 = arith.addf %add3A_552, %scan3A_521#11 : vector<16xf32>
        %add3A_554 = arith.addf %add3A_553, %scan3A_521#15 : vector<16xf32>
        %get3A_555 = arith.index_cast %sub3A_494 : i32 to index
        %get3A_556 = arith.constant 48 : index
        %get3A_557 = tpu.vector_load %arg8[%get3A_555, %get3A_556] {strides = array<i32>} : memref<16x64xf32, #tpu.memory_space<vmem>>, vector<16xf32>,
        %add3A_558 = arith.addf %get3A_557, %add3A_554 : vector<16xf32>
        %swap3A_559 = arith.index_cast %sub3A_494 : i32 to index
        %swap3A_560 = arith.constant 48 : index
        %swap3A_561 = tpu.vector_load %arg8[%swap3A_559, %swap3A_560] {strides = array<i32>} : memref<16x64xf32, #tpu.memory_space<vmem>>, vector<16xf32>,
        tpu.vector_store %arg8[%swap3A_559, %swap3A_560], %add3A_558 {strides = array<i32>} : memref<16x64xf32, #tpu.memory_space<vmem>>, vector<16xf32>,
      } else {
      }
      %not3A_512 = arith.constant true
      %not3A_513 = arith.xori %eq3A_508, %not3A_512 : i1
      %convert_element_type3A_514 = arith.extui %not3A_513 : i1 to i32
      %cond3A_515 = arith.constant 0 : i32
      %cond3A_516 = arith.cmpi ne, %convert_element_type3A_514, %cond3A_515 : i32
      scf.if %cond3A_516 {
        %mul3A_517 = arith.constant 512 : i32
        %mul3A_518 = arith.muli %add3A_483, %mul3A_517 : i32
        %max3A = arith.maxsi %reduce_sum3A_276, %mul3A_518 : i32
        %add3A_519 = arith.constant 512 : i32
        %add3A_520 = arith.addi %mul3A_518, %add3A_519 : i32
        %min3A = arith.minsi %reduce_sum3A_286, %add3A_520 : i32
        %while3A = arith.subi %min3A, %max3A : i32
        %while3A_521 = arith.addi %max3A, %while3A : i32
        %while3A_522 = arith.constant 1 : i32
        %while3A_523 = arith.divsi %while3A, %while3A_522 : i32
        %while3A_524 = arith.muli %while3A_523, %while3A_522 : i32
        %while3A_525 = arith.addi %max3A, %while3A_524 : i32
        %while3A_526 = arith.constant 1 : i32
        %while3A_527:4 = scf.for %while3A_1315 = %max3A to %while3A_525 step %while3A_526 iter_args(%while3A_1316 = %broadcast_in_dim3A_6, %while3A_1317 = %broadcast_in_dim3A_6, %while3A_1318 = %broadcast_in_dim3A_6, %while3A_1319 = %broadcast_in_dim3A_6) -> (vector<16xf32>, vector<16xf32>, vector<16xf32>, vector<16xf32>)  : i32 {
          %sub3A_1320 = arith.subi %while3A_1315, %mul3A_518 : i32
          %get3A_1321 = arith.index_cast %sub3A_1320 : i32 to index
          %get3A_1322 = arith.constant 0 : index
          %get3A_1323 = tpu.vector_load %arg7[%get3A_1321, %get3A_1322] {strides = array<i32>} : memref<512x64xf32, #tpu.memory_space<vmem>>, vector<16xf32>,
          %add3A_1324 = arith.addf %while3A_1316, %get3A_1323 : vector<16xf32>
          %get3A_1325 = arith.index_cast %sub3A_1320 : i32 to index
          %get3A_1326 = arith.constant 16 : index
          %get3A_1327 = tpu.vector_load %arg7[%get3A_1325, %get3A_1326] {strides = array<i32>} : memref<512x64xf32, #tpu.memory_space<vmem>>, vector<16xf32>,
          %add3A_1328 = arith.addf %while3A_1317, %get3A_1327 : vector<16xf32>
          %get3A_1329 = arith.index_cast %sub3A_1320 : i32 to index
          %get3A_1330 = arith.constant 32 : index
          %get3A_1331 = tpu.vector_load %arg7[%get3A_1329, %get3A_1330] {strides = array<i32>} : memref<512x64xf32, #tpu.memory_space<vmem>>, vector<16xf32>,
          %add3A_1332 = arith.addf %while3A_1318, %get3A_1331 : vector<16xf32>
          %get3A_1333 = arith.index_cast %sub3A_1320 : i32 to index
          %get3A_1334 = arith.constant 48 : index
          %get3A_1335 = tpu.vector_load %arg7[%get3A_1333, %get3A_1334] {strides = array<i32>} : memref<512x64xf32, #tpu.memory_space<vmem>>, vector<16xf32>,
          %add3A_1336 = arith.addf %while3A_1319, %get3A_1335 : vector<16xf32>
          scf.yield %add3A_1324, %add3A_1328, %add3A_1332, %add3A_1336 : vector<16xf32>, vector<16xf32>, vector<16xf32>, vector<16xf32>
        }
        %while3A_528 = arith.constant 1 : i32
        %while3A_529:4 = scf.for %while3A_1315 = %while3A_525 to %while3A_521 step %while3A_528 iter_args(%while3A_1316 = %while3A_527#0, %while3A_1317 = %while3A_527#1, %while3A_1318 = %while3A_527#2, %while3A_1319 = %while3A_527#3) -> (vector<16xf32>, vector<16xf32>, vector<16xf32>, vector<16xf32>)  : i32 {
          %sub3A_1320 = arith.subi %while3A_1315, %mul3A_518 : i32
          %get3A_1321 = arith.index_cast %sub3A_1320 : i32 to index
          %get3A_1322 = arith.constant 0 : index
          %get3A_1323 = tpu.vector_load %arg7[%get3A_1321, %get3A_1322] {strides = array<i32>} : memref<512x64xf32, #tpu.memory_space<vmem>>, vector<16xf32>,
          %add3A_1324 = arith.addf %while3A_1316, %get3A_1323 : vector<16xf32>
          %get3A_1325 = arith.index_cast %sub3A_1320 : i32 to index
          %get3A_1326 = arith.constant 16 : index
          %get3A_1327 = tpu.vector_load %arg7[%get3A_1325, %get3A_1326] {strides = array<i32>} : memref<512x64xf32, #tpu.memory_space<vmem>>, vector<16xf32>,
          %add3A_1328 = arith.addf %while3A_1317, %get3A_1327 : vector<16xf32>
          %get3A_1329 = arith.index_cast %sub3A_1320 : i32 to index
          %get3A_1330 = arith.constant 32 : index
          %get3A_1331 = tpu.vector_load %arg7[%get3A_1329, %get3A_1330] {strides = array<i32>} : memref<512x64xf32, #tpu.memory_space<vmem>>, vector<16xf32>,
          %add3A_1332 = arith.addf %while3A_1318, %get3A_1331 : vector<16xf32>
          %get3A_1333 = arith.index_cast %sub3A_1320 : i32 to index
          %get3A_1334 = arith.constant 48 : index
          %get3A_1335 = tpu.vector_load %arg7[%get3A_1333, %get3A_1334] {strides = array<i32>} : memref<512x64xf32, #tpu.memory_space<vmem>>, vector<16xf32>,
          %add3A_1336 = arith.addf %while3A_1319, %get3A_1335 : vector<16xf32>
          scf.yield %add3A_1324, %add3A_1328, %add3A_1332, %add3A_1336 : vector<16xf32>, vector<16xf32>, vector<16xf32>, vector<16xf32>
        }
        %get3A = arith.constant 0 : i32
        %get3A_530 = arith.index_cast %get3A : i32 to index
        %get3A_531 = arith.constant 0 : index
        %get3A_532 = tpu.vector_load %arg8[%get3A_530, %get3A_531] {strides = array<i32>} : memref<16x64xf32, #tpu.memory_space<vmem>>, vector<16xf32>,
        %add3A_533 = arith.addf %get3A_532, %while3A_529#0 : vector<16xf32>
        %swap3A_534 = arith.constant 0 : i32
        %swap3A_535 = arith.index_cast %swap3A_534 : i32 to index
        %swap3A_536 = arith.constant 0 : index
        %swap3A_537 = tpu.vector_load %arg8[%swap3A_535, %swap3A_536] {strides = array<i32>} : memref<16x64xf32, #tpu.memory_space<vmem>>, vector<16xf32>,
        tpu.vector_store %arg8[%swap3A_535, %swap3A_536], %add3A_533 {strides = array<i32>} : memref<16x64xf32, #tpu.memory_space<vmem>>, vector<16xf32>,
        %get3A_538 = arith.constant 0 : i32
        %get3A_539 = arith.index_cast %get3A_538 : i32 to index
        %get3A_540 = arith.constant 16 : index
        %get3A_541 = tpu.vector_load %arg8[%get3A_539, %get3A_540] {strides = array<i32>} : memref<16x64xf32, #tpu.memory_space<vmem>>, vector<16xf32>,
        %add3A_542 = arith.addf %get3A_541, %while3A_529#1 : vector<16xf32>
        %swap3A_543 = arith.constant 0 : i32
        %swap3A_544 = arith.index_cast %swap3A_543 : i32 to index
        %swap3A_545 = arith.constant 16 : index
        %swap3A_546 = tpu.vector_load %arg8[%swap3A_544, %swap3A_545] {strides = array<i32>} : memref<16x64xf32, #tpu.memory_space<vmem>>, vector<16xf32>,
        tpu.vector_store %arg8[%swap3A_544, %swap3A_545], %add3A_542 {strides = array<i32>} : memref<16x64xf32, #tpu.memory_space<vmem>>, vector<16xf32>,
        %get3A_547 = arith.constant 0 : i32
        %get3A_548 = arith.index_cast %get3A_547 : i32 to index
        %get3A_549 = arith.constant 32 : index
        %get3A_550 = tpu.vector_load %arg8[%get3A_548, %get3A_549] {strides = array<i32>} : memref<16x64xf32, #tpu.memory_space<vmem>>, vector<16xf32>,
        %add3A_551 = arith.addf %get3A_550, %while3A_529#2 : vector<16xf32>
        %swap3A_552 = arith.constant 0 : i32
        %swap3A_553 = arith.index_cast %swap3A_552 : i32 to index
        %swap3A_554 = arith.constant 32 : index
        %swap3A_555 = tpu.vector_load %arg8[%swap3A_553, %swap3A_554] {strides = array<i32>} : memref<16x64xf32, #tpu.memory_space<vmem>>, vector<16xf32>,
        tpu.vector_store %arg8[%swap3A_553, %swap3A_554], %add3A_551 {strides = array<i32>} : memref<16x64xf32, #tpu.memory_space<vmem>>, vector<16xf32>,
        %get3A_556 = arith.constant 0 : i32
        %get3A_557 = arith.index_cast %get3A_556 : i32 to index
        %get3A_558 = arith.constant 48 : index
        %get3A_559 = tpu.vector_load %arg8[%get3A_557, %get3A_558] {strides = array<i32>} : memref<16x64xf32, #tpu.memory_space<vmem>>, vector<16xf32>,
        %add3A_560 = arith.addf %get3A_559, %while3A_529#3 : vector<16xf32>
        %swap3A_561 = arith.constant 0 : i32
        %swap3A_562 = arith.index_cast %swap3A_561 : i32 to index
        %swap3A_563 = arith.constant 48 : index
        %swap3A_564 = tpu.vector_load %arg8[%swap3A_562, %swap3A_563] {strides = array<i32>} : memref<16x64xf32, #tpu.memory_space<vmem>>, vector<16xf32>,
        tpu.vector_store %arg8[%swap3A_562, %swap3A_563], %add3A_560 {strides = array<i32>} : memref<16x64xf32, #tpu.memory_space<vmem>>, vector<16xf32>,
        %max3A_565 = arith.maxsi %reduce_sum3A_286, %mul3A_518 : i32
        %add3A_566 = arith.constant 512 : i32
        %add3A_567 = arith.addi %mul3A_518, %add3A_566 : i32
        %min3A_568 = arith.minsi %reduce_sum3A_296, %add3A_567 : i32
        %while3A_569 = arith.subi %min3A_568, %max3A_565 : i32
        %while3A_570 = arith.addi %max3A_565, %while3A_569 : i32
        %while3A_571 = arith.constant 1 : i32
        %while3A_572 = arith.divsi %while3A_569, %while3A_571 : i32
        %while3A_573 = arith.muli %while3A_572, %while3A_571 : i32
        %while3A_574 = arith.addi %max3A_565, %while3A_573 : i32
        %while3A_575 = arith.constant 1 : i32
        %while3A_576:4 = scf.for %while3A_1315 = %max3A_565 to %while3A_574 step %while3A_575 iter_args(%while3A_1316 = %broadcast_in_dim3A_6, %while3A_1317 = %broadcast_in_dim3A_6, %while3A_1318 = %broadcast_in_dim3A_6, %while3A_1319 = %broadcast_in_dim3A_6) -> (vector<16xf32>, vector<16xf32>, vector<16xf32>, vector<16xf32>)  : i32 {
          %sub3A_1320 = arith.subi %while3A_1315, %mul3A_518 : i32
          %get3A_1321 = arith.index_cast %sub3A_1320 : i32 to index
          %get3A_1322 = arith.constant 0 : index
          %get3A_1323 = tpu.vector_load %arg7[%get3A_1321, %get3A_1322] {strides = array<i32>} : memref<512x64xf32, #tpu.memory_space<vmem>>, vector<16xf32>,
          %add3A_1324 = arith.addf %while3A_1316, %get3A_1323 : vector<16xf32>
          %get3A_1325 = arith.index_cast %sub3A_1320 : i32 to index
          %get3A_1326 = arith.constant 16 : index
          %get3A_1327 = tpu.vector_load %arg7[%get3A_1325, %get3A_1326] {strides = array<i32>} : memref<512x64xf32, #tpu.memory_space<vmem>>, vector<16xf32>,
          %add3A_1328 = arith.addf %while3A_1317, %get3A_1327 : vector<16xf32>
          %get3A_1329 = arith.index_cast %sub3A_1320 : i32 to index
          %get3A_1330 = arith.constant 32 : index
          %get3A_1331 = tpu.vector_load %arg7[%get3A_1329, %get3A_1330] {strides = array<i32>} : memref<512x64xf32, #tpu.memory_space<vmem>>, vector<16xf32>,
          %add3A_1332 = arith.addf %while3A_1318, %get3A_1331 : vector<16xf32>
          %get3A_1333 = arith.index_cast %sub3A_1320 : i32 to index
          %get3A_1334 = arith.constant 48 : index
          %get3A_1335 = tpu.vector_load %arg7[%get3A_1333, %get3A_1334] {strides = array<i32>} : memref<512x64xf32, #tpu.memory_space<vmem>>, vector<16xf32>,
          %add3A_1336 = arith.addf %while3A_1319, %get3A_1335 : vector<16xf32>
          scf.yield %add3A_1324, %add3A_1328, %add3A_1332, %add3A_1336 : vector<16xf32>, vector<16xf32>, vector<16xf32>, vector<16xf32>
        }
        %while3A_577 = arith.constant 1 : i32
        %while3A_578:4 = scf.for %while3A_1315 = %while3A_574 to %while3A_570 step %while3A_577 iter_args(%while3A_1316 = %while3A_576#0, %while3A_1317 = %while3A_576#1, %while3A_1318 = %while3A_576#2, %while3A_1319 = %while3A_576#3) -> (vector<16xf32>, vector<16xf32>, vector<16xf32>, vector<16xf32>)  : i32 {
          %sub3A_1320 = arith.subi %while3A_1315, %mul3A_518 : i32
          %get3A_1321 = arith.index_cast %sub3A_1320 : i32 to index
          %get3A_1322 = arith.constant 0 : index
          %get3A_1323 = tpu.vector_load %arg7[%get3A_1321, %get3A_1322] {strides = array<i32>} : memref<512x64xf32, #tpu.memory_space<vmem>>, vector<16xf32>,
          %add3A_1324 = arith.addf %while3A_1316, %get3A_1323 : vector<16xf32>
          %get3A_1325 = arith.index_cast %sub3A_1320 : i32 to index
          %get3A_1326 = arith.constant 16 : index
          %get3A_1327 = tpu.vector_load %arg7[%get3A_1325, %get3A_1326] {strides = array<i32>} : memref<512x64xf32, #tpu.memory_space<vmem>>, vector<16xf32>,
          %add3A_1328 = arith.addf %while3A_1317, %get3A_1327 : vector<16xf32>
          %get3A_1329 = arith.index_cast %sub3A_1320 : i32 to index
          %get3A_1330 = arith.constant 32 : index
          %get3A_1331 = tpu.vector_load %arg7[%get3A_1329, %get3A_1330] {strides = array<i32>} : memref<512x64xf32, #tpu.memory_space<vmem>>, vector<16xf32>,
          %add3A_1332 = arith.addf %while3A_1318, %get3A_1331 : vector<16xf32>
          %get3A_1333 = arith.index_cast %sub3A_1320 : i32 to index
          %get3A_1334 = arith.constant 48 : index
          %get3A_1335 = tpu.vector_load %arg7[%get3A_1333, %get3A_1334] {strides = array<i32>} : memref<512x64xf32, #tpu.memory_space<vmem>>, vector<16xf32>,
          %add3A_1336 = arith.addf %while3A_1319, %get3A_1335 : vector<16xf32>
          scf.yield %add3A_1324, %add3A_1328, %add3A_1332, %add3A_1336 : vector<16xf32>, vector<16xf32>, vector<16xf32>, vector<16xf32>
        }
        %get3A_579 = arith.constant 1 : i32
        %get3A_580 = arith.index_cast %get3A_579 : i32 to index
        %get3A_581 = arith.constant 0 : index
        %get3A_582 = tpu.vector_load %arg8[%get3A_580, %get3A_581] {strides = array<i32>} : memref<16x64xf32, #tpu.memory_space<vmem>>, vector<16xf32>,
        %add3A_583 = arith.addf %get3A_582, %while3A_578#0 : vector<16xf32>
        %swap3A_584 = arith.constant 1 : i32
        %swap3A_585 = arith.index_cast %swap3A_584 : i32 to index
        %swap3A_586 = arith.constant 0 : index
        %swap3A_587 = tpu.vector_load %arg8[%swap3A_585, %swap3A_586] {strides = array<i32>} : memref<16x64xf32, #tpu.memory_space<vmem>>, vector<16xf32>,
        tpu.vector_store %arg8[%swap3A_585, %swap3A_586], %add3A_583 {strides = array<i32>} : memref<16x64xf32, #tpu.memory_space<vmem>>, vector<16xf32>,
        %get3A_588 = arith.constant 1 : i32
        %get3A_589 = arith.index_cast %get3A_588 : i32 to index
        %get3A_590 = arith.constant 16 : index
        %get3A_591 = tpu.vector_load %arg8[%get3A_589, %get3A_590] {strides = array<i32>} : memref<16x64xf32, #tpu.memory_space<vmem>>, vector<16xf32>,
        %add3A_592 = arith.addf %get3A_591, %while3A_578#1 : vector<16xf32>
        %swap3A_593 = arith.constant 1 : i32
        %swap3A_594 = arith.index_cast %swap3A_593 : i32 to index
        %swap3A_595 = arith.constant 16 : index
        %swap3A_596 = tpu.vector_load %arg8[%swap3A_594, %swap3A_595] {strides = array<i32>} : memref<16x64xf32, #tpu.memory_space<vmem>>, vector<16xf32>,
        tpu.vector_store %arg8[%swap3A_594, %swap3A_595], %add3A_592 {strides = array<i32>} : memref<16x64xf32, #tpu.memory_space<vmem>>, vector<16xf32>,
        %get3A_597 = arith.constant 1 : i32
        %get3A_598 = arith.index_cast %get3A_597 : i32 to index
        %get3A_599 = arith.constant 32 : index
        %get3A_600 = tpu.vector_load %arg8[%get3A_598, %get3A_599] {strides = array<i32>} : memref<16x64xf32, #tpu.memory_space<vmem>>, vector<16xf32>,
        %add3A_601 = arith.addf %get3A_600, %while3A_578#2 : vector<16xf32>
        %swap3A_602 = arith.constant 1 : i32
        %swap3A_603 = arith.index_cast %swap3A_602 : i32 to index
        %swap3A_604 = arith.constant 32 : index
        %swap3A_605 = tpu.vector_load %arg8[%swap3A_603, %swap3A_604] {strides = array<i32>} : memref<16x64xf32, #tpu.memory_space<vmem>>, vector<16xf32>,
        tpu.vector_store %arg8[%swap3A_603, %swap3A_604], %add3A_601 {strides = array<i32>} : memref<16x64xf32, #tpu.memory_space<vmem>>, vector<16xf32>,
        %get3A_606 = arith.constant 1 : i32
        %get3A_607 = arith.index_cast %get3A_606 : i32 to index
        %get3A_608 = arith.constant 48 : index
        %get3A_609 = tpu.vector_load %arg8[%get3A_607, %get3A_608] {strides = array<i32>} : memref<16x64xf32, #tpu.memory_space<vmem>>, vector<16xf32>,
        %add3A_610 = arith.addf %get3A_609, %while3A_578#3 : vector<16xf32>
        %swap3A_611 = arith.constant 1 : i32
        %swap3A_612 = arith.index_cast %swap3A_611 : i32 to index
        %swap3A_613 = arith.constant 48 : index
        %swap3A_614 = tpu.vector_load %arg8[%swap3A_612, %swap3A_613] {strides = array<i32>} : memref<16x64xf32, #tpu.memory_space<vmem>>, vector<16xf32>,
        tpu.vector_store %arg8[%swap3A_612, %swap3A_613], %add3A_610 {strides = array<i32>} : memref<16x64xf32, #tpu.memory_space<vmem>>, vector<16xf32>,
        %max3A_615 = arith.maxsi %reduce_sum3A_296, %mul3A_518 : i32
        %add3A_616 = arith.constant 512 : i32
        %add3A_617 = arith.addi %mul3A_518, %add3A_616 : i32
        %min3A_618 = arith.minsi %reduce_sum3A_306, %add3A_617 : i32
        %while3A_619 = arith.subi %min3A_618, %max3A_615 : i32
        %while3A_620 = arith.addi %max3A_615, %while3A_619 : i32
        %while3A_621 = arith.constant 1 : i32
        %while3A_622 = arith.divsi %while3A_619, %while3A_621 : i32
        %while3A_623 = arith.muli %while3A_622, %while3A_621 : i32
        %while3A_624 = arith.addi %max3A_615, %while3A_623 : i32
        %while3A_625 = arith.constant 1 : i32
        %while3A_626:4 = scf.for %while3A_1315 = %max3A_615 to %while3A_624 step %while3A_625 iter_args(%while3A_1316 = %broadcast_in_dim3A_6, %while3A_1317 = %broadcast_in_dim3A_6, %while3A_1318 = %broadcast_in_dim3A_6, %while3A_1319 = %broadcast_in_dim3A_6) -> (vector<16xf32>, vector<16xf32>, vector<16xf32>, vector<16xf32>)  : i32 {
          %sub3A_1320 = arith.subi %while3A_1315, %mul3A_518 : i32
          %get3A_1321 = arith.index_cast %sub3A_1320 : i32 to index
          %get3A_1322 = arith.constant 0 : index
          %get3A_1323 = tpu.vector_load %arg7[%get3A_1321, %get3A_1322] {strides = array<i32>} : memref<512x64xf32, #tpu.memory_space<vmem>>, vector<16xf32>,
          %add3A_1324 = arith.addf %while3A_1316, %get3A_1323 : vector<16xf32>
          %get3A_1325 = arith.index_cast %sub3A_1320 : i32 to index
          %get3A_1326 = arith.constant 16 : index
          %get3A_1327 = tpu.vector_load %arg7[%get3A_1325, %get3A_1326] {strides = array<i32>} : memref<512x64xf32, #tpu.memory_space<vmem>>, vector<16xf32>,
          %add3A_1328 = arith.addf %while3A_1317, %get3A_1327 : vector<16xf32>
          %get3A_1329 = arith.index_cast %sub3A_1320 : i32 to index
          %get3A_1330 = arith.constant 32 : index
          %get3A_1331 = tpu.vector_load %arg7[%get3A_1329, %get3A_1330] {strides = array<i32>} : memref<512x64xf32, #tpu.memory_space<vmem>>, vector<16xf32>,
          %add3A_1332 = arith.addf %while3A_1318, %get3A_1331 : vector<16xf32>
          %get3A_1333 = arith.index_cast %sub3A_1320 : i32 to index
          %get3A_1334 = arith.constant 48 : index
          %get3A_1335 = tpu.vector_load %arg7[%get3A_1333, %get3A_1334] {strides = array<i32>} : memref<512x64xf32, #tpu.memory_space<vmem>>, vector<16xf32>,
          %add3A_1336 = arith.addf %while3A_1319, %get3A_1335 : vector<16xf32>
          scf.yield %add3A_1324, %add3A_1328, %add3A_1332, %add3A_1336 : vector<16xf32>, vector<16xf32>, vector<16xf32>, vector<16xf32>
        }
        %while3A_627 = arith.constant 1 : i32
        %while3A_628:4 = scf.for %while3A_1315 = %while3A_624 to %while3A_620 step %while3A_627 iter_args(%while3A_1316 = %while3A_626#0, %while3A_1317 = %while3A_626#1, %while3A_1318 = %while3A_626#2, %while3A_1319 = %while3A_626#3) -> (vector<16xf32>, vector<16xf32>, vector<16xf32>, vector<16xf32>)  : i32 {
          %sub3A_1320 = arith.subi %while3A_1315, %mul3A_518 : i32
          %get3A_1321 = arith.index_cast %sub3A_1320 : i32 to index
          %get3A_1322 = arith.constant 0 : index
          %get3A_1323 = tpu.vector_load %arg7[%get3A_1321, %get3A_1322] {strides = array<i32>} : memref<512x64xf32, #tpu.memory_space<vmem>>, vector<16xf32>,
          %add3A_1324 = arith.addf %while3A_1316, %get3A_1323 : vector<16xf32>
          %get3A_1325 = arith.index_cast %sub3A_1320 : i32 to index
          %get3A_1326 = arith.constant 16 : index
          %get3A_1327 = tpu.vector_load %arg7[%get3A_1325, %get3A_1326] {strides = array<i32>} : memref<512x64xf32, #tpu.memory_space<vmem>>, vector<16xf32>,
          %add3A_1328 = arith.addf %while3A_1317, %get3A_1327 : vector<16xf32>
          %get3A_1329 = arith.index_cast %sub3A_1320 : i32 to index
          %get3A_1330 = arith.constant 32 : index
          %get3A_1331 = tpu.vector_load %arg7[%get3A_1329, %get3A_1330] {strides = array<i32>} : memref<512x64xf32, #tpu.memory_space<vmem>>, vector<16xf32>,
          %add3A_1332 = arith.addf %while3A_1318, %get3A_1331 : vector<16xf32>
          %get3A_1333 = arith.index_cast %sub3A_1320 : i32 to index
          %get3A_1334 = arith.constant 48 : index
          %get3A_1335 = tpu.vector_load %arg7[%get3A_1333, %get3A_1334] {strides = array<i32>} : memref<512x64xf32, #tpu.memory_space<vmem>>, vector<16xf32>,
          %add3A_1336 = arith.addf %while3A_1319, %get3A_1335 : vector<16xf32>
          scf.yield %add3A_1324, %add3A_1328, %add3A_1332, %add3A_1336 : vector<16xf32>, vector<16xf32>, vector<16xf32>, vector<16xf32>
        }
        %get3A_629 = arith.constant 2 : i32
        %get3A_630 = arith.index_cast %get3A_629 : i32 to index
        %get3A_631 = arith.constant 0 : index
        %get3A_632 = tpu.vector_load %arg8[%get3A_630, %get3A_631] {strides = array<i32>} : memref<16x64xf32, #tpu.memory_space<vmem>>, vector<16xf32>,
        %add3A_633 = arith.addf %get3A_632, %while3A_628#0 : vector<16xf32>
        %swap3A_634 = arith.constant 2 : i32
        %swap3A_635 = arith.index_cast %swap3A_634 : i32 to index
        %swap3A_636 = arith.constant 0 : index
        %swap3A_637 = tpu.vector_load %arg8[%swap3A_635, %swap3A_636] {strides = array<i32>} : memref<16x64xf32, #tpu.memory_space<vmem>>, vector<16xf32>,
        tpu.vector_store %arg8[%swap3A_635, %swap3A_636], %add3A_633 {strides = array<i32>} : memref<16x64xf32, #tpu.memory_space<vmem>>, vector<16xf32>,
        %get3A_638 = arith.constant 2 : i32
        %get3A_639 = arith.index_cast %get3A_638 : i32 to index
        %get3A_640 = arith.constant 16 : index
        %get3A_641 = tpu.vector_load %arg8[%get3A_639, %get3A_640] {strides = array<i32>} : memref<16x64xf32, #tpu.memory_space<vmem>>, vector<16xf32>,
        %add3A_642 = arith.addf %get3A_641, %while3A_628#1 : vector<16xf32>
        %swap3A_643 = arith.constant 2 : i32
        %swap3A_644 = arith.index_cast %swap3A_643 : i32 to index
        %swap3A_645 = arith.constant 16 : index
        %swap3A_646 = tpu.vector_load %arg8[%swap3A_644, %swap3A_645] {strides = array<i32>} : memref<16x64xf32, #tpu.memory_space<vmem>>, vector<16xf32>,
        tpu.vector_store %arg8[%swap3A_644, %swap3A_645], %add3A_642 {strides = array<i32>} : memref<16x64xf32, #tpu.memory_space<vmem>>, vector<16xf32>,
        %get3A_647 = arith.constant 2 : i32
        %get3A_648 = arith.index_cast %get3A_647 : i32 to index
        %get3A_649 = arith.constant 32 : index
        %get3A_650 = tpu.vector_load %arg8[%get3A_648, %get3A_649] {strides = array<i32>} : memref<16x64xf32, #tpu.memory_space<vmem>>, vector<16xf32>,
        %add3A_651 = arith.addf %get3A_650, %while3A_628#2 : vector<16xf32>
        %swap3A_652 = arith.constant 2 : i32
        %swap3A_653 = arith.index_cast %swap3A_652 : i32 to index
        %swap3A_654 = arith.constant 32 : index
        %swap3A_655 = tpu.vector_load %arg8[%swap3A_653, %swap3A_654] {strides = array<i32>} : memref<16x64xf32, #tpu.memory_space<vmem>>, vector<16xf32>,
        tpu.vector_store %arg8[%swap3A_653, %swap3A_654], %add3A_651 {strides = array<i32>} : memref<16x64xf32, #tpu.memory_space<vmem>>, vector<16xf32>,
        %get3A_656 = arith.constant 2 : i32
        %get3A_657 = arith.index_cast %get3A_656 : i32 to index
        %get3A_658 = arith.constant 48 : index
        %get3A_659 = tpu.vector_load %arg8[%get3A_657, %get3A_658] {strides = array<i32>} : memref<16x64xf32, #tpu.memory_space<vmem>>, vector<16xf32>,
        %add3A_660 = arith.addf %get3A_659, %while3A_628#3 : vector<16xf32>
        %swap3A_661 = arith.constant 2 : i32
        %swap3A_662 = arith.index_cast %swap3A_661 : i32 to index
        %swap3A_663 = arith.constant 48 : index
        %swap3A_664 = tpu.vector_load %arg8[%swap3A_662, %swap3A_663] {strides = array<i32>} : memref<16x64xf32, #tpu.memory_space<vmem>>, vector<16xf32>,
        tpu.vector_store %arg8[%swap3A_662, %swap3A_663], %add3A_660 {strides = array<i32>} : memref<16x64xf32, #tpu.memory_space<vmem>>, vector<16xf32>,
        %max3A_665 = arith.maxsi %reduce_sum3A_306, %mul3A_518 : i32
        %add3A_666 = arith.constant 512 : i32
        %add3A_667 = arith.addi %mul3A_518, %add3A_666 : i32
        %min3A_668 = arith.minsi %reduce_sum3A_316, %add3A_667 : i32
        %while3A_669 = arith.subi %min3A_668, %max3A_665 : i32
        %while3A_670 = arith.addi %max3A_665, %while3A_669 : i32
        %while3A_671 = arith.constant 1 : i32
        %while3A_672 = arith.divsi %while3A_669, %while3A_671 : i32
        %while3A_673 = arith.muli %while3A_672, %while3A_671 : i32
        %while3A_674 = arith.addi %max3A_665, %while3A_673 : i32
        %while3A_675 = arith.constant 1 : i32
        %while3A_676:4 = scf.for %while3A_1315 = %max3A_665 to %while3A_674 step %while3A_675 iter_args(%while3A_1316 = %broadcast_in_dim3A_6, %while3A_1317 = %broadcast_in_dim3A_6, %while3A_1318 = %broadcast_in_dim3A_6, %while3A_1319 = %broadcast_in_dim3A_6) -> (vector<16xf32>, vector<16xf32>, vector<16xf32>, vector<16xf32>)  : i32 {
          %sub3A_1320 = arith.subi %while3A_1315, %mul3A_518 : i32
          %get3A_1321 = arith.index_cast %sub3A_1320 : i32 to index
          %get3A_1322 = arith.constant 0 : index
          %get3A_1323 = tpu.vector_load %arg7[%get3A_1321, %get3A_1322] {strides = array<i32>} : memref<512x64xf32, #tpu.memory_space<vmem>>, vector<16xf32>,
          %add3A_1324 = arith.addf %while3A_1316, %get3A_1323 : vector<16xf32>
          %get3A_1325 = arith.index_cast %sub3A_1320 : i32 to index
          %get3A_1326 = arith.constant 16 : index
          %get3A_1327 = tpu.vector_load %arg7[%get3A_1325, %get3A_1326] {strides = array<i32>} : memref<512x64xf32, #tpu.memory_space<vmem>>, vector<16xf32>,
          %add3A_1328 = arith.addf %while3A_1317, %get3A_1327 : vector<16xf32>
          %get3A_1329 = arith.index_cast %sub3A_1320 : i32 to index
          %get3A_1330 = arith.constant 32 : index
          %get3A_1331 = tpu.vector_load %arg7[%get3A_1329, %get3A_1330] {strides = array<i32>} : memref<512x64xf32, #tpu.memory_space<vmem>>, vector<16xf32>,
          %add3A_1332 = arith.addf %while3A_1318, %get3A_1331 : vector<16xf32>
          %get3A_1333 = arith.index_cast %sub3A_1320 : i32 to index
          %get3A_1334 = arith.constant 48 : index
          %get3A_1335 = tpu.vector_load %arg7[%get3A_1333, %get3A_1334] {strides = array<i32>} : memref<512x64xf32, #tpu.memory_space<vmem>>, vector<16xf32>,
          %add3A_1336 = arith.addf %while3A_1319, %get3A_1335 : vector<16xf32>
          scf.yield %add3A_1324, %add3A_1328, %add3A_1332, %add3A_1336 : vector<16xf32>, vector<16xf32>, vector<16xf32>, vector<16xf32>
        }
        %while3A_677 = arith.constant 1 : i32
        %while3A_678:4 = scf.for %while3A_1315 = %while3A_674 to %while3A_670 step %while3A_677 iter_args(%while3A_1316 = %while3A_676#0, %while3A_1317 = %while3A_676#1, %while3A_1318 = %while3A_676#2, %while3A_1319 = %while3A_676#3) -> (vector<16xf32>, vector<16xf32>, vector<16xf32>, vector<16xf32>)  : i32 {
          %sub3A_1320 = arith.subi %while3A_1315, %mul3A_518 : i32
          %get3A_1321 = arith.index_cast %sub3A_1320 : i32 to index
          %get3A_1322 = arith.constant 0 : index
          %get3A_1323 = tpu.vector_load %arg7[%get3A_1321, %get3A_1322] {strides = array<i32>} : memref<512x64xf32, #tpu.memory_space<vmem>>, vector<16xf32>,
          %add3A_1324 = arith.addf %while3A_1316, %get3A_1323 : vector<16xf32>
          %get3A_1325 = arith.index_cast %sub3A_1320 : i32 to index
          %get3A_1326 = arith.constant 16 : index
          %get3A_1327 = tpu.vector_load %arg7[%get3A_1325, %get3A_1326] {strides = array<i32>} : memref<512x64xf32, #tpu.memory_space<vmem>>, vector<16xf32>,
          %add3A_1328 = arith.addf %while3A_1317, %get3A_1327 : vector<16xf32>
          %get3A_1329 = arith.index_cast %sub3A_1320 : i32 to index
          %get3A_1330 = arith.constant 32 : index
          %get3A_1331 = tpu.vector_load %arg7[%get3A_1329, %get3A_1330] {strides = array<i32>} : memref<512x64xf32, #tpu.memory_space<vmem>>, vector<16xf32>,
          %add3A_1332 = arith.addf %while3A_1318, %get3A_1331 : vector<16xf32>
          %get3A_1333 = arith.index_cast %sub3A_1320 : i32 to index
          %get3A_1334 = arith.constant 48 : index
          %get3A_1335 = tpu.vector_load %arg7[%get3A_1333, %get3A_1334] {strides = array<i32>} : memref<512x64xf32, #tpu.memory_space<vmem>>, vector<16xf32>,
          %add3A_1336 = arith.addf %while3A_1319, %get3A_1335 : vector<16xf32>
          scf.yield %add3A_1324, %add3A_1328, %add3A_1332, %add3A_1336 : vector<16xf32>, vector<16xf32>, vector<16xf32>, vector<16xf32>
        }
        %get3A_679 = arith.constant 3 : i32
        %get3A_680 = arith.index_cast %get3A_679 : i32 to index
        %get3A_681 = arith.constant 0 : index
        %get3A_682 = tpu.vector_load %arg8[%get3A_680, %get3A_681] {strides = array<i32>} : memref<16x64xf32, #tpu.memory_space<vmem>>, vector<16xf32>,
        %add3A_683 = arith.addf %get3A_682, %while3A_678#0 : vector<16xf32>
        %swap3A_684 = arith.constant 3 : i32
        %swap3A_685 = arith.index_cast %swap3A_684 : i32 to index
        %swap3A_686 = arith.constant 0 : index
        %swap3A_687 = tpu.vector_load %arg8[%swap3A_685, %swap3A_686] {strides = array<i32>} : memref<16x64xf32, #tpu.memory_space<vmem>>, vector<16xf32>,
        tpu.vector_store %arg8[%swap3A_685, %swap3A_686], %add3A_683 {strides = array<i32>} : memref<16x64xf32, #tpu.memory_space<vmem>>, vector<16xf32>,
        %get3A_688 = arith.constant 3 : i32
        %get3A_689 = arith.index_cast %get3A_688 : i32 to index
        %get3A_690 = arith.constant 16 : index
        %get3A_691 = tpu.vector_load %arg8[%get3A_689, %get3A_690] {strides = array<i32>} : memref<16x64xf32, #tpu.memory_space<vmem>>, vector<16xf32>,
        %add3A_692 = arith.addf %get3A_691, %while3A_678#1 : vector<16xf32>
        %swap3A_693 = arith.constant 3 : i32
        %swap3A_694 = arith.index_cast %swap3A_693 : i32 to index
        %swap3A_695 = arith.constant 16 : index
        %swap3A_696 = tpu.vector_load %arg8[%swap3A_694, %swap3A_695] {strides = array<i32>} : memref<16x64xf32, #tpu.memory_space<vmem>>, vector<16xf32>,
        tpu.vector_store %arg8[%swap3A_694, %swap3A_695], %add3A_692 {strides = array<i32>} : memref<16x64xf32, #tpu.memory_space<vmem>>, vector<16xf32>,
        %get3A_697 = arith.constant 3 : i32
        %get3A_698 = arith.index_cast %get3A_697 : i32 to index
        %get3A_699 = arith.constant 32 : index
        %get3A_700 = tpu.vector_load %arg8[%get3A_698, %get3A_699] {strides = array<i32>} : memref<16x64xf32, #tpu.memory_space<vmem>>, vector<16xf32>,
        %add3A_701 = arith.addf %get3A_700, %while3A_678#2 : vector<16xf32>
        %swap3A_702 = arith.constant 3 : i32
        %swap3A_703 = arith.index_cast %swap3A_702 : i32 to index
        %swap3A_704 = arith.constant 32 : index
        %swap3A_705 = tpu.vector_load %arg8[%swap3A_703, %swap3A_704] {strides = array<i32>} : memref<16x64xf32, #tpu.memory_space<vmem>>, vector<16xf32>,
        tpu.vector_store %arg8[%swap3A_703, %swap3A_704], %add3A_701 {strides = array<i32>} : memref<16x64xf32, #tpu.memory_space<vmem>>, vector<16xf32>,
        %get3A_706 = arith.constant 3 : i32
        %get3A_707 = arith.index_cast %get3A_706 : i32 to index
        %get3A_708 = arith.constant 48 : index
        %get3A_709 = tpu.vector_load %arg8[%get3A_707, %get3A_708] {strides = array<i32>} : memref<16x64xf32, #tpu.memory_space<vmem>>, vector<16xf32>,
        %add3A_710 = arith.addf %get3A_709, %while3A_678#3 : vector<16xf32>
        %swap3A_711 = arith.constant 3 : i32
        %swap3A_712 = arith.index_cast %swap3A_711 : i32 to index
        %swap3A_713 = arith.constant 48 : index
        %swap3A_714 = tpu.vector_load %arg8[%swap3A_712, %swap3A_713] {strides = array<i32>} : memref<16x64xf32, #tpu.memory_space<vmem>>, vector<16xf32>,
        tpu.vector_store %arg8[%swap3A_712, %swap3A_713], %add3A_710 {strides = array<i32>} : memref<16x64xf32, #tpu.memory_space<vmem>>, vector<16xf32>,
        %max3A_715 = arith.maxsi %reduce_sum3A_316, %mul3A_518 : i32
        %add3A_716 = arith.constant 512 : i32
        %add3A_717 = arith.addi %mul3A_518, %add3A_716 : i32
        %min3A_718 = arith.minsi %reduce_sum3A_326, %add3A_717 : i32
        %while3A_719 = arith.subi %min3A_718, %max3A_715 : i32
        %while3A_720 = arith.addi %max3A_715, %while3A_719 : i32
        %while3A_721 = arith.constant 1 : i32
        %while3A_722 = arith.divsi %while3A_719, %while3A_721 : i32
        %while3A_723 = arith.muli %while3A_722, %while3A_721 : i32
        %while3A_724 = arith.addi %max3A_715, %while3A_723 : i32
        %while3A_725 = arith.constant 1 : i32
        %while3A_726:4 = scf.for %while3A_1315 = %max3A_715 to %while3A_724 step %while3A_725 iter_args(%while3A_1316 = %broadcast_in_dim3A_6, %while3A_1317 = %broadcast_in_dim3A_6, %while3A_1318 = %broadcast_in_dim3A_6, %while3A_1319 = %broadcast_in_dim3A_6) -> (vector<16xf32>, vector<16xf32>, vector<16xf32>, vector<16xf32>)  : i32 {
          %sub3A_1320 = arith.subi %while3A_1315, %mul3A_518 : i32
          %get3A_1321 = arith.index_cast %sub3A_1320 : i32 to index
          %get3A_1322 = arith.constant 0 : index
          %get3A_1323 = tpu.vector_load %arg7[%get3A_1321, %get3A_1322] {strides = array<i32>} : memref<512x64xf32, #tpu.memory_space<vmem>>, vector<16xf32>,
          %add3A_1324 = arith.addf %while3A_1316, %get3A_1323 : vector<16xf32>
          %get3A_1325 = arith.index_cast %sub3A_1320 : i32 to index
          %get3A_1326 = arith.constant 16 : index
          %get3A_1327 = tpu.vector_load %arg7[%get3A_1325, %get3A_1326] {strides = array<i32>} : memref<512x64xf32, #tpu.memory_space<vmem>>, vector<16xf32>,
          %add3A_1328 = arith.addf %while3A_1317, %get3A_1327 : vector<16xf32>
          %get3A_1329 = arith.index_cast %sub3A_1320 : i32 to index
          %get3A_1330 = arith.constant 32 : index
          %get3A_1331 = tpu.vector_load %arg7[%get3A_1329, %get3A_1330] {strides = array<i32>} : memref<512x64xf32, #tpu.memory_space<vmem>>, vector<16xf32>,
          %add3A_1332 = arith.addf %while3A_1318, %get3A_1331 : vector<16xf32>
          %get3A_1333 = arith.index_cast %sub3A_1320 : i32 to index
          %get3A_1334 = arith.constant 48 : index
          %get3A_1335 = tpu.vector_load %arg7[%get3A_1333, %get3A_1334] {strides = array<i32>} : memref<512x64xf32, #tpu.memory_space<vmem>>, vector<16xf32>,
          %add3A_1336 = arith.addf %while3A_1319, %get3A_1335 : vector<16xf32>
          scf.yield %add3A_1324, %add3A_1328, %add3A_1332, %add3A_1336 : vector<16xf32>, vector<16xf32>, vector<16xf32>, vector<16xf32>
        }
        %while3A_727 = arith.constant 1 : i32
        %while3A_728:4 = scf.for %while3A_1315 = %while3A_724 to %while3A_720 step %while3A_727 iter_args(%while3A_1316 = %while3A_726#0, %while3A_1317 = %while3A_726#1, %while3A_1318 = %while3A_726#2, %while3A_1319 = %while3A_726#3) -> (vector<16xf32>, vector<16xf32>, vector<16xf32>, vector<16xf32>)  : i32 {
          %sub3A_1320 = arith.subi %while3A_1315, %mul3A_518 : i32
          %get3A_1321 = arith.index_cast %sub3A_1320 : i32 to index
          %get3A_1322 = arith.constant 0 : index
          %get3A_1323 = tpu.vector_load %arg7[%get3A_1321, %get3A_1322] {strides = array<i32>} : memref<512x64xf32, #tpu.memory_space<vmem>>, vector<16xf32>,
          %add3A_1324 = arith.addf %while3A_1316, %get3A_1323 : vector<16xf32>
          %get3A_1325 = arith.index_cast %sub3A_1320 : i32 to index
          %get3A_1326 = arith.constant 16 : index
          %get3A_1327 = tpu.vector_load %arg7[%get3A_1325, %get3A_1326] {strides = array<i32>} : memref<512x64xf32, #tpu.memory_space<vmem>>, vector<16xf32>,
          %add3A_1328 = arith.addf %while3A_1317, %get3A_1327 : vector<16xf32>
          %get3A_1329 = arith.index_cast %sub3A_1320 : i32 to index
          %get3A_1330 = arith.constant 32 : index
          %get3A_1331 = tpu.vector_load %arg7[%get3A_1329, %get3A_1330] {strides = array<i32>} : memref<512x64xf32, #tpu.memory_space<vmem>>, vector<16xf32>,
          %add3A_1332 = arith.addf %while3A_1318, %get3A_1331 : vector<16xf32>
          %get3A_1333 = arith.index_cast %sub3A_1320 : i32 to index
          %get3A_1334 = arith.constant 48 : index
          %get3A_1335 = tpu.vector_load %arg7[%get3A_1333, %get3A_1334] {strides = array<i32>} : memref<512x64xf32, #tpu.memory_space<vmem>>, vector<16xf32>,
          %add3A_1336 = arith.addf %while3A_1319, %get3A_1335 : vector<16xf32>
          scf.yield %add3A_1324, %add3A_1328, %add3A_1332, %add3A_1336 : vector<16xf32>, vector<16xf32>, vector<16xf32>, vector<16xf32>
        }
        %get3A_729 = arith.constant 4 : i32
        %get3A_730 = arith.index_cast %get3A_729 : i32 to index
        %get3A_731 = arith.constant 0 : index
        %get3A_732 = tpu.vector_load %arg8[%get3A_730, %get3A_731] {strides = array<i32>} : memref<16x64xf32, #tpu.memory_space<vmem>>, vector<16xf32>,
        %add3A_733 = arith.addf %get3A_732, %while3A_728#0 : vector<16xf32>
        %swap3A_734 = arith.constant 4 : i32
        %swap3A_735 = arith.index_cast %swap3A_734 : i32 to index
        %swap3A_736 = arith.constant 0 : index
        %swap3A_737 = tpu.vector_load %arg8[%swap3A_735, %swap3A_736] {strides = array<i32>} : memref<16x64xf32, #tpu.memory_space<vmem>>, vector<16xf32>,
        tpu.vector_store %arg8[%swap3A_735, %swap3A_736], %add3A_733 {strides = array<i32>} : memref<16x64xf32, #tpu.memory_space<vmem>>, vector<16xf32>,
        %get3A_738 = arith.constant 4 : i32
        %get3A_739 = arith.index_cast %get3A_738 : i32 to index
        %get3A_740 = arith.constant 16 : index
        %get3A_741 = tpu.vector_load %arg8[%get3A_739, %get3A_740] {strides = array<i32>} : memref<16x64xf32, #tpu.memory_space<vmem>>, vector<16xf32>,
        %add3A_742 = arith.addf %get3A_741, %while3A_728#1 : vector<16xf32>
        %swap3A_743 = arith.constant 4 : i32
        %swap3A_744 = arith.index_cast %swap3A_743 : i32 to index
        %swap3A_745 = arith.constant 16 : index
        %swap3A_746 = tpu.vector_load %arg8[%swap3A_744, %swap3A_745] {strides = array<i32>} : memref<16x64xf32, #tpu.memory_space<vmem>>, vector<16xf32>,
        tpu.vector_store %arg8[%swap3A_744, %swap3A_745], %add3A_742 {strides = array<i32>} : memref<16x64xf32, #tpu.memory_space<vmem>>, vector<16xf32>,
        %get3A_747 = arith.constant 4 : i32
        %get3A_748 = arith.index_cast %get3A_747 : i32 to index
        %get3A_749 = arith.constant 32 : index
        %get3A_750 = tpu.vector_load %arg8[%get3A_748, %get3A_749] {strides = array<i32>} : memref<16x64xf32, #tpu.memory_space<vmem>>, vector<16xf32>,
        %add3A_751 = arith.addf %get3A_750, %while3A_728#2 : vector<16xf32>
        %swap3A_752 = arith.constant 4 : i32
        %swap3A_753 = arith.index_cast %swap3A_752 : i32 to index
        %swap3A_754 = arith.constant 32 : index
        %swap3A_755 = tpu.vector_load %arg8[%swap3A_753, %swap3A_754] {strides = array<i32>} : memref<16x64xf32, #tpu.memory_space<vmem>>, vector<16xf32>,
        tpu.vector_store %arg8[%swap3A_753, %swap3A_754], %add3A_751 {strides = array<i32>} : memref<16x64xf32, #tpu.memory_space<vmem>>, vector<16xf32>,
        %get3A_756 = arith.constant 4 : i32
        %get3A_757 = arith.index_cast %get3A_756 : i32 to index
        %get3A_758 = arith.constant 48 : index
        %get3A_759 = tpu.vector_load %arg8[%get3A_757, %get3A_758] {strides = array<i32>} : memref<16x64xf32, #tpu.memory_space<vmem>>, vector<16xf32>,
        %add3A_760 = arith.addf %get3A_759, %while3A_728#3 : vector<16xf32>
        %swap3A_761 = arith.constant 4 : i32
        %swap3A_762 = arith.index_cast %swap3A_761 : i32 to index
        %swap3A_763 = arith.constant 48 : index
        %swap3A_764 = tpu.vector_load %arg8[%swap3A_762, %swap3A_763] {strides = array<i32>} : memref<16x64xf32, #tpu.memory_space<vmem>>, vector<16xf32>,
        tpu.vector_store %arg8[%swap3A_762, %swap3A_763], %add3A_760 {strides = array<i32>} : memref<16x64xf32, #tpu.memory_space<vmem>>, vector<16xf32>,
        %max3A_765 = arith.maxsi %reduce_sum3A_326, %mul3A_518 : i32
        %add3A_766 = arith.constant 512 : i32
        %add3A_767 = arith.addi %mul3A_518, %add3A_766 : i32
        %min3A_768 = arith.minsi %reduce_sum3A_336, %add3A_767 : i32
        %while3A_769 = arith.subi %min3A_768, %max3A_765 : i32
        %while3A_770 = arith.addi %max3A_765, %while3A_769 : i32
        %while3A_771 = arith.constant 1 : i32
        %while3A_772 = arith.divsi %while3A_769, %while3A_771 : i32
        %while3A_773 = arith.muli %while3A_772, %while3A_771 : i32
        %while3A_774 = arith.addi %max3A_765, %while3A_773 : i32
        %while3A_775 = arith.constant 1 : i32
        %while3A_776:4 = scf.for %while3A_1315 = %max3A_765 to %while3A_774 step %while3A_775 iter_args(%while3A_1316 = %broadcast_in_dim3A_6, %while3A_1317 = %broadcast_in_dim3A_6, %while3A_1318 = %broadcast_in_dim3A_6, %while3A_1319 = %broadcast_in_dim3A_6) -> (vector<16xf32>, vector<16xf32>, vector<16xf32>, vector<16xf32>)  : i32 {
          %sub3A_1320 = arith.subi %while3A_1315, %mul3A_518 : i32
          %get3A_1321 = arith.index_cast %sub3A_1320 : i32 to index
          %get3A_1322 = arith.constant 0 : index
          %get3A_1323 = tpu.vector_load %arg7[%get3A_1321, %get3A_1322] {strides = array<i32>} : memref<512x64xf32, #tpu.memory_space<vmem>>, vector<16xf32>,
          %add3A_1324 = arith.addf %while3A_1316, %get3A_1323 : vector<16xf32>
          %get3A_1325 = arith.index_cast %sub3A_1320 : i32 to index
          %get3A_1326 = arith.constant 16 : index
          %get3A_1327 = tpu.vector_load %arg7[%get3A_1325, %get3A_1326] {strides = array<i32>} : memref<512x64xf32, #tpu.memory_space<vmem>>, vector<16xf32>,
          %add3A_1328 = arith.addf %while3A_1317, %get3A_1327 : vector<16xf32>
          %get3A_1329 = arith.index_cast %sub3A_1320 : i32 to index
          %get3A_1330 = arith.constant 32 : index
          %get3A_1331 = tpu.vector_load %arg7[%get3A_1329, %get3A_1330] {strides = array<i32>} : memref<512x64xf32, #tpu.memory_space<vmem>>, vector<16xf32>,
          %add3A_1332 = arith.addf %while3A_1318, %get3A_1331 : vector<16xf32>
          %get3A_1333 = arith.index_cast %sub3A_1320 : i32 to index
          %get3A_1334 = arith.constant 48 : index
          %get3A_1335 = tpu.vector_load %arg7[%get3A_1333, %get3A_1334] {strides = array<i32>} : memref<512x64xf32, #tpu.memory_space<vmem>>, vector<16xf32>,
          %add3A_1336 = arith.addf %while3A_1319, %get3A_1335 : vector<16xf32>
          scf.yield %add3A_1324, %add3A_1328, %add3A_1332, %add3A_1336 : vector<16xf32>, vector<16xf32>, vector<16xf32>, vector<16xf32>
        }
        %while3A_777 = arith.constant 1 : i32
        %while3A_778:4 = scf.for %while3A_1315 = %while3A_774 to %while3A_770 step %while3A_777 iter_args(%while3A_1316 = %while3A_776#0, %while3A_1317 = %while3A_776#1, %while3A_1318 = %while3A_776#2, %while3A_1319 = %while3A_776#3) -> (vector<16xf32>, vector<16xf32>, vector<16xf32>, vector<16xf32>)  : i32 {
          %sub3A_1320 = arith.subi %while3A_1315, %mul3A_518 : i32
          %get3A_1321 = arith.index_cast %sub3A_1320 : i32 to index
          %get3A_1322 = arith.constant 0 : index
          %get3A_1323 = tpu.vector_load %arg7[%get3A_1321, %get3A_1322] {strides = array<i32>} : memref<512x64xf32, #tpu.memory_space<vmem>>, vector<16xf32>,
          %add3A_1324 = arith.addf %while3A_1316, %get3A_1323 : vector<16xf32>
          %get3A_1325 = arith.index_cast %sub3A_1320 : i32 to index
          %get3A_1326 = arith.constant 16 : index
          %get3A_1327 = tpu.vector_load %arg7[%get3A_1325, %get3A_1326] {strides = array<i32>} : memref<512x64xf32, #tpu.memory_space<vmem>>, vector<16xf32>,
          %add3A_1328 = arith.addf %while3A_1317, %get3A_1327 : vector<16xf32>
          %get3A_1329 = arith.index_cast %sub3A_1320 : i32 to index
          %get3A_1330 = arith.constant 32 : index
          %get3A_1331 = tpu.vector_load %arg7[%get3A_1329, %get3A_1330] {strides = array<i32>} : memref<512x64xf32, #tpu.memory_space<vmem>>, vector<16xf32>,
          %add3A_1332 = arith.addf %while3A_1318, %get3A_1331 : vector<16xf32>
          %get3A_1333 = arith.index_cast %sub3A_1320 : i32 to index
          %get3A_1334 = arith.constant 48 : index
          %get3A_1335 = tpu.vector_load %arg7[%get3A_1333, %get3A_1334] {strides = array<i32>} : memref<512x64xf32, #tpu.memory_space<vmem>>, vector<16xf32>,
          %add3A_1336 = arith.addf %while3A_1319, %get3A_1335 : vector<16xf32>
          scf.yield %add3A_1324, %add3A_1328, %add3A_1332, %add3A_1336 : vector<16xf32>, vector<16xf32>, vector<16xf32>, vector<16xf32>
        }
        %get3A_779 = arith.constant 5 : i32
        %get3A_780 = arith.index_cast %get3A_779 : i32 to index
        %get3A_781 = arith.constant 0 : index
        %get3A_782 = tpu.vector_load %arg8[%get3A_780, %get3A_781] {strides = array<i32>} : memref<16x64xf32, #tpu.memory_space<vmem>>, vector<16xf32>,
        %add3A_783 = arith.addf %get3A_782, %while3A_778#0 : vector<16xf32>
        %swap3A_784 = arith.constant 5 : i32
        %swap3A_785 = arith.index_cast %swap3A_784 : i32 to index
        %swap3A_786 = arith.constant 0 : index
        %swap3A_787 = tpu.vector_load %arg8[%swap3A_785, %swap3A_786] {strides = array<i32>} : memref<16x64xf32, #tpu.memory_space<vmem>>, vector<16xf32>,
        tpu.vector_store %arg8[%swap3A_785, %swap3A_786], %add3A_783 {strides = array<i32>} : memref<16x64xf32, #tpu.memory_space<vmem>>, vector<16xf32>,
        %get3A_788 = arith.constant 5 : i32
        %get3A_789 = arith.index_cast %get3A_788 : i32 to index
        %get3A_790 = arith.constant 16 : index
        %get3A_791 = tpu.vector_load %arg8[%get3A_789, %get3A_790] {strides = array<i32>} : memref<16x64xf32, #tpu.memory_space<vmem>>, vector<16xf32>,
        %add3A_792 = arith.addf %get3A_791, %while3A_778#1 : vector<16xf32>
        %swap3A_793 = arith.constant 5 : i32
        %swap3A_794 = arith.index_cast %swap3A_793 : i32 to index
        %swap3A_795 = arith.constant 16 : index
        %swap3A_796 = tpu.vector_load %arg8[%swap3A_794, %swap3A_795] {strides = array<i32>} : memref<16x64xf32, #tpu.memory_space<vmem>>, vector<16xf32>,
        tpu.vector_store %arg8[%swap3A_794, %swap3A_795], %add3A_792 {strides = array<i32>} : memref<16x64xf32, #tpu.memory_space<vmem>>, vector<16xf32>,
        %get3A_797 = arith.constant 5 : i32
        %get3A_798 = arith.index_cast %get3A_797 : i32 to index
        %get3A_799 = arith.constant 32 : index
        %get3A_800 = tpu.vector_load %arg8[%get3A_798, %get3A_799] {strides = array<i32>} : memref<16x64xf32, #tpu.memory_space<vmem>>, vector<16xf32>,
        %add3A_801 = arith.addf %get3A_800, %while3A_778#2 : vector<16xf32>
        %swap3A_802 = arith.constant 5 : i32
        %swap3A_803 = arith.index_cast %swap3A_802 : i32 to index
        %swap3A_804 = arith.constant 32 : index
        %swap3A_805 = tpu.vector_load %arg8[%swap3A_803, %swap3A_804] {strides = array<i32>} : memref<16x64xf32, #tpu.memory_space<vmem>>, vector<16xf32>,
        tpu.vector_store %arg8[%swap3A_803, %swap3A_804], %add3A_801 {strides = array<i32>} : memref<16x64xf32, #tpu.memory_space<vmem>>, vector<16xf32>,
        %get3A_806 = arith.constant 5 : i32
        %get3A_807 = arith.index_cast %get3A_806 : i32 to index
        %get3A_808 = arith.constant 48 : index
        %get3A_809 = tpu.vector_load %arg8[%get3A_807, %get3A_808] {strides = array<i32>} : memref<16x64xf32, #tpu.memory_space<vmem>>, vector<16xf32>,
        %add3A_810 = arith.addf %get3A_809, %while3A_778#3 : vector<16xf32>
        %swap3A_811 = arith.constant 5 : i32
        %swap3A_812 = arith.index_cast %swap3A_811 : i32 to index
        %swap3A_813 = arith.constant 48 : index
        %swap3A_814 = tpu.vector_load %arg8[%swap3A_812, %swap3A_813] {strides = array<i32>} : memref<16x64xf32, #tpu.memory_space<vmem>>, vector<16xf32>,
        tpu.vector_store %arg8[%swap3A_812, %swap3A_813], %add3A_810 {strides = array<i32>} : memref<16x64xf32, #tpu.memory_space<vmem>>, vector<16xf32>,
        %max3A_815 = arith.maxsi %reduce_sum3A_336, %mul3A_518 : i32
        %add3A_816 = arith.constant 512 : i32
        %add3A_817 = arith.addi %mul3A_518, %add3A_816 : i32
        %min3A_818 = arith.minsi %reduce_sum3A_346, %add3A_817 : i32
        %while3A_819 = arith.subi %min3A_818, %max3A_815 : i32
        %while3A_820 = arith.addi %max3A_815, %while3A_819 : i32
        %while3A_821 = arith.constant 1 : i32
        %while3A_822 = arith.divsi %while3A_819, %while3A_821 : i32
        %while3A_823 = arith.muli %while3A_822, %while3A_821 : i32
        %while3A_824 = arith.addi %max3A_815, %while3A_823 : i32
        %while3A_825 = arith.constant 1 : i32
        %while3A_826:4 = scf.for %while3A_1315 = %max3A_815 to %while3A_824 step %while3A_825 iter_args(%while3A_1316 = %broadcast_in_dim3A_6, %while3A_1317 = %broadcast_in_dim3A_6, %while3A_1318 = %broadcast_in_dim3A_6, %while3A_1319 = %broadcast_in_dim3A_6) -> (vector<16xf32>, vector<16xf32>, vector<16xf32>, vector<16xf32>)  : i32 {
          %sub3A_1320 = arith.subi %while3A_1315, %mul3A_518 : i32
          %get3A_1321 = arith.index_cast %sub3A_1320 : i32 to index
          %get3A_1322 = arith.constant 0 : index
          %get3A_1323 = tpu.vector_load %arg7[%get3A_1321, %get3A_1322] {strides = array<i32>} : memref<512x64xf32, #tpu.memory_space<vmem>>, vector<16xf32>,
          %add3A_1324 = arith.addf %while3A_1316, %get3A_1323 : vector<16xf32>
          %get3A_1325 = arith.index_cast %sub3A_1320 : i32 to index
          %get3A_1326 = arith.constant 16 : index
          %get3A_1327 = tpu.vector_load %arg7[%get3A_1325, %get3A_1326] {strides = array<i32>} : memref<512x64xf32, #tpu.memory_space<vmem>>, vector<16xf32>,
          %add3A_1328 = arith.addf %while3A_1317, %get3A_1327 : vector<16xf32>
          %get3A_1329 = arith.index_cast %sub3A_1320 : i32 to index
          %get3A_1330 = arith.constant 32 : index
          %get3A_1331 = tpu.vector_load %arg7[%get3A_1329, %get3A_1330] {strides = array<i32>} : memref<512x64xf32, #tpu.memory_space<vmem>>, vector<16xf32>,
          %add3A_1332 = arith.addf %while3A_1318, %get3A_1331 : vector<16xf32>
          %get3A_1333 = arith.index_cast %sub3A_1320 : i32 to index
          %get3A_1334 = arith.constant 48 : index
          %get3A_1335 = tpu.vector_load %arg7[%get3A_1333, %get3A_1334] {strides = array<i32>} : memref<512x64xf32, #tpu.memory_space<vmem>>, vector<16xf32>,
          %add3A_1336 = arith.addf %while3A_1319, %get3A_1335 : vector<16xf32>
          scf.yield %add3A_1324, %add3A_1328, %add3A_1332, %add3A_1336 : vector<16xf32>, vector<16xf32>, vector<16xf32>, vector<16xf32>
        }
        %while3A_827 = arith.constant 1 : i32
        %while3A_828:4 = scf.for %while3A_1315 = %while3A_824 to %while3A_820 step %while3A_827 iter_args(%while3A_1316 = %while3A_826#0, %while3A_1317 = %while3A_826#1, %while3A_1318 = %while3A_826#2, %while3A_1319 = %while3A_826#3) -> (vector<16xf32>, vector<16xf32>, vector<16xf32>, vector<16xf32>)  : i32 {
          %sub3A_1320 = arith.subi %while3A_1315, %mul3A_518 : i32
          %get3A_1321 = arith.index_cast %sub3A_1320 : i32 to index
          %get3A_1322 = arith.constant 0 : index
          %get3A_1323 = tpu.vector_load %arg7[%get3A_1321, %get3A_1322] {strides = array<i32>} : memref<512x64xf32, #tpu.memory_space<vmem>>, vector<16xf32>,
          %add3A_1324 = arith.addf %while3A_1316, %get3A_1323 : vector<16xf32>
          %get3A_1325 = arith.index_cast %sub3A_1320 : i32 to index
          %get3A_1326 = arith.constant 16 : index
          %get3A_1327 = tpu.vector_load %arg7[%get3A_1325, %get3A_1326] {strides = array<i32>} : memref<512x64xf32, #tpu.memory_space<vmem>>, vector<16xf32>,
          %add3A_1328 = arith.addf %while3A_1317, %get3A_1327 : vector<16xf32>
          %get3A_1329 = arith.index_cast %sub3A_1320 : i32 to index
          %get3A_1330 = arith.constant 32 : index
          %get3A_1331 = tpu.vector_load %arg7[%get3A_1329, %get3A_1330] {strides = array<i32>} : memref<512x64xf32, #tpu.memory_space<vmem>>, vector<16xf32>,
          %add3A_1332 = arith.addf %while3A_1318, %get3A_1331 : vector<16xf32>
          %get3A_1333 = arith.index_cast %sub3A_1320 : i32 to index
          %get3A_1334 = arith.constant 48 : index
          %get3A_1335 = tpu.vector_load %arg7[%get3A_1333, %get3A_1334] {strides = array<i32>} : memref<512x64xf32, #tpu.memory_space<vmem>>, vector<16xf32>,
          %add3A_1336 = arith.addf %while3A_1319, %get3A_1335 : vector<16xf32>
          scf.yield %add3A_1324, %add3A_1328, %add3A_1332, %add3A_1336 : vector<16xf32>, vector<16xf32>, vector<16xf32>, vector<16xf32>
        }
        %get3A_829 = arith.constant 6 : i32
        %get3A_830 = arith.index_cast %get3A_829 : i32 to index
        %get3A_831 = arith.constant 0 : index
        %get3A_832 = tpu.vector_load %arg8[%get3A_830, %get3A_831] {strides = array<i32>} : memref<16x64xf32, #tpu.memory_space<vmem>>, vector<16xf32>,
        %add3A_833 = arith.addf %get3A_832, %while3A_828#0 : vector<16xf32>
        %swap3A_834 = arith.constant 6 : i32
        %swap3A_835 = arith.index_cast %swap3A_834 : i32 to index
        %swap3A_836 = arith.constant 0 : index
        %swap3A_837 = tpu.vector_load %arg8[%swap3A_835, %swap3A_836] {strides = array<i32>} : memref<16x64xf32, #tpu.memory_space<vmem>>, vector<16xf32>,
        tpu.vector_store %arg8[%swap3A_835, %swap3A_836], %add3A_833 {strides = array<i32>} : memref<16x64xf32, #tpu.memory_space<vmem>>, vector<16xf32>,
        %get3A_838 = arith.constant 6 : i32
        %get3A_839 = arith.index_cast %get3A_838 : i32 to index
        %get3A_840 = arith.constant 16 : index
        %get3A_841 = tpu.vector_load %arg8[%get3A_839, %get3A_840] {strides = array<i32>} : memref<16x64xf32, #tpu.memory_space<vmem>>, vector<16xf32>,
        %add3A_842 = arith.addf %get3A_841, %while3A_828#1 : vector<16xf32>
        %swap3A_843 = arith.constant 6 : i32
        %swap3A_844 = arith.index_cast %swap3A_843 : i32 to index
        %swap3A_845 = arith.constant 16 : index
        %swap3A_846 = tpu.vector_load %arg8[%swap3A_844, %swap3A_845] {strides = array<i32>} : memref<16x64xf32, #tpu.memory_space<vmem>>, vector<16xf32>,
        tpu.vector_store %arg8[%swap3A_844, %swap3A_845], %add3A_842 {strides = array<i32>} : memref<16x64xf32, #tpu.memory_space<vmem>>, vector<16xf32>,
        %get3A_847 = arith.constant 6 : i32
        %get3A_848 = arith.index_cast %get3A_847 : i32 to index
        %get3A_849 = arith.constant 32 : index
        %get3A_850 = tpu.vector_load %arg8[%get3A_848, %get3A_849] {strides = array<i32>} : memref<16x64xf32, #tpu.memory_space<vmem>>, vector<16xf32>,
        %add3A_851 = arith.addf %get3A_850, %while3A_828#2 : vector<16xf32>
        %swap3A_852 = arith.constant 6 : i32
        %swap3A_853 = arith.index_cast %swap3A_852 : i32 to index
        %swap3A_854 = arith.constant 32 : index
        %swap3A_855 = tpu.vector_load %arg8[%swap3A_853, %swap3A_854] {strides = array<i32>} : memref<16x64xf32, #tpu.memory_space<vmem>>, vector<16xf32>,
        tpu.vector_store %arg8[%swap3A_853, %swap3A_854], %add3A_851 {strides = array<i32>} : memref<16x64xf32, #tpu.memory_space<vmem>>, vector<16xf32>,
        %get3A_856 = arith.constant 6 : i32
        %get3A_857 = arith.index_cast %get3A_856 : i32 to index
        %get3A_858 = arith.constant 48 : index
        %get3A_859 = tpu.vector_load %arg8[%get3A_857, %get3A_858] {strides = array<i32>} : memref<16x64xf32, #tpu.memory_space<vmem>>, vector<16xf32>,
        %add3A_860 = arith.addf %get3A_859, %while3A_828#3 : vector<16xf32>
        %swap3A_861 = arith.constant 6 : i32
        %swap3A_862 = arith.index_cast %swap3A_861 : i32 to index
        %swap3A_863 = arith.constant 48 : index
        %swap3A_864 = tpu.vector_load %arg8[%swap3A_862, %swap3A_863] {strides = array<i32>} : memref<16x64xf32, #tpu.memory_space<vmem>>, vector<16xf32>,
        tpu.vector_store %arg8[%swap3A_862, %swap3A_863], %add3A_860 {strides = array<i32>} : memref<16x64xf32, #tpu.memory_space<vmem>>, vector<16xf32>,
        %max3A_865 = arith.maxsi %reduce_sum3A_346, %mul3A_518 : i32
        %add3A_866 = arith.constant 512 : i32
        %add3A_867 = arith.addi %mul3A_518, %add3A_866 : i32
        %min3A_868 = arith.minsi %reduce_sum3A_356, %add3A_867 : i32
        %while3A_869 = arith.subi %min3A_868, %max3A_865 : i32
        %while3A_870 = arith.addi %max3A_865, %while3A_869 : i32
        %while3A_871 = arith.constant 1 : i32
        %while3A_872 = arith.divsi %while3A_869, %while3A_871 : i32
        %while3A_873 = arith.muli %while3A_872, %while3A_871 : i32
        %while3A_874 = arith.addi %max3A_865, %while3A_873 : i32
        %while3A_875 = arith.constant 1 : i32
        %while3A_876:4 = scf.for %while3A_1315 = %max3A_865 to %while3A_874 step %while3A_875 iter_args(%while3A_1316 = %broadcast_in_dim3A_6, %while3A_1317 = %broadcast_in_dim3A_6, %while3A_1318 = %broadcast_in_dim3A_6, %while3A_1319 = %broadcast_in_dim3A_6) -> (vector<16xf32>, vector<16xf32>, vector<16xf32>, vector<16xf32>)  : i32 {
          %sub3A_1320 = arith.subi %while3A_1315, %mul3A_518 : i32
          %get3A_1321 = arith.index_cast %sub3A_1320 : i32 to index
          %get3A_1322 = arith.constant 0 : index
          %get3A_1323 = tpu.vector_load %arg7[%get3A_1321, %get3A_1322] {strides = array<i32>} : memref<512x64xf32, #tpu.memory_space<vmem>>, vector<16xf32>,
          %add3A_1324 = arith.addf %while3A_1316, %get3A_1323 : vector<16xf32>
          %get3A_1325 = arith.index_cast %sub3A_1320 : i32 to index
          %get3A_1326 = arith.constant 16 : index
          %get3A_1327 = tpu.vector_load %arg7[%get3A_1325, %get3A_1326] {strides = array<i32>} : memref<512x64xf32, #tpu.memory_space<vmem>>, vector<16xf32>,
          %add3A_1328 = arith.addf %while3A_1317, %get3A_1327 : vector<16xf32>
          %get3A_1329 = arith.index_cast %sub3A_1320 : i32 to index
          %get3A_1330 = arith.constant 32 : index
          %get3A_1331 = tpu.vector_load %arg7[%get3A_1329, %get3A_1330] {strides = array<i32>} : memref<512x64xf32, #tpu.memory_space<vmem>>, vector<16xf32>,
          %add3A_1332 = arith.addf %while3A_1318, %get3A_1331 : vector<16xf32>
          %get3A_1333 = arith.index_cast %sub3A_1320 : i32 to index
          %get3A_1334 = arith.constant 48 : index
          %get3A_1335 = tpu.vector_load %arg7[%get3A_1333, %get3A_1334] {strides = array<i32>} : memref<512x64xf32, #tpu.memory_space<vmem>>, vector<16xf32>,
          %add3A_1336 = arith.addf %while3A_1319, %get3A_1335 : vector<16xf32>
          scf.yield %add3A_1324, %add3A_1328, %add3A_1332, %add3A_1336 : vector<16xf32>, vector<16xf32>, vector<16xf32>, vector<16xf32>
        }
        %while3A_877 = arith.constant 1 : i32
        %while3A_878:4 = scf.for %while3A_1315 = %while3A_874 to %while3A_870 step %while3A_877 iter_args(%while3A_1316 = %while3A_876#0, %while3A_1317 = %while3A_876#1, %while3A_1318 = %while3A_876#2, %while3A_1319 = %while3A_876#3) -> (vector<16xf32>, vector<16xf32>, vector<16xf32>, vector<16xf32>)  : i32 {
          %sub3A_1320 = arith.subi %while3A_1315, %mul3A_518 : i32
          %get3A_1321 = arith.index_cast %sub3A_1320 : i32 to index
          %get3A_1322 = arith.constant 0 : index
          %get3A_1323 = tpu.vector_load %arg7[%get3A_1321, %get3A_1322] {strides = array<i32>} : memref<512x64xf32, #tpu.memory_space<vmem>>, vector<16xf32>,
          %add3A_1324 = arith.addf %while3A_1316, %get3A_1323 : vector<16xf32>
          %get3A_1325 = arith.index_cast %sub3A_1320 : i32 to index
          %get3A_1326 = arith.constant 16 : index
          %get3A_1327 = tpu.vector_load %arg7[%get3A_1325, %get3A_1326] {strides = array<i32>} : memref<512x64xf32, #tpu.memory_space<vmem>>, vector<16xf32>,
          %add3A_1328 = arith.addf %while3A_1317, %get3A_1327 : vector<16xf32>
          %get3A_1329 = arith.index_cast %sub3A_1320 : i32 to index
          %get3A_1330 = arith.constant 32 : index
          %get3A_1331 = tpu.vector_load %arg7[%get3A_1329, %get3A_1330] {strides = array<i32>} : memref<512x64xf32, #tpu.memory_space<vmem>>, vector<16xf32>,
          %add3A_1332 = arith.addf %while3A_1318, %get3A_1331 : vector<16xf32>
          %get3A_1333 = arith.index_cast %sub3A_1320 : i32 to index
          %get3A_1334 = arith.constant 48 : index
          %get3A_1335 = tpu.vector_load %arg7[%get3A_1333, %get3A_1334] {strides = array<i32>} : memref<512x64xf32, #tpu.memory_space<vmem>>, vector<16xf32>,
          %add3A_1336 = arith.addf %while3A_1319, %get3A_1335 : vector<16xf32>
          scf.yield %add3A_1324, %add3A_1328, %add3A_1332, %add3A_1336 : vector<16xf32>, vector<16xf32>, vector<16xf32>, vector<16xf32>
        }
        %get3A_879 = arith.constant 7 : i32
        %get3A_880 = arith.index_cast %get3A_879 : i32 to index
        %get3A_881 = arith.constant 0 : index
        %get3A_882 = tpu.vector_load %arg8[%get3A_880, %get3A_881] {strides = array<i32>} : memref<16x64xf32, #tpu.memory_space<vmem>>, vector<16xf32>,
        %add3A_883 = arith.addf %get3A_882, %while3A_878#0 : vector<16xf32>
        %swap3A_884 = arith.constant 7 : i32
        %swap3A_885 = arith.index_cast %swap3A_884 : i32 to index
        %swap3A_886 = arith.constant 0 : index
        %swap3A_887 = tpu.vector_load %arg8[%swap3A_885, %swap3A_886] {strides = array<i32>} : memref<16x64xf32, #tpu.memory_space<vmem>>, vector<16xf32>,
        tpu.vector_store %arg8[%swap3A_885, %swap3A_886], %add3A_883 {strides = array<i32>} : memref<16x64xf32, #tpu.memory_space<vmem>>, vector<16xf32>,
        %get3A_888 = arith.constant 7 : i32
        %get3A_889 = arith.index_cast %get3A_888 : i32 to index
        %get3A_890 = arith.constant 16 : index
        %get3A_891 = tpu.vector_load %arg8[%get3A_889, %get3A_890] {strides = array<i32>} : memref<16x64xf32, #tpu.memory_space<vmem>>, vector<16xf32>,
        %add3A_892 = arith.addf %get3A_891, %while3A_878#1 : vector<16xf32>
        %swap3A_893 = arith.constant 7 : i32
        %swap3A_894 = arith.index_cast %swap3A_893 : i32 to index
        %swap3A_895 = arith.constant 16 : index
        %swap3A_896 = tpu.vector_load %arg8[%swap3A_894, %swap3A_895] {strides = array<i32>} : memref<16x64xf32, #tpu.memory_space<vmem>>, vector<16xf32>,
        tpu.vector_store %arg8[%swap3A_894, %swap3A_895], %add3A_892 {strides = array<i32>} : memref<16x64xf32, #tpu.memory_space<vmem>>, vector<16xf32>,
        %get3A_897 = arith.constant 7 : i32
        %get3A_898 = arith.index_cast %get3A_897 : i32 to index
        %get3A_899 = arith.constant 32 : index
        %get3A_900 = tpu.vector_load %arg8[%get3A_898, %get3A_899] {strides = array<i32>} : memref<16x64xf32, #tpu.memory_space<vmem>>, vector<16xf32>,
        %add3A_901 = arith.addf %get3A_900, %while3A_878#2 : vector<16xf32>
        %swap3A_902 = arith.constant 7 : i32
        %swap3A_903 = arith.index_cast %swap3A_902 : i32 to index
        %swap3A_904 = arith.constant 32 : index
        %swap3A_905 = tpu.vector_load %arg8[%swap3A_903, %swap3A_904] {strides = array<i32>} : memref<16x64xf32, #tpu.memory_space<vmem>>, vector<16xf32>,
        tpu.vector_store %arg8[%swap3A_903, %swap3A_904], %add3A_901 {strides = array<i32>} : memref<16x64xf32, #tpu.memory_space<vmem>>, vector<16xf32>,
        %get3A_906 = arith.constant 7 : i32
        %get3A_907 = arith.index_cast %get3A_906 : i32 to index
        %get3A_908 = arith.constant 48 : index
        %get3A_909 = tpu.vector_load %arg8[%get3A_907, %get3A_908] {strides = array<i32>} : memref<16x64xf32, #tpu.memory_space<vmem>>, vector<16xf32>,
        %add3A_910 = arith.addf %get3A_909, %while3A_878#3 : vector<16xf32>
        %swap3A_911 = arith.constant 7 : i32
        %swap3A_912 = arith.index_cast %swap3A_911 : i32 to index
        %swap3A_913 = arith.constant 48 : index
        %swap3A_914 = tpu.vector_load %arg8[%swap3A_912, %swap3A_913] {strides = array<i32>} : memref<16x64xf32, #tpu.memory_space<vmem>>, vector<16xf32>,
        tpu.vector_store %arg8[%swap3A_912, %swap3A_913], %add3A_910 {strides = array<i32>} : memref<16x64xf32, #tpu.memory_space<vmem>>, vector<16xf32>,
        %max3A_915 = arith.maxsi %reduce_sum3A_356, %mul3A_518 : i32
        %add3A_916 = arith.constant 512 : i32
        %add3A_917 = arith.addi %mul3A_518, %add3A_916 : i32
        %min3A_918 = arith.minsi %reduce_sum3A_366, %add3A_917 : i32
        %while3A_919 = arith.subi %min3A_918, %max3A_915 : i32
        %while3A_920 = arith.addi %max3A_915, %while3A_919 : i32
        %while3A_921 = arith.constant 1 : i32
        %while3A_922 = arith.divsi %while3A_919, %while3A_921 : i32
        %while3A_923 = arith.muli %while3A_922, %while3A_921 : i32
        %while3A_924 = arith.addi %max3A_915, %while3A_923 : i32
        %while3A_925 = arith.constant 1 : i32
        %while3A_926:4 = scf.for %while3A_1315 = %max3A_915 to %while3A_924 step %while3A_925 iter_args(%while3A_1316 = %broadcast_in_dim3A_6, %while3A_1317 = %broadcast_in_dim3A_6, %while3A_1318 = %broadcast_in_dim3A_6, %while3A_1319 = %broadcast_in_dim3A_6) -> (vector<16xf32>, vector<16xf32>, vector<16xf32>, vector<16xf32>)  : i32 {
          %sub3A_1320 = arith.subi %while3A_1315, %mul3A_518 : i32
          %get3A_1321 = arith.index_cast %sub3A_1320 : i32 to index
          %get3A_1322 = arith.constant 0 : index
          %get3A_1323 = tpu.vector_load %arg7[%get3A_1321, %get3A_1322] {strides = array<i32>} : memref<512x64xf32, #tpu.memory_space<vmem>>, vector<16xf32>,
          %add3A_1324 = arith.addf %while3A_1316, %get3A_1323 : vector<16xf32>
          %get3A_1325 = arith.index_cast %sub3A_1320 : i32 to index
          %get3A_1326 = arith.constant 16 : index
          %get3A_1327 = tpu.vector_load %arg7[%get3A_1325, %get3A_1326] {strides = array<i32>} : memref<512x64xf32, #tpu.memory_space<vmem>>, vector<16xf32>,
          %add3A_1328 = arith.addf %while3A_1317, %get3A_1327 : vector<16xf32>
          %get3A_1329 = arith.index_cast %sub3A_1320 : i32 to index
          %get3A_1330 = arith.constant 32 : index
          %get3A_1331 = tpu.vector_load %arg7[%get3A_1329, %get3A_1330] {strides = array<i32>} : memref<512x64xf32, #tpu.memory_space<vmem>>, vector<16xf32>,
          %add3A_1332 = arith.addf %while3A_1318, %get3A_1331 : vector<16xf32>
          %get3A_1333 = arith.index_cast %sub3A_1320 : i32 to index
          %get3A_1334 = arith.constant 48 : index
          %get3A_1335 = tpu.vector_load %arg7[%get3A_1333, %get3A_1334] {strides = array<i32>} : memref<512x64xf32, #tpu.memory_space<vmem>>, vector<16xf32>,
          %add3A_1336 = arith.addf %while3A_1319, %get3A_1335 : vector<16xf32>
          scf.yield %add3A_1324, %add3A_1328, %add3A_1332, %add3A_1336 : vector<16xf32>, vector<16xf32>, vector<16xf32>, vector<16xf32>
        }
        %while3A_927 = arith.constant 1 : i32
        %while3A_928:4 = scf.for %while3A_1315 = %while3A_924 to %while3A_920 step %while3A_927 iter_args(%while3A_1316 = %while3A_926#0, %while3A_1317 = %while3A_926#1, %while3A_1318 = %while3A_926#2, %while3A_1319 = %while3A_926#3) -> (vector<16xf32>, vector<16xf32>, vector<16xf32>, vector<16xf32>)  : i32 {
          %sub3A_1320 = arith.subi %while3A_1315, %mul3A_518 : i32
          %get3A_1321 = arith.index_cast %sub3A_1320 : i32 to index
          %get3A_1322 = arith.constant 0 : index
          %get3A_1323 = tpu.vector_load %arg7[%get3A_1321, %get3A_1322] {strides = array<i32>} : memref<512x64xf32, #tpu.memory_space<vmem>>, vector<16xf32>,
          %add3A_1324 = arith.addf %while3A_1316, %get3A_1323 : vector<16xf32>
          %get3A_1325 = arith.index_cast %sub3A_1320 : i32 to index
          %get3A_1326 = arith.constant 16 : index
          %get3A_1327 = tpu.vector_load %arg7[%get3A_1325, %get3A_1326] {strides = array<i32>} : memref<512x64xf32, #tpu.memory_space<vmem>>, vector<16xf32>,
          %add3A_1328 = arith.addf %while3A_1317, %get3A_1327 : vector<16xf32>
          %get3A_1329 = arith.index_cast %sub3A_1320 : i32 to index
          %get3A_1330 = arith.constant 32 : index
          %get3A_1331 = tpu.vector_load %arg7[%get3A_1329, %get3A_1330] {strides = array<i32>} : memref<512x64xf32, #tpu.memory_space<vmem>>, vector<16xf32>,
          %add3A_1332 = arith.addf %while3A_1318, %get3A_1331 : vector<16xf32>
          %get3A_1333 = arith.index_cast %sub3A_1320 : i32 to index
          %get3A_1334 = arith.constant 48 : index
          %get3A_1335 = tpu.vector_load %arg7[%get3A_1333, %get3A_1334] {strides = array<i32>} : memref<512x64xf32, #tpu.memory_space<vmem>>, vector<16xf32>,
          %add3A_1336 = arith.addf %while3A_1319, %get3A_1335 : vector<16xf32>
          scf.yield %add3A_1324, %add3A_1328, %add3A_1332, %add3A_1336 : vector<16xf32>, vector<16xf32>, vector<16xf32>, vector<16xf32>
        }
        %get3A_929 = arith.constant 8 : i32
        %get3A_930 = arith.index_cast %get3A_929 : i32 to index
        %get3A_931 = arith.constant 0 : index
        %get3A_932 = tpu.vector_load %arg8[%get3A_930, %get3A_931] {strides = array<i32>} : memref<16x64xf32, #tpu.memory_space<vmem>>, vector<16xf32>,
        %add3A_933 = arith.addf %get3A_932, %while3A_928#0 : vector<16xf32>
        %swap3A_934 = arith.constant 8 : i32
        %swap3A_935 = arith.index_cast %swap3A_934 : i32 to index
        %swap3A_936 = arith.constant 0 : index
        %swap3A_937 = tpu.vector_load %arg8[%swap3A_935, %swap3A_936] {strides = array<i32>} : memref<16x64xf32, #tpu.memory_space<vmem>>, vector<16xf32>,
        tpu.vector_store %arg8[%swap3A_935, %swap3A_936], %add3A_933 {strides = array<i32>} : memref<16x64xf32, #tpu.memory_space<vmem>>, vector<16xf32>,
        %get3A_938 = arith.constant 8 : i32
        %get3A_939 = arith.index_cast %get3A_938 : i32 to index
        %get3A_940 = arith.constant 16 : index
        %get3A_941 = tpu.vector_load %arg8[%get3A_939, %get3A_940] {strides = array<i32>} : memref<16x64xf32, #tpu.memory_space<vmem>>, vector<16xf32>,
        %add3A_942 = arith.addf %get3A_941, %while3A_928#1 : vector<16xf32>
        %swap3A_943 = arith.constant 8 : i32
        %swap3A_944 = arith.index_cast %swap3A_943 : i32 to index
        %swap3A_945 = arith.constant 16 : index
        %swap3A_946 = tpu.vector_load %arg8[%swap3A_944, %swap3A_945] {strides = array<i32>} : memref<16x64xf32, #tpu.memory_space<vmem>>, vector<16xf32>,
        tpu.vector_store %arg8[%swap3A_944, %swap3A_945], %add3A_942 {strides = array<i32>} : memref<16x64xf32, #tpu.memory_space<vmem>>, vector<16xf32>,
        %get3A_947 = arith.constant 8 : i32
        %get3A_948 = arith.index_cast %get3A_947 : i32 to index
        %get3A_949 = arith.constant 32 : index
        %get3A_950 = tpu.vector_load %arg8[%get3A_948, %get3A_949] {strides = array<i32>} : memref<16x64xf32, #tpu.memory_space<vmem>>, vector<16xf32>,
        %add3A_951 = arith.addf %get3A_950, %while3A_928#2 : vector<16xf32>
        %swap3A_952 = arith.constant 8 : i32
        %swap3A_953 = arith.index_cast %swap3A_952 : i32 to index
        %swap3A_954 = arith.constant 32 : index
        %swap3A_955 = tpu.vector_load %arg8[%swap3A_953, %swap3A_954] {strides = array<i32>} : memref<16x64xf32, #tpu.memory_space<vmem>>, vector<16xf32>,
        tpu.vector_store %arg8[%swap3A_953, %swap3A_954], %add3A_951 {strides = array<i32>} : memref<16x64xf32, #tpu.memory_space<vmem>>, vector<16xf32>,
        %get3A_956 = arith.constant 8 : i32
        %get3A_957 = arith.index_cast %get3A_956 : i32 to index
        %get3A_958 = arith.constant 48 : index
        %get3A_959 = tpu.vector_load %arg8[%get3A_957, %get3A_958] {strides = array<i32>} : memref<16x64xf32, #tpu.memory_space<vmem>>, vector<16xf32>,
        %add3A_960 = arith.addf %get3A_959, %while3A_928#3 : vector<16xf32>
        %swap3A_961 = arith.constant 8 : i32
        %swap3A_962 = arith.index_cast %swap3A_961 : i32 to index
        %swap3A_963 = arith.constant 48 : index
        %swap3A_964 = tpu.vector_load %arg8[%swap3A_962, %swap3A_963] {strides = array<i32>} : memref<16x64xf32, #tpu.memory_space<vmem>>, vector<16xf32>,
        tpu.vector_store %arg8[%swap3A_962, %swap3A_963], %add3A_960 {strides = array<i32>} : memref<16x64xf32, #tpu.memory_space<vmem>>, vector<16xf32>,
        %max3A_965 = arith.maxsi %reduce_sum3A_366, %mul3A_518 : i32
        %add3A_966 = arith.constant 512 : i32
        %add3A_967 = arith.addi %mul3A_518, %add3A_966 : i32
        %min3A_968 = arith.minsi %reduce_sum3A_376, %add3A_967 : i32
        %while3A_969 = arith.subi %min3A_968, %max3A_965 : i32
        %while3A_970 = arith.addi %max3A_965, %while3A_969 : i32
        %while3A_971 = arith.constant 1 : i32
        %while3A_972 = arith.divsi %while3A_969, %while3A_971 : i32
        %while3A_973 = arith.muli %while3A_972, %while3A_971 : i32
        %while3A_974 = arith.addi %max3A_965, %while3A_973 : i32
        %while3A_975 = arith.constant 1 : i32
        %while3A_976:4 = scf.for %while3A_1315 = %max3A_965 to %while3A_974 step %while3A_975 iter_args(%while3A_1316 = %broadcast_in_dim3A_6, %while3A_1317 = %broadcast_in_dim3A_6, %while3A_1318 = %broadcast_in_dim3A_6, %while3A_1319 = %broadcast_in_dim3A_6) -> (vector<16xf32>, vector<16xf32>, vector<16xf32>, vector<16xf32>)  : i32 {
          %sub3A_1320 = arith.subi %while3A_1315, %mul3A_518 : i32
          %get3A_1321 = arith.index_cast %sub3A_1320 : i32 to index
          %get3A_1322 = arith.constant 0 : index
          %get3A_1323 = tpu.vector_load %arg7[%get3A_1321, %get3A_1322] {strides = array<i32>} : memref<512x64xf32, #tpu.memory_space<vmem>>, vector<16xf32>,
          %add3A_1324 = arith.addf %while3A_1316, %get3A_1323 : vector<16xf32>
          %get3A_1325 = arith.index_cast %sub3A_1320 : i32 to index
          %get3A_1326 = arith.constant 16 : index
          %get3A_1327 = tpu.vector_load %arg7[%get3A_1325, %get3A_1326] {strides = array<i32>} : memref<512x64xf32, #tpu.memory_space<vmem>>, vector<16xf32>,
          %add3A_1328 = arith.addf %while3A_1317, %get3A_1327 : vector<16xf32>
          %get3A_1329 = arith.index_cast %sub3A_1320 : i32 to index
          %get3A_1330 = arith.constant 32 : index
          %get3A_1331 = tpu.vector_load %arg7[%get3A_1329, %get3A_1330] {strides = array<i32>} : memref<512x64xf32, #tpu.memory_space<vmem>>, vector<16xf32>,
          %add3A_1332 = arith.addf %while3A_1318, %get3A_1331 : vector<16xf32>
          %get3A_1333 = arith.index_cast %sub3A_1320 : i32 to index
          %get3A_1334 = arith.constant 48 : index
          %get3A_1335 = tpu.vector_load %arg7[%get3A_1333, %get3A_1334] {strides = array<i32>} : memref<512x64xf32, #tpu.memory_space<vmem>>, vector<16xf32>,
          %add3A_1336 = arith.addf %while3A_1319, %get3A_1335 : vector<16xf32>
          scf.yield %add3A_1324, %add3A_1328, %add3A_1332, %add3A_1336 : vector<16xf32>, vector<16xf32>, vector<16xf32>, vector<16xf32>
        }
        %while3A_977 = arith.constant 1 : i32
        %while3A_978:4 = scf.for %while3A_1315 = %while3A_974 to %while3A_970 step %while3A_977 iter_args(%while3A_1316 = %while3A_976#0, %while3A_1317 = %while3A_976#1, %while3A_1318 = %while3A_976#2, %while3A_1319 = %while3A_976#3) -> (vector<16xf32>, vector<16xf32>, vector<16xf32>, vector<16xf32>)  : i32 {
          %sub3A_1320 = arith.subi %while3A_1315, %mul3A_518 : i32
          %get3A_1321 = arith.index_cast %sub3A_1320 : i32 to index
          %get3A_1322 = arith.constant 0 : index
          %get3A_1323 = tpu.vector_load %arg7[%get3A_1321, %get3A_1322] {strides = array<i32>} : memref<512x64xf32, #tpu.memory_space<vmem>>, vector<16xf32>,
          %add3A_1324 = arith.addf %while3A_1316, %get3A_1323 : vector<16xf32>
          %get3A_1325 = arith.index_cast %sub3A_1320 : i32 to index
          %get3A_1326 = arith.constant 16 : index
          %get3A_1327 = tpu.vector_load %arg7[%get3A_1325, %get3A_1326] {strides = array<i32>} : memref<512x64xf32, #tpu.memory_space<vmem>>, vector<16xf32>,
          %add3A_1328 = arith.addf %while3A_1317, %get3A_1327 : vector<16xf32>
          %get3A_1329 = arith.index_cast %sub3A_1320 : i32 to index
          %get3A_1330 = arith.constant 32 : index
          %get3A_1331 = tpu.vector_load %arg7[%get3A_1329, %get3A_1330] {strides = array<i32>} : memref<512x64xf32, #tpu.memory_space<vmem>>, vector<16xf32>,
          %add3A_1332 = arith.addf %while3A_1318, %get3A_1331 : vector<16xf32>
          %get3A_1333 = arith.index_cast %sub3A_1320 : i32 to index
          %get3A_1334 = arith.constant 48 : index
          %get3A_1335 = tpu.vector_load %arg7[%get3A_1333, %get3A_1334] {strides = array<i32>} : memref<512x64xf32, #tpu.memory_space<vmem>>, vector<16xf32>,
          %add3A_1336 = arith.addf %while3A_1319, %get3A_1335 : vector<16xf32>
          scf.yield %add3A_1324, %add3A_1328, %add3A_1332, %add3A_1336 : vector<16xf32>, vector<16xf32>, vector<16xf32>, vector<16xf32>
        }
        %get3A_979 = arith.constant 9 : i32
        %get3A_980 = arith.index_cast %get3A_979 : i32 to index
        %get3A_981 = arith.constant 0 : index
        %get3A_982 = tpu.vector_load %arg8[%get3A_980, %get3A_981] {strides = array<i32>} : memref<16x64xf32, #tpu.memory_space<vmem>>, vector<16xf32>,
        %add3A_983 = arith.addf %get3A_982, %while3A_978#0 : vector<16xf32>
        %swap3A_984 = arith.constant 9 : i32
        %swap3A_985 = arith.index_cast %swap3A_984 : i32 to index
        %swap3A_986 = arith.constant 0 : index
        %swap3A_987 = tpu.vector_load %arg8[%swap3A_985, %swap3A_986] {strides = array<i32>} : memref<16x64xf32, #tpu.memory_space<vmem>>, vector<16xf32>,
        tpu.vector_store %arg8[%swap3A_985, %swap3A_986], %add3A_983 {strides = array<i32>} : memref<16x64xf32, #tpu.memory_space<vmem>>, vector<16xf32>,
        %get3A_988 = arith.constant 9 : i32
        %get3A_989 = arith.index_cast %get3A_988 : i32 to index
        %get3A_990 = arith.constant 16 : index
        %get3A_991 = tpu.vector_load %arg8[%get3A_989, %get3A_990] {strides = array<i32>} : memref<16x64xf32, #tpu.memory_space<vmem>>, vector<16xf32>,
        %add3A_992 = arith.addf %get3A_991, %while3A_978#1 : vector<16xf32>
        %swap3A_993 = arith.constant 9 : i32
        %swap3A_994 = arith.index_cast %swap3A_993 : i32 to index
        %swap3A_995 = arith.constant 16 : index
        %swap3A_996 = tpu.vector_load %arg8[%swap3A_994, %swap3A_995] {strides = array<i32>} : memref<16x64xf32, #tpu.memory_space<vmem>>, vector<16xf32>,
        tpu.vector_store %arg8[%swap3A_994, %swap3A_995], %add3A_992 {strides = array<i32>} : memref<16x64xf32, #tpu.memory_space<vmem>>, vector<16xf32>,
        %get3A_997 = arith.constant 9 : i32
        %get3A_998 = arith.index_cast %get3A_997 : i32 to index
        %get3A_999 = arith.constant 32 : index
        %get3A_1000 = tpu.vector_load %arg8[%get3A_998, %get3A_999] {strides = array<i32>} : memref<16x64xf32, #tpu.memory_space<vmem>>, vector<16xf32>,
        %add3A_1001 = arith.addf %get3A_1000, %while3A_978#2 : vector<16xf32>
        %swap3A_1002 = arith.constant 9 : i32
        %swap3A_1003 = arith.index_cast %swap3A_1002 : i32 to index
        %swap3A_1004 = arith.constant 32 : index
        %swap3A_1005 = tpu.vector_load %arg8[%swap3A_1003, %swap3A_1004] {strides = array<i32>} : memref<16x64xf32, #tpu.memory_space<vmem>>, vector<16xf32>,
        tpu.vector_store %arg8[%swap3A_1003, %swap3A_1004], %add3A_1001 {strides = array<i32>} : memref<16x64xf32, #tpu.memory_space<vmem>>, vector<16xf32>,
        %get3A_1006 = arith.constant 9 : i32
        %get3A_1007 = arith.index_cast %get3A_1006 : i32 to index
        %get3A_1008 = arith.constant 48 : index
        %get3A_1009 = tpu.vector_load %arg8[%get3A_1007, %get3A_1008] {strides = array<i32>} : memref<16x64xf32, #tpu.memory_space<vmem>>, vector<16xf32>,
        %add3A_1010 = arith.addf %get3A_1009, %while3A_978#3 : vector<16xf32>
        %swap3A_1011 = arith.constant 9 : i32
        %swap3A_1012 = arith.index_cast %swap3A_1011 : i32 to index
        %swap3A_1013 = arith.constant 48 : index
        %swap3A_1014 = tpu.vector_load %arg8[%swap3A_1012, %swap3A_1013] {strides = array<i32>} : memref<16x64xf32, #tpu.memory_space<vmem>>, vector<16xf32>,
        tpu.vector_store %arg8[%swap3A_1012, %swap3A_1013], %add3A_1010 {strides = array<i32>} : memref<16x64xf32, #tpu.memory_space<vmem>>, vector<16xf32>,
        %max3A_1015 = arith.maxsi %reduce_sum3A_376, %mul3A_518 : i32
        %add3A_1016 = arith.constant 512 : i32
        %add3A_1017 = arith.addi %mul3A_518, %add3A_1016 : i32
        %min3A_1018 = arith.minsi %reduce_sum3A_386, %add3A_1017 : i32
        %while3A_1019 = arith.subi %min3A_1018, %max3A_1015 : i32
        %while3A_1020 = arith.addi %max3A_1015, %while3A_1019 : i32
        %while3A_1021 = arith.constant 1 : i32
        %while3A_1022 = arith.divsi %while3A_1019, %while3A_1021 : i32
        %while3A_1023 = arith.muli %while3A_1022, %while3A_1021 : i32
        %while3A_1024 = arith.addi %max3A_1015, %while3A_1023 : i32
        %while3A_1025 = arith.constant 1 : i32
        %while3A_1026:4 = scf.for %while3A_1315 = %max3A_1015 to %while3A_1024 step %while3A_1025 iter_args(%while3A_1316 = %broadcast_in_dim3A_6, %while3A_1317 = %broadcast_in_dim3A_6, %while3A_1318 = %broadcast_in_dim3A_6, %while3A_1319 = %broadcast_in_dim3A_6) -> (vector<16xf32>, vector<16xf32>, vector<16xf32>, vector<16xf32>)  : i32 {
          %sub3A_1320 = arith.subi %while3A_1315, %mul3A_518 : i32
          %get3A_1321 = arith.index_cast %sub3A_1320 : i32 to index
          %get3A_1322 = arith.constant 0 : index
          %get3A_1323 = tpu.vector_load %arg7[%get3A_1321, %get3A_1322] {strides = array<i32>} : memref<512x64xf32, #tpu.memory_space<vmem>>, vector<16xf32>,
          %add3A_1324 = arith.addf %while3A_1316, %get3A_1323 : vector<16xf32>
          %get3A_1325 = arith.index_cast %sub3A_1320 : i32 to index
          %get3A_1326 = arith.constant 16 : index
          %get3A_1327 = tpu.vector_load %arg7[%get3A_1325, %get3A_1326] {strides = array<i32>} : memref<512x64xf32, #tpu.memory_space<vmem>>, vector<16xf32>,
          %add3A_1328 = arith.addf %while3A_1317, %get3A_1327 : vector<16xf32>
          %get3A_1329 = arith.index_cast %sub3A_1320 : i32 to index
          %get3A_1330 = arith.constant 32 : index
          %get3A_1331 = tpu.vector_load %arg7[%get3A_1329, %get3A_1330] {strides = array<i32>} : memref<512x64xf32, #tpu.memory_space<vmem>>, vector<16xf32>,
          %add3A_1332 = arith.addf %while3A_1318, %get3A_1331 : vector<16xf32>
          %get3A_1333 = arith.index_cast %sub3A_1320 : i32 to index
          %get3A_1334 = arith.constant 48 : index
          %get3A_1335 = tpu.vector_load %arg7[%get3A_1333, %get3A_1334] {strides = array<i32>} : memref<512x64xf32, #tpu.memory_space<vmem>>, vector<16xf32>,
          %add3A_1336 = arith.addf %while3A_1319, %get3A_1335 : vector<16xf32>
          scf.yield %add3A_1324, %add3A_1328, %add3A_1332, %add3A_1336 : vector<16xf32>, vector<16xf32>, vector<16xf32>, vector<16xf32>
        }
        %while3A_1027 = arith.constant 1 : i32
        %while3A_1028:4 = scf.for %while3A_1315 = %while3A_1024 to %while3A_1020 step %while3A_1027 iter_args(%while3A_1316 = %while3A_1026#0, %while3A_1317 = %while3A_1026#1, %while3A_1318 = %while3A_1026#2, %while3A_1319 = %while3A_1026#3) -> (vector<16xf32>, vector<16xf32>, vector<16xf32>, vector<16xf32>)  : i32 {
          %sub3A_1320 = arith.subi %while3A_1315, %mul3A_518 : i32
          %get3A_1321 = arith.index_cast %sub3A_1320 : i32 to index
          %get3A_1322 = arith.constant 0 : index
          %get3A_1323 = tpu.vector_load %arg7[%get3A_1321, %get3A_1322] {strides = array<i32>} : memref<512x64xf32, #tpu.memory_space<vmem>>, vector<16xf32>,
          %add3A_1324 = arith.addf %while3A_1316, %get3A_1323 : vector<16xf32>
          %get3A_1325 = arith.index_cast %sub3A_1320 : i32 to index
          %get3A_1326 = arith.constant 16 : index
          %get3A_1327 = tpu.vector_load %arg7[%get3A_1325, %get3A_1326] {strides = array<i32>} : memref<512x64xf32, #tpu.memory_space<vmem>>, vector<16xf32>,
          %add3A_1328 = arith.addf %while3A_1317, %get3A_1327 : vector<16xf32>
          %get3A_1329 = arith.index_cast %sub3A_1320 : i32 to index
          %get3A_1330 = arith.constant 32 : index
          %get3A_1331 = tpu.vector_load %arg7[%get3A_1329, %get3A_1330] {strides = array<i32>} : memref<512x64xf32, #tpu.memory_space<vmem>>, vector<16xf32>,
          %add3A_1332 = arith.addf %while3A_1318, %get3A_1331 : vector<16xf32>
          %get3A_1333 = arith.index_cast %sub3A_1320 : i32 to index
          %get3A_1334 = arith.constant 48 : index
          %get3A_1335 = tpu.vector_load %arg7[%get3A_1333, %get3A_1334] {strides = array<i32>} : memref<512x64xf32, #tpu.memory_space<vmem>>, vector<16xf32>,
          %add3A_1336 = arith.addf %while3A_1319, %get3A_1335 : vector<16xf32>
          scf.yield %add3A_1324, %add3A_1328, %add3A_1332, %add3A_1336 : vector<16xf32>, vector<16xf32>, vector<16xf32>, vector<16xf32>
        }
        %get3A_1029 = arith.constant 10 : i32
        %get3A_1030 = arith.index_cast %get3A_1029 : i32 to index
        %get3A_1031 = arith.constant 0 : index
        %get3A_1032 = tpu.vector_load %arg8[%get3A_1030, %get3A_1031] {strides = array<i32>} : memref<16x64xf32, #tpu.memory_space<vmem>>, vector<16xf32>,
        %add3A_1033 = arith.addf %get3A_1032, %while3A_1028#0 : vector<16xf32>
        %swap3A_1034 = arith.constant 10 : i32
        %swap3A_1035 = arith.index_cast %swap3A_1034 : i32 to index
        %swap3A_1036 = arith.constant 0 : index
        %swap3A_1037 = tpu.vector_load %arg8[%swap3A_1035, %swap3A_1036] {strides = array<i32>} : memref<16x64xf32, #tpu.memory_space<vmem>>, vector<16xf32>,
        tpu.vector_store %arg8[%swap3A_1035, %swap3A_1036], %add3A_1033 {strides = array<i32>} : memref<16x64xf32, #tpu.memory_space<vmem>>, vector<16xf32>,
        %get3A_1038 = arith.constant 10 : i32
        %get3A_1039 = arith.index_cast %get3A_1038 : i32 to index
        %get3A_1040 = arith.constant 16 : index
        %get3A_1041 = tpu.vector_load %arg8[%get3A_1039, %get3A_1040] {strides = array<i32>} : memref<16x64xf32, #tpu.memory_space<vmem>>, vector<16xf32>,
        %add3A_1042 = arith.addf %get3A_1041, %while3A_1028#1 : vector<16xf32>
        %swap3A_1043 = arith.constant 10 : i32
        %swap3A_1044 = arith.index_cast %swap3A_1043 : i32 to index
        %swap3A_1045 = arith.constant 16 : index
        %swap3A_1046 = tpu.vector_load %arg8[%swap3A_1044, %swap3A_1045] {strides = array<i32>} : memref<16x64xf32, #tpu.memory_space<vmem>>, vector<16xf32>,
        tpu.vector_store %arg8[%swap3A_1044, %swap3A_1045], %add3A_1042 {strides = array<i32>} : memref<16x64xf32, #tpu.memory_space<vmem>>, vector<16xf32>,
        %get3A_1047 = arith.constant 10 : i32
        %get3A_1048 = arith.index_cast %get3A_1047 : i32 to index
        %get3A_1049 = arith.constant 32 : index
        %get3A_1050 = tpu.vector_load %arg8[%get3A_1048, %get3A_1049] {strides = array<i32>} : memref<16x64xf32, #tpu.memory_space<vmem>>, vector<16xf32>,
        %add3A_1051 = arith.addf %get3A_1050, %while3A_1028#2 : vector<16xf32>
        %swap3A_1052 = arith.constant 10 : i32
        %swap3A_1053 = arith.index_cast %swap3A_1052 : i32 to index
        %swap3A_1054 = arith.constant 32 : index
        %swap3A_1055 = tpu.vector_load %arg8[%swap3A_1053, %swap3A_1054] {strides = array<i32>} : memref<16x64xf32, #tpu.memory_space<vmem>>, vector<16xf32>,
        tpu.vector_store %arg8[%swap3A_1053, %swap3A_1054], %add3A_1051 {strides = array<i32>} : memref<16x64xf32, #tpu.memory_space<vmem>>, vector<16xf32>,
        %get3A_1056 = arith.constant 10 : i32
        %get3A_1057 = arith.index_cast %get3A_1056 : i32 to index
        %get3A_1058 = arith.constant 48 : index
        %get3A_1059 = tpu.vector_load %arg8[%get3A_1057, %get3A_1058] {strides = array<i32>} : memref<16x64xf32, #tpu.memory_space<vmem>>, vector<16xf32>,
        %add3A_1060 = arith.addf %get3A_1059, %while3A_1028#3 : vector<16xf32>
        %swap3A_1061 = arith.constant 10 : i32
        %swap3A_1062 = arith.index_cast %swap3A_1061 : i32 to index
        %swap3A_1063 = arith.constant 48 : index
        %swap3A_1064 = tpu.vector_load %arg8[%swap3A_1062, %swap3A_1063] {strides = array<i32>} : memref<16x64xf32, #tpu.memory_space<vmem>>, vector<16xf32>,
        tpu.vector_store %arg8[%swap3A_1062, %swap3A_1063], %add3A_1060 {strides = array<i32>} : memref<16x64xf32, #tpu.memory_space<vmem>>, vector<16xf32>,
        %max3A_1065 = arith.maxsi %reduce_sum3A_386, %mul3A_518 : i32
        %add3A_1066 = arith.constant 512 : i32
        %add3A_1067 = arith.addi %mul3A_518, %add3A_1066 : i32
        %min3A_1068 = arith.minsi %reduce_sum3A_396, %add3A_1067 : i32
        %while3A_1069 = arith.subi %min3A_1068, %max3A_1065 : i32
        %while3A_1070 = arith.addi %max3A_1065, %while3A_1069 : i32
        %while3A_1071 = arith.constant 1 : i32
        %while3A_1072 = arith.divsi %while3A_1069, %while3A_1071 : i32
        %while3A_1073 = arith.muli %while3A_1072, %while3A_1071 : i32
        %while3A_1074 = arith.addi %max3A_1065, %while3A_1073 : i32
        %while3A_1075 = arith.constant 1 : i32
        %while3A_1076:4 = scf.for %while3A_1315 = %max3A_1065 to %while3A_1074 step %while3A_1075 iter_args(%while3A_1316 = %broadcast_in_dim3A_6, %while3A_1317 = %broadcast_in_dim3A_6, %while3A_1318 = %broadcast_in_dim3A_6, %while3A_1319 = %broadcast_in_dim3A_6) -> (vector<16xf32>, vector<16xf32>, vector<16xf32>, vector<16xf32>)  : i32 {
          %sub3A_1320 = arith.subi %while3A_1315, %mul3A_518 : i32
          %get3A_1321 = arith.index_cast %sub3A_1320 : i32 to index
          %get3A_1322 = arith.constant 0 : index
          %get3A_1323 = tpu.vector_load %arg7[%get3A_1321, %get3A_1322] {strides = array<i32>} : memref<512x64xf32, #tpu.memory_space<vmem>>, vector<16xf32>,
          %add3A_1324 = arith.addf %while3A_1316, %get3A_1323 : vector<16xf32>
          %get3A_1325 = arith.index_cast %sub3A_1320 : i32 to index
          %get3A_1326 = arith.constant 16 : index
          %get3A_1327 = tpu.vector_load %arg7[%get3A_1325, %get3A_1326] {strides = array<i32>} : memref<512x64xf32, #tpu.memory_space<vmem>>, vector<16xf32>,
          %add3A_1328 = arith.addf %while3A_1317, %get3A_1327 : vector<16xf32>
          %get3A_1329 = arith.index_cast %sub3A_1320 : i32 to index
          %get3A_1330 = arith.constant 32 : index
          %get3A_1331 = tpu.vector_load %arg7[%get3A_1329, %get3A_1330] {strides = array<i32>} : memref<512x64xf32, #tpu.memory_space<vmem>>, vector<16xf32>,
          %add3A_1332 = arith.addf %while3A_1318, %get3A_1331 : vector<16xf32>
          %get3A_1333 = arith.index_cast %sub3A_1320 : i32 to index
          %get3A_1334 = arith.constant 48 : index
          %get3A_1335 = tpu.vector_load %arg7[%get3A_1333, %get3A_1334] {strides = array<i32>} : memref<512x64xf32, #tpu.memory_space<vmem>>, vector<16xf32>,
          %add3A_1336 = arith.addf %while3A_1319, %get3A_1335 : vector<16xf32>
          scf.yield %add3A_1324, %add3A_1328, %add3A_1332, %add3A_1336 : vector<16xf32>, vector<16xf32>, vector<16xf32>, vector<16xf32>
        }
        %while3A_1077 = arith.constant 1 : i32
        %while3A_1078:4 = scf.for %while3A_1315 = %while3A_1074 to %while3A_1070 step %while3A_1077 iter_args(%while3A_1316 = %while3A_1076#0, %while3A_1317 = %while3A_1076#1, %while3A_1318 = %while3A_1076#2, %while3A_1319 = %while3A_1076#3) -> (vector<16xf32>, vector<16xf32>, vector<16xf32>, vector<16xf32>)  : i32 {
          %sub3A_1320 = arith.subi %while3A_1315, %mul3A_518 : i32
          %get3A_1321 = arith.index_cast %sub3A_1320 : i32 to index
          %get3A_1322 = arith.constant 0 : index
          %get3A_1323 = tpu.vector_load %arg7[%get3A_1321, %get3A_1322] {strides = array<i32>} : memref<512x64xf32, #tpu.memory_space<vmem>>, vector<16xf32>,
          %add3A_1324 = arith.addf %while3A_1316, %get3A_1323 : vector<16xf32>
          %get3A_1325 = arith.index_cast %sub3A_1320 : i32 to index
          %get3A_1326 = arith.constant 16 : index
          %get3A_1327 = tpu.vector_load %arg7[%get3A_1325, %get3A_1326] {strides = array<i32>} : memref<512x64xf32, #tpu.memory_space<vmem>>, vector<16xf32>,
          %add3A_1328 = arith.addf %while3A_1317, %get3A_1327 : vector<16xf32>
          %get3A_1329 = arith.index_cast %sub3A_1320 : i32 to index
          %get3A_1330 = arith.constant 32 : index
          %get3A_1331 = tpu.vector_load %arg7[%get3A_1329, %get3A_1330] {strides = array<i32>} : memref<512x64xf32, #tpu.memory_space<vmem>>, vector<16xf32>,
          %add3A_1332 = arith.addf %while3A_1318, %get3A_1331 : vector<16xf32>
          %get3A_1333 = arith.index_cast %sub3A_1320 : i32 to index
          %get3A_1334 = arith.constant 48 : index
          %get3A_1335 = tpu.vector_load %arg7[%get3A_1333, %get3A_1334] {strides = array<i32>} : memref<512x64xf32, #tpu.memory_space<vmem>>, vector<16xf32>,
          %add3A_1336 = arith.addf %while3A_1319, %get3A_1335 : vector<16xf32>
          scf.yield %add3A_1324, %add3A_1328, %add3A_1332, %add3A_1336 : vector<16xf32>, vector<16xf32>, vector<16xf32>, vector<16xf32>
        }
        %get3A_1079 = arith.constant 11 : i32
        %get3A_1080 = arith.index_cast %get3A_1079 : i32 to index
        %get3A_1081 = arith.constant 0 : index
        %get3A_1082 = tpu.vector_load %arg8[%get3A_1080, %get3A_1081] {strides = array<i32>} : memref<16x64xf32, #tpu.memory_space<vmem>>, vector<16xf32>,
        %add3A_1083 = arith.addf %get3A_1082, %while3A_1078#0 : vector<16xf32>
        %swap3A_1084 = arith.constant 11 : i32
        %swap3A_1085 = arith.index_cast %swap3A_1084 : i32 to index
        %swap3A_1086 = arith.constant 0 : index
        %swap3A_1087 = tpu.vector_load %arg8[%swap3A_1085, %swap3A_1086] {strides = array<i32>} : memref<16x64xf32, #tpu.memory_space<vmem>>, vector<16xf32>,
        tpu.vector_store %arg8[%swap3A_1085, %swap3A_1086], %add3A_1083 {strides = array<i32>} : memref<16x64xf32, #tpu.memory_space<vmem>>, vector<16xf32>,
        %get3A_1088 = arith.constant 11 : i32
        %get3A_1089 = arith.index_cast %get3A_1088 : i32 to index
        %get3A_1090 = arith.constant 16 : index
        %get3A_1091 = tpu.vector_load %arg8[%get3A_1089, %get3A_1090] {strides = array<i32>} : memref<16x64xf32, #tpu.memory_space<vmem>>, vector<16xf32>,
        %add3A_1092 = arith.addf %get3A_1091, %while3A_1078#1 : vector<16xf32>
        %swap3A_1093 = arith.constant 11 : i32
        %swap3A_1094 = arith.index_cast %swap3A_1093 : i32 to index
        %swap3A_1095 = arith.constant 16 : index
        %swap3A_1096 = tpu.vector_load %arg8[%swap3A_1094, %swap3A_1095] {strides = array<i32>} : memref<16x64xf32, #tpu.memory_space<vmem>>, vector<16xf32>,
        tpu.vector_store %arg8[%swap3A_1094, %swap3A_1095], %add3A_1092 {strides = array<i32>} : memref<16x64xf32, #tpu.memory_space<vmem>>, vector<16xf32>,
        %get3A_1097 = arith.constant 11 : i32
        %get3A_1098 = arith.index_cast %get3A_1097 : i32 to index
        %get3A_1099 = arith.constant 32 : index
        %get3A_1100 = tpu.vector_load %arg8[%get3A_1098, %get3A_1099] {strides = array<i32>} : memref<16x64xf32, #tpu.memory_space<vmem>>, vector<16xf32>,
        %add3A_1101 = arith.addf %get3A_1100, %while3A_1078#2 : vector<16xf32>
        %swap3A_1102 = arith.constant 11 : i32
        %swap3A_1103 = arith.index_cast %swap3A_1102 : i32 to index
        %swap3A_1104 = arith.constant 32 : index
        %swap3A_1105 = tpu.vector_load %arg8[%swap3A_1103, %swap3A_1104] {strides = array<i32>} : memref<16x64xf32, #tpu.memory_space<vmem>>, vector<16xf32>,
        tpu.vector_store %arg8[%swap3A_1103, %swap3A_1104], %add3A_1101 {strides = array<i32>} : memref<16x64xf32, #tpu.memory_space<vmem>>, vector<16xf32>,
        %get3A_1106 = arith.constant 11 : i32
        %get3A_1107 = arith.index_cast %get3A_1106 : i32 to index
        %get3A_1108 = arith.constant 48 : index
        %get3A_1109 = tpu.vector_load %arg8[%get3A_1107, %get3A_1108] {strides = array<i32>} : memref<16x64xf32, #tpu.memory_space<vmem>>, vector<16xf32>,
        %add3A_1110 = arith.addf %get3A_1109, %while3A_1078#3 : vector<16xf32>
        %swap3A_1111 = arith.constant 11 : i32
        %swap3A_1112 = arith.index_cast %swap3A_1111 : i32 to index
        %swap3A_1113 = arith.constant 48 : index
        %swap3A_1114 = tpu.vector_load %arg8[%swap3A_1112, %swap3A_1113] {strides = array<i32>} : memref<16x64xf32, #tpu.memory_space<vmem>>, vector<16xf32>,
        tpu.vector_store %arg8[%swap3A_1112, %swap3A_1113], %add3A_1110 {strides = array<i32>} : memref<16x64xf32, #tpu.memory_space<vmem>>, vector<16xf32>,
        %max3A_1115 = arith.maxsi %reduce_sum3A_396, %mul3A_518 : i32
        %add3A_1116 = arith.constant 512 : i32
        %add3A_1117 = arith.addi %mul3A_518, %add3A_1116 : i32
        %min3A_1118 = arith.minsi %reduce_sum3A_406, %add3A_1117 : i32
        %while3A_1119 = arith.subi %min3A_1118, %max3A_1115 : i32
        %while3A_1120 = arith.addi %max3A_1115, %while3A_1119 : i32
        %while3A_1121 = arith.constant 1 : i32
        %while3A_1122 = arith.divsi %while3A_1119, %while3A_1121 : i32
        %while3A_1123 = arith.muli %while3A_1122, %while3A_1121 : i32
        %while3A_1124 = arith.addi %max3A_1115, %while3A_1123 : i32
        %while3A_1125 = arith.constant 1 : i32
        %while3A_1126:4 = scf.for %while3A_1315 = %max3A_1115 to %while3A_1124 step %while3A_1125 iter_args(%while3A_1316 = %broadcast_in_dim3A_6, %while3A_1317 = %broadcast_in_dim3A_6, %while3A_1318 = %broadcast_in_dim3A_6, %while3A_1319 = %broadcast_in_dim3A_6) -> (vector<16xf32>, vector<16xf32>, vector<16xf32>, vector<16xf32>)  : i32 {
          %sub3A_1320 = arith.subi %while3A_1315, %mul3A_518 : i32
          %get3A_1321 = arith.index_cast %sub3A_1320 : i32 to index
          %get3A_1322 = arith.constant 0 : index
          %get3A_1323 = tpu.vector_load %arg7[%get3A_1321, %get3A_1322] {strides = array<i32>} : memref<512x64xf32, #tpu.memory_space<vmem>>, vector<16xf32>,
          %add3A_1324 = arith.addf %while3A_1316, %get3A_1323 : vector<16xf32>
          %get3A_1325 = arith.index_cast %sub3A_1320 : i32 to index
          %get3A_1326 = arith.constant 16 : index
          %get3A_1327 = tpu.vector_load %arg7[%get3A_1325, %get3A_1326] {strides = array<i32>} : memref<512x64xf32, #tpu.memory_space<vmem>>, vector<16xf32>,
          %add3A_1328 = arith.addf %while3A_1317, %get3A_1327 : vector<16xf32>
          %get3A_1329 = arith.index_cast %sub3A_1320 : i32 to index
          %get3A_1330 = arith.constant 32 : index
          %get3A_1331 = tpu.vector_load %arg7[%get3A_1329, %get3A_1330] {strides = array<i32>} : memref<512x64xf32, #tpu.memory_space<vmem>>, vector<16xf32>,
          %add3A_1332 = arith.addf %while3A_1318, %get3A_1331 : vector<16xf32>
          %get3A_1333 = arith.index_cast %sub3A_1320 : i32 to index
          %get3A_1334 = arith.constant 48 : index
          %get3A_1335 = tpu.vector_load %arg7[%get3A_1333, %get3A_1334] {strides = array<i32>} : memref<512x64xf32, #tpu.memory_space<vmem>>, vector<16xf32>,
          %add3A_1336 = arith.addf %while3A_1319, %get3A_1335 : vector<16xf32>
          scf.yield %add3A_1324, %add3A_1328, %add3A_1332, %add3A_1336 : vector<16xf32>, vector<16xf32>, vector<16xf32>, vector<16xf32>
        }
        %while3A_1127 = arith.constant 1 : i32
        %while3A_1128:4 = scf.for %while3A_1315 = %while3A_1124 to %while3A_1120 step %while3A_1127 iter_args(%while3A_1316 = %while3A_1126#0, %while3A_1317 = %while3A_1126#1, %while3A_1318 = %while3A_1126#2, %while3A_1319 = %while3A_1126#3) -> (vector<16xf32>, vector<16xf32>, vector<16xf32>, vector<16xf32>)  : i32 {
          %sub3A_1320 = arith.subi %while3A_1315, %mul3A_518 : i32
          %get3A_1321 = arith.index_cast %sub3A_1320 : i32 to index
          %get3A_1322 = arith.constant 0 : index
          %get3A_1323 = tpu.vector_load %arg7[%get3A_1321, %get3A_1322] {strides = array<i32>} : memref<512x64xf32, #tpu.memory_space<vmem>>, vector<16xf32>,
          %add3A_1324 = arith.addf %while3A_1316, %get3A_1323 : vector<16xf32>
          %get3A_1325 = arith.index_cast %sub3A_1320 : i32 to index
          %get3A_1326 = arith.constant 16 : index
          %get3A_1327 = tpu.vector_load %arg7[%get3A_1325, %get3A_1326] {strides = array<i32>} : memref<512x64xf32, #tpu.memory_space<vmem>>, vector<16xf32>,
          %add3A_1328 = arith.addf %while3A_1317, %get3A_1327 : vector<16xf32>
          %get3A_1329 = arith.index_cast %sub3A_1320 : i32 to index
          %get3A_1330 = arith.constant 32 : index
          %get3A_1331 = tpu.vector_load %arg7[%get3A_1329, %get3A_1330] {strides = array<i32>} : memref<512x64xf32, #tpu.memory_space<vmem>>, vector<16xf32>,
          %add3A_1332 = arith.addf %while3A_1318, %get3A_1331 : vector<16xf32>
          %get3A_1333 = arith.index_cast %sub3A_1320 : i32 to index
          %get3A_1334 = arith.constant 48 : index
          %get3A_1335 = tpu.vector_load %arg7[%get3A_1333, %get3A_1334] {strides = array<i32>} : memref<512x64xf32, #tpu.memory_space<vmem>>, vector<16xf32>,
          %add3A_1336 = arith.addf %while3A_1319, %get3A_1335 : vector<16xf32>
          scf.yield %add3A_1324, %add3A_1328, %add3A_1332, %add3A_1336 : vector<16xf32>, vector<16xf32>, vector<16xf32>, vector<16xf32>
        }
        %get3A_1129 = arith.constant 12 : i32
        %get3A_1130 = arith.index_cast %get3A_1129 : i32 to index
        %get3A_1131 = arith.constant 0 : index
        %get3A_1132 = tpu.vector_load %arg8[%get3A_1130, %get3A_1131] {strides = array<i32>} : memref<16x64xf32, #tpu.memory_space<vmem>>, vector<16xf32>,
        %add3A_1133 = arith.addf %get3A_1132, %while3A_1128#0 : vector<16xf32>
        %swap3A_1134 = arith.constant 12 : i32
        %swap3A_1135 = arith.index_cast %swap3A_1134 : i32 to index
        %swap3A_1136 = arith.constant 0 : index
        %swap3A_1137 = tpu.vector_load %arg8[%swap3A_1135, %swap3A_1136] {strides = array<i32>} : memref<16x64xf32, #tpu.memory_space<vmem>>, vector<16xf32>,
        tpu.vector_store %arg8[%swap3A_1135, %swap3A_1136], %add3A_1133 {strides = array<i32>} : memref<16x64xf32, #tpu.memory_space<vmem>>, vector<16xf32>,
        %get3A_1138 = arith.constant 12 : i32
        %get3A_1139 = arith.index_cast %get3A_1138 : i32 to index
        %get3A_1140 = arith.constant 16 : index
        %get3A_1141 = tpu.vector_load %arg8[%get3A_1139, %get3A_1140] {strides = array<i32>} : memref<16x64xf32, #tpu.memory_space<vmem>>, vector<16xf32>,
        %add3A_1142 = arith.addf %get3A_1141, %while3A_1128#1 : vector<16xf32>
        %swap3A_1143 = arith.constant 12 : i32
        %swap3A_1144 = arith.index_cast %swap3A_1143 : i32 to index
        %swap3A_1145 = arith.constant 16 : index
        %swap3A_1146 = tpu.vector_load %arg8[%swap3A_1144, %swap3A_1145] {strides = array<i32>} : memref<16x64xf32, #tpu.memory_space<vmem>>, vector<16xf32>,
        tpu.vector_store %arg8[%swap3A_1144, %swap3A_1145], %add3A_1142 {strides = array<i32>} : memref<16x64xf32, #tpu.memory_space<vmem>>, vector<16xf32>,
        %get3A_1147 = arith.constant 12 : i32
        %get3A_1148 = arith.index_cast %get3A_1147 : i32 to index
        %get3A_1149 = arith.constant 32 : index
        %get3A_1150 = tpu.vector_load %arg8[%get3A_1148, %get3A_1149] {strides = array<i32>} : memref<16x64xf32, #tpu.memory_space<vmem>>, vector<16xf32>,
        %add3A_1151 = arith.addf %get3A_1150, %while3A_1128#2 : vector<16xf32>
        %swap3A_1152 = arith.constant 12 : i32
        %swap3A_1153 = arith.index_cast %swap3A_1152 : i32 to index
        %swap3A_1154 = arith.constant 32 : index
        %swap3A_1155 = tpu.vector_load %arg8[%swap3A_1153, %swap3A_1154] {strides = array<i32>} : memref<16x64xf32, #tpu.memory_space<vmem>>, vector<16xf32>,
        tpu.vector_store %arg8[%swap3A_1153, %swap3A_1154], %add3A_1151 {strides = array<i32>} : memref<16x64xf32, #tpu.memory_space<vmem>>, vector<16xf32>,
        %get3A_1156 = arith.constant 12 : i32
        %get3A_1157 = arith.index_cast %get3A_1156 : i32 to index
        %get3A_1158 = arith.constant 48 : index
        %get3A_1159 = tpu.vector_load %arg8[%get3A_1157, %get3A_1158] {strides = array<i32>} : memref<16x64xf32, #tpu.memory_space<vmem>>, vector<16xf32>,
        %add3A_1160 = arith.addf %get3A_1159, %while3A_1128#3 : vector<16xf32>
        %swap3A_1161 = arith.constant 12 : i32
        %swap3A_1162 = arith.index_cast %swap3A_1161 : i32 to index
        %swap3A_1163 = arith.constant 48 : index
        %swap3A_1164 = tpu.vector_load %arg8[%swap3A_1162, %swap3A_1163] {strides = array<i32>} : memref<16x64xf32, #tpu.memory_space<vmem>>, vector<16xf32>,
        tpu.vector_store %arg8[%swap3A_1162, %swap3A_1163], %add3A_1160 {strides = array<i32>} : memref<16x64xf32, #tpu.memory_space<vmem>>, vector<16xf32>,
        %max3A_1165 = arith.maxsi %reduce_sum3A_406, %mul3A_518 : i32
        %add3A_1166 = arith.constant 512 : i32
        %add3A_1167 = arith.addi %mul3A_518, %add3A_1166 : i32
        %min3A_1168 = arith.minsi %reduce_sum3A_416, %add3A_1167 : i32
        %while3A_1169 = arith.subi %min3A_1168, %max3A_1165 : i32
        %while3A_1170 = arith.addi %max3A_1165, %while3A_1169 : i32
        %while3A_1171 = arith.constant 1 : i32
        %while3A_1172 = arith.divsi %while3A_1169, %while3A_1171 : i32
        %while3A_1173 = arith.muli %while3A_1172, %while3A_1171 : i32
        %while3A_1174 = arith.addi %max3A_1165, %while3A_1173 : i32
        %while3A_1175 = arith.constant 1 : i32
        %while3A_1176:4 = scf.for %while3A_1315 = %max3A_1165 to %while3A_1174 step %while3A_1175 iter_args(%while3A_1316 = %broadcast_in_dim3A_6, %while3A_1317 = %broadcast_in_dim3A_6, %while3A_1318 = %broadcast_in_dim3A_6, %while3A_1319 = %broadcast_in_dim3A_6) -> (vector<16xf32>, vector<16xf32>, vector<16xf32>, vector<16xf32>)  : i32 {
          %sub3A_1320 = arith.subi %while3A_1315, %mul3A_518 : i32
          %get3A_1321 = arith.index_cast %sub3A_1320 : i32 to index
          %get3A_1322 = arith.constant 0 : index
          %get3A_1323 = tpu.vector_load %arg7[%get3A_1321, %get3A_1322] {strides = array<i32>} : memref<512x64xf32, #tpu.memory_space<vmem>>, vector<16xf32>,
          %add3A_1324 = arith.addf %while3A_1316, %get3A_1323 : vector<16xf32>
          %get3A_1325 = arith.index_cast %sub3A_1320 : i32 to index
          %get3A_1326 = arith.constant 16 : index
          %get3A_1327 = tpu.vector_load %arg7[%get3A_1325, %get3A_1326] {strides = array<i32>} : memref<512x64xf32, #tpu.memory_space<vmem>>, vector<16xf32>,
          %add3A_1328 = arith.addf %while3A_1317, %get3A_1327 : vector<16xf32>
          %get3A_1329 = arith.index_cast %sub3A_1320 : i32 to index
          %get3A_1330 = arith.constant 32 : index
          %get3A_1331 = tpu.vector_load %arg7[%get3A_1329, %get3A_1330] {strides = array<i32>} : memref<512x64xf32, #tpu.memory_space<vmem>>, vector<16xf32>,
          %add3A_1332 = arith.addf %while3A_1318, %get3A_1331 : vector<16xf32>
          %get3A_1333 = arith.index_cast %sub3A_1320 : i32 to index
          %get3A_1334 = arith.constant 48 : index
          %get3A_1335 = tpu.vector_load %arg7[%get3A_1333, %get3A_1334] {strides = array<i32>} : memref<512x64xf32, #tpu.memory_space<vmem>>, vector<16xf32>,
          %add3A_1336 = arith.addf %while3A_1319, %get3A_1335 : vector<16xf32>
          scf.yield %add3A_1324, %add3A_1328, %add3A_1332, %add3A_1336 : vector<16xf32>, vector<16xf32>, vector<16xf32>, vector<16xf32>
        }
        %while3A_1177 = arith.constant 1 : i32
        %while3A_1178:4 = scf.for %while3A_1315 = %while3A_1174 to %while3A_1170 step %while3A_1177 iter_args(%while3A_1316 = %while3A_1176#0, %while3A_1317 = %while3A_1176#1, %while3A_1318 = %while3A_1176#2, %while3A_1319 = %while3A_1176#3) -> (vector<16xf32>, vector<16xf32>, vector<16xf32>, vector<16xf32>)  : i32 {
          %sub3A_1320 = arith.subi %while3A_1315, %mul3A_518 : i32
          %get3A_1321 = arith.index_cast %sub3A_1320 : i32 to index
          %get3A_1322 = arith.constant 0 : index
          %get3A_1323 = tpu.vector_load %arg7[%get3A_1321, %get3A_1322] {strides = array<i32>} : memref<512x64xf32, #tpu.memory_space<vmem>>, vector<16xf32>,
          %add3A_1324 = arith.addf %while3A_1316, %get3A_1323 : vector<16xf32>
          %get3A_1325 = arith.index_cast %sub3A_1320 : i32 to index
          %get3A_1326 = arith.constant 16 : index
          %get3A_1327 = tpu.vector_load %arg7[%get3A_1325, %get3A_1326] {strides = array<i32>} : memref<512x64xf32, #tpu.memory_space<vmem>>, vector<16xf32>,
          %add3A_1328 = arith.addf %while3A_1317, %get3A_1327 : vector<16xf32>
          %get3A_1329 = arith.index_cast %sub3A_1320 : i32 to index
          %get3A_1330 = arith.constant 32 : index
          %get3A_1331 = tpu.vector_load %arg7[%get3A_1329, %get3A_1330] {strides = array<i32>} : memref<512x64xf32, #tpu.memory_space<vmem>>, vector<16xf32>,
          %add3A_1332 = arith.addf %while3A_1318, %get3A_1331 : vector<16xf32>
          %get3A_1333 = arith.index_cast %sub3A_1320 : i32 to index
          %get3A_1334 = arith.constant 48 : index
          %get3A_1335 = tpu.vector_load %arg7[%get3A_1333, %get3A_1334] {strides = array<i32>} : memref<512x64xf32, #tpu.memory_space<vmem>>, vector<16xf32>,
          %add3A_1336 = arith.addf %while3A_1319, %get3A_1335 : vector<16xf32>
          scf.yield %add3A_1324, %add3A_1328, %add3A_1332, %add3A_1336 : vector<16xf32>, vector<16xf32>, vector<16xf32>, vector<16xf32>
        }
        %get3A_1179 = arith.constant 13 : i32
        %get3A_1180 = arith.index_cast %get3A_1179 : i32 to index
        %get3A_1181 = arith.constant 0 : index
        %get3A_1182 = tpu.vector_load %arg8[%get3A_1180, %get3A_1181] {strides = array<i32>} : memref<16x64xf32, #tpu.memory_space<vmem>>, vector<16xf32>,
        %add3A_1183 = arith.addf %get3A_1182, %while3A_1178#0 : vector<16xf32>
        %swap3A_1184 = arith.constant 13 : i32
        %swap3A_1185 = arith.index_cast %swap3A_1184 : i32 to index
        %swap3A_1186 = arith.constant 0 : index
        %swap3A_1187 = tpu.vector_load %arg8[%swap3A_1185, %swap3A_1186] {strides = array<i32>} : memref<16x64xf32, #tpu.memory_space<vmem>>, vector<16xf32>,
        tpu.vector_store %arg8[%swap3A_1185, %swap3A_1186], %add3A_1183 {strides = array<i32>} : memref<16x64xf32, #tpu.memory_space<vmem>>, vector<16xf32>,
        %get3A_1188 = arith.constant 13 : i32
        %get3A_1189 = arith.index_cast %get3A_1188 : i32 to index
        %get3A_1190 = arith.constant 16 : index
        %get3A_1191 = tpu.vector_load %arg8[%get3A_1189, %get3A_1190] {strides = array<i32>} : memref<16x64xf32, #tpu.memory_space<vmem>>, vector<16xf32>,
        %add3A_1192 = arith.addf %get3A_1191, %while3A_1178#1 : vector<16xf32>
        %swap3A_1193 = arith.constant 13 : i32
        %swap3A_1194 = arith.index_cast %swap3A_1193 : i32 to index
        %swap3A_1195 = arith.constant 16 : index
        %swap3A_1196 = tpu.vector_load %arg8[%swap3A_1194, %swap3A_1195] {strides = array<i32>} : memref<16x64xf32, #tpu.memory_space<vmem>>, vector<16xf32>,
        tpu.vector_store %arg8[%swap3A_1194, %swap3A_1195], %add3A_1192 {strides = array<i32>} : memref<16x64xf32, #tpu.memory_space<vmem>>, vector<16xf32>,
        %get3A_1197 = arith.constant 13 : i32
        %get3A_1198 = arith.index_cast %get3A_1197 : i32 to index
        %get3A_1199 = arith.constant 32 : index
        %get3A_1200 = tpu.vector_load %arg8[%get3A_1198, %get3A_1199] {strides = array<i32>} : memref<16x64xf32, #tpu.memory_space<vmem>>, vector<16xf32>,
        %add3A_1201 = arith.addf %get3A_1200, %while3A_1178#2 : vector<16xf32>
        %swap3A_1202 = arith.constant 13 : i32
        %swap3A_1203 = arith.index_cast %swap3A_1202 : i32 to index
        %swap3A_1204 = arith.constant 32 : index
        %swap3A_1205 = tpu.vector_load %arg8[%swap3A_1203, %swap3A_1204] {strides = array<i32>} : memref<16x64xf32, #tpu.memory_space<vmem>>, vector<16xf32>,
        tpu.vector_store %arg8[%swap3A_1203, %swap3A_1204], %add3A_1201 {strides = array<i32>} : memref<16x64xf32, #tpu.memory_space<vmem>>, vector<16xf32>,
        %get3A_1206 = arith.constant 13 : i32
        %get3A_1207 = arith.index_cast %get3A_1206 : i32 to index
        %get3A_1208 = arith.constant 48 : index
        %get3A_1209 = tpu.vector_load %arg8[%get3A_1207, %get3A_1208] {strides = array<i32>} : memref<16x64xf32, #tpu.memory_space<vmem>>, vector<16xf32>,
        %add3A_1210 = arith.addf %get3A_1209, %while3A_1178#3 : vector<16xf32>
        %swap3A_1211 = arith.constant 13 : i32
        %swap3A_1212 = arith.index_cast %swap3A_1211 : i32 to index
        %swap3A_1213 = arith.constant 48 : index
        %swap3A_1214 = tpu.vector_load %arg8[%swap3A_1212, %swap3A_1213] {strides = array<i32>} : memref<16x64xf32, #tpu.memory_space<vmem>>, vector<16xf32>,
        tpu.vector_store %arg8[%swap3A_1212, %swap3A_1213], %add3A_1210 {strides = array<i32>} : memref<16x64xf32, #tpu.memory_space<vmem>>, vector<16xf32>,
        %max3A_1215 = arith.maxsi %reduce_sum3A_416, %mul3A_518 : i32
        %add3A_1216 = arith.constant 512 : i32
        %add3A_1217 = arith.addi %mul3A_518, %add3A_1216 : i32
        %min3A_1218 = arith.minsi %reduce_sum3A_426, %add3A_1217 : i32
        %while3A_1219 = arith.subi %min3A_1218, %max3A_1215 : i32
        %while3A_1220 = arith.addi %max3A_1215, %while3A_1219 : i32
        %while3A_1221 = arith.constant 1 : i32
        %while3A_1222 = arith.divsi %while3A_1219, %while3A_1221 : i32
        %while3A_1223 = arith.muli %while3A_1222, %while3A_1221 : i32
        %while3A_1224 = arith.addi %max3A_1215, %while3A_1223 : i32
        %while3A_1225 = arith.constant 1 : i32
        %while3A_1226:4 = scf.for %while3A_1315 = %max3A_1215 to %while3A_1224 step %while3A_1225 iter_args(%while3A_1316 = %broadcast_in_dim3A_6, %while3A_1317 = %broadcast_in_dim3A_6, %while3A_1318 = %broadcast_in_dim3A_6, %while3A_1319 = %broadcast_in_dim3A_6) -> (vector<16xf32>, vector<16xf32>, vector<16xf32>, vector<16xf32>)  : i32 {
          %sub3A_1320 = arith.subi %while3A_1315, %mul3A_518 : i32
          %get3A_1321 = arith.index_cast %sub3A_1320 : i32 to index
          %get3A_1322 = arith.constant 0 : index
          %get3A_1323 = tpu.vector_load %arg7[%get3A_1321, %get3A_1322] {strides = array<i32>} : memref<512x64xf32, #tpu.memory_space<vmem>>, vector<16xf32>,
          %add3A_1324 = arith.addf %while3A_1316, %get3A_1323 : vector<16xf32>
          %get3A_1325 = arith.index_cast %sub3A_1320 : i32 to index
          %get3A_1326 = arith.constant 16 : index
          %get3A_1327 = tpu.vector_load %arg7[%get3A_1325, %get3A_1326] {strides = array<i32>} : memref<512x64xf32, #tpu.memory_space<vmem>>, vector<16xf32>,
          %add3A_1328 = arith.addf %while3A_1317, %get3A_1327 : vector<16xf32>
          %get3A_1329 = arith.index_cast %sub3A_1320 : i32 to index
          %get3A_1330 = arith.constant 32 : index
          %get3A_1331 = tpu.vector_load %arg7[%get3A_1329, %get3A_1330] {strides = array<i32>} : memref<512x64xf32, #tpu.memory_space<vmem>>, vector<16xf32>,
          %add3A_1332 = arith.addf %while3A_1318, %get3A_1331 : vector<16xf32>
          %get3A_1333 = arith.index_cast %sub3A_1320 : i32 to index
          %get3A_1334 = arith.constant 48 : index
          %get3A_1335 = tpu.vector_load %arg7[%get3A_1333, %get3A_1334] {strides = array<i32>} : memref<512x64xf32, #tpu.memory_space<vmem>>, vector<16xf32>,
          %add3A_1336 = arith.addf %while3A_1319, %get3A_1335 : vector<16xf32>
          scf.yield %add3A_1324, %add3A_1328, %add3A_1332, %add3A_1336 : vector<16xf32>, vector<16xf32>, vector<16xf32>, vector<16xf32>
        }
        %while3A_1227 = arith.constant 1 : i32
        %while3A_1228:4 = scf.for %while3A_1315 = %while3A_1224 to %while3A_1220 step %while3A_1227 iter_args(%while3A_1316 = %while3A_1226#0, %while3A_1317 = %while3A_1226#1, %while3A_1318 = %while3A_1226#2, %while3A_1319 = %while3A_1226#3) -> (vector<16xf32>, vector<16xf32>, vector<16xf32>, vector<16xf32>)  : i32 {
          %sub3A_1320 = arith.subi %while3A_1315, %mul3A_518 : i32
          %get3A_1321 = arith.index_cast %sub3A_1320 : i32 to index
          %get3A_1322 = arith.constant 0 : index
          %get3A_1323 = tpu.vector_load %arg7[%get3A_1321, %get3A_1322] {strides = array<i32>} : memref<512x64xf32, #tpu.memory_space<vmem>>, vector<16xf32>,
          %add3A_1324 = arith.addf %while3A_1316, %get3A_1323 : vector<16xf32>
          %get3A_1325 = arith.index_cast %sub3A_1320 : i32 to index
          %get3A_1326 = arith.constant 16 : index
          %get3A_1327 = tpu.vector_load %arg7[%get3A_1325, %get3A_1326] {strides = array<i32>} : memref<512x64xf32, #tpu.memory_space<vmem>>, vector<16xf32>,
          %add3A_1328 = arith.addf %while3A_1317, %get3A_1327 : vector<16xf32>
          %get3A_1329 = arith.index_cast %sub3A_1320 : i32 to index
          %get3A_1330 = arith.constant 32 : index
          %get3A_1331 = tpu.vector_load %arg7[%get3A_1329, %get3A_1330] {strides = array<i32>} : memref<512x64xf32, #tpu.memory_space<vmem>>, vector<16xf32>,
          %add3A_1332 = arith.addf %while3A_1318, %get3A_1331 : vector<16xf32>
          %get3A_1333 = arith.index_cast %sub3A_1320 : i32 to index
          %get3A_1334 = arith.constant 48 : index
          %get3A_1335 = tpu.vector_load %arg7[%get3A_1333, %get3A_1334] {strides = array<i32>} : memref<512x64xf32, #tpu.memory_space<vmem>>, vector<16xf32>,
          %add3A_1336 = arith.addf %while3A_1319, %get3A_1335 : vector<16xf32>
          scf.yield %add3A_1324, %add3A_1328, %add3A_1332, %add3A_1336 : vector<16xf32>, vector<16xf32>, vector<16xf32>, vector<16xf32>
        }
        %get3A_1229 = arith.constant 14 : i32
        %get3A_1230 = arith.index_cast %get3A_1229 : i32 to index
        %get3A_1231 = arith.constant 0 : index
        %get3A_1232 = tpu.vector_load %arg8[%get3A_1230, %get3A_1231] {strides = array<i32>} : memref<16x64xf32, #tpu.memory_space<vmem>>, vector<16xf32>,
        %add3A_1233 = arith.addf %get3A_1232, %while3A_1228#0 : vector<16xf32>
        %swap3A_1234 = arith.constant 14 : i32
        %swap3A_1235 = arith.index_cast %swap3A_1234 : i32 to index
        %swap3A_1236 = arith.constant 0 : index
        %swap3A_1237 = tpu.vector_load %arg8[%swap3A_1235, %swap3A_1236] {strides = array<i32>} : memref<16x64xf32, #tpu.memory_space<vmem>>, vector<16xf32>,
        tpu.vector_store %arg8[%swap3A_1235, %swap3A_1236], %add3A_1233 {strides = array<i32>} : memref<16x64xf32, #tpu.memory_space<vmem>>, vector<16xf32>,
        %get3A_1238 = arith.constant 14 : i32
        %get3A_1239 = arith.index_cast %get3A_1238 : i32 to index
        %get3A_1240 = arith.constant 16 : index
        %get3A_1241 = tpu.vector_load %arg8[%get3A_1239, %get3A_1240] {strides = array<i32>} : memref<16x64xf32, #tpu.memory_space<vmem>>, vector<16xf32>,
        %add3A_1242 = arith.addf %get3A_1241, %while3A_1228#1 : vector<16xf32>
        %swap3A_1243 = arith.constant 14 : i32
        %swap3A_1244 = arith.index_cast %swap3A_1243 : i32 to index
        %swap3A_1245 = arith.constant 16 : index
        %swap3A_1246 = tpu.vector_load %arg8[%swap3A_1244, %swap3A_1245] {strides = array<i32>} : memref<16x64xf32, #tpu.memory_space<vmem>>, vector<16xf32>,
        tpu.vector_store %arg8[%swap3A_1244, %swap3A_1245], %add3A_1242 {strides = array<i32>} : memref<16x64xf32, #tpu.memory_space<vmem>>, vector<16xf32>,
        %get3A_1247 = arith.constant 14 : i32
        %get3A_1248 = arith.index_cast %get3A_1247 : i32 to index
        %get3A_1249 = arith.constant 32 : index
        %get3A_1250 = tpu.vector_load %arg8[%get3A_1248, %get3A_1249] {strides = array<i32>} : memref<16x64xf32, #tpu.memory_space<vmem>>, vector<16xf32>,
        %add3A_1251 = arith.addf %get3A_1250, %while3A_1228#2 : vector<16xf32>
        %swap3A_1252 = arith.constant 14 : i32
        %swap3A_1253 = arith.index_cast %swap3A_1252 : i32 to index
        %swap3A_1254 = arith.constant 32 : index
        %swap3A_1255 = tpu.vector_load %arg8[%swap3A_1253, %swap3A_1254] {strides = array<i32>} : memref<16x64xf32, #tpu.memory_space<vmem>>, vector<16xf32>,
        tpu.vector_store %arg8[%swap3A_1253, %swap3A_1254], %add3A_1251 {strides = array<i32>} : memref<16x64xf32, #tpu.memory_space<vmem>>, vector<16xf32>,
        %get3A_1256 = arith.constant 14 : i32
        %get3A_1257 = arith.index_cast %get3A_1256 : i32 to index
        %get3A_1258 = arith.constant 48 : index
        %get3A_1259 = tpu.vector_load %arg8[%get3A_1257, %get3A_1258] {strides = array<i32>} : memref<16x64xf32, #tpu.memory_space<vmem>>, vector<16xf32>,
        %add3A_1260 = arith.addf %get3A_1259, %while3A_1228#3 : vector<16xf32>
        %swap3A_1261 = arith.constant 14 : i32
        %swap3A_1262 = arith.index_cast %swap3A_1261 : i32 to index
        %swap3A_1263 = arith.constant 48 : index
        %swap3A_1264 = tpu.vector_load %arg8[%swap3A_1262, %swap3A_1263] {strides = array<i32>} : memref<16x64xf32, #tpu.memory_space<vmem>>, vector<16xf32>,
        tpu.vector_store %arg8[%swap3A_1262, %swap3A_1263], %add3A_1260 {strides = array<i32>} : memref<16x64xf32, #tpu.memory_space<vmem>>, vector<16xf32>,
        %max3A_1265 = arith.maxsi %reduce_sum3A_426, %mul3A_518 : i32
        %add3A_1266 = arith.constant 512 : i32
        %add3A_1267 = arith.addi %mul3A_518, %add3A_1266 : i32
        %min3A_1268 = arith.minsi %scan3A_428, %add3A_1267 : i32
        %while3A_1269 = arith.subi %min3A_1268, %max3A_1265 : i32
        %while3A_1270 = arith.addi %max3A_1265, %while3A_1269 : i32
        %while3A_1271 = arith.constant 1 : i32
        %while3A_1272 = arith.divsi %while3A_1269, %while3A_1271 : i32
        %while3A_1273 = arith.muli %while3A_1272, %while3A_1271 : i32
        %while3A_1274 = arith.addi %max3A_1265, %while3A_1273 : i32
        %while3A_1275 = arith.constant 1 : i32
        %while3A_1276:4 = scf.for %while3A_1315 = %max3A_1265 to %while3A_1274 step %while3A_1275 iter_args(%while3A_1316 = %broadcast_in_dim3A_6, %while3A_1317 = %broadcast_in_dim3A_6, %while3A_1318 = %broadcast_in_dim3A_6, %while3A_1319 = %broadcast_in_dim3A_6) -> (vector<16xf32>, vector<16xf32>, vector<16xf32>, vector<16xf32>)  : i32 {
          %sub3A_1320 = arith.subi %while3A_1315, %mul3A_518 : i32
          %get3A_1321 = arith.index_cast %sub3A_1320 : i32 to index
          %get3A_1322 = arith.constant 0 : index
          %get3A_1323 = tpu.vector_load %arg7[%get3A_1321, %get3A_1322] {strides = array<i32>} : memref<512x64xf32, #tpu.memory_space<vmem>>, vector<16xf32>,
          %add3A_1324 = arith.addf %while3A_1316, %get3A_1323 : vector<16xf32>
          %get3A_1325 = arith.index_cast %sub3A_1320 : i32 to index
          %get3A_1326 = arith.constant 16 : index
          %get3A_1327 = tpu.vector_load %arg7[%get3A_1325, %get3A_1326] {strides = array<i32>} : memref<512x64xf32, #tpu.memory_space<vmem>>, vector<16xf32>,
          %add3A_1328 = arith.addf %while3A_1317, %get3A_1327 : vector<16xf32>
          %get3A_1329 = arith.index_cast %sub3A_1320 : i32 to index
          %get3A_1330 = arith.constant 32 : index
          %get3A_1331 = tpu.vector_load %arg7[%get3A_1329, %get3A_1330] {strides = array<i32>} : memref<512x64xf32, #tpu.memory_space<vmem>>, vector<16xf32>,
          %add3A_1332 = arith.addf %while3A_1318, %get3A_1331 : vector<16xf32>
          %get3A_1333 = arith.index_cast %sub3A_1320 : i32 to index
          %get3A_1334 = arith.constant 48 : index
          %get3A_1335 = tpu.vector_load %arg7[%get3A_1333, %get3A_1334] {strides = array<i32>} : memref<512x64xf32, #tpu.memory_space<vmem>>, vector<16xf32>,
          %add3A_1336 = arith.addf %while3A_1319, %get3A_1335 : vector<16xf32>
          scf.yield %add3A_1324, %add3A_1328, %add3A_1332, %add3A_1336 : vector<16xf32>, vector<16xf32>, vector<16xf32>, vector<16xf32>
        }
        %while3A_1277 = arith.constant 1 : i32
        %while3A_1278:4 = scf.for %while3A_1315 = %while3A_1274 to %while3A_1270 step %while3A_1277 iter_args(%while3A_1316 = %while3A_1276#0, %while3A_1317 = %while3A_1276#1, %while3A_1318 = %while3A_1276#2, %while3A_1319 = %while3A_1276#3) -> (vector<16xf32>, vector<16xf32>, vector<16xf32>, vector<16xf32>)  : i32 {
          %sub3A_1320 = arith.subi %while3A_1315, %mul3A_518 : i32
          %get3A_1321 = arith.index_cast %sub3A_1320 : i32 to index
          %get3A_1322 = arith.constant 0 : index
          %get3A_1323 = tpu.vector_load %arg7[%get3A_1321, %get3A_1322] {strides = array<i32>} : memref<512x64xf32, #tpu.memory_space<vmem>>, vector<16xf32>,
          %add3A_1324 = arith.addf %while3A_1316, %get3A_1323 : vector<16xf32>
          %get3A_1325 = arith.index_cast %sub3A_1320 : i32 to index
          %get3A_1326 = arith.constant 16 : index
          %get3A_1327 = tpu.vector_load %arg7[%get3A_1325, %get3A_1326] {strides = array<i32>} : memref<512x64xf32, #tpu.memory_space<vmem>>, vector<16xf32>,
          %add3A_1328 = arith.addf %while3A_1317, %get3A_1327 : vector<16xf32>
          %get3A_1329 = arith.index_cast %sub3A_1320 : i32 to index
          %get3A_1330 = arith.constant 32 : index
          %get3A_1331 = tpu.vector_load %arg7[%get3A_1329, %get3A_1330] {strides = array<i32>} : memref<512x64xf32, #tpu.memory_space<vmem>>, vector<16xf32>,
          %add3A_1332 = arith.addf %while3A_1318, %get3A_1331 : vector<16xf32>
          %get3A_1333 = arith.index_cast %sub3A_1320 : i32 to index
          %get3A_1334 = arith.constant 48 : index
          %get3A_1335 = tpu.vector_load %arg7[%get3A_1333, %get3A_1334] {strides = array<i32>} : memref<512x64xf32, #tpu.memory_space<vmem>>, vector<16xf32>,
          %add3A_1336 = arith.addf %while3A_1319, %get3A_1335 : vector<16xf32>
          scf.yield %add3A_1324, %add3A_1328, %add3A_1332, %add3A_1336 : vector<16xf32>, vector<16xf32>, vector<16xf32>, vector<16xf32>
        }
        %get3A_1279 = arith.constant 15 : i32
        %get3A_1280 = arith.index_cast %get3A_1279 : i32 to index
        %get3A_1281 = arith.constant 0 : index
        %get3A_1282 = tpu.vector_load %arg8[%get3A_1280, %get3A_1281] {strides = array<i32>} : memref<16x64xf32, #tpu.memory_space<vmem>>, vector<16xf32>,
        %add3A_1283 = arith.addf %get3A_1282, %while3A_1278#0 : vector<16xf32>
        %swap3A_1284 = arith.constant 15 : i32
        %swap3A_1285 = arith.index_cast %swap3A_1284 : i32 to index
        %swap3A_1286 = arith.constant 0 : index
        %swap3A_1287 = tpu.vector_load %arg8[%swap3A_1285, %swap3A_1286] {strides = array<i32>} : memref<16x64xf32, #tpu.memory_space<vmem>>, vector<16xf32>,
        tpu.vector_store %arg8[%swap3A_1285, %swap3A_1286], %add3A_1283 {strides = array<i32>} : memref<16x64xf32, #tpu.memory_space<vmem>>, vector<16xf32>,
        %get3A_1288 = arith.constant 15 : i32
        %get3A_1289 = arith.index_cast %get3A_1288 : i32 to index
        %get3A_1290 = arith.constant 16 : index
        %get3A_1291 = tpu.vector_load %arg8[%get3A_1289, %get3A_1290] {strides = array<i32>} : memref<16x64xf32, #tpu.memory_space<vmem>>, vector<16xf32>,
        %add3A_1292 = arith.addf %get3A_1291, %while3A_1278#1 : vector<16xf32>
        %swap3A_1293 = arith.constant 15 : i32
        %swap3A_1294 = arith.index_cast %swap3A_1293 : i32 to index
        %swap3A_1295 = arith.constant 16 : index
        %swap3A_1296 = tpu.vector_load %arg8[%swap3A_1294, %swap3A_1295] {strides = array<i32>} : memref<16x64xf32, #tpu.memory_space<vmem>>, vector<16xf32>,
        tpu.vector_store %arg8[%swap3A_1294, %swap3A_1295], %add3A_1292 {strides = array<i32>} : memref<16x64xf32, #tpu.memory_space<vmem>>, vector<16xf32>,
        %get3A_1297 = arith.constant 15 : i32
        %get3A_1298 = arith.index_cast %get3A_1297 : i32 to index
        %get3A_1299 = arith.constant 32 : index
        %get3A_1300 = tpu.vector_load %arg8[%get3A_1298, %get3A_1299] {strides = array<i32>} : memref<16x64xf32, #tpu.memory_space<vmem>>, vector<16xf32>,
        %add3A_1301 = arith.addf %get3A_1300, %while3A_1278#2 : vector<16xf32>
        %swap3A_1302 = arith.constant 15 : i32
        %swap3A_1303 = arith.index_cast %swap3A_1302 : i32 to index
        %swap3A_1304 = arith.constant 32 : index
        %swap3A_1305 = tpu.vector_load %arg8[%swap3A_1303, %swap3A_1304] {strides = array<i32>} : memref<16x64xf32, #tpu.memory_space<vmem>>, vector<16xf32>,
        tpu.vector_store %arg8[%swap3A_1303, %swap3A_1304], %add3A_1301 {strides = array<i32>} : memref<16x64xf32, #tpu.memory_space<vmem>>, vector<16xf32>,
        %get3A_1306 = arith.constant 15 : i32
        %get3A_1307 = arith.index_cast %get3A_1306 : i32 to index
        %get3A_1308 = arith.constant 48 : index
        %get3A_1309 = tpu.vector_load %arg8[%get3A_1307, %get3A_1308] {strides = array<i32>} : memref<16x64xf32, #tpu.memory_space<vmem>>, vector<16xf32>,
        %add3A_1310 = arith.addf %get3A_1309, %while3A_1278#3 : vector<16xf32>
        %swap3A_1311 = arith.constant 15 : i32
        %swap3A_1312 = arith.index_cast %swap3A_1311 : i32 to index
        %swap3A_1313 = arith.constant 48 : index
        %swap3A_1314 = tpu.vector_load %arg8[%swap3A_1312, %swap3A_1313] {strides = array<i32>} : memref<16x64xf32, #tpu.memory_space<vmem>>, vector<16xf32>,
        tpu.vector_store %arg8[%swap3A_1312, %swap3A_1313], %add3A_1310 {strides = array<i32>} : memref<16x64xf32, #tpu.memory_space<vmem>>, vector<16xf32>,
      } else {
      }
    }
    %scan3A_433 = arith.constant 32 : i32
    "tpu.region"() ({
      %run_scoped3A = tpu.sem_alloc : memref<!tpu.dma_semaphore, #tpu.memory_space<semaphore_mem>>
      %dma_start3A_434 = arith.constant 0 : i32
      %dma_start3A_435 = tpu.memref_slice %arg4[%dma_start3A_434, %mul3A_2] : memref<16x2048xf32, #tpu.memory_space<hbm>> -> memref<16x64xf32, #tpu.memory_space<hbm>>
      %dma_start3A_436 = arith.constant 0 : i32
      %dma_start3A_437 = tpu.memref_slice %arg4[%dma_start3A_436, %mul3A_2] : memref<16x2048xf32, #tpu.memory_space<hbm>> -> memref<16x64xf32, #tpu.memory_space<hbm>>
      tpu.enqueue_dma source(%arg8 : memref<16x64xf32, #tpu.memory_space<vmem>>) target(%dma_start3A_437 : memref<16x64xf32, #tpu.memory_space<hbm>>) target_semaphore(%run_scoped3A : memref<!tpu.dma_semaphore, #tpu.memory_space<semaphore_mem>>)
      %dma_wait3A = arith.constant 0 : i32
      %dma_wait3A_438 = tpu.memref_slice %arg4[%dma_wait3A, %mul3A_2] : memref<16x2048xf32, #tpu.memory_space<hbm>> -> memref<16x64xf32, #tpu.memory_space<hbm>>
      %dma_wait3A_439 = arith.constant 0 : i32
      %dma_wait3A_440 = tpu.memref_slice %arg4[%dma_wait3A_439, %mul3A_2] : memref<16x2048xf32, #tpu.memory_space<hbm>> -> memref<16x64xf32, #tpu.memory_space<hbm>>
      tpu.wait_dma2 semaphore(%run_scoped3A : memref<!tpu.dma_semaphore, #tpu.memory_space<semaphore_mem>>) src(%arg8 : memref<16x64xf32, #tpu.memory_space<vmem>>) dst(%dma_wait3A_440 : memref<16x64xf32, #tpu.memory_space<hbm>>)
      tpu.yield
    }) : () -> ()
    return
  }
}

</mosaic_0001>

<sc_bundles>
// kernel: _seg_sum.3.cloned.1.call-start
scs
__scs_entry_jumppad:
0x0: {  	(pc) =	sbr.rel $0x88, $3  }
0x1: {  	(tag) =	ssettag $0x0;
	lr =	simm.s32 $0x1  }
0x2: {  	[smem:$0x3F9F] =	sst lr;
	_ =	strace $0xD0000000  }
0x3: {  	_ = 	snop  }
0x4: {  	_ = 	snop  }
0x5: {  	_ = 	snop  }
0x6: {  	_ = 	snop  }
0x7: {  	_ = 	snop  }
__scs_overlays_trampoline_lowered:
0x8: {  	[smem:$0x3FAE] =	sst s0  }
0x9: {  	[smem:$0x3FAF] =	sst s1  }
0xa: {  	[smem:$0x3FB0] =	sst s2  }
0xb: {  	[smem:$0x3FB1] =	sst s3  }
0xc: {  	[smem:$0x3FB2] =	sst s4  }
0xd: {  	[smem:$0x3FB3] =	sst s5  }
0xe: {  	[smem:$0x3FB4] =	sst s6  }
0xf: {  	[smem:$0x3FB5] =	sst s7  }
0x10: {  	[smem:$0x3FB6] =	sst s8  }
0x11: {  	[smem:$0x3FB7] =	sst s9;
	s0 =	simm.s32 @!p0 $0x0  }
0x12: {  	s1 =	sld [smem:$0x3F9D];
	s0 =	simm.s32 @p0 $0x1  }
0x13: {  	[smem:$0x3FB8] =	sst s0;
	s0 =	simm.s32 @!p1 $0x0  }
0x14: {  	s2 =	sld [smem:$0x3F9C];
	s0 =	simm.s32 @p1 $0x1  }
0x15: {  	[smem:$0x3FB9] =	sst s0;
	s0 =	simm.s32 @!p2 $0x0  }
0x16: {  	s3 =	sld [smem:$0x3FDB];
	s0 =	simm.s32 @p2 $0x1  }
0x17: {  	s4 =	simm.s32 $0x1BF5;
	[smem:$0x3FBB] =	sst s0  }
0x18: {  	s0 =	sld [smem:$0x3F9E];
	_ =	swait.ge [sflag:s4], $0x0  }
0x19: {  	s7 =	sld [smem:$0x3F9F]  }
0x1a: {  	s8 =	sadd.s32 $0xFFFFE003, lr  }
0x1b: {  	s9 =	sadd.s32 $0xFFFFFEF7, lr;
	s5 =	simm.s32 $0xFFFFFFFF;
	p2 =	slt.u32 s8, $0xFFFFF086  }
0x1c: {  	p1 =	slt.u32 s9, $0xF7A;
	s5 =	simm.s32 @!p2 $0x0  }
0x1d: {  	s5 =	simm.s32 @p1 $0x1;
	p0 =	seq.s32 s7, s2  }
0x1e: {  	s7 =	smul.u32 @!p0 $0xF7A, s2;
	p2 =	seq.s32 @!p0 s5, $0x0  }
0x1f: {  	s9 =	smul.u32 $0xF7A, s1;
	s8 =	simm.s32 @!p0 $0x1BF5;
	p2 =	por !p2, p0  }
0x20: {  	[sflag:s8] =	ssyncset.s32 @!p0 $0xFFFFF086;
	s6 =	sadd.s32 @!p0 s3, s7;
	s7 =	simm.s32 @!p0 $0x108  }
0x21: {  	s3 =	sadd.s32 s3, s9;
	s6 =	sadd.s32 @!p0 $0x88, s6;
	s7 =	simm.s32 @p2 $0x1082  }
0x22: {  	[simem:s7], [sflag:s8] =	dma.local @!p0 [hbm:s6], $0xF7A  }
0x23: {  	s9 =	sor.u32 $0xD0000000, s2;
	s6 =	simm.s32 $0x108;
	_ =	swait.ge @!p0 [sflag:s8], $0x0  }
0x24: {  	s3 =	sadd.s32 $0x88, s3;
	s6 =	simm.s32 @!p1 $0x1082;
	[sflag:s4] =	ssyncset.s32 $0xFFFFF086  }
0x25: {  	[simem:s6], [sflag:s4] =	dma.local [hbm:s3], $0xF7A  }
0x26: {  	[smem:$0x3F9F] =	sst s1;
	(tag) =	ssettag s2;
	_ =	strace s9  }
0x27: {  	s1 =	sld [smem:$0x3FAF]  }
0x28: {  	s2 =	sld [smem:$0x3FB0]  }
0x29: {  	s4 =	sld [smem:$0x3FB2]  }
0x2a: {  	p0 =	seq.s32 s5, $0x0;
	s5 =	sld [smem:$0x3FB3]  }
0x2b: {  	s6 =	sld [smem:$0x3FB4]  }
0x2c: {  	s7 =	sld [smem:$0x3FB5]  }
0x2d: {  	s3 =	simm.s32 $0x108;
	s8 =	sld [smem:$0x3FB6]  }
0x2e: {  	s3 =	simm.s32 @!p0 $0x1082;
	s9 =	sld [smem:$0x3FB7]  }
0x2f: {  	lr =	sadd.s32 s0, s3;
	s0 =	sld [smem:$0x3FAE]  }
0x30: {  	s3 =	sld [smem:$0x3FB1]  }
0x31: {  	[smem:$0x3FBA] =	sst s10  }
0x32: {  	s10 =	sld [smem:$0x3FB8];
	_ =	sdelay $0x3  }
0x33: {  	p0 =	seq.s32 s10, $0x1;
	s10 =	sld [smem:$0x3FBA];
	_ =	sdelay $0x3  }
0x34: {  	[smem:$0x3FBA] =	sst s10  }
0x35: {  	s10 =	sld [smem:$0x3FB9];
	_ =	sdelay $0x3  }
0x36: {  	p1 =	seq.s32 s10, $0x1;
	s10 =	sld [smem:$0x3FBA];
	_ =	sdelay $0x3  }
0x37: {  	[smem:$0x3FBA] =	sst s10  }
0x38: {  	s10 =	sld [smem:$0x3FBB]  }
0x39: {  	_ = 	snop;
	(pc) =	sbr.ind lr, $3  }
0x3a: {  	_ = 	snop  }
0x3b: {  	_ = 	snop  }
0x3c: {  	p2 =	seq.s32 s10, $0x1;
	s10 =	sld [smem:$0x3FBA]  }
0x3d: {  	_ =	shalt  }
0x3e: {  	_ =	shalt  }
0x3f: {  	_ =	shalt  }
0x40: {  	_ =	shalt  }
0x41: {  	_ =	shalt  }
0x42: {  	_ =	shalt  }
0x43: {  	_ =	shalt  }
0x44: {  	_ =	shalt  }
0x45: {  	_ =	shalt  }
0x46: {  	_ =	shalt  }
0x47: {  	_ =	shalt  }
0x48: {  	_ =	shalt  }
0x49: {  	_ =	shalt  }
0x4a: {  	_ =	shalt  }
0x4b: {  	_ =	shalt  }
0x4c: {  	_ =	shalt  }
0x4d: {  	_ =	shalt  }
0x4e: {  	_ =	shalt  }
0x4f: {  	_ =	shalt  }
0x50: {  	_ =	shalt  }
0x51: {  	_ =	shalt  }
0x52: {  	_ =	shalt  }
0x53: {  	_ =	shalt  }
0x54: {  	_ =	shalt  }
0x55: {  	_ =	shalt  }
0x56: {  	_ =	shalt  }
0x57: {  	_ =	shalt  }
0x58: {  	_ =	shalt  }
0x59: {  	_ =	shalt  }
0x5a: {  	_ =	shalt  }
0x5b: {  	_ =	shalt  }
0x5c: {  	_ =	shalt  }
0x5d: {  	_ =	shalt  }
0x5e: {  	_ =	shalt  }
0x5f: {  	_ =	shalt  }
0x60: {  	_ =	shalt  }
0x61: {  	_ =	shalt  }
0x62: {  	_ =	shalt  }
0x63: {  	_ =	shalt  }
0x64: {  	_ =	shalt  }
0x65: {  	_ =	shalt  }
0x66: {  	_ =	shalt  }
0x67: {  	_ =	shalt  }
0x68: {  	_ =	shalt  }
0x69: {  	_ =	shalt  }
0x6a: {  	_ =	shalt  }
0x6b: {  	_ =	shalt  }
0x6c: {  	_ =	shalt  }
0x6d: {  	_ =	shalt  }
0x6e: {  	_ =	shalt  }
0x6f: {  	_ =	shalt  }
0x70: {  	_ =	shalt  }
0x71: {  	_ =	shalt  }
0x72: {  	_ =	shalt  }
0x73: {  	_ =	shalt  }
0x74: {  	_ =	shalt  }
0x75: {  	_ =	shalt  }
0x76: {  	_ =	shalt  }
0x77: {  	_ =	shalt  }
0x78: {  	_ =	shalt  }
0x79: {  	_ =	shalt  }
0x7a: {  	_ =	shalt  }
0x7b: {  	_ =	shalt  }
0x7c: {  	_ =	shalt  }
0x7d: {  	_ =	shalt  }
0x7e: {  	_ =	shalt  }
0x7f: {  	_ =	shalt  }
0x80: {  	_ =	shalt  }
0x81: {  	_ =	shalt  }
0x82: {  	_ =	shalt  }
0x83: {  	_ =	shalt  }
0x84: {  	_ =	shalt  }
0x85: {  	_ =	shalt  }
0x86: {  	_ =	shalt  }
0x87: {  	_ =	shalt  }
.Lfunc_end0:
.L_simem_size_0:
called_computation.1_lowered:
.L_overlay_start_0:
0x88: {  	s2 =	sld [smem:$0x3FD9]  }
0x89: {  	s3 =	sld [smem:$0x3FFE];
	_ =	sdelay $0x1  }
0x8a: {  	s1 =	srdreg.scid  }
0x8b: {  	s0 =	sand.u32 $0x1, s1  }
0x8c: {  	s17 =	sshll.u32 s0, $0xA;
	s2 =	sadd.s32 s3, s2  }
0x8d: {  	s2 =	sadd.s32 s2, s17  }
0x8e: {  	[smem:$0x3FC6] =	sst s2  }
0x8f: {  	_ = 	snop  }
0x90: {  	s2 =	sld [smem:$0x3FC8];
	(tm) =	ssettm $0x1  }
0x91: {  	s18 =	sld [smem:$0x3FFB];
	_ =	sdelay $0x3  }
0x92: {  	_ =	strace s18  }
0x93: {  	s3 =	sld [smem:$0x3FFC];
	_ =	sdelay $0x3  }
0x94: {  	_ =	strace s3  }
0x95: {  	s3 =	sld [smem:$0x3FFD];
	_ =	sdelay $0x3  }
0x96: {  	_ =	strace s3  }
0x97: {  	_ =	strace $0x8FFFFFFF  }
0x98: {  	s19 =	sld [smem:$0x3FDB];
	_ =	sdelay $0x1  }
0x99: {  	s4 =	simm.s32 $_scs_section_size  }
0x9a: {  	s5 =	simm.s32 $_size__tile_overlayer_lowered;
	s6 =	simm.s32 $_tile_overlayer_lowered  }
0x9b: {  	s22 =	simm.s32 $0x1BFF;
	s21 =	sshll.u32 s6, $0x1;
	s3 =	sadd.s32 s4, s19  }
0x9c: {  	s7 =	simm.s32 $0x0;
	s20 =	sshll.u32 s5, $0x1;
	s5 =	sadd.s32 s21, s3  }
0x9d: {  	[timem:s7], [sflag:s22] =	dma.local [hbm:s5], s20  }
0x9e: {  	_ =	swait.ge [sflag:s22], s20  }
0x9f: {  	s4 =	ssub.s32 $0x0, s20;
	[sflag:s22] =	ssyncset.done $0x0  }
0xa0: {  	[sflag:s22] =	ssyncadd.s32 s4;
	_ =	sdelay $0x1  }
0xa1: {  	s23 =	simm.s32 $0x1B8B  }
0xa2: {  	_ =	swait.ge [sflag:s23], $0x1  }
0xa3: {  	[sflag:s23] =	ssyncset.done $0x0  }
0xa4: {  	s25 =	simm.s32 $0x1B8E;
	s24 =	sld [smem:$0x3FFE];
	[sflag:s23] =	ssyncadd.s32 $0xFFFFFFFF  }
0xa5: {  	s26 =	simm.s32 $execute0_lowered;
	[smem:$0x3FD2] =	sst s25  }
0xa6: {  	s5 =	sshll.u32 s26, $0x1;
	_ =	strace $0x80000049;
	[dreg:$0x1] =	wrdreg $0xFFFFFFFF  }
0xa7: {  	s28 =	simm.s32 $_size_execute0_lowered;
	s3 =	sadd.s32 s3, s5;
	[dreg:$0x0] =	wrdreg $0x0  }
0xa8: {  	s5 =	sshll.u32 s28, $0x1;
	[dreg:$0x2] =	wrdreg s3  }
0xa9: {  	[dreg:$0x3] =	wrdreg s5  }
0xaa: {  	[dreg:$0x4] =	wrdreg $0xC0  }
0xab: {  	_ =	task [dreg:s7], $0x5FFFF  }
0xac: {  	[dreg:$0x1] =	wrdreg $0xFFFFFFFF  }
0xad: {  	[dreg:$0x0] =	wrdreg $0x60  }
0xae: {  	[dreg:$0x2] =	wrdreg s24  }
0xaf: {  	[dreg:$0x3] =	wrdreg s2  }
0xb0: {  	[dreg:$0x4] =	wrdreg $0x9  }
0xb1: {  	_ =	task.clear_ibuf [dreg:s7], $0x5FFFF;
	_ =	strace $0x90000049  }
0xb2: {  	s29 =	simm.s32 $0x9;
	_ =	strace $0x8000004B  }
0xb3: {  	_ =	swait.ge [sflag:s29], $0x1  }
0xb4: {  	[sflag:s29] =	ssyncadd.s32 $0xFFFFFFFF  }
0xb5: {  	_ =	strace $0x9000004B  }
0xb6: {  	_ =	sfence  }
0xb7: {  	s30 =	sld [smem:$0x0];
	_ =	sdelay $0x2  }
0xb8: {  	s31 =	sshll.u32 s1, $0xD;
	s1 =	sshrl.u32 s1, $0x2  }
0xb9: {  	s3 =	sand.u32 $0x4000, s31;
	s1 =	sadd.s32 s1, s30  }
0xba: {  	s0 =	sor.u32 s3, s0;
	s1 =	sshll.u32 s1, $0x11  }
0xbb: {  	s0 =	sor.u32 s1, s0  }
0xbc: {  	s0 =	sadd.s32 $0x8F2B, s0  }
0xbd: {  	[sflag:s0] =	ssyncadd.remote.s32 $0x1  }
0xbe: {  	_ =	sfence.sel $0xFFFF  }
0xbf: {  	[dreg:$0x0] =	wrdreg $0xFFFFFFFF;
	(pc) =	sbr.abs _section_cstart, $3  }
0xc0: {  	[dreg:$0x1] =	wrdreg $0xFFFFFFFF  }
0xc1: {  	_ =	task.clear_ibuf [dreg:s7], $0x2FFFF;
	_ =	strace $0x9FFFFFFF  }
0xc2: {  	(tm) =	ssettm $0x7FFFFFFF  }
0xc3: {  	_ =	shalt  }
tec
execute0_lowered:
.L_overlay_start_1:
0x0: {  	(tag) =	ssettag $0x1  }
0x1: {  	s0 =	rddreg [dreg:$0x0];
	s1 =	srdreg.scid  }
0x2: {  	s3 =	simm.s32 $0x0;
	s2 =	stileid.u32;
	s10 =	simm.s32 $0x40  }
0x3: {  	s15 =	simm.s32 $0x1;
	s1 =	sand.u32 $0x1, s1;
	[smem:$0x7FF] =	sst s3  }
0x4: {  	s2 =	sshll.u32 s2, $0x7;
	s4 =	sshll.u32 s1, $0x6;
	s1 =	ssub.s32 $0x2, s1  }
0x5: {  	s5 =	sadd.s32 $0x800, s0;
	s6 =	sor.u32 s4, s2;
	s29 =	sshrl.u32 s1, $0x1  }
0x6: {  	v0 =	vimm.f32 $0.0e+00;
	_ =	strace $0x8000004A;
	s2 =	sshrl.u32 s6, $0x3;
	s1 =	ssub.s32 s1, s29  }
.Ltmp0:
0x7: {  	v1 =	vlaneseq.u32;
	vm0 =	vmmov $0x1;
	vm4 =	vcmask $0xF14;
	[dreg:$0x3] =	wrdreg s6;
	s30 =	sor.u32 $0x200000, s6;
	(pc) =	sbr.rel .LBB2_1-.Ltmp0, $4  }
0x8: {  	vm5 =	vcmask $0x1318;
	vm6 =	vcmask $0x171C;
	vm7 =	vcmask $0x1B20;
	s0 =	sadd.s32 s2, s0;
	s2 =	sadd.s32 s5, s2;
	[dreg:$0x5] =	wrdreg s30  }
0x9: {  	vm8 =	vcmask $0x1F24;
	vm9 =	vcmask $0x2328;
	vm10 =	vcmask $0x272C;
	s16 =	simm.s32 $0x2;
	s31 =	smax.u32 s1, $0x1;
	[dreg:$0x4] =	wrdreg s2  }
0xa: {  	vm11 =	vcmask $0x2B30;
	vm12 =	vcmask $0x2F34;
	vm13 =	vcmask $0x3338;
	s4 =	simm.s32 $0x3;
	s0 =	sadd.s32 $0x800800, s0;
	[dreg:$0x7] =	wrdreg s31  }
0xb: {  	vm14 =	vcmask $0x373C;
	vm15 =	vmmov $0x7fff;
	v2 =	vimm.s32 $0x0;
	s1 =	simm.s32 $0x800;
	s2 =	simm.s32 $0x0;
	[dreg:$0x6] =	wrdreg s0  }
.LBB2_159:
0xc: {  	s0 =	rddreg [dreg:$0x6]  }
0xd: {  	s1 =	simm.s32 $0x800;
	s2 =	simm.s32 $0x18000;
	s4 =	simm.s32 $0x3  }
0xe: {  	[hbm4b:s0+s10] =	stream.strided.scatter [tilespmem:s2], [sflag:$0x3], $0x400, s1, s10, $0x38;
	[tilespmem:$0x18400] =	vst v63  }
0xf: {  	_ =	swait.ge [sflag:s4], $0x400  }
0x10: {  	s30 =	rddreg [dreg:$0x8]  }
0x11: {  	s31 =	rddreg [dreg:$0x7];
	s2 =	sadd.s32 $0x1, s30  }
0x12: {  	p0 =	sne.s32 s2, s31  }
.Ltmp1:
0x13: {  	_ = 	snop;
	(pc) =	sbr.rel @!p0 .LBB2_160-.Ltmp1, $3  }
0x14: {  	_ =	sdelay $0x1  }
0x15: {  	[sflag:s4] =	ssyncset.done $0x0  }
0x16: {  	[sflag:s4] =	ssyncadd.s32 $0xFFFFFC00  }
.LBB2_1:
0x17: {  	[dreg:$0x8] =	wrdreg s2  }
0x18: {  	s0 =	rddreg [dreg:$0x4];
	s30 =	simm.s32 $0x8000  }
0x19: {  	[tilespmem:s30], [sflag:$0x1] =	stream.strided.gather [hbm4b:s0+s10], $0x8000, s1, s10, $0x38;
	[tilespmem:$0x18400] =	vst v63  }
0x1a: {  	s31 =	rddreg [dreg:$0x1]  }
0x1b: {  	[tilespmem:s3], [sflag:$0x3] =	stream.linear.gather [hbm4b:s31+s3], $0x8000, $0x38;
	[tilespmem:$0x18400] =	vst v63  }
0x1c: {  	_ =	swait.ge [sflag:s4], $0x8000  }
0x1d: {  	[sflag:s4] =	ssyncset.done $0x0  }
0x1e: {  	[sflag:s4] =	ssyncadd.s32 $0xFFFF8000  }
0x1f: {  	[tilespmem:$0x18000] =	vst v0  }
0x20: {  	[tilespmem:$0x18010] =	vst v0  }
0x21: {  	[tilespmem:$0x18020] =	vst v0  }
0x22: {  	[tilespmem:$0x18030] =	vst v0  }
0x23: {  	[tilespmem:$0x18040] =	vst v0  }
0x24: {  	[tilespmem:$0x18050] =	vst v0  }
0x25: {  	[tilespmem:$0x18060] =	vst v0  }
0x26: {  	[tilespmem:$0x18070] =	vst v0  }
0x27: {  	[tilespmem:$0x18080] =	vst v0  }
0x28: {  	[tilespmem:$0x18090] =	vst v0  }
0x29: {  	[tilespmem:$0x180A0] =	vst v0  }
0x2a: {  	[tilespmem:$0x180B0] =	vst v0  }
0x2b: {  	[tilespmem:$0x180C0] =	vst v0  }
0x2c: {  	[tilespmem:$0x180D0] =	vst v0  }
0x2d: {  	[tilespmem:$0x180E0] =	vst v0  }
0x2e: {  	[tilespmem:$0x180F0] =	vst v0  }
0x2f: {  	[tilespmem:$0x18100] =	vst v0  }
0x30: {  	[tilespmem:$0x18110] =	vst v0  }
0x31: {  	[tilespmem:$0x18120] =	vst v0  }
0x32: {  	[tilespmem:$0x18130] =	vst v0  }
0x33: {  	[tilespmem:$0x18140] =	vst v0  }
0x34: {  	[tilespmem:$0x18150] =	vst v0  }
0x35: {  	[tilespmem:$0x18160] =	vst v0  }
0x36: {  	[tilespmem:$0x18170] =	vst v0  }
0x37: {  	[tilespmem:$0x18180] =	vst v0  }
0x38: {  	[tilespmem:$0x18190] =	vst v0  }
0x39: {  	[tilespmem:$0x181A0] =	vst v0  }
0x3a: {  	[tilespmem:$0x181B0] =	vst v0  }
0x3b: {  	[tilespmem:$0x181C0] =	vst v0  }
0x3c: {  	[tilespmem:$0x181D0] =	vst v0  }
0x3d: {  	[tilespmem:$0x181E0] =	vst v0  }
0x3e: {  	[tilespmem:$0x181F0] =	vst v0  }
0x3f: {  	[tilespmem:$0x18200] =	vst v0  }
0x40: {  	[tilespmem:$0x18210] =	vst v0  }
0x41: {  	[tilespmem:$0x18220] =	vst v0  }
0x42: {  	[tilespmem:$0x18230] =	vst v0  }
0x43: {  	[tilespmem:$0x18240] =	vst v0  }
0x44: {  	[tilespmem:$0x18250] =	vst v0  }
0x45: {  	[tilespmem:$0x18260] =	vst v0  }
0x46: {  	[tilespmem:$0x18270] =	vst v0  }
0x47: {  	[tilespmem:$0x18280] =	vst v0  }
0x48: {  	[tilespmem:$0x18290] =	vst v0  }
0x49: {  	[tilespmem:$0x182A0] =	vst v0  }
0x4a: {  	[tilespmem:$0x182B0] =	vst v0  }
0x4b: {  	[tilespmem:$0x182C0] =	vst v0  }
0x4c: {  	[tilespmem:$0x182D0] =	vst v0  }
0x4d: {  	[tilespmem:$0x182E0] =	vst v0  }
0x4e: {  	[tilespmem:$0x182F0] =	vst v0  }
0x4f: {  	[tilespmem:$0x18300] =	vst v0  }
0x50: {  	[tilespmem:$0x18310] =	vst v0  }
0x51: {  	[tilespmem:$0x18320] =	vst v0  }
0x52: {  	[tilespmem:$0x18330] =	vst v0  }
0x53: {  	[tilespmem:$0x18340] =	vst v0  }
0x54: {  	[tilespmem:$0x18350] =	vst v0  }
0x55: {  	[tilespmem:$0x18360] =	vst v0  }
0x56: {  	[tilespmem:$0x18370] =	vst v0  }
0x57: {  	[tilespmem:$0x18380] =	vst v0  }
0x58: {  	[tilespmem:$0x18390] =	vst v0  }
0x59: {  	[tilespmem:$0x183A0] =	vst v0  }
0x5a: {  	[tilespmem:$0x183B0] =	vst v0  }
0x5b: {  	[tilespmem:$0x183C0] =	vst v0  }
0x5c: {  	[tilespmem:$0x183D0] =	vst v0  }
0x5d: {  	v4 =	vimm.s32 $0x8000;
	[tilespmem:$0x183E0] =	vst v0  }
0x5e: {  	v3 =	vimm.s32 $0x0;
	v5 =	vadd.s32 v2, v4;
	s0 =	simm.s32 $0xF;
	[tilespmem:$0x183F0] =	vst v0  }
.LBB2_2:
0x5f: {  	p0 =	sne.s32 s0, $0x1;
	v6 =	vshrl.u32 v5, $0x1F  }
0x60: {  	v5 =	vadd.s32 v6, v5  }
0x61: {  	v5 =	vshra.s32 v5, $0x1  }
0x62: {  	vm1 =	vlt.s32 v5, $0x7FFF;
	v6 =	vadd.s32 $0x1, v5  }
0x63: {  	v7 =	vnsel vm1, $0x7FFF, v5;
	_ =	sdelay $0x4  }
0x64: {  	v7 =	vld.idx.msk [tilespmem:v7+s3+$0x0], $0xffff;
	_ =	sdelay $0x4  }
.Ltmp2:
0x65: {  	(pc) =	sbr.rel @p0 .LBB2_2-.Ltmp2, $4  }
0x66: {  	vm1 =	vlt.s32 v3, v4;
	vm2 =	vge.s32 v7, v1;
	vm3 =	vlt.s32 v7, v1  }
0x67: {  	vm3 =	vmand vm1, vm3;
	vm1 =	vmand vm1, vm2  }
0x68: {  	v3 =	vsel vm3, v6, v3;
	v4 =	vsel vm1, v5, v4  }
0x69: {  	s0 =	sadd.s32 $0xFFFFFFFF, s0;
	v5 =	vadd.s32 v3, v4  }
0x6a: {  	v6 =	vshrl.u32 v5, $0x1F  }
0x6b: {  	v5 =	vadd.s32 v6, v5  }
0x6c: {  	v5 =	vshra.s32 v5, $0x1  }
0x6d: {  	vm1 =	vlt.s32 v5, $0x7FFF  }
0x6e: {  	v63 =	vnsel vm1, $0x7FFF, v5;
	_ =	sdelay $0x4  }
0x6f: {  	v6 =	vld.idx.msk [tilespmem:v63+s3+$0x0], $0xffff;
	_ =	sdelay $0x4  }
0x70: {  	vm1 =	vlt.s32 v3, v4;
	vm2 =	vlt.s32 v6, v1  }
0x71: {  	v4 =	vadd.s32 $0x1, v5;
	vm1 =	vmand vm1, vm2  }
0x72: {  	v3 =	vsel vm1, v4, v3  }
0x73: {  	vm1 =	vcmask $0x308;
	v4 =	vnsel vm0, $0x0, v3  }
0x74: {  	(xrf0) =	vadd.scan.msk.s32 $0xffff, v4;
	v4 =	vsel vm1, $0x0, v3;
	vm1 =	vcmask $0x70C  }
0x75: {  	(xrf0) =	vadd.scan.msk.s32 $0xffff, v4;
	v4 =	vsel vm1, $0x0, v3;
	vm1 =	vcmask $0xB10  }
0x76: {  	(xrf0) =	vadd.scan.msk.s32 $0xffff, v4;
	v4 =	vsel vm1, $0x0, v3  }
0x77: {  	(xrf0) =	vadd.scan.msk.s32 $0xffff, v4;
	v4 =	vsel vm4, $0x0, v3  }
0x78: {  	(xrf0) =	vadd.scan.msk.s32 $0xffff, v4;
	v4 =	vsel vm5, $0x0, v3  }
0x79: {  	(xrf0) =	vadd.scan.msk.s32 $0xffff, v4;
	v4 =	vsel vm6, $0x0, v3  }
0x7a: {  	v5, _, _ =	vpop (xrf0);
	(xrf0) =	vadd.scan.msk.s32 $0xffff, v4;
	v4 =	vsel vm7, $0x0, v3  }
0x7b: {  	(v2sf) =	vpush v5, $0xF;
	v5, _, _ =	vpop (xrf0);
	(xrf0) =	vadd.scan.msk.s32 $0xffff, v4;
	v4 =	vsel vm8, $0x0, v3  }
0x7c: {  	(v2sf) =	vpush v5, $0xF;
	v5, _, _ =	vpop (xrf0);
	(xrf0) =	vadd.scan.msk.s32 $0xffff, v4;
	v4 =	vsel vm9, $0x0, v3  }
0x7d: {  	(v2sf) =	vpush v5, $0xF;
	v5, _, _ =	vpop (xrf0);
	(xrf0) =	vadd.scan.msk.s32 $0xffff, v4;
	v4 =	vsel vm10, $0x0, v3  }
0x7e: {  	(v2sf) =	vpush v5, $0xF;
	v5, _, _ =	vpop (xrf0);
	(xrf0) =	vadd.scan.msk.s32 $0xffff, v4;
	v4 =	vsel vm11, $0x0, v3  }
0x7f: {  	(v2sf) =	vpush v5, $0xF;
	v5, _, _ =	vpop (xrf0);
	(xrf0) =	vadd.scan.msk.s32 $0xffff, v4;
	v4 =	vsel vm12, $0x0, v3  }
0x80: {  	(v2sf) =	vpush v5, $0xF;
	v5, _, _ =	vpop (xrf0);
	(xrf0) =	vadd.scan.msk.s32 $0xffff, v4;
	v4 =	vsel vm13, $0x0, v3  }
0x81: {  	(v2sf) =	vpush v5, $0xF;
	v5, _, _ =	vpop (xrf0);
	(xrf0) =	vadd.scan.msk.s32 $0xffff, v4;
	v4 =	vsel vm14, $0x0, v3  }
0x82: {  	(v2sf) =	vpush v5, $0xF;
	v5, _, _ =	vpop (xrf0);
	(xrf0) =	vadd.scan.msk.s32 $0xffff, v4;
	v4 =	vsel vm15, $0x0, v3;
	_ =	sdelay $0x1  }
0x83: {  	(v2sf) =	vpush v5, $0xF;
	v5, _, _ =	vpop (xrf0);
	(xrf0) =	vadd.scan.msk.s32 $0xffff, v4  }
0x84: {  	(v2sf) =	vpush v5, $0xF;
	v4, _, _ =	vpop (xrf0)  }
0x85: {  	v5, _, _ =	vpop (xrf0);
	(v2sf) =	vpush v4, $0xF  }
0x86: {  	v4, _, _ =	vpop (xrf0);
	(v2sf) =	vpush v5, $0xF  }
0x87: {  	v5, _, _ =	vpop (xrf0);
	(v2sf) =	vpush v4, $0xF  }
0x88: {  	v4, _, _ =	vpop (xrf0);
	(v2sf) =	vpush v5, $0xF  }
0x89: {  	(v2sf) =	vpush v4, $0xF;
	v4, _, _ =	vpop (xrf0)  }
0x8a: {  	s19 =	spop (v2sf);
	(v2sf) =	vpush v4, $0xF  }
0x8b: {  	s20 =	spop (v2sf)  }
0x8c: {  	s21 =	spop (v2sf)  }
0x8d: {  	s22 =	spop (v2sf)  }
0x8e: {  	s23 =	spop (v2sf)  }
0x8f: {  	s24 =	spop (v2sf)  }
0x90: {  	s25 =	spop (v2sf)  }
0x91: {  	s26 =	spop (v2sf)  }
0x92: {  	s28 =	spop (v2sf)  }
0x93: {  	s29 =	spop (v2sf)  }
0x94: {  	s30 =	spop (v2sf)  }
.Ltmp3:
0x95: {  	s31 =	spop (v2sf);
	(pc) =	sbr.rel .LBB2_4-.Ltmp3, $4  }
0x96: {  	s0 =	spop (v2sf)  }
0x97: {  	s17 =	simm.s32 $0x0;
	s1 =	spop (v2sf)  }
0x98: {  	s6 =	simm.s32 $0x200;
	s8 =	simm.s32 $0xFFFFFE00;
	s2 =	spop (v2sf)  }
0x99: {  	s9 =	simm.s32 $0x0;
	s13 =	simm.s32 $0x0;
	s12 =	spop (v2sf)  }
.LBB2_153:
0x9a: {  	v7 =	vimm.f32 $0.0e+00;
	v5 =	vimm.f32 $0.0e+00;
	v6 =	vimm.f32 $0.0e+00  }
.LBB2_157:
0x9b: {  	v8 =	vld [tilespmem:$0x183C0]  }
0x9c: {  	v9 =	vld [tilespmem:$0x183D0]  }
0x9d: {  	v10 =	vld [tilespmem:$0x183E0]  }
0x9e: {  	v11 =	vld [tilespmem:$0x183F0];
	_ =	sdelay $0x1  }
0x9f: {  	v4 =	vadd.f32 v8, v4  }
0xa0: {  	v7 =	vadd.f32 v9, v7  }
0xa1: {  	[tilespmem:$0x183C0] =	vst v4;
	v4 =	vadd.f32 v10, v5  }
0xa2: {  	[tilespmem:$0x183D0] =	vst v7;
	v5 =	vadd.f32 v11, v6  }
0xa3: {  	[tilespmem:$0x183E0] =	vst v4  }
0xa4: {  	s10 =	simm.s32 $0x40;
	[tilespmem:$0x183F0] =	vst v5  }
.LBB2_158:
0xa5: {  	s13 =	sadd.s32 $0x1, s13  }
0xa6: {  	p0 =	sne.s32 s13, $0x20  }
.Ltmp4:
0xa7: {  	_ = 	snop;
	(pc) =	sbr.rel @!p0 .LBB2_159-.Ltmp4, $3  }
0xa8: {  	_ =	sdelay $0x1  }
0xa9: {  	s17 =	sadd.s32 $0x400, s17  }
0xaa: {  	s9 =	sadd.s32 $0xFFFFFC00, s9;
	s6 =	sadd.s32 $0x400, s6;
	s8 =	sadd.s32 $0xFFFFFC00, s8  }
.LBB2_4:
0xab: {  	s14 =	sshll.u32 s13, $0xA  }
0xac: {  	s18 =	sor.u32 $0x200, s14  }
0xad: {  	s7 =	rddreg [dreg:$0x3];
	s4 =	sshll.u32 s18, $0xB  }
0xae: {  	s4 =	sor.u32 s7, s4  }
0xaf: {  	s4 =	sshrl.u32 s4, $0x3  }
0xb0: {  	s11 =	simm.s32 $0x10000;
	s7 =	simm.s32 $0x800;
	s4 =	sadd.s32 s5, s4  }
0xb1: {  	vm1 =	vle.s32 v3, s14;
	vm2 =	vgt.s32 v3, s14;
	vm3 =	vlt.s32 v3, s18;
	[tilespmem:s11], [sflag:$0x2] =	stream.strided.gather [hbm4b:s4+s10], $0x8000, s7, s10, $0x38;
	[tilespmem:$0x18400] =	vst v63  }
0xb2: {  	v4 =	vsel vm1, $0x1, v2;
	vm2 =	vmand vm2, vm3;
	_ =	swait.ge [sflag:s15], $0x8000  }
0xb3: {  	(xrf0) =	vadd.scan.msk.s32 $0xffff, v4;
	v4 =	vsel vm2, $0x1, v2  }
0xb4: {  	(xrf0) =	vadd.scan.msk.s32 $0xffff, v4;
	_ =	sdelay $0x4  }
0xb5: {  	v4, _, _ =	vpop (xrf0)  }
0xb6: {  	(v2sf) =	vpush v4, $0xF;
	v4, _, _ =	vpop (xrf0)  }
0xb7: {  	(v2sf) =	vpush v4, $0xF;
	_ =	sdelay $0xd  }
0xb8: {  	s10 =	spop (v2sf)  }
0xb9: {  	s11 =	spop (v2sf)  }
0xba: {  	p0 =	sne.s32 s11, $0x0  }
.Ltmp5:
0xbb: {  	_ = 	snop;
	(pc) =	sbr.rel @!p0 .LBB2_5-.Ltmp5, $3  }
0xbc: {  	_ =	sdelay $0x1  }
0xbd: {  	[sflag:s15] =	ssyncset.done $0x0  }
0xbe: {  	[sflag:s15] =	ssyncadd.s32 $0xFFFF8000  }
0xbf: {  	p0 =	sgt.s32 s19, s14  }
0xc0: {  	s10 =	smov.u32 s14;
	p1 =	slt.s32 s20, s18;
	s4 =	smov.u32 s18  }
0xc1: {  	s10 =	smov.u32 @p0 s19;
	s4 =	smov.u32 @p1 s20  }
0xc2: {  	p0 =	sge.s32 s10, s4  }
.Ltmp6:
0xc3: {  	_ = 	snop;
	(pc) =	sbr.rel @p0 .LBB2_12-.Ltmp6, $3  }
0xc4: {  	_ =	sdelay $0x1  }
0xc5: {  	v4 =	vimm.f32 $0.0e+00;
	v9 =	vimm.f32 $0.0e+00  }
0xc6: {  	v7 =	vimm.f32 $0.0e+00;
	v5 =	vimm.f32 $0.0e+00;
	v6 =	vimm.f32 $0.0e+00  }
0xc7: {  	p0 =	sgt.s32 s19, s17;
	s11 =	smov.u32 s17  }
0xc8: {  	s11 =	smov.u32 @p0 s19  }
0xc9: {  	s11 =	sadd.s32 s9, s11  }
0xca: {  	s11 =	sshll.u32 s11, $0x8  }
0xcb: {  	s11 =	sshra.s32 s11, $0x2  }
0xcc: {  	s10 =	sadd.s32 $0x1, s10;
	s11 =	sadd.s32 $0x8020, s11  }
0xcd: {  	p0 =	slt.s32 s10, s4;
	v5 =	vld [tilespmem:s11+$0x0]  }
.Ltmp7:
0xce: {  	_ = 	snop;
	(pc) =	sbr.rel @!p0 .LBB2_11-.Ltmp7, $4  }
0xcf: {  	v6 =	vld [tilespmem:s11+$0xFFFFFFE0]  }
0xd0: {  	v7 =	vld [tilespmem:s11+$0xFFFFFFF0]  }
0xd1: {  	v9 =	vimm.f32 $0.0e+00;
	v8 =	vld [tilespmem:s11+$0x10]  }
0xd2: {  	v10 =	vimm.f32 $0.0e+00;
	v11 =	vimm.f32 $0.0e+00;
	s11 =	sadd.s32 $0x40, s11;
	v5 =	vadd.f32 v5, v4  }
.LBB2_10:
0xd3: {  	s10 =	sadd.s32 $0x1, s10  }
0xd4: {  	v12 =	vld [tilespmem:s11+$0x0];
	v9 =	vadd.f32 v6, v9;
	p0 =	slt.s32 s10, s4  }
.Ltmp8:
0xd5: {  	v6 =	vld [tilespmem:s11+$0xFFFFFFE0];
	v10 =	vadd.f32 v7, v10;
	(pc) =	sbr.rel @p0 .LBB2_10-.Ltmp8, $3  }
0xd6: {  	v7 =	vld [tilespmem:s11+$0xFFFFFFF0];
	v11 =	vadd.f32 v8, v11  }
0xd7: {  	v8 =	vld [tilespmem:s11+$0x10];
	_ =	sdelay $0x1  }
0xd8: {  	s11 =	sadd.s32 $0x40, s11;
	v5 =	vadd.f32 v12, v5  }
.LBB2_11:
0xd9: {  	_ =	sdelay $0x1  }
0xda: {  	v9 =	vadd.f32 v6, v9  }
0xdb: {  	v7 =	vadd.f32 v7, v10;
	v6 =	vadd.f32 v8, v11  }
.LBB2_12:
0xdc: {  	v8 =	vld [tilespmem:$0x18000]  }
0xdd: {  	v10 =	vld [tilespmem:$0x18010]  }
0xde: {  	v11 =	vld [tilespmem:$0x18020];
	p0 =	sgt.s32 s20, s14  }
0xdf: {  	v12 =	vld [tilespmem:$0x18030];
	s10 =	smov.u32 s14;
	p1 =	slt.s32 s21, s18;
	s4 =	smov.u32 s18  }
0xe0: {  	s10 =	smov.u32 @p0 s20;
	s4 =	smov.u32 @p1 s21  }
0xe1: {  	p0 =	sge.s32 s10, s4;
	v8 =	vadd.f32 v8, v9  }
.Ltmp9:
0xe2: {  	v7 =	vadd.f32 v10, v7;
	(pc) =	sbr.rel @p0 .LBB2_13-.Ltmp9, $4  }
0xe3: {  	v5 =	vadd.f32 v11, v5;
	[tilespmem:$0x18000] =	vst v8  }
0xe4: {  	v6 =	vadd.f32 v12, v6;
	[tilespmem:$0x18010] =	vst v7  }
0xe5: {  	[tilespmem:$0x18020] =	vst v5  }
0xe6: {  	[tilespmem:$0x18030] =	vst v6  }
0xe7: {  	p0 =	sgt.s32 s20, s17;
	s11 =	smov.u32 s17  }
0xe8: {  	s11 =	smov.u32 @p0 s20  }
0xe9: {  	s11 =	sadd.s32 s9, s11  }
0xea: {  	s11 =	sshll.u32 s11, $0x8  }
0xeb: {  	s11 =	sshra.s32 s11, $0x2  }
0xec: {  	s10 =	sadd.s32 $0x1, s10;
	s11 =	sadd.s32 $0x8020, s11  }
0xed: {  	p0 =	slt.s32 s10, s4;
	v5 =	vld [tilespmem:s11+$0x0]  }
.Ltmp10:
0xee: {  	_ = 	snop;
	(pc) =	sbr.rel @!p0 .LBB2_16-.Ltmp10, $4  }
0xef: {  	v6 =	vld [tilespmem:s11+$0xFFFFFFE0]  }
0xf0: {  	v7 =	vld [tilespmem:s11+$0xFFFFFFF0]  }
0xf1: {  	v8 =	vld [tilespmem:s11+$0x10]  }
0xf2: {  	v9 =	vimm.f32 $0.0e+00;
	v10 =	vimm.f32 $0.0e+00;
	s11 =	sadd.s32 $0x40, s11;
	v5 =	vadd.f32 v5, v4  }
.LBB2_15:
0xf3: {  	s10 =	sadd.s32 $0x1, s10  }
0xf4: {  	v11 =	vld [tilespmem:s11+$0x0];
	v4 =	vadd.f32 v6, v4;
	p0 =	slt.s32 s10, s4  }
.Ltmp11:
0xf5: {  	v6 =	vld [tilespmem:s11+$0xFFFFFFE0];
	v9 =	vadd.f32 v7, v9;
	(pc) =	sbr.rel @p0 .LBB2_15-.Ltmp11, $3  }
0xf6: {  	v7 =	vld [tilespmem:s11+$0xFFFFFFF0];
	v10 =	vadd.f32 v8, v10  }
0xf7: {  	v8 =	vld [tilespmem:s11+$0x10];
	_ =	sdelay $0x1  }
0xf8: {  	s11 =	sadd.s32 $0x40, s11;
	v5 =	vadd.f32 v11, v5  }
.LBB2_16:
.Ltmp12:
0xf9: {  	(pc) =	sbr.rel .LBB2_17-.Ltmp12, $3  }
0xfa: {  	_ =	sdelay $0x1  }
0xfb: {  	v4 =	vadd.f32 v6, v4  }
0xfc: {  	v7 =	vadd.f32 v7, v9;
	v6 =	vadd.f32 v8, v10  }
.LBB2_5:
0xfd: {  	s11 =	simm.s32 $0x0  }
0xfe: {  	v4 =	vld [tilespmem:s11+$0x8100]  }
0xff: {  	v5 =	vld [tilespmem:s11+$0x8110]  }
0x100: {  	v8 =	vld [tilespmem:s11+$0x8120]  }
0x101: {  	v9 =	vld [tilespmem:s11+$0x8130]  }
0x102: {  	v11 =	vld [tilespmem:s11+$0x8140]  }
0x103: {  	v19 =	vld [tilespmem:s11+$0x8150]  }
0x104: {  	v20 =	vld [tilespmem:s11+$0x8160]  }
0x105: {  	v21 =	vld [tilespmem:s11+$0x8170]  }
0x106: {  	v17 =	vld [tilespmem:s11+$0x8180]  }
0x107: {  	v18 =	vld [tilespmem:s11+$0x8190]  }
0x108: {  	v14 =	vld [tilespmem:s11+$0x81A0]  }
0x109: {  	v15 =	vld [tilespmem:s11+$0x81B0]  }
0x10a: {  	v6 =	vld [tilespmem:s11+$0x8000]  }
0x10b: {  	v7 =	vld [tilespmem:s11+$0x8010]  }
0x10c: {  	v13 =	vld [tilespmem:s11+$0x8020]  }
0x10d: {  	v16 =	vld [tilespmem:s11+$0x8030]  }
0x10e: {  	v22 =	vld [tilespmem:s11+$0x8040]  }
0x10f: {  	v23 =	vld [tilespmem:s11+$0x8050]  }
0x110: {  	v10 =	vimm.f32 $0.0e+00;
	v24 =	vld [tilespmem:s11+$0x8060]  }
0x111: {  	v26 =	vld [tilespmem:s11+$0x8070];
	v6 =	vadd.f32 v6, v10  }
0x112: {  	v12 =	vld [tilespmem:s11+$0x81C0];
	v25 =	vadd.f32 v7, v10;
	v13 =	vadd.f32 v13, v10  }
0x113: {  	v27 =	vld [tilespmem:s11+$0x8080];
	v28 =	vadd.f32 v16, v10;
	v7 =	vadd.f32 v4, v6  }
0x114: {  	v30 =	vld [tilespmem:s11+$0x80A0];
	v6 =	vadd.f32 v5, v25;
	v5 =	vadd.f32 v8, v13  }
0x115: {  	v32 =	vld [tilespmem:s11+$0x80B0];
	v4 =	vadd.f32 v9, v28;
	v8 =	vadd.f32 v22, v10  }
0x116: {  	v28 =	vld [tilespmem:s11+$0x8090];
	v9 =	vadd.f32 v23, v10;
	v22 =	vadd.f32 v24, v10  }
0x117: {  	v29 =	vld [tilespmem:s11+$0x80D0];
	v23 =	vadd.f32 v26, v10;
	v24 =	vimm.f32 $0.0e+00;
	v13 =	vadd.f32 v11, v8  }
0x118: {  	v31 =	vld [tilespmem:s11+$0x80E0];
	v25 =	vimm.f32 $0.0e+00;
	v11 =	vadd.f32 v19, v9;
	v9 =	vadd.f32 v20, v22  }
0x119: {  	v16 =	vld [tilespmem:s11+$0x81D0];
	v8 =	vadd.f32 v21, v23;
	v23 =	vimm.f32 $0.0e+00;
	v19 =	vimm.f32 $0.0e+00  }
0x11a: {  	s4 =	simm.s32 $0x800;
	v26 =	vld [tilespmem:s11+$0x80C0];
	v20 =	vimm.f32 $0.0e+00;
	v21 =	vimm.f32 $0.0e+00;
	v22 =	vimm.f32 $0.0e+00  }
.LBB2_6:
0x11b: {  	p0 =	sne.s32 s4, $0x1F800;
	v10 =	vadd.f32 v27, v10;
	v23 =	vadd.f32 v28, v23;
	v27 =	vld [tilespmem:s11+$0x80F0]  }
0x11c: {  	v24 =	vadd.f32 v30, v24;
	v25 =	vadd.f32 v32, v25;
	v28 =	vld [tilespmem:s11+$0x81E0]  }
0x11d: {  	v10 =	vadd.f32 v17, v10;
	v23 =	vadd.f32 v18, v23;
	v17 =	vld [tilespmem:s11+$0x81F0];
	s11 =	sshra.s32 s4, $0x2  }
0x11e: {  	v24 =	vadd.f32 v14, v24;
	v30 =	vld [tilespmem:s11+$0x8100];
	v25 =	vadd.f32 v15, v25  }
0x11f: {  	v14 =	vadd.f32 v26, v19;
	v15 =	vadd.f32 v29, v20;
	v32 =	vld [tilespmem:s11+$0x8110]  }
0x120: {  	v18 =	vadd.f32 v31, v21;
	v26 =	vld [tilespmem:s11+$0x8120];
	v22 =	vadd.f32 v27, v22  }
0x121: {  	v19 =	vadd.f32 v12, v14;
	v20 =	vadd.f32 v16, v15;
	v29 =	vld [tilespmem:s11+$0x8130]  }
0x122: {  	v21 =	vadd.f32 v28, v18;
	v31 =	vld [tilespmem:s11+$0x8140];
	v22 =	vadd.f32 v17, v22  }
0x123: {  	v33 =	vld [tilespmem:s11+$0x8150]  }
0x124: {  	v34 =	vld [tilespmem:s11+$0x8160]  }
0x125: {  	v35 =	vld [tilespmem:s11+$0x8170]  }
0x126: {  	v17 =	vld [tilespmem:s11+$0x8180]  }
0x127: {  	v18 =	vld [tilespmem:s11+$0x8190]  }
0x128: {  	v14 =	vld [tilespmem:s11+$0x81A0]  }
0x129: {  	v15 =	vld [tilespmem:s11+$0x81B0]  }
0x12a: {  	v12 =	vld [tilespmem:s11+$0x81C0]  }
0x12b: {  	v16 =	vld [tilespmem:s11+$0x81D0]  }
0x12c: {  	v27 =	vld [tilespmem:s11+$0x8000]  }
0x12d: {  	v28 =	vld [tilespmem:s11+$0x8010]  }
0x12e: {  	v36 =	vld [tilespmem:s11+$0x8020]  }
0x12f: {  	v37 =	vld [tilespmem:s11+$0x8030]  }
0x130: {  	v38 =	vld [tilespmem:s11+$0x8040]  }
0x131: {  	v39 =	vld [tilespmem:s11+$0x8050]  }
0x132: {  	v40 =	vld [tilespmem:s11+$0x8060]  }
0x133: {  	v7 =	vadd.f32 v27, v7;
	v6 =	vadd.f32 v28, v6;
	v41 =	vld [tilespmem:s11+$0x8070]  }
0x134: {  	v5 =	vadd.f32 v36, v5;
	v4 =	vadd.f32 v37, v4;
	v27 =	vld [tilespmem:s11+$0x8080]  }
0x135: {  	v7 =	vadd.f32 v30, v7;
	v6 =	vadd.f32 v32, v6;
	v28 =	vld [tilespmem:s11+$0x8090]  }
.Ltmp13:
0x136: {  	v5 =	vadd.f32 v26, v5;
	v30 =	vld [tilespmem:s11+$0x80A0];
	v4 =	vadd.f32 v29, v4;
	(pc) =	sbr.rel @p0 .LBB2_6-.Ltmp13, $4  }
0x137: {  	v13 =	vadd.f32 v38, v13;
	v11 =	vadd.f32 v39, v11;
	v32 =	vld [tilespmem:s11+$0x80B0]  }
0x138: {  	v9 =	vadd.f32 v40, v9;
	v8 =	vadd.f32 v41, v8;
	v26 =	vld [tilespmem:s11+$0x80C0]  }
0x139: {  	v13 =	vadd.f32 v31, v13;
	v11 =	vadd.f32 v33, v11;
	v29 =	vld [tilespmem:s11+$0x80D0]  }
0x13a: {  	s4 =	sadd.s32 $0x800, s4;
	v9 =	vadd.f32 v34, v9;
	v31 =	vld [tilespmem:s11+$0x80E0];
	v8 =	vadd.f32 v35, v8  }
0x13b: {  	v10 =	vadd.f32 v27, v10;
	v23 =	vadd.f32 v28, v23  }
0x13c: {  	v24 =	vadd.f32 v30, v24;
	v7 =	vadd.f32 v13, v7  }
0x13d: {  	v6 =	vadd.f32 v11, v6;
	v25 =	vadd.f32 v32, v25  }
0x13e: {  	v5 =	vadd.f32 v9, v5;
	v4 =	vadd.f32 v8, v4  }
0x13f: {  	v54 =	vld [tilespmem:s11+$0x80F0];
	v10 =	vadd.f32 v17, v10;
	v56 =	vadd.f32 v18, v23  }
0x140: {  	v14 =	vadd.f32 v14, v24;
	v19 =	vadd.f32 v26, v19  }
0x141: {  	v55 =	vld [tilespmem:s11+$0x81E0];
	s4 =	sshll.u32 s10, $0x8;
	v15 =	vadd.f32 v15, v25;
	v20 =	vadd.f32 v29, v20  }
0x142: {  	v57 =	vld [tilespmem:s11+$0x81F0];
	s4 =	sshra.s32 s4, $0x2;
	v21 =	vadd.f32 v31, v21;
	v12 =	vadd.f32 v12, v19  }
0x143: {  	v60 =	vld [tilespmem:s4+$0x17FC0];
	v7 =	vadd.f32 v10, v7;
	v6 =	vadd.f32 v56, v6  }
0x144: {  	v61 =	vld [tilespmem:s4+$0x17FD0];
	v5 =	vadd.f32 v14, v5;
	v22 =	vadd.f32 v54, v22  }
0x145: {  	v62 =	vld [tilespmem:s4+$0x17FE0];
	v16 =	vadd.f32 v16, v20;
	v4 =	vadd.f32 v15, v4  }
0x146: {  	v63 =	vld [tilespmem:s4+$0x17FF0];
	v58 =	vadd.f32 v55, v21;
	v7 =	vadd.f32 v12, v7  }
0x147: {  	v59 =	vadd.f32 v57, v22;
	v6 =	vadd.f32 v16, v6  }
0x148: {  	v7 =	vadd.f32 v60, v7;
	v5 =	vadd.f32 v58, v5  }
.Ltmp14:
0x149: {  	v6 =	vadd.f32 v61, v6;
	v4 =	vadd.f32 v59, v4;
	(pc) =	sbr.rel .LBB2_81-.Ltmp14, $4  }
0x14a: {  	[tilespmem:s4+$0x17FC0] =	vst v7;
	v5 =	vadd.f32 v62, v5  }
0x14b: {  	[tilespmem:s4+$0x17FD0] =	vst v6;
	v4 =	vadd.f32 v63, v4  }
0x14c: {  	[tilespmem:s4+$0x17FE0] =	vst v5  }
0x14d: {  	[tilespmem:s4+$0x17FF0] =	vst v4  }
.LBB2_13:
0x14e: {  	v7 =	vimm.f32 $0.0e+00;
	v5 =	vimm.f32 $0.0e+00;
	v6 =	vimm.f32 $0.0e+00  }
.LBB2_17:
0x14f: {  	v8 =	vld [tilespmem:$0x18040]  }
0x150: {  	v9 =	vld [tilespmem:$0x18050]  }
0x151: {  	v10 =	vld [tilespmem:$0x18060];
	p0 =	sgt.s32 s21, s14  }
0x152: {  	v11 =	vld [tilespmem:$0x18070];
	s10 =	smov.u32 s14;
	p1 =	slt.s32 s22, s18;
	s4 =	smov.u32 s18  }
0x153: {  	s10 =	smov.u32 @p0 s21;
	s4 =	smov.u32 @p1 s22  }
0x154: {  	p0 =	sge.s32 s10, s4;
	v4 =	vadd.f32 v8, v4  }
.Ltmp15:
0x155: {  	v7 =	vadd.f32 v9, v7;
	(pc) =	sbr.rel @p0 .LBB2_21-.Ltmp15, $4  }
0x156: {  	[tilespmem:$0x18040] =	vst v4;
	v4 =	vadd.f32 v10, v5  }
0x157: {  	[tilespmem:$0x18050] =	vst v7;
	v5 =	vadd.f32 v11, v6  }
0x158: {  	v9 =	vimm.f32 $0.0e+00;
	v7 =	vimm.f32 $0.0e+00;
	[tilespmem:$0x18060] =	vst v4  }
0x159: {  	v6 =	vimm.f32 $0.0e+00;
	v4 =	vimm.f32 $0.0e+00;
	[tilespmem:$0x18070] =	vst v5;
	v5 =	vimm.f32 $0.0e+00  }
0x15a: {  	p0 =	sgt.s32 s21, s17;
	s11 =	smov.u32 s17  }
0x15b: {  	s11 =	smov.u32 @p0 s21  }
0x15c: {  	s11 =	sadd.s32 s9, s11  }
0x15d: {  	s11 =	sshll.u32 s11, $0x8  }
0x15e: {  	s11 =	sshra.s32 s11, $0x2  }
0x15f: {  	s10 =	sadd.s32 $0x1, s10;
	s11 =	sadd.s32 $0x8020, s11  }
0x160: {  	p0 =	slt.s32 s10, s4;
	v5 =	vld [tilespmem:s11+$0x0]  }
.Ltmp16:
0x161: {  	_ = 	snop;
	(pc) =	sbr.rel @!p0 .LBB2_20-.Ltmp16, $4  }
0x162: {  	v6 =	vld [tilespmem:s11+$0xFFFFFFE0]  }
0x163: {  	v7 =	vld [tilespmem:s11+$0xFFFFFFF0]  }
0x164: {  	v9 =	vimm.f32 $0.0e+00;
	v8 =	vld [tilespmem:s11+$0x10]  }
0x165: {  	v10 =	vimm.f32 $0.0e+00;
	v11 =	vimm.f32 $0.0e+00;
	s11 =	sadd.s32 $0x40, s11;
	v5 =	vadd.f32 v5, v4  }
.LBB2_19:
0x166: {  	s10 =	sadd.s32 $0x1, s10  }
0x167: {  	v12 =	vld [tilespmem:s11+$0x0];
	v9 =	vadd.f32 v6, v9;
	p0 =	slt.s32 s10, s4  }
.Ltmp17:
0x168: {  	v6 =	vld [tilespmem:s11+$0xFFFFFFE0];
	v10 =	vadd.f32 v7, v10;
	(pc) =	sbr.rel @p0 .LBB2_19-.Ltmp17, $3  }
0x169: {  	v7 =	vld [tilespmem:s11+$0xFFFFFFF0];
	v11 =	vadd.f32 v8, v11  }
0x16a: {  	v8 =	vld [tilespmem:s11+$0x10];
	_ =	sdelay $0x1  }
0x16b: {  	s11 =	sadd.s32 $0x40, s11;
	v5 =	vadd.f32 v12, v5  }
.LBB2_20:
0x16c: {  	_ =	sdelay $0x1  }
0x16d: {  	v9 =	vadd.f32 v6, v9  }
0x16e: {  	v7 =	vadd.f32 v7, v10;
	v6 =	vadd.f32 v8, v11  }
.LBB2_21:
0x16f: {  	v8 =	vld [tilespmem:$0x18080]  }
0x170: {  	v10 =	vld [tilespmem:$0x18090]  }
0x171: {  	v11 =	vld [tilespmem:$0x180A0];
	p0 =	sgt.s32 s22, s14  }
0x172: {  	v12 =	vld [tilespmem:$0x180B0];
	s10 =	smov.u32 s14;
	p1 =	slt.s32 s23, s18;
	s4 =	smov.u32 s18  }
0x173: {  	s10 =	smov.u32 @p0 s22;
	s4 =	smov.u32 @p1 s23  }
0x174: {  	p0 =	sge.s32 s10, s4;
	v8 =	vadd.f32 v8, v9  }
.Ltmp18:
0x175: {  	v7 =	vadd.f32 v10, v7;
	(pc) =	sbr.rel @p0 .LBB2_22-.Ltmp18, $4  }
0x176: {  	v5 =	vadd.f32 v11, v5;
	[tilespmem:$0x18080] =	vst v8  }
0x177: {  	v6 =	vadd.f32 v12, v6;
	[tilespmem:$0x18090] =	vst v7  }
0x178: {  	[tilespmem:$0x180A0] =	vst v5  }
0x179: {  	[tilespmem:$0x180B0] =	vst v6  }
0x17a: {  	p0 =	sgt.s32 s22, s17;
	s11 =	smov.u32 s17  }
0x17b: {  	s11 =	smov.u32 @p0 s22  }
0x17c: {  	s11 =	sadd.s32 s9, s11  }
0x17d: {  	s11 =	sshll.u32 s11, $0x8  }
0x17e: {  	s11 =	sshra.s32 s11, $0x2  }
0x17f: {  	s10 =	sadd.s32 $0x1, s10;
	s11 =	sadd.s32 $0x8020, s11  }
0x180: {  	p0 =	slt.s32 s10, s4;
	v5 =	vld [tilespmem:s11+$0x0]  }
.Ltmp19:
0x181: {  	_ = 	snop;
	(pc) =	sbr.rel @!p0 .LBB2_25-.Ltmp19, $4  }
0x182: {  	v6 =	vld [tilespmem:s11+$0xFFFFFFE0]  }
0x183: {  	v7 =	vld [tilespmem:s11+$0xFFFFFFF0]  }
0x184: {  	v8 =	vld [tilespmem:s11+$0x10]  }
0x185: {  	v9 =	vimm.f32 $0.0e+00;
	v10 =	vimm.f32 $0.0e+00;
	s11 =	sadd.s32 $0x40, s11;
	v5 =	vadd.f32 v5, v4  }
.LBB2_24:
0x186: {  	s10 =	sadd.s32 $0x1, s10  }
0x187: {  	v11 =	vld [tilespmem:s11+$0x0];
	v4 =	vadd.f32 v6, v4;
	p0 =	slt.s32 s10, s4  }
.Ltmp20:
0x188: {  	v6 =	vld [tilespmem:s11+$0xFFFFFFE0];
	v9 =	vadd.f32 v7, v9;
	(pc) =	sbr.rel @p0 .LBB2_24-.Ltmp20, $3  }
0x189: {  	v7 =	vld [tilespmem:s11+$0xFFFFFFF0];
	v10 =	vadd.f32 v8, v10  }
0x18a: {  	v8 =	vld [tilespmem:s11+$0x10];
	_ =	sdelay $0x1  }
0x18b: {  	s11 =	sadd.s32 $0x40, s11;
	v5 =	vadd.f32 v11, v5  }
.LBB2_25:
.Ltmp21:
0x18c: {  	(pc) =	sbr.rel .LBB2_26-.Ltmp21, $3  }
0x18d: {  	_ =	sdelay $0x1  }
0x18e: {  	v4 =	vadd.f32 v6, v4  }
0x18f: {  	v7 =	vadd.f32 v7, v9;
	v6 =	vadd.f32 v8, v10  }
.LBB2_22:
0x190: {  	v7 =	vimm.f32 $0.0e+00;
	v5 =	vimm.f32 $0.0e+00;
	v6 =	vimm.f32 $0.0e+00  }
.LBB2_26:
0x191: {  	v8 =	vld [tilespmem:$0x180C0]  }
0x192: {  	v9 =	vld [tilespmem:$0x180D0]  }
0x193: {  	v10 =	vld [tilespmem:$0x180E0];
	p0 =	sgt.s32 s23, s14  }
0x194: {  	v11 =	vld [tilespmem:$0x180F0];
	s10 =	smov.u32 s14;
	p1 =	slt.s32 s24, s18;
	s4 =	smov.u32 s18  }
0x195: {  	s10 =	smov.u32 @p0 s23;
	s4 =	smov.u32 @p1 s24  }
0x196: {  	p0 =	sge.s32 s10, s4;
	v4 =	vadd.f32 v8, v4  }
.Ltmp22:
0x197: {  	v7 =	vadd.f32 v9, v7;
	(pc) =	sbr.rel @p0 .LBB2_30-.Ltmp22, $4  }
0x198: {  	[tilespmem:$0x180C0] =	vst v4;
	v4 =	vadd.f32 v10, v5  }
0x199: {  	[tilespmem:$0x180D0] =	vst v7;
	v5 =	vadd.f32 v11, v6  }
0x19a: {  	v9 =	vimm.f32 $0.0e+00;
	v7 =	vimm.f32 $0.0e+00;
	[tilespmem:$0x180E0] =	vst v4  }
0x19b: {  	v6 =	vimm.f32 $0.0e+00;
	v4 =	vimm.f32 $0.0e+00;
	[tilespmem:$0x180F0] =	vst v5;
	v5 =	vimm.f32 $0.0e+00  }
0x19c: {  	p0 =	sgt.s32 s23, s17;
	s11 =	smov.u32 s17  }
0x19d: {  	s11 =	smov.u32 @p0 s23  }
0x19e: {  	s11 =	sadd.s32 s9, s11  }
0x19f: {  	s11 =	sshll.u32 s11, $0x8  }
0x1a0: {  	s11 =	sshra.s32 s11, $0x2  }
0x1a1: {  	s10 =	sadd.s32 $0x1, s10;
	s11 =	sadd.s32 $0x8020, s11  }
0x1a2: {  	p0 =	slt.s32 s10, s4;
	v5 =	vld [tilespmem:s11+$0x0]  }
.Ltmp23:
0x1a3: {  	_ = 	snop;
	(pc) =	sbr.rel @!p0 .LBB2_29-.Ltmp23, $4  }
0x1a4: {  	v6 =	vld [tilespmem:s11+$0xFFFFFFE0]  }
0x1a5: {  	v7 =	vld [tilespmem:s11+$0xFFFFFFF0]  }
0x1a6: {  	v9 =	vimm.f32 $0.0e+00;
	v8 =	vld [tilespmem:s11+$0x10]  }
0x1a7: {  	v10 =	vimm.f32 $0.0e+00;
	v11 =	vimm.f32 $0.0e+00;
	s11 =	sadd.s32 $0x40, s11;
	v5 =	vadd.f32 v5, v4  }
.LBB2_28:
0x1a8: {  	s10 =	sadd.s32 $0x1, s10  }
0x1a9: {  	v12 =	vld [tilespmem:s11+$0x0];
	v9 =	vadd.f32 v6, v9;
	p0 =	slt.s32 s10, s4  }
.Ltmp24:
0x1aa: {  	v6 =	vld [tilespmem:s11+$0xFFFFFFE0];
	v10 =	vadd.f32 v7, v10;
	(pc) =	sbr.rel @p0 .LBB2_28-.Ltmp24, $3  }
0x1ab: {  	v7 =	vld [tilespmem:s11+$0xFFFFFFF0];
	v11 =	vadd.f32 v8, v11  }
0x1ac: {  	v8 =	vld [tilespmem:s11+$0x10];
	_ =	sdelay $0x1  }
0x1ad: {  	s11 =	sadd.s32 $0x40, s11;
	v5 =	vadd.f32 v12, v5  }
.LBB2_29:
0x1ae: {  	_ =	sdelay $0x1  }
0x1af: {  	v9 =	vadd.f32 v6, v9  }
0x1b0: {  	v7 =	vadd.f32 v7, v10;
	v6 =	vadd.f32 v8, v11  }
.LBB2_30:
0x1b1: {  	v8 =	vld [tilespmem:$0x18100]  }
0x1b2: {  	v10 =	vld [tilespmem:$0x18110]  }
0x1b3: {  	v11 =	vld [tilespmem:$0x18120];
	p0 =	sgt.s32 s24, s14  }
0x1b4: {  	v12 =	vld [tilespmem:$0x18130];
	s10 =	smov.u32 s14;
	p1 =	slt.s32 s25, s18;
	s4 =	smov.u32 s18  }
0x1b5: {  	s10 =	smov.u32 @p0 s24;
	s4 =	smov.u32 @p1 s25  }
0x1b6: {  	p0 =	sge.s32 s10, s4;
	v8 =	vadd.f32 v8, v9  }
.Ltmp25:
0x1b7: {  	v7 =	vadd.f32 v10, v7;
	(pc) =	sbr.rel @p0 .LBB2_31-.Ltmp25, $4  }
0x1b8: {  	v5 =	vadd.f32 v11, v5;
	[tilespmem:$0x18100] =	vst v8  }
0x1b9: {  	v6 =	vadd.f32 v12, v6;
	[tilespmem:$0x18110] =	vst v7  }
0x1ba: {  	[tilespmem:$0x18120] =	vst v5  }
0x1bb: {  	[tilespmem:$0x18130] =	vst v6  }
0x1bc: {  	p0 =	sgt.s32 s24, s17;
	s11 =	smov.u32 s17  }
0x1bd: {  	s11 =	smov.u32 @p0 s24  }
0x1be: {  	s11 =	sadd.s32 s9, s11  }
0x1bf: {  	s11 =	sshll.u32 s11, $0x8  }
0x1c0: {  	s11 =	sshra.s32 s11, $0x2  }
0x1c1: {  	s10 =	sadd.s32 $0x1, s10;
	s11 =	sadd.s32 $0x8020, s11  }
0x1c2: {  	p0 =	slt.s32 s10, s4;
	v5 =	vld [tilespmem:s11+$0x0]  }
.Ltmp26:
0x1c3: {  	_ = 	snop;
	(pc) =	sbr.rel @!p0 .LBB2_34-.Ltmp26, $4  }
0x1c4: {  	v6 =	vld [tilespmem:s11+$0xFFFFFFE0]  }
0x1c5: {  	v7 =	vld [tilespmem:s11+$0xFFFFFFF0]  }
0x1c6: {  	v8 =	vld [tilespmem:s11+$0x10]  }
0x1c7: {  	v9 =	vimm.f32 $0.0e+00;
	v10 =	vimm.f32 $0.0e+00;
	s11 =	sadd.s32 $0x40, s11;
	v5 =	vadd.f32 v5, v4  }
.LBB2_33:
0x1c8: {  	s10 =	sadd.s32 $0x1, s10  }
0x1c9: {  	v11 =	vld [tilespmem:s11+$0x0];
	v4 =	vadd.f32 v6, v4;
	p0 =	slt.s32 s10, s4  }
.Ltmp27:
0x1ca: {  	v6 =	vld [tilespmem:s11+$0xFFFFFFE0];
	v9 =	vadd.f32 v7, v9;
	(pc) =	sbr.rel @p0 .LBB2_33-.Ltmp27, $3  }
0x1cb: {  	v7 =	vld [tilespmem:s11+$0xFFFFFFF0];
	v10 =	vadd.f32 v8, v10  }
0x1cc: {  	v8 =	vld [tilespmem:s11+$0x10];
	_ =	sdelay $0x1  }
0x1cd: {  	s11 =	sadd.s32 $0x40, s11;
	v5 =	vadd.f32 v11, v5  }
.LBB2_34:
.Ltmp28:
0x1ce: {  	(pc) =	sbr.rel .LBB2_35-.Ltmp28, $3  }
0x1cf: {  	_ =	sdelay $0x1  }
0x1d0: {  	v4 =	vadd.f32 v6, v4  }
0x1d1: {  	v7 =	vadd.f32 v7, v9;
	v6 =	vadd.f32 v8, v10  }
.LBB2_31:
0x1d2: {  	v7 =	vimm.f32 $0.0e+00;
	v5 =	vimm.f32 $0.0e+00;
	v6 =	vimm.f32 $0.0e+00  }
.LBB2_35:
0x1d3: {  	v8 =	vld [tilespmem:$0x18140]  }
0x1d4: {  	v9 =	vld [tilespmem:$0x18150]  }
0x1d5: {  	v10 =	vld [tilespmem:$0x18160];
	p0 =	sgt.s32 s25, s14  }
0x1d6: {  	v11 =	vld [tilespmem:$0x18170];
	s10 =	smov.u32 s14;
	p1 =	slt.s32 s26, s18;
	s4 =	smov.u32 s18  }
0x1d7: {  	s10 =	smov.u32 @p0 s25;
	s4 =	smov.u32 @p1 s26  }
0x1d8: {  	p0 =	sge.s32 s10, s4;
	v4 =	vadd.f32 v8, v4  }
.Ltmp29:
0x1d9: {  	v7 =	vadd.f32 v9, v7;
	(pc) =	sbr.rel @p0 .LBB2_39-.Ltmp29, $4  }
0x1da: {  	[tilespmem:$0x18140] =	vst v4;
	v4 =	vadd.f32 v10, v5  }
0x1db: {  	[tilespmem:$0x18150] =	vst v7;
	v5 =	vadd.f32 v11, v6  }
0x1dc: {  	v9 =	vimm.f32 $0.0e+00;
	v7 =	vimm.f32 $0.0e+00;
	[tilespmem:$0x18160] =	vst v4  }
0x1dd: {  	v6 =	vimm.f32 $0.0e+00;
	v4 =	vimm.f32 $0.0e+00;
	[tilespmem:$0x18170] =	vst v5;
	v5 =	vimm.f32 $0.0e+00  }
0x1de: {  	p0 =	sgt.s32 s25, s17;
	s11 =	smov.u32 s17  }
0x1df: {  	s11 =	smov.u32 @p0 s25  }
0x1e0: {  	s11 =	sadd.s32 s9, s11  }
0x1e1: {  	s11 =	sshll.u32 s11, $0x8  }
0x1e2: {  	s11 =	sshra.s32 s11, $0x2  }
0x1e3: {  	s10 =	sadd.s32 $0x1, s10;
	s11 =	sadd.s32 $0x8020, s11  }
0x1e4: {  	p0 =	slt.s32 s10, s4;
	v5 =	vld [tilespmem:s11+$0x0]  }
.Ltmp30:
0x1e5: {  	_ = 	snop;
	(pc) =	sbr.rel @!p0 .LBB2_38-.Ltmp30, $4  }
0x1e6: {  	v6 =	vld [tilespmem:s11+$0xFFFFFFE0]  }
0x1e7: {  	v7 =	vld [tilespmem:s11+$0xFFFFFFF0]  }
0x1e8: {  	v9 =	vimm.f32 $0.0e+00;
	v8 =	vld [tilespmem:s11+$0x10]  }
0x1e9: {  	v10 =	vimm.f32 $0.0e+00;
	v11 =	vimm.f32 $0.0e+00;
	s11 =	sadd.s32 $0x40, s11;
	v5 =	vadd.f32 v5, v4  }
.LBB2_37:
0x1ea: {  	s10 =	sadd.s32 $0x1, s10  }
0x1eb: {  	v12 =	vld [tilespmem:s11+$0x0];
	v9 =	vadd.f32 v6, v9;
	p0 =	slt.s32 s10, s4  }
.Ltmp31:
0x1ec: {  	v6 =	vld [tilespmem:s11+$0xFFFFFFE0];
	v10 =	vadd.f32 v7, v10;
	(pc) =	sbr.rel @p0 .LBB2_37-.Ltmp31, $3  }
0x1ed: {  	v7 =	vld [tilespmem:s11+$0xFFFFFFF0];
	v11 =	vadd.f32 v8, v11  }
0x1ee: {  	v8 =	vld [tilespmem:s11+$0x10];
	_ =	sdelay $0x1  }
0x1ef: {  	s11 =	sadd.s32 $0x40, s11;
	v5 =	vadd.f32 v12, v5  }
.LBB2_38:
0x1f0: {  	_ =	sdelay $0x1  }
0x1f1: {  	v9 =	vadd.f32 v6, v9  }
0x1f2: {  	v7 =	vadd.f32 v7, v10;
	v6 =	vadd.f32 v8, v11  }
.LBB2_39:
0x1f3: {  	v8 =	vld [tilespmem:$0x18180]  }
0x1f4: {  	v10 =	vld [tilespmem:$0x18190]  }
0x1f5: {  	v11 =	vld [tilespmem:$0x181A0];
	p0 =	sgt.s32 s26, s14  }
0x1f6: {  	v12 =	vld [tilespmem:$0x181B0];
	s10 =	smov.u32 s14;
	p1 =	slt.s32 s28, s18;
	s4 =	smov.u32 s18  }
0x1f7: {  	s10 =	smov.u32 @p0 s26;
	s4 =	smov.u32 @p1 s28  }
0x1f8: {  	p0 =	sge.s32 s10, s4;
	v8 =	vadd.f32 v8, v9  }
.Ltmp32:
0x1f9: {  	v7 =	vadd.f32 v10, v7;
	(pc) =	sbr.rel @p0 .LBB2_40-.Ltmp32, $4  }
0x1fa: {  	v5 =	vadd.f32 v11, v5;
	[tilespmem:$0x18180] =	vst v8  }
0x1fb: {  	v6 =	vadd.f32 v12, v6;
	[tilespmem:$0x18190] =	vst v7  }
0x1fc: {  	[tilespmem:$0x181A0] =	vst v5  }
0x1fd: {  	[tilespmem:$0x181B0] =	vst v6  }
0x1fe: {  	p0 =	sgt.s32 s26, s17;
	s11 =	smov.u32 s17  }
0x1ff: {  	s11 =	smov.u32 @p0 s26  }
0x200: {  	s11 =	sadd.s32 s9, s11  }
0x201: {  	s11 =	sshll.u32 s11, $0x8  }
0x202: {  	s11 =	sshra.s32 s11, $0x2  }
0x203: {  	s10 =	sadd.s32 $0x1, s10;
	s11 =	sadd.s32 $0x8020, s11  }
0x204: {  	p0 =	slt.s32 s10, s4;
	v5 =	vld [tilespmem:s11+$0x0]  }
.Ltmp33:
0x205: {  	_ = 	snop;
	(pc) =	sbr.rel @!p0 .LBB2_43-.Ltmp33, $4  }
0x206: {  	v6 =	vld [tilespmem:s11+$0xFFFFFFE0]  }
0x207: {  	v7 =	vld [tilespmem:s11+$0xFFFFFFF0]  }
0x208: {  	v8 =	vld [tilespmem:s11+$0x10]  }
0x209: {  	v9 =	vimm.f32 $0.0e+00;
	v10 =	vimm.f32 $0.0e+00;
	s11 =	sadd.s32 $0x40, s11;
	v5 =	vadd.f32 v5, v4  }
.LBB2_42:
0x20a: {  	s10 =	sadd.s32 $0x1, s10  }
0x20b: {  	v11 =	vld [tilespmem:s11+$0x0];
	v4 =	vadd.f32 v6, v4;
	p0 =	slt.s32 s10, s4  }
.Ltmp34:
0x20c: {  	v6 =	vld [tilespmem:s11+$0xFFFFFFE0];
	v9 =	vadd.f32 v7, v9;
	(pc) =	sbr.rel @p0 .LBB2_42-.Ltmp34, $3  }
0x20d: {  	v7 =	vld [tilespmem:s11+$0xFFFFFFF0];
	v10 =	vadd.f32 v8, v10  }
0x20e: {  	v8 =	vld [tilespmem:s11+$0x10];
	_ =	sdelay $0x1  }
0x20f: {  	s11 =	sadd.s32 $0x40, s11;
	v5 =	vadd.f32 v11, v5  }
.LBB2_43:
.Ltmp35:
0x210: {  	(pc) =	sbr.rel .LBB2_44-.Ltmp35, $3  }
0x211: {  	_ =	sdelay $0x1  }
0x212: {  	v4 =	vadd.f32 v6, v4  }
0x213: {  	v7 =	vadd.f32 v7, v9;
	v6 =	vadd.f32 v8, v10  }
.LBB2_40:
0x214: {  	v7 =	vimm.f32 $0.0e+00;
	v5 =	vimm.f32 $0.0e+00;
	v6 =	vimm.f32 $0.0e+00  }
.LBB2_44:
0x215: {  	v8 =	vld [tilespmem:$0x181C0]  }
0x216: {  	v9 =	vld [tilespmem:$0x181D0]  }
0x217: {  	v10 =	vld [tilespmem:$0x181E0];
	p0 =	sgt.s32 s28, s14  }
0x218: {  	v11 =	vld [tilespmem:$0x181F0];
	s10 =	smov.u32 s14;
	p1 =	slt.s32 s29, s18;
	s4 =	smov.u32 s18  }
0x219: {  	s10 =	smov.u32 @p0 s28;
	s4 =	smov.u32 @p1 s29  }
0x21a: {  	p0 =	sge.s32 s10, s4;
	v4 =	vadd.f32 v8, v4  }
.Ltmp36:
0x21b: {  	v7 =	vadd.f32 v9, v7;
	(pc) =	sbr.rel @p0 .LBB2_48-.Ltmp36, $4  }
0x21c: {  	[tilespmem:$0x181C0] =	vst v4;
	v4 =	vadd.f32 v10, v5  }
0x21d: {  	[tilespmem:$0x181D0] =	vst v7;
	v5 =	vadd.f32 v11, v6  }
0x21e: {  	v9 =	vimm.f32 $0.0e+00;
	v7 =	vimm.f32 $0.0e+00;
	[tilespmem:$0x181E0] =	vst v4  }
0x21f: {  	v6 =	vimm.f32 $0.0e+00;
	v4 =	vimm.f32 $0.0e+00;
	[tilespmem:$0x181F0] =	vst v5;
	v5 =	vimm.f32 $0.0e+00  }
0x220: {  	p0 =	sgt.s32 s28, s17;
	s11 =	smov.u32 s17  }
0x221: {  	s11 =	smov.u32 @p0 s28  }
0x222: {  	s11 =	sadd.s32 s9, s11  }
0x223: {  	s11 =	sshll.u32 s11, $0x8  }
0x224: {  	s11 =	sshra.s32 s11, $0x2  }
0x225: {  	s10 =	sadd.s32 $0x1, s10;
	s11 =	sadd.s32 $0x8020, s11  }
0x226: {  	p0 =	slt.s32 s10, s4;
	v5 =	vld [tilespmem:s11+$0x0]  }
.Ltmp37:
0x227: {  	_ = 	snop;
	(pc) =	sbr.rel @!p0 .LBB2_47-.Ltmp37, $4  }
0x228: {  	v6 =	vld [tilespmem:s11+$0xFFFFFFE0]  }
0x229: {  	v7 =	vld [tilespmem:s11+$0xFFFFFFF0]  }
0x22a: {  	v9 =	vimm.f32 $0.0e+00;
	v8 =	vld [tilespmem:s11+$0x10]  }
0x22b: {  	v10 =	vimm.f32 $0.0e+00;
	v11 =	vimm.f32 $0.0e+00;
	s11 =	sadd.s32 $0x40, s11;
	v5 =	vadd.f32 v5, v4  }
.LBB2_46:
0x22c: {  	s10 =	sadd.s32 $0x1, s10  }
0x22d: {  	v12 =	vld [tilespmem:s11+$0x0];
	v9 =	vadd.f32 v6, v9;
	p0 =	slt.s32 s10, s4  }
.Ltmp38:
0x22e: {  	v6 =	vld [tilespmem:s11+$0xFFFFFFE0];
	v10 =	vadd.f32 v7, v10;
	(pc) =	sbr.rel @p0 .LBB2_46-.Ltmp38, $3  }
0x22f: {  	v7 =	vld [tilespmem:s11+$0xFFFFFFF0];
	v11 =	vadd.f32 v8, v11  }
0x230: {  	v8 =	vld [tilespmem:s11+$0x10];
	_ =	sdelay $0x1  }
0x231: {  	s11 =	sadd.s32 $0x40, s11;
	v5 =	vadd.f32 v12, v5  }
.LBB2_47:
0x232: {  	_ =	sdelay $0x1  }
0x233: {  	v9 =	vadd.f32 v6, v9  }
0x234: {  	v7 =	vadd.f32 v7, v10;
	v6 =	vadd.f32 v8, v11  }
.LBB2_48:
0x235: {  	v8 =	vld [tilespmem:$0x18200]  }
0x236: {  	v10 =	vld [tilespmem:$0x18210]  }
0x237: {  	v11 =	vld [tilespmem:$0x18220];
	p0 =	sgt.s32 s29, s14  }
0x238: {  	v12 =	vld [tilespmem:$0x18230];
	s10 =	smov.u32 s14;
	p1 =	slt.s32 s30, s18;
	s4 =	smov.u32 s18  }
0x239: {  	s10 =	smov.u32 @p0 s29;
	s4 =	smov.u32 @p1 s30  }
0x23a: {  	p0 =	sge.s32 s10, s4;
	v8 =	vadd.f32 v8, v9  }
.Ltmp39:
0x23b: {  	v7 =	vadd.f32 v10, v7;
	(pc) =	sbr.rel @p0 .LBB2_49-.Ltmp39, $4  }
0x23c: {  	v5 =	vadd.f32 v11, v5;
	[tilespmem:$0x18200] =	vst v8  }
0x23d: {  	v6 =	vadd.f32 v12, v6;
	[tilespmem:$0x18210] =	vst v7  }
0x23e: {  	[tilespmem:$0x18220] =	vst v5  }
0x23f: {  	[tilespmem:$0x18230] =	vst v6  }
0x240: {  	p0 =	sgt.s32 s29, s17;
	s11 =	smov.u32 s17  }
0x241: {  	s11 =	smov.u32 @p0 s29  }
0x242: {  	s11 =	sadd.s32 s9, s11  }
0x243: {  	s11 =	sshll.u32 s11, $0x8  }
0x244: {  	s11 =	sshra.s32 s11, $0x2  }
0x245: {  	s10 =	sadd.s32 $0x1, s10;
	s11 =	sadd.s32 $0x8020, s11  }
0x246: {  	p0 =	slt.s32 s10, s4;
	v5 =	vld [tilespmem:s11+$0x0]  }
.Ltmp40:
0x247: {  	_ = 	snop;
	(pc) =	sbr.rel @!p0 .LBB2_52-.Ltmp40, $4  }
0x248: {  	v6 =	vld [tilespmem:s11+$0xFFFFFFE0]  }
0x249: {  	v7 =	vld [tilespmem:s11+$0xFFFFFFF0]  }
0x24a: {  	v8 =	vld [tilespmem:s11+$0x10]  }
0x24b: {  	v9 =	vimm.f32 $0.0e+00;
	v10 =	vimm.f32 $0.0e+00;
	s11 =	sadd.s32 $0x40, s11;
	v5 =	vadd.f32 v5, v4  }
.LBB2_51:
0x24c: {  	s10 =	sadd.s32 $0x1, s10  }
0x24d: {  	v11 =	vld [tilespmem:s11+$0x0];
	v4 =	vadd.f32 v6, v4;
	p0 =	slt.s32 s10, s4  }
.Ltmp41:
0x24e: {  	v6 =	vld [tilespmem:s11+$0xFFFFFFE0];
	v9 =	vadd.f32 v7, v9;
	(pc) =	sbr.rel @p0 .LBB2_51-.Ltmp41, $3  }
0x24f: {  	v7 =	vld [tilespmem:s11+$0xFFFFFFF0];
	v10 =	vadd.f32 v8, v10  }
0x250: {  	v8 =	vld [tilespmem:s11+$0x10];
	_ =	sdelay $0x1  }
0x251: {  	s11 =	sadd.s32 $0x40, s11;
	v5 =	vadd.f32 v11, v5  }
.LBB2_52:
.Ltmp42:
0x252: {  	(pc) =	sbr.rel .LBB2_53-.Ltmp42, $3  }
0x253: {  	_ =	sdelay $0x1  }
0x254: {  	v4 =	vadd.f32 v6, v4  }
0x255: {  	v7 =	vadd.f32 v7, v9;
	v6 =	vadd.f32 v8, v10  }
.LBB2_49:
0x256: {  	v7 =	vimm.f32 $0.0e+00;
	v5 =	vimm.f32 $0.0e+00;
	v6 =	vimm.f32 $0.0e+00  }
.LBB2_53:
0x257: {  	v8 =	vld [tilespmem:$0x18240]  }
0x258: {  	v9 =	vld [tilespmem:$0x18250]  }
0x259: {  	v10 =	vld [tilespmem:$0x18260];
	p0 =	sgt.s32 s30, s14  }
0x25a: {  	v11 =	vld [tilespmem:$0x18270];
	s10 =	smov.u32 s14;
	p1 =	slt.s32 s31, s18;
	s4 =	smov.u32 s18  }
0x25b: {  	s10 =	smov.u32 @p0 s30;
	s4 =	smov.u32 @p1 s31  }
0x25c: {  	p0 =	sge.s32 s10, s4;
	v4 =	vadd.f32 v8, v4  }
.Ltmp43:
0x25d: {  	v7 =	vadd.f32 v9, v7;
	(pc) =	sbr.rel @p0 .LBB2_57-.Ltmp43, $4  }
0x25e: {  	[tilespmem:$0x18240] =	vst v4;
	v4 =	vadd.f32 v10, v5  }
0x25f: {  	[tilespmem:$0x18250] =	vst v7;
	v5 =	vadd.f32 v11, v6  }
0x260: {  	v9 =	vimm.f32 $0.0e+00;
	v7 =	vimm.f32 $0.0e+00;
	[tilespmem:$0x18260] =	vst v4  }
0x261: {  	v6 =	vimm.f32 $0.0e+00;
	v4 =	vimm.f32 $0.0e+00;
	[tilespmem:$0x18270] =	vst v5;
	v5 =	vimm.f32 $0.0e+00  }
0x262: {  	p0 =	sgt.s32 s30, s17;
	s11 =	smov.u32 s17  }
0x263: {  	s11 =	smov.u32 @p0 s30  }
0x264: {  	s11 =	sadd.s32 s9, s11  }
0x265: {  	s11 =	sshll.u32 s11, $0x8  }
0x266: {  	s11 =	sshra.s32 s11, $0x2  }
0x267: {  	s10 =	sadd.s32 $0x1, s10;
	s11 =	sadd.s32 $0x8020, s11  }
0x268: {  	p0 =	slt.s32 s10, s4;
	v5 =	vld [tilespmem:s11+$0x0]  }
.Ltmp44:
0x269: {  	_ = 	snop;
	(pc) =	sbr.rel @!p0 .LBB2_56-.Ltmp44, $4  }
0x26a: {  	v6 =	vld [tilespmem:s11+$0xFFFFFFE0]  }
0x26b: {  	v7 =	vld [tilespmem:s11+$0xFFFFFFF0]  }
0x26c: {  	v9 =	vimm.f32 $0.0e+00;
	v8 =	vld [tilespmem:s11+$0x10]  }
0x26d: {  	v10 =	vimm.f32 $0.0e+00;
	v11 =	vimm.f32 $0.0e+00;
	s11 =	sadd.s32 $0x40, s11;
	v5 =	vadd.f32 v5, v4  }
.LBB2_55:
0x26e: {  	s10 =	sadd.s32 $0x1, s10  }
0x26f: {  	v12 =	vld [tilespmem:s11+$0x0];
	v9 =	vadd.f32 v6, v9;
	p0 =	slt.s32 s10, s4  }
.Ltmp45:
0x270: {  	v6 =	vld [tilespmem:s11+$0xFFFFFFE0];
	v10 =	vadd.f32 v7, v10;
	(pc) =	sbr.rel @p0 .LBB2_55-.Ltmp45, $3  }
0x271: {  	v7 =	vld [tilespmem:s11+$0xFFFFFFF0];
	v11 =	vadd.f32 v8, v11  }
0x272: {  	v8 =	vld [tilespmem:s11+$0x10];
	_ =	sdelay $0x1  }
0x273: {  	s11 =	sadd.s32 $0x40, s11;
	v5 =	vadd.f32 v12, v5  }
.LBB2_56:
0x274: {  	_ =	sdelay $0x1  }
0x275: {  	v9 =	vadd.f32 v6, v9  }
0x276: {  	v7 =	vadd.f32 v7, v10;
	v6 =	vadd.f32 v8, v11  }
.LBB2_57:
0x277: {  	v8 =	vld [tilespmem:$0x18280]  }
0x278: {  	v10 =	vld [tilespmem:$0x18290]  }
0x279: {  	v11 =	vld [tilespmem:$0x182A0];
	p0 =	sgt.s32 s31, s14  }
0x27a: {  	v12 =	vld [tilespmem:$0x182B0];
	s10 =	smov.u32 s14;
	p1 =	slt.s32 s0, s18;
	s4 =	smov.u32 s18  }
0x27b: {  	s10 =	smov.u32 @p0 s31;
	s4 =	smov.u32 @p1 s0  }
0x27c: {  	p0 =	sge.s32 s10, s4;
	v8 =	vadd.f32 v8, v9  }
.Ltmp46:
0x27d: {  	v7 =	vadd.f32 v10, v7;
	(pc) =	sbr.rel @p0 .LBB2_58-.Ltmp46, $4  }
0x27e: {  	v5 =	vadd.f32 v11, v5;
	[tilespmem:$0x18280] =	vst v8  }
0x27f: {  	v6 =	vadd.f32 v12, v6;
	[tilespmem:$0x18290] =	vst v7  }
0x280: {  	[tilespmem:$0x182A0] =	vst v5  }
0x281: {  	[tilespmem:$0x182B0] =	vst v6  }
0x282: {  	p0 =	sgt.s32 s31, s17;
	s11 =	smov.u32 s17  }
0x283: {  	s11 =	smov.u32 @p0 s31  }
0x284: {  	s11 =	sadd.s32 s9, s11  }
0x285: {  	s11 =	sshll.u32 s11, $0x8  }
0x286: {  	s11 =	sshra.s32 s11, $0x2  }
0x287: {  	s10 =	sadd.s32 $0x1, s10;
	s11 =	sadd.s32 $0x8020, s11  }
0x288: {  	p0 =	slt.s32 s10, s4;
	v5 =	vld [tilespmem:s11+$0x0]  }
.Ltmp47:
0x289: {  	_ = 	snop;
	(pc) =	sbr.rel @!p0 .LBB2_61-.Ltmp47, $4  }
0x28a: {  	v6 =	vld [tilespmem:s11+$0xFFFFFFE0]  }
0x28b: {  	v7 =	vld [tilespmem:s11+$0xFFFFFFF0]  }
0x28c: {  	v8 =	vld [tilespmem:s11+$0x10]  }
0x28d: {  	v9 =	vimm.f32 $0.0e+00;
	v10 =	vimm.f32 $0.0e+00;
	s11 =	sadd.s32 $0x40, s11;
	v5 =	vadd.f32 v5, v4  }
.LBB2_60:
0x28e: {  	s10 =	sadd.s32 $0x1, s10  }
0x28f: {  	v11 =	vld [tilespmem:s11+$0x0];
	v4 =	vadd.f32 v6, v4;
	p0 =	slt.s32 s10, s4  }
.Ltmp48:
0x290: {  	v6 =	vld [tilespmem:s11+$0xFFFFFFE0];
	v9 =	vadd.f32 v7, v9;
	(pc) =	sbr.rel @p0 .LBB2_60-.Ltmp48, $3  }
0x291: {  	v7 =	vld [tilespmem:s11+$0xFFFFFFF0];
	v10 =	vadd.f32 v8, v10  }
0x292: {  	v8 =	vld [tilespmem:s11+$0x10];
	_ =	sdelay $0x1  }
0x293: {  	s11 =	sadd.s32 $0x40, s11;
	v5 =	vadd.f32 v11, v5  }
.LBB2_61:
.Ltmp49:
0x294: {  	(pc) =	sbr.rel .LBB2_62-.Ltmp49, $3  }
0x295: {  	_ =	sdelay $0x1  }
0x296: {  	v4 =	vadd.f32 v6, v4  }
0x297: {  	v7 =	vadd.f32 v7, v9;
	v6 =	vadd.f32 v8, v10  }
.LBB2_58:
0x298: {  	v7 =	vimm.f32 $0.0e+00;
	v5 =	vimm.f32 $0.0e+00;
	v6 =	vimm.f32 $0.0e+00  }
.LBB2_62:
0x299: {  	v8 =	vld [tilespmem:$0x182C0]  }
0x29a: {  	v9 =	vld [tilespmem:$0x182D0]  }
0x29b: {  	v10 =	vld [tilespmem:$0x182E0];
	p0 =	sgt.s32 s0, s14  }
0x29c: {  	v11 =	vld [tilespmem:$0x182F0];
	s10 =	smov.u32 s14;
	p1 =	slt.s32 s1, s18;
	s4 =	smov.u32 s18  }
0x29d: {  	s10 =	smov.u32 @p0 s0;
	s4 =	smov.u32 @p1 s1  }
0x29e: {  	p0 =	sge.s32 s10, s4;
	v4 =	vadd.f32 v8, v4  }
.Ltmp50:
0x29f: {  	v7 =	vadd.f32 v9, v7;
	(pc) =	sbr.rel @p0 .LBB2_66-.Ltmp50, $4  }
0x2a0: {  	[tilespmem:$0x182C0] =	vst v4;
	v4 =	vadd.f32 v10, v5  }
0x2a1: {  	[tilespmem:$0x182D0] =	vst v7;
	v5 =	vadd.f32 v11, v6  }
0x2a2: {  	v9 =	vimm.f32 $0.0e+00;
	v7 =	vimm.f32 $0.0e+00;
	[tilespmem:$0x182E0] =	vst v4  }
0x2a3: {  	v6 =	vimm.f32 $0.0e+00;
	v4 =	vimm.f32 $0.0e+00;
	[tilespmem:$0x182F0] =	vst v5;
	v5 =	vimm.f32 $0.0e+00  }
0x2a4: {  	p0 =	sgt.s32 s0, s17;
	s11 =	smov.u32 s17  }
0x2a5: {  	s11 =	smov.u32 @p0 s0  }
0x2a6: {  	s11 =	sadd.s32 s9, s11  }
0x2a7: {  	s11 =	sshll.u32 s11, $0x8  }
0x2a8: {  	s11 =	sshra.s32 s11, $0x2  }
0x2a9: {  	s10 =	sadd.s32 $0x1, s10;
	s11 =	sadd.s32 $0x8020, s11  }
0x2aa: {  	p0 =	slt.s32 s10, s4;
	v5 =	vld [tilespmem:s11+$0x0]  }
.Ltmp51:
0x2ab: {  	_ = 	snop;
	(pc) =	sbr.rel @!p0 .LBB2_65-.Ltmp51, $4  }
0x2ac: {  	v6 =	vld [tilespmem:s11+$0xFFFFFFE0]  }
0x2ad: {  	v7 =	vld [tilespmem:s11+$0xFFFFFFF0]  }
0x2ae: {  	v9 =	vimm.f32 $0.0e+00;
	v8 =	vld [tilespmem:s11+$0x10]  }
0x2af: {  	v10 =	vimm.f32 $0.0e+00;
	v11 =	vimm.f32 $0.0e+00;
	s11 =	sadd.s32 $0x40, s11;
	v5 =	vadd.f32 v5, v4  }
.LBB2_64:
0x2b0: {  	s10 =	sadd.s32 $0x1, s10  }
0x2b1: {  	v12 =	vld [tilespmem:s11+$0x0];
	v9 =	vadd.f32 v6, v9;
	p0 =	slt.s32 s10, s4  }
.Ltmp52:
0x2b2: {  	v6 =	vld [tilespmem:s11+$0xFFFFFFE0];
	v10 =	vadd.f32 v7, v10;
	(pc) =	sbr.rel @p0 .LBB2_64-.Ltmp52, $3  }
0x2b3: {  	v7 =	vld [tilespmem:s11+$0xFFFFFFF0];
	v11 =	vadd.f32 v8, v11  }
0x2b4: {  	v8 =	vld [tilespmem:s11+$0x10];
	_ =	sdelay $0x1  }
0x2b5: {  	s11 =	sadd.s32 $0x40, s11;
	v5 =	vadd.f32 v12, v5  }
.LBB2_65:
0x2b6: {  	_ =	sdelay $0x1  }
0x2b7: {  	v9 =	vadd.f32 v6, v9  }
0x2b8: {  	v7 =	vadd.f32 v7, v10;
	v6 =	vadd.f32 v8, v11  }
.LBB2_66:
0x2b9: {  	v8 =	vld [tilespmem:$0x18300]  }
0x2ba: {  	v10 =	vld [tilespmem:$0x18310]  }
0x2bb: {  	v11 =	vld [tilespmem:$0x18320];
	p0 =	sgt.s32 s1, s14  }
0x2bc: {  	v12 =	vld [tilespmem:$0x18330];
	s10 =	smov.u32 s14;
	p1 =	slt.s32 s2, s18;
	s4 =	smov.u32 s18  }
0x2bd: {  	s10 =	smov.u32 @p0 s1;
	s4 =	smov.u32 @p1 s2  }
0x2be: {  	p0 =	sge.s32 s10, s4;
	v8 =	vadd.f32 v8, v9  }
.Ltmp53:
0x2bf: {  	v7 =	vadd.f32 v10, v7;
	(pc) =	sbr.rel @p0 .LBB2_67-.Ltmp53, $4  }
0x2c0: {  	v5 =	vadd.f32 v11, v5;
	[tilespmem:$0x18300] =	vst v8  }
0x2c1: {  	v6 =	vadd.f32 v12, v6;
	[tilespmem:$0x18310] =	vst v7  }
0x2c2: {  	[tilespmem:$0x18320] =	vst v5  }
0x2c3: {  	[tilespmem:$0x18330] =	vst v6  }
0x2c4: {  	p0 =	sgt.s32 s1, s17;
	s11 =	smov.u32 s17  }
0x2c5: {  	s11 =	smov.u32 @p0 s1  }
0x2c6: {  	s11 =	sadd.s32 s9, s11  }
0x2c7: {  	s11 =	sshll.u32 s11, $0x8  }
0x2c8: {  	s11 =	sshra.s32 s11, $0x2  }
0x2c9: {  	s10 =	sadd.s32 $0x1, s10;
	s11 =	sadd.s32 $0x8020, s11  }
0x2ca: {  	p0 =	slt.s32 s10, s4;
	v5 =	vld [tilespmem:s11+$0x0]  }
.Ltmp54:
0x2cb: {  	_ = 	snop;
	(pc) =	sbr.rel @!p0 .LBB2_70-.Ltmp54, $4  }
0x2cc: {  	v6 =	vld [tilespmem:s11+$0xFFFFFFE0]  }
0x2cd: {  	v7 =	vld [tilespmem:s11+$0xFFFFFFF0]  }
0x2ce: {  	v8 =	vld [tilespmem:s11+$0x10]  }
0x2cf: {  	v9 =	vimm.f32 $0.0e+00;
	v10 =	vimm.f32 $0.0e+00;
	s11 =	sadd.s32 $0x40, s11;
	v5 =	vadd.f32 v5, v4  }
.LBB2_69:
0x2d0: {  	s10 =	sadd.s32 $0x1, s10  }
0x2d1: {  	v11 =	vld [tilespmem:s11+$0x0];
	v4 =	vadd.f32 v6, v4;
	p0 =	slt.s32 s10, s4  }
.Ltmp55:
0x2d2: {  	v6 =	vld [tilespmem:s11+$0xFFFFFFE0];
	v9 =	vadd.f32 v7, v9;
	(pc) =	sbr.rel @p0 .LBB2_69-.Ltmp55, $3  }
0x2d3: {  	v7 =	vld [tilespmem:s11+$0xFFFFFFF0];
	v10 =	vadd.f32 v8, v10  }
0x2d4: {  	v8 =	vld [tilespmem:s11+$0x10];
	_ =	sdelay $0x1  }
0x2d5: {  	s11 =	sadd.s32 $0x40, s11;
	v5 =	vadd.f32 v11, v5  }
.LBB2_70:
.Ltmp56:
0x2d6: {  	(pc) =	sbr.rel .LBB2_71-.Ltmp56, $3  }
0x2d7: {  	_ =	sdelay $0x1  }
0x2d8: {  	v4 =	vadd.f32 v6, v4  }
0x2d9: {  	v7 =	vadd.f32 v7, v9;
	v6 =	vadd.f32 v8, v10  }
.LBB2_67:
0x2da: {  	v7 =	vimm.f32 $0.0e+00;
	v5 =	vimm.f32 $0.0e+00;
	v6 =	vimm.f32 $0.0e+00  }
.LBB2_71:
0x2db: {  	v8 =	vld [tilespmem:$0x18340]  }
0x2dc: {  	v9 =	vld [tilespmem:$0x18350]  }
0x2dd: {  	v10 =	vld [tilespmem:$0x18360];
	p0 =	sgt.s32 s2, s14  }
0x2de: {  	v11 =	vld [tilespmem:$0x18370];
	s10 =	smov.u32 s14;
	p1 =	slt.s32 s12, s18;
	s4 =	smov.u32 s18  }
0x2df: {  	s10 =	smov.u32 @p0 s2;
	s4 =	smov.u32 @p1 s12  }
0x2e0: {  	p0 =	sge.s32 s10, s4;
	v4 =	vadd.f32 v8, v4  }
.Ltmp57:
0x2e1: {  	v7 =	vadd.f32 v9, v7;
	(pc) =	sbr.rel @p0 .LBB2_75-.Ltmp57, $4  }
0x2e2: {  	[tilespmem:$0x18340] =	vst v4;
	v4 =	vadd.f32 v10, v5  }
0x2e3: {  	[tilespmem:$0x18350] =	vst v7;
	v5 =	vadd.f32 v11, v6  }
0x2e4: {  	v9 =	vimm.f32 $0.0e+00;
	v7 =	vimm.f32 $0.0e+00;
	[tilespmem:$0x18360] =	vst v4  }
0x2e5: {  	v6 =	vimm.f32 $0.0e+00;
	v4 =	vimm.f32 $0.0e+00;
	[tilespmem:$0x18370] =	vst v5;
	v5 =	vimm.f32 $0.0e+00  }
0x2e6: {  	p0 =	sgt.s32 s2, s17;
	s11 =	smov.u32 s17  }
0x2e7: {  	s11 =	smov.u32 @p0 s2  }
0x2e8: {  	s11 =	sadd.s32 s9, s11  }
0x2e9: {  	s11 =	sshll.u32 s11, $0x8  }
0x2ea: {  	s11 =	sshra.s32 s11, $0x2  }
0x2eb: {  	s10 =	sadd.s32 $0x1, s10;
	s11 =	sadd.s32 $0x8020, s11  }
0x2ec: {  	p0 =	slt.s32 s10, s4;
	v5 =	vld [tilespmem:s11+$0x0]  }
.Ltmp58:
0x2ed: {  	_ = 	snop;
	(pc) =	sbr.rel @!p0 .LBB2_74-.Ltmp58, $4  }
0x2ee: {  	v6 =	vld [tilespmem:s11+$0xFFFFFFE0]  }
0x2ef: {  	v7 =	vld [tilespmem:s11+$0xFFFFFFF0]  }
0x2f0: {  	v9 =	vimm.f32 $0.0e+00;
	v8 =	vld [tilespmem:s11+$0x10]  }
0x2f1: {  	v10 =	vimm.f32 $0.0e+00;
	v11 =	vimm.f32 $0.0e+00;
	s11 =	sadd.s32 $0x40, s11;
	v5 =	vadd.f32 v5, v4  }
.LBB2_73:
0x2f2: {  	s10 =	sadd.s32 $0x1, s10  }
0x2f3: {  	v12 =	vld [tilespmem:s11+$0x0];
	v9 =	vadd.f32 v6, v9;
	p0 =	slt.s32 s10, s4  }
.Ltmp59:
0x2f4: {  	v6 =	vld [tilespmem:s11+$0xFFFFFFE0];
	v10 =	vadd.f32 v7, v10;
	(pc) =	sbr.rel @p0 .LBB2_73-.Ltmp59, $3  }
0x2f5: {  	v7 =	vld [tilespmem:s11+$0xFFFFFFF0];
	v11 =	vadd.f32 v8, v11  }
0x2f6: {  	v8 =	vld [tilespmem:s11+$0x10];
	_ =	sdelay $0x1  }
0x2f7: {  	s11 =	sadd.s32 $0x40, s11;
	v5 =	vadd.f32 v12, v5  }
.LBB2_74:
0x2f8: {  	_ =	sdelay $0x1  }
0x2f9: {  	v9 =	vadd.f32 v6, v9  }
0x2fa: {  	v7 =	vadd.f32 v7, v10;
	v6 =	vadd.f32 v8, v11  }
.LBB2_75:
0x2fb: {  	v8 =	vld [tilespmem:$0x18380]  }
0x2fc: {  	v10 =	vld [tilespmem:$0x18390]  }
0x2fd: {  	v11 =	vld [tilespmem:$0x183A0]  }
0x2fe: {  	v12 =	vld [tilespmem:$0x183B0];
	p0 =	sgt.s32 s12, s14;
	s4 =	smov.u32 s14  }
0x2ff: {  	s4 =	smov.u32 @p0 s12  }
0x300: {  	p0 =	sge.u32 s4, s18;
	v8 =	vadd.f32 v8, v9  }
.Ltmp60:
0x301: {  	v7 =	vadd.f32 v10, v7;
	(pc) =	sbr.rel @p0 .LBB2_76-.Ltmp60, $4  }
0x302: {  	v5 =	vadd.f32 v11, v5;
	[tilespmem:$0x18380] =	vst v8  }
0x303: {  	v6 =	vadd.f32 v12, v6;
	[tilespmem:$0x18390] =	vst v7  }
0x304: {  	[tilespmem:$0x183A0] =	vst v5  }
0x305: {  	[tilespmem:$0x183B0] =	vst v6  }
0x306: {  	p0 =	sgt.s32 s12, s17;
	s10 =	smov.u32 s17  }
0x307: {  	s10 =	smov.u32 @p0 s12  }
0x308: {  	s10 =	sadd.s32 s9, s10  }
0x309: {  	s10 =	sshll.u32 s10, $0x8  }
0x30a: {  	s10 =	sshra.s32 s10, $0x2  }
0x30b: {  	s4 =	sadd.s32 $0x1, s4;
	s10 =	sadd.s32 $0x8020, s10  }
0x30c: {  	p0 =	slt.u32 s4, s18;
	v5 =	vld [tilespmem:s10+$0x0]  }
.Ltmp61:
0x30d: {  	_ = 	snop;
	(pc) =	sbr.rel @!p0 .LBB2_79-.Ltmp61, $4  }
0x30e: {  	v6 =	vld [tilespmem:s10+$0xFFFFFFE0]  }
0x30f: {  	v7 =	vld [tilespmem:s10+$0xFFFFFFF0]  }
0x310: {  	v8 =	vld [tilespmem:s10+$0x10]  }
0x311: {  	v9 =	vimm.f32 $0.0e+00;
	v10 =	vimm.f32 $0.0e+00;
	s10 =	sadd.s32 $0x40, s10;
	v5 =	vadd.f32 v5, v4  }
.LBB2_78:
0x312: {  	s4 =	sadd.s32 $0x1, s4  }
0x313: {  	v11 =	vld [tilespmem:s10+$0x0];
	v4 =	vadd.f32 v6, v4;
	p0 =	slt.u32 s4, s18  }
.Ltmp62:
0x314: {  	v6 =	vld [tilespmem:s10+$0xFFFFFFE0];
	v9 =	vadd.f32 v7, v9;
	(pc) =	sbr.rel @p0 .LBB2_78-.Ltmp62, $3  }
0x315: {  	v7 =	vld [tilespmem:s10+$0xFFFFFFF0];
	v10 =	vadd.f32 v8, v10  }
0x316: {  	v8 =	vld [tilespmem:s10+$0x10];
	_ =	sdelay $0x1  }
0x317: {  	s10 =	sadd.s32 $0x40, s10;
	v5 =	vadd.f32 v11, v5  }
.LBB2_79:
.Ltmp63:
0x318: {  	(pc) =	sbr.rel .LBB2_80-.Ltmp63, $3  }
0x319: {  	_ =	sdelay $0x1  }
0x31a: {  	v4 =	vadd.f32 v6, v4  }
0x31b: {  	v7 =	vadd.f32 v7, v9;
	v6 =	vadd.f32 v8, v10  }
.LBB2_76:
0x31c: {  	v7 =	vimm.f32 $0.0e+00;
	v5 =	vimm.f32 $0.0e+00;
	v6 =	vimm.f32 $0.0e+00  }
.LBB2_80:
0x31d: {  	v8 =	vld [tilespmem:$0x183C0]  }
0x31e: {  	v9 =	vld [tilespmem:$0x183D0]  }
0x31f: {  	v10 =	vld [tilespmem:$0x183E0]  }
0x320: {  	v11 =	vld [tilespmem:$0x183F0];
	_ =	sdelay $0x1  }
0x321: {  	v4 =	vadd.f32 v8, v4  }
0x322: {  	v7 =	vadd.f32 v9, v7  }
0x323: {  	[tilespmem:$0x183C0] =	vst v4;
	v4 =	vadd.f32 v10, v5  }
0x324: {  	[tilespmem:$0x183D0] =	vst v7;
	v5 =	vadd.f32 v11, v6  }
0x325: {  	[tilespmem:$0x183E0] =	vst v4  }
0x326: {  	[tilespmem:$0x183F0] =	vst v5  }
.LBB2_81:
0x327: {  	s4 =	sshll.u32 s13, $0x15;
	p0 =	seq.s32 s13, $0x1F;
	s7 =	rddreg [dreg:$0x5]  }
0x328: {  	s4 =	sadd.s32 @!p0 s7, s4  }
0x329: {  	s14 =	sadd.s32 $0x400, s14;
	s10 =	simm.s32 @!p0 $0x40;
	s4 =	sshrl.u32 @!p0 s4, $0x3  }
0x32a: {  	v4 =	vmov s18;
	s11 =	simm.s32 @!p0 $0x800;
	s7 =	simm.s32 @!p0 $0x8000;
	s4 =	sadd.s32 @!p0 s5, s4  }
0x32b: {  	vm1 =	vle.s32 v3, v4;
	vm2 =	vgt.s32 v3, v4;
	vm3 =	vlt.s32 v3, s14;
	[tilespmem:s7], [sflag:$0x1] =	stream.strided.gather @!p0 [hbm4b:s4+s10], $0x8000, s11, s10, $0x38;
	[tilespmem:$0x18400] =	vst v63  }
0x32c: {  	vm2 =	vmand vm2, vm3;
	v4 =	vsel vm1, $0x1, v2;
	_ =	swait.ge [sflag:s16], $0x8000  }
0x32d: {  	(xrf0) =	vadd.scan.msk.s32 $0xffff, v4;
	v4 =	vsel vm2, $0x1, v2  }
0x32e: {  	(xrf0) =	vadd.scan.msk.s32 $0xffff, v4;
	_ =	sdelay $0x4  }
0x32f: {  	v4, _, _ =	vpop (xrf0)  }
0x330: {  	(v2sf) =	vpush v4, $0xF;
	v4, _, _ =	vpop (xrf0)  }
0x331: {  	(v2sf) =	vpush v4, $0xF;
	_ =	sdelay $0xd  }
0x332: {  	s10 =	spop (v2sf)  }
0x333: {  	s11 =	spop (v2sf)  }
0x334: {  	p0 =	sne.s32 s11, $0x0  }
.Ltmp64:
0x335: {  	_ = 	snop;
	(pc) =	sbr.rel @!p0 .LBB2_82-.Ltmp64, $3  }
0x336: {  	_ =	sdelay $0x1  }
0x337: {  	[sflag:s16] =	ssyncset.done $0x0  }
0x338: {  	[sflag:s16] =	ssyncadd.s32 $0xFFFF8000  }
0x339: {  	p0 =	sgt.s32 s19, s18  }
0x33a: {  	s10 =	smov.u32 s18;
	p1 =	slt.s32 s20, s14;
	s4 =	smov.u32 s14  }
0x33b: {  	s10 =	smov.u32 @p0 s19;
	s4 =	smov.u32 @p1 s20  }
0x33c: {  	p0 =	sge.s32 s10, s4  }
.Ltmp65:
0x33d: {  	_ = 	snop;
	(pc) =	sbr.rel @p0 .LBB2_89-.Ltmp65, $3  }
0x33e: {  	_ =	sdelay $0x1  }
0x33f: {  	v4 =	vimm.f32 $0.0e+00;
	v9 =	vimm.f32 $0.0e+00  }
0x340: {  	v7 =	vimm.f32 $0.0e+00;
	v5 =	vimm.f32 $0.0e+00;
	v6 =	vimm.f32 $0.0e+00  }
0x341: {  	p0 =	sgt.s32 s19, s6;
	s7 =	smov.u32 s6  }
0x342: {  	s7 =	smov.u32 @p0 s19  }
0x343: {  	s7 =	sadd.s32 s8, s7  }
0x344: {  	s7 =	sshll.u32 s7, $0x8  }
0x345: {  	s7 =	sshra.s32 s7, $0x2  }
0x346: {  	s10 =	sadd.s32 $0x1, s10;
	s7 =	sadd.s32 $0x10020, s7  }
0x347: {  	p0 =	slt.s32 s10, s4;
	v5 =	vld [tilespmem:s7+$0x0]  }
.Ltmp66:
0x348: {  	_ = 	snop;
	(pc) =	sbr.rel @!p0 .LBB2_88-.Ltmp66, $4  }
0x349: {  	v6 =	vld [tilespmem:s7+$0xFFFFFFE0]  }
0x34a: {  	v7 =	vld [tilespmem:s7+$0xFFFFFFF0]  }
0x34b: {  	v9 =	vimm.f32 $0.0e+00;
	v8 =	vld [tilespmem:s7+$0x10]  }
0x34c: {  	v10 =	vimm.f32 $0.0e+00;
	v11 =	vimm.f32 $0.0e+00;
	s11 =	sadd.s32 $0x40, s7;
	v5 =	vadd.f32 v5, v4  }
.LBB2_87:
0x34d: {  	s10 =	sadd.s32 $0x1, s10  }
0x34e: {  	v12 =	vld [tilespmem:s11+$0x0];
	v9 =	vadd.f32 v6, v9;
	p0 =	slt.s32 s10, s4  }
.Ltmp67:
0x34f: {  	v6 =	vld [tilespmem:s11+$0xFFFFFFE0];
	v10 =	vadd.f32 v7, v10;
	(pc) =	sbr.rel @p0 .LBB2_87-.Ltmp67, $3  }
0x350: {  	v7 =	vld [tilespmem:s11+$0xFFFFFFF0];
	v11 =	vadd.f32 v8, v11  }
0x351: {  	v8 =	vld [tilespmem:s11+$0x10];
	_ =	sdelay $0x1  }
0x352: {  	s11 =	sadd.s32 $0x40, s11;
	v5 =	vadd.f32 v12, v5  }
.LBB2_88:
0x353: {  	_ =	sdelay $0x1  }
0x354: {  	v9 =	vadd.f32 v6, v9  }
0x355: {  	v7 =	vadd.f32 v7, v10;
	v6 =	vadd.f32 v8, v11  }
.LBB2_89:
0x356: {  	v8 =	vld [tilespmem:$0x18000]  }
0x357: {  	v10 =	vld [tilespmem:$0x18010]  }
0x358: {  	v11 =	vld [tilespmem:$0x18020];
	p0 =	sgt.s32 s20, s18  }
0x359: {  	v12 =	vld [tilespmem:$0x18030];
	s10 =	smov.u32 s18;
	p1 =	slt.s32 s21, s14;
	s4 =	smov.u32 s14  }
0x35a: {  	s10 =	smov.u32 @p0 s20;
	s4 =	smov.u32 @p1 s21  }
0x35b: {  	p0 =	sge.s32 s10, s4;
	v8 =	vadd.f32 v8, v9  }
.Ltmp68:
0x35c: {  	v7 =	vadd.f32 v10, v7;
	(pc) =	sbr.rel @p0 .LBB2_90-.Ltmp68, $4  }
0x35d: {  	v5 =	vadd.f32 v11, v5;
	[tilespmem:$0x18000] =	vst v8  }
0x35e: {  	v6 =	vadd.f32 v12, v6;
	[tilespmem:$0x18010] =	vst v7  }
0x35f: {  	[tilespmem:$0x18020] =	vst v5  }
0x360: {  	[tilespmem:$0x18030] =	vst v6  }
0x361: {  	p0 =	sgt.s32 s20, s6;
	s7 =	smov.u32 s6  }
0x362: {  	s7 =	smov.u32 @p0 s20  }
0x363: {  	s7 =	sadd.s32 s8, s7  }
0x364: {  	s7 =	sshll.u32 s7, $0x8  }
0x365: {  	s7 =	sshra.s32 s7, $0x2  }
0x366: {  	s10 =	sadd.s32 $0x1, s10;
	s7 =	sadd.s32 $0x10020, s7  }
0x367: {  	p0 =	slt.s32 s10, s4;
	v5 =	vld [tilespmem:s7+$0x0]  }
.Ltmp69:
0x368: {  	_ = 	snop;
	(pc) =	sbr.rel @!p0 .LBB2_93-.Ltmp69, $4  }
0x369: {  	v6 =	vld [tilespmem:s7+$0xFFFFFFE0]  }
0x36a: {  	v7 =	vld [tilespmem:s7+$0xFFFFFFF0]  }
0x36b: {  	v8 =	vld [tilespmem:s7+$0x10]  }
0x36c: {  	v9 =	vimm.f32 $0.0e+00;
	v10 =	vimm.f32 $0.0e+00;
	s11 =	sadd.s32 $0x40, s7;
	v5 =	vadd.f32 v5, v4  }
.LBB2_92:
0x36d: {  	s10 =	sadd.s32 $0x1, s10  }
0x36e: {  	v11 =	vld [tilespmem:s11+$0x0];
	v4 =	vadd.f32 v6, v4;
	p0 =	slt.s32 s10, s4  }
.Ltmp70:
0x36f: {  	v6 =	vld [tilespmem:s11+$0xFFFFFFE0];
	v9 =	vadd.f32 v7, v9;
	(pc) =	sbr.rel @p0 .LBB2_92-.Ltmp70, $3  }
0x370: {  	v7 =	vld [tilespmem:s11+$0xFFFFFFF0];
	v10 =	vadd.f32 v8, v10  }
0x371: {  	v8 =	vld [tilespmem:s11+$0x10];
	_ =	sdelay $0x1  }
0x372: {  	s11 =	sadd.s32 $0x40, s11;
	v5 =	vadd.f32 v11, v5  }
.LBB2_93:
.Ltmp71:
0x373: {  	(pc) =	sbr.rel .LBB2_94-.Ltmp71, $3  }
0x374: {  	_ =	sdelay $0x1  }
0x375: {  	v4 =	vadd.f32 v6, v4  }
0x376: {  	v7 =	vadd.f32 v7, v9;
	v6 =	vadd.f32 v8, v10  }
.LBB2_82:
0x377: {  	s11 =	simm.s32 $0x0  }
0x378: {  	v4 =	vld [tilespmem:s11+$0x10100]  }
0x379: {  	v5 =	vld [tilespmem:s11+$0x10110]  }
0x37a: {  	v8 =	vld [tilespmem:s11+$0x10120]  }
0x37b: {  	v9 =	vld [tilespmem:s11+$0x10130]  }
0x37c: {  	v11 =	vld [tilespmem:s11+$0x10140]  }
0x37d: {  	v19 =	vld [tilespmem:s11+$0x10150]  }
0x37e: {  	v20 =	vld [tilespmem:s11+$0x10160]  }
0x37f: {  	v21 =	vld [tilespmem:s11+$0x10170]  }
0x380: {  	v17 =	vld [tilespmem:s11+$0x10180]  }
0x381: {  	v18 =	vld [tilespmem:s11+$0x10190]  }
0x382: {  	v14 =	vld [tilespmem:s11+$0x101A0]  }
0x383: {  	v15 =	vld [tilespmem:s11+$0x101B0]  }
0x384: {  	v6 =	vld [tilespmem:s11+$0x10000]  }
0x385: {  	v7 =	vld [tilespmem:s11+$0x10010]  }
0x386: {  	v13 =	vld [tilespmem:s11+$0x10020]  }
0x387: {  	v16 =	vld [tilespmem:s11+$0x10030]  }
0x388: {  	v22 =	vld [tilespmem:s11+$0x10040]  }
0x389: {  	v23 =	vld [tilespmem:s11+$0x10050]  }
0x38a: {  	v10 =	vimm.f32 $0.0e+00;
	v24 =	vld [tilespmem:s11+$0x10060]  }
0x38b: {  	v26 =	vld [tilespmem:s11+$0x10070];
	v6 =	vadd.f32 v6, v10  }
0x38c: {  	v12 =	vld [tilespmem:s11+$0x101C0];
	v25 =	vadd.f32 v7, v10;
	v13 =	vadd.f32 v13, v10  }
0x38d: {  	v27 =	vld [tilespmem:s11+$0x10080];
	v28 =	vadd.f32 v16, v10;
	v7 =	vadd.f32 v4, v6  }
0x38e: {  	v30 =	vld [tilespmem:s11+$0x100A0];
	v6 =	vadd.f32 v5, v25;
	v5 =	vadd.f32 v8, v13  }
0x38f: {  	v32 =	vld [tilespmem:s11+$0x100B0];
	v4 =	vadd.f32 v9, v28;
	v8 =	vadd.f32 v22, v10  }
0x390: {  	v28 =	vld [tilespmem:s11+$0x10090];
	v9 =	vadd.f32 v23, v10;
	v22 =	vadd.f32 v24, v10  }
0x391: {  	v29 =	vld [tilespmem:s11+$0x100D0];
	v23 =	vadd.f32 v26, v10;
	v24 =	vimm.f32 $0.0e+00;
	v13 =	vadd.f32 v11, v8  }
0x392: {  	v31 =	vld [tilespmem:s11+$0x100E0];
	v25 =	vimm.f32 $0.0e+00;
	v11 =	vadd.f32 v19, v9;
	v9 =	vadd.f32 v20, v22  }
0x393: {  	v16 =	vld [tilespmem:s11+$0x101D0];
	v8 =	vadd.f32 v21, v23;
	v23 =	vimm.f32 $0.0e+00;
	v19 =	vimm.f32 $0.0e+00  }
0x394: {  	s4 =	simm.s32 $0x800;
	v26 =	vld [tilespmem:s11+$0x100C0];
	v20 =	vimm.f32 $0.0e+00;
	v21 =	vimm.f32 $0.0e+00;
	v22 =	vimm.f32 $0.0e+00  }
.LBB2_83:
0x395: {  	p0 =	sne.s32 s4, $0x1F800;
	v10 =	vadd.f32 v27, v10;
	v23 =	vadd.f32 v28, v23;
	v27 =	vld [tilespmem:s11+$0x100F0]  }
0x396: {  	v24 =	vadd.f32 v30, v24;
	v25 =	vadd.f32 v32, v25;
	v28 =	vld [tilespmem:s11+$0x101E0]  }
0x397: {  	v10 =	vadd.f32 v17, v10;
	v23 =	vadd.f32 v18, v23;
	v17 =	vld [tilespmem:s11+$0x101F0];
	s11 =	sshra.s32 s4, $0x2  }
0x398: {  	v24 =	vadd.f32 v14, v24;
	v30 =	vld [tilespmem:s11+$0x10100];
	v25 =	vadd.f32 v15, v25  }
0x399: {  	v14 =	vadd.f32 v26, v19;
	v15 =	vadd.f32 v29, v20;
	v32 =	vld [tilespmem:s11+$0x10110]  }
0x39a: {  	v18 =	vadd.f32 v31, v21;
	v26 =	vld [tilespmem:s11+$0x10120];
	v22 =	vadd.f32 v27, v22  }
0x39b: {  	v19 =	vadd.f32 v12, v14;
	v20 =	vadd.f32 v16, v15;
	v29 =	vld [tilespmem:s11+$0x10130]  }
0x39c: {  	v21 =	vadd.f32 v28, v18;
	v31 =	vld [tilespmem:s11+$0x10140];
	v22 =	vadd.f32 v17, v22  }
0x39d: {  	v33 =	vld [tilespmem:s11+$0x10150]  }
0x39e: {  	v34 =	vld [tilespmem:s11+$0x10160]  }
0x39f: {  	v35 =	vld [tilespmem:s11+$0x10170]  }
0x3a0: {  	v17 =	vld [tilespmem:s11+$0x10180]  }
0x3a1: {  	v18 =	vld [tilespmem:s11+$0x10190]  }
0x3a2: {  	v14 =	vld [tilespmem:s11+$0x101A0]  }
0x3a3: {  	v15 =	vld [tilespmem:s11+$0x101B0]  }
0x3a4: {  	v12 =	vld [tilespmem:s11+$0x101C0]  }
0x3a5: {  	v16 =	vld [tilespmem:s11+$0x101D0]  }
0x3a6: {  	v27 =	vld [tilespmem:s11+$0x10000]  }
0x3a7: {  	v28 =	vld [tilespmem:s11+$0x10010]  }
0x3a8: {  	v36 =	vld [tilespmem:s11+$0x10020]  }
0x3a9: {  	v37 =	vld [tilespmem:s11+$0x10030]  }
0x3aa: {  	v38 =	vld [tilespmem:s11+$0x10040]  }
0x3ab: {  	v39 =	vld [tilespmem:s11+$0x10050]  }
0x3ac: {  	v40 =	vld [tilespmem:s11+$0x10060]  }
0x3ad: {  	v7 =	vadd.f32 v27, v7;
	v6 =	vadd.f32 v28, v6;
	v41 =	vld [tilespmem:s11+$0x10070]  }
0x3ae: {  	v5 =	vadd.f32 v36, v5;
	v4 =	vadd.f32 v37, v4;
	v27 =	vld [tilespmem:s11+$0x10080]  }
0x3af: {  	v7 =	vadd.f32 v30, v7;
	v6 =	vadd.f32 v32, v6;
	v28 =	vld [tilespmem:s11+$0x10090]  }
.Ltmp72:
0x3b0: {  	v5 =	vadd.f32 v26, v5;
	v30 =	vld [tilespmem:s11+$0x100A0];
	v4 =	vadd.f32 v29, v4;
	(pc) =	sbr.rel @p0 .LBB2_83-.Ltmp72, $4  }
0x3b1: {  	v13 =	vadd.f32 v38, v13;
	v11 =	vadd.f32 v39, v11;
	v32 =	vld [tilespmem:s11+$0x100B0]  }
0x3b2: {  	v9 =	vadd.f32 v40, v9;
	v8 =	vadd.f32 v41, v8;
	v26 =	vld [tilespmem:s11+$0x100C0]  }
0x3b3: {  	v13 =	vadd.f32 v31, v13;
	v11 =	vadd.f32 v33, v11;
	v29 =	vld [tilespmem:s11+$0x100D0]  }
0x3b4: {  	s4 =	sadd.s32 $0x800, s4;
	v9 =	vadd.f32 v34, v9;
	v31 =	vld [tilespmem:s11+$0x100E0];
	v8 =	vadd.f32 v35, v8  }
0x3b5: {  	v10 =	vadd.f32 v27, v10;
	v23 =	vadd.f32 v28, v23  }
0x3b6: {  	v24 =	vadd.f32 v30, v24;
	v7 =	vadd.f32 v13, v7  }
0x3b7: {  	v6 =	vadd.f32 v11, v6;
	v25 =	vadd.f32 v32, v25  }
0x3b8: {  	v5 =	vadd.f32 v9, v5;
	v4 =	vadd.f32 v8, v4  }
0x3b9: {  	v54 =	vld [tilespmem:s11+$0x100F0];
	v10 =	vadd.f32 v17, v10;
	v56 =	vadd.f32 v18, v23  }
0x3ba: {  	v14 =	vadd.f32 v14, v24;
	v19 =	vadd.f32 v26, v19  }
0x3bb: {  	v55 =	vld [tilespmem:s11+$0x101E0];
	s4 =	sshll.u32 s10, $0x8;
	v15 =	vadd.f32 v15, v25;
	v20 =	vadd.f32 v29, v20  }
0x3bc: {  	v57 =	vld [tilespmem:s11+$0x101F0];
	s4 =	sshra.s32 s4, $0x2;
	v21 =	vadd.f32 v31, v21;
	v12 =	vadd.f32 v12, v19  }
0x3bd: {  	v60 =	vld [tilespmem:s4+$0x17FC0];
	v7 =	vadd.f32 v10, v7;
	v6 =	vadd.f32 v56, v6  }
0x3be: {  	v61 =	vld [tilespmem:s4+$0x17FD0];
	v5 =	vadd.f32 v14, v5;
	v22 =	vadd.f32 v54, v22  }
0x3bf: {  	v62 =	vld [tilespmem:s4+$0x17FE0];
	v16 =	vadd.f32 v16, v20;
	v4 =	vadd.f32 v15, v4  }
0x3c0: {  	v63 =	vld [tilespmem:s4+$0x17FF0];
	v58 =	vadd.f32 v55, v21;
	v7 =	vadd.f32 v12, v7  }
0x3c1: {  	v59 =	vadd.f32 v57, v22;
	v6 =	vadd.f32 v16, v6  }
0x3c2: {  	v7 =	vadd.f32 v60, v7;
	v5 =	vadd.f32 v58, v5  }
.Ltmp73:
0x3c3: {  	v6 =	vadd.f32 v61, v6;
	v4 =	vadd.f32 v59, v4;
	(pc) =	sbr.rel .LBB2_158-.Ltmp73, $4  }
0x3c4: {  	[tilespmem:s4+$0x17FC0] =	vst v7;
	v5 =	vadd.f32 v62, v5  }
0x3c5: {  	[tilespmem:s4+$0x17FD0] =	vst v6;
	v4 =	vadd.f32 v63, v4  }
0x3c6: {  	[tilespmem:s4+$0x17FE0] =	vst v5  }
0x3c7: {  	s10 =	simm.s32 $0x40;
	[tilespmem:s4+$0x17FF0] =	vst v4  }
.LBB2_90:
0x3c8: {  	v7 =	vimm.f32 $0.0e+00;
	v5 =	vimm.f32 $0.0e+00;
	v6 =	vimm.f32 $0.0e+00  }
.LBB2_94:
0x3c9: {  	v8 =	vld [tilespmem:$0x18040]  }
0x3ca: {  	v9 =	vld [tilespmem:$0x18050]  }
0x3cb: {  	v10 =	vld [tilespmem:$0x18060];
	p0 =	sgt.s32 s21, s18  }
0x3cc: {  	v11 =	vld [tilespmem:$0x18070];
	s10 =	smov.u32 s18;
	p1 =	slt.s32 s22, s14;
	s4 =	smov.u32 s14  }
0x3cd: {  	s10 =	smov.u32 @p0 s21;
	s4 =	smov.u32 @p1 s22  }
0x3ce: {  	p0 =	sge.s32 s10, s4;
	v4 =	vadd.f32 v8, v4  }
.Ltmp74:
0x3cf: {  	v7 =	vadd.f32 v9, v7;
	(pc) =	sbr.rel @p0 .LBB2_98-.Ltmp74, $4  }
0x3d0: {  	[tilespmem:$0x18040] =	vst v4;
	v4 =	vadd.f32 v10, v5  }
0x3d1: {  	[tilespmem:$0x18050] =	vst v7;
	v5 =	vadd.f32 v11, v6  }
0x3d2: {  	v9 =	vimm.f32 $0.0e+00;
	v7 =	vimm.f32 $0.0e+00;
	[tilespmem:$0x18060] =	vst v4  }
0x3d3: {  	v6 =	vimm.f32 $0.0e+00;
	v4 =	vimm.f32 $0.0e+00;
	[tilespmem:$0x18070] =	vst v5;
	v5 =	vimm.f32 $0.0e+00  }
0x3d4: {  	p0 =	sgt.s32 s21, s6;
	s7 =	smov.u32 s6  }
0x3d5: {  	s7 =	smov.u32 @p0 s21  }
0x3d6: {  	s7 =	sadd.s32 s8, s7  }
0x3d7: {  	s7 =	sshll.u32 s7, $0x8  }
0x3d8: {  	s7 =	sshra.s32 s7, $0x2  }
0x3d9: {  	s10 =	sadd.s32 $0x1, s10;
	s7 =	sadd.s32 $0x10020, s7  }
0x3da: {  	p0 =	slt.s32 s10, s4;
	v5 =	vld [tilespmem:s7+$0x0]  }
.Ltmp75:
0x3db: {  	_ = 	snop;
	(pc) =	sbr.rel @!p0 .LBB2_97-.Ltmp75, $4  }
0x3dc: {  	v6 =	vld [tilespmem:s7+$0xFFFFFFE0]  }
0x3dd: {  	v7 =	vld [tilespmem:s7+$0xFFFFFFF0]  }
0x3de: {  	v9 =	vimm.f32 $0.0e+00;
	v8 =	vld [tilespmem:s7+$0x10]  }
0x3df: {  	v10 =	vimm.f32 $0.0e+00;
	v11 =	vimm.f32 $0.0e+00;
	s11 =	sadd.s32 $0x40, s7;
	v5 =	vadd.f32 v5, v4  }
.LBB2_96:
0x3e0: {  	s10 =	sadd.s32 $0x1, s10  }
0x3e1: {  	v12 =	vld [tilespmem:s11+$0x0];
	v9 =	vadd.f32 v6, v9;
	p0 =	slt.s32 s10, s4  }
.Ltmp76:
0x3e2: {  	v6 =	vld [tilespmem:s11+$0xFFFFFFE0];
	v10 =	vadd.f32 v7, v10;
	(pc) =	sbr.rel @p0 .LBB2_96-.Ltmp76, $3  }
0x3e3: {  	v7 =	vld [tilespmem:s11+$0xFFFFFFF0];
	v11 =	vadd.f32 v8, v11  }
0x3e4: {  	v8 =	vld [tilespmem:s11+$0x10];
	_ =	sdelay $0x1  }
0x3e5: {  	s11 =	sadd.s32 $0x40, s11;
	v5 =	vadd.f32 v12, v5  }
.LBB2_97:
0x3e6: {  	_ =	sdelay $0x1  }
0x3e7: {  	v9 =	vadd.f32 v6, v9  }
0x3e8: {  	v7 =	vadd.f32 v7, v10;
	v6 =	vadd.f32 v8, v11  }
.LBB2_98:
0x3e9: {  	v8 =	vld [tilespmem:$0x18080]  }
0x3ea: {  	v10 =	vld [tilespmem:$0x18090]  }
0x3eb: {  	v11 =	vld [tilespmem:$0x180A0];
	p0 =	sgt.s32 s22, s18  }
0x3ec: {  	v12 =	vld [tilespmem:$0x180B0];
	s10 =	smov.u32 s18;
	p1 =	slt.s32 s23, s14;
	s4 =	smov.u32 s14  }
0x3ed: {  	s10 =	smov.u32 @p0 s22;
	s4 =	smov.u32 @p1 s23  }
0x3ee: {  	p0 =	sge.s32 s10, s4;
	v8 =	vadd.f32 v8, v9  }
.Ltmp77:
0x3ef: {  	v7 =	vadd.f32 v10, v7;
	(pc) =	sbr.rel @p0 .LBB2_99-.Ltmp77, $4  }
0x3f0: {  	v5 =	vadd.f32 v11, v5;
	[tilespmem:$0x18080] =	vst v8  }
0x3f1: {  	v6 =	vadd.f32 v12, v6;
	[tilespmem:$0x18090] =	vst v7  }
0x3f2: {  	[tilespmem:$0x180A0] =	vst v5  }
0x3f3: {  	[tilespmem:$0x180B0] =	vst v6  }
0x3f4: {  	p0 =	sgt.s32 s22, s6;
	s7 =	smov.u32 s6  }
0x3f5: {  	s7 =	smov.u32 @p0 s22  }
0x3f6: {  	s7 =	sadd.s32 s8, s7  }
0x3f7: {  	s7 =	sshll.u32 s7, $0x8  }
0x3f8: {  	s7 =	sshra.s32 s7, $0x2  }
0x3f9: {  	s10 =	sadd.s32 $0x1, s10;
	s7 =	sadd.s32 $0x10020, s7  }
0x3fa: {  	p0 =	slt.s32 s10, s4;
	v5 =	vld [tilespmem:s7+$0x0]  }
.Ltmp78:
0x3fb: {  	_ = 	snop;
	(pc) =	sbr.rel @!p0 .LBB2_102-.Ltmp78, $4  }
0x3fc: {  	v6 =	vld [tilespmem:s7+$0xFFFFFFE0]  }
0x3fd: {  	v7 =	vld [tilespmem:s7+$0xFFFFFFF0]  }
0x3fe: {  	v8 =	vld [tilespmem:s7+$0x10]  }
0x3ff: {  	v9 =	vimm.f32 $0.0e+00;
	v10 =	vimm.f32 $0.0e+00;
	s11 =	sadd.s32 $0x40, s7;
	v5 =	vadd.f32 v5, v4  }
.LBB2_101:
0x400: {  	s10 =	sadd.s32 $0x1, s10  }
0x401: {  	v11 =	vld [tilespmem:s11+$0x0];
	v4 =	vadd.f32 v6, v4;
	p0 =	slt.s32 s10, s4  }
.Ltmp79:
0x402: {  	v6 =	vld [tilespmem:s11+$0xFFFFFFE0];
	v9 =	vadd.f32 v7, v9;
	(pc) =	sbr.rel @p0 .LBB2_101-.Ltmp79, $3  }
0x403: {  	v7 =	vld [tilespmem:s11+$0xFFFFFFF0];
	v10 =	vadd.f32 v8, v10  }
0x404: {  	v8 =	vld [tilespmem:s11+$0x10];
	_ =	sdelay $0x1  }
0x405: {  	s11 =	sadd.s32 $0x40, s11;
	v5 =	vadd.f32 v11, v5  }
.LBB2_102:
.Ltmp80:
0x406: {  	(pc) =	sbr.rel .LBB2_103-.Ltmp80, $3  }
0x407: {  	_ =	sdelay $0x1  }
0x408: {  	v4 =	vadd.f32 v6, v4  }
0x409: {  	v7 =	vadd.f32 v7, v9;
	v6 =	vadd.f32 v8, v10  }
.LBB2_99:
0x40a: {  	v7 =	vimm.f32 $0.0e+00;
	v5 =	vimm.f32 $0.0e+00;
	v6 =	vimm.f32 $0.0e+00  }
.LBB2_103:
0x40b: {  	v8 =	vld [tilespmem:$0x180C0]  }
0x40c: {  	v9 =	vld [tilespmem:$0x180D0]  }
0x40d: {  	v10 =	vld [tilespmem:$0x180E0];
	p0 =	sgt.s32 s23, s18  }
0x40e: {  	v11 =	vld [tilespmem:$0x180F0];
	s10 =	smov.u32 s18;
	p1 =	slt.s32 s24, s14;
	s4 =	smov.u32 s14  }
0x40f: {  	s10 =	smov.u32 @p0 s23;
	s4 =	smov.u32 @p1 s24  }
0x410: {  	p0 =	sge.s32 s10, s4;
	v4 =	vadd.f32 v8, v4  }
.Ltmp81:
0x411: {  	v7 =	vadd.f32 v9, v7;
	(pc) =	sbr.rel @p0 .LBB2_107-.Ltmp81, $4  }
0x412: {  	[tilespmem:$0x180C0] =	vst v4;
	v4 =	vadd.f32 v10, v5  }
0x413: {  	[tilespmem:$0x180D0] =	vst v7;
	v5 =	vadd.f32 v11, v6  }
0x414: {  	v9 =	vimm.f32 $0.0e+00;
	v7 =	vimm.f32 $0.0e+00;
	[tilespmem:$0x180E0] =	vst v4  }
0x415: {  	v6 =	vimm.f32 $0.0e+00;
	v4 =	vimm.f32 $0.0e+00;
	[tilespmem:$0x180F0] =	vst v5;
	v5 =	vimm.f32 $0.0e+00  }
0x416: {  	p0 =	sgt.s32 s23, s6;
	s7 =	smov.u32 s6  }
0x417: {  	s7 =	smov.u32 @p0 s23  }
0x418: {  	s7 =	sadd.s32 s8, s7  }
0x419: {  	s7 =	sshll.u32 s7, $0x8  }
0x41a: {  	s7 =	sshra.s32 s7, $0x2  }
0x41b: {  	s10 =	sadd.s32 $0x1, s10;
	s7 =	sadd.s32 $0x10020, s7  }
0x41c: {  	p0 =	slt.s32 s10, s4;
	v5 =	vld [tilespmem:s7+$0x0]  }
.Ltmp82:
0x41d: {  	_ = 	snop;
	(pc) =	sbr.rel @!p0 .LBB2_106-.Ltmp82, $4  }
0x41e: {  	v6 =	vld [tilespmem:s7+$0xFFFFFFE0]  }
0x41f: {  	v7 =	vld [tilespmem:s7+$0xFFFFFFF0]  }
0x420: {  	v9 =	vimm.f32 $0.0e+00;
	v8 =	vld [tilespmem:s7+$0x10]  }
0x421: {  	v10 =	vimm.f32 $0.0e+00;
	v11 =	vimm.f32 $0.0e+00;
	s11 =	sadd.s32 $0x40, s7;
	v5 =	vadd.f32 v5, v4  }
.LBB2_105:
0x422: {  	s10 =	sadd.s32 $0x1, s10  }
0x423: {  	v12 =	vld [tilespmem:s11+$0x0];
	v9 =	vadd.f32 v6, v9;
	p0 =	slt.s32 s10, s4  }
.Ltmp83:
0x424: {  	v6 =	vld [tilespmem:s11+$0xFFFFFFE0];
	v10 =	vadd.f32 v7, v10;
	(pc) =	sbr.rel @p0 .LBB2_105-.Ltmp83, $3  }
0x425: {  	v7 =	vld [tilespmem:s11+$0xFFFFFFF0];
	v11 =	vadd.f32 v8, v11  }
0x426: {  	v8 =	vld [tilespmem:s11+$0x10];
	_ =	sdelay $0x1  }
0x427: {  	s11 =	sadd.s32 $0x40, s11;
	v5 =	vadd.f32 v12, v5  }
.LBB2_106:
0x428: {  	_ =	sdelay $0x1  }
0x429: {  	v9 =	vadd.f32 v6, v9  }
0x42a: {  	v7 =	vadd.f32 v7, v10;
	v6 =	vadd.f32 v8, v11  }
.LBB2_107:
0x42b: {  	v8 =	vld [tilespmem:$0x18100]  }
0x42c: {  	v10 =	vld [tilespmem:$0x18110]  }
0x42d: {  	v11 =	vld [tilespmem:$0x18120];
	p0 =	sgt.s32 s24, s18  }
0x42e: {  	v12 =	vld [tilespmem:$0x18130];
	s10 =	smov.u32 s18;
	p1 =	slt.s32 s25, s14;
	s4 =	smov.u32 s14  }
0x42f: {  	s10 =	smov.u32 @p0 s24;
	s4 =	smov.u32 @p1 s25  }
0x430: {  	p0 =	sge.s32 s10, s4;
	v8 =	vadd.f32 v8, v9  }
.Ltmp84:
0x431: {  	v7 =	vadd.f32 v10, v7;
	(pc) =	sbr.rel @p0 .LBB2_108-.Ltmp84, $4  }
0x432: {  	v5 =	vadd.f32 v11, v5;
	[tilespmem:$0x18100] =	vst v8  }
0x433: {  	v6 =	vadd.f32 v12, v6;
	[tilespmem:$0x18110] =	vst v7  }
0x434: {  	[tilespmem:$0x18120] =	vst v5  }
0x435: {  	[tilespmem:$0x18130] =	vst v6  }
0x436: {  	p0 =	sgt.s32 s24, s6;
	s7 =	smov.u32 s6  }
0x437: {  	s7 =	smov.u32 @p0 s24  }
0x438: {  	s7 =	sadd.s32 s8, s7  }
0x439: {  	s7 =	sshll.u32 s7, $0x8  }
0x43a: {  	s7 =	sshra.s32 s7, $0x2  }
0x43b: {  	s10 =	sadd.s32 $0x1, s10;
	s7 =	sadd.s32 $0x10020, s7  }
0x43c: {  	p0 =	slt.s32 s10, s4;
	v5 =	vld [tilespmem:s7+$0x0]  }
.Ltmp85:
0x43d: {  	_ = 	snop;
	(pc) =	sbr.rel @!p0 .LBB2_111-.Ltmp85, $4  }
0x43e: {  	v6 =	vld [tilespmem:s7+$0xFFFFFFE0]  }
0x43f: {  	v7 =	vld [tilespmem:s7+$0xFFFFFFF0]  }
0x440: {  	v8 =	vld [tilespmem:s7+$0x10]  }
0x441: {  	v9 =	vimm.f32 $0.0e+00;
	v10 =	vimm.f32 $0.0e+00;
	s11 =	sadd.s32 $0x40, s7;
	v5 =	vadd.f32 v5, v4  }
.LBB2_110:
0x442: {  	s10 =	sadd.s32 $0x1, s10  }
0x443: {  	v11 =	vld [tilespmem:s11+$0x0];
	v4 =	vadd.f32 v6, v4;
	p0 =	slt.s32 s10, s4  }
.Ltmp86:
0x444: {  	v6 =	vld [tilespmem:s11+$0xFFFFFFE0];
	v9 =	vadd.f32 v7, v9;
	(pc) =	sbr.rel @p0 .LBB2_110-.Ltmp86, $3  }
0x445: {  	v7 =	vld [tilespmem:s11+$0xFFFFFFF0];
	v10 =	vadd.f32 v8, v10  }
0x446: {  	v8 =	vld [tilespmem:s11+$0x10];
	_ =	sdelay $0x1  }
0x447: {  	s11 =	sadd.s32 $0x40, s11;
	v5 =	vadd.f32 v11, v5  }
.LBB2_111:
.Ltmp87:
0x448: {  	(pc) =	sbr.rel .LBB2_112-.Ltmp87, $3  }
0x449: {  	_ =	sdelay $0x1  }
0x44a: {  	v4 =	vadd.f32 v6, v4  }
0x44b: {  	v7 =	vadd.f32 v7, v9;
	v6 =	vadd.f32 v8, v10  }
.LBB2_108:
0x44c: {  	v7 =	vimm.f32 $0.0e+00;
	v5 =	vimm.f32 $0.0e+00;
	v6 =	vimm.f32 $0.0e+00  }
.LBB2_112:
0x44d: {  	v8 =	vld [tilespmem:$0x18140]  }
0x44e: {  	v9 =	vld [tilespmem:$0x18150]  }
0x44f: {  	v10 =	vld [tilespmem:$0x18160];
	p0 =	sgt.s32 s25, s18  }
0x450: {  	v11 =	vld [tilespmem:$0x18170];
	s10 =	smov.u32 s18;
	p1 =	slt.s32 s26, s14;
	s4 =	smov.u32 s14  }
0x451: {  	s10 =	smov.u32 @p0 s25;
	s4 =	smov.u32 @p1 s26  }
0x452: {  	p0 =	sge.s32 s10, s4;
	v4 =	vadd.f32 v8, v4  }
.Ltmp88:
0x453: {  	v7 =	vadd.f32 v9, v7;
	(pc) =	sbr.rel @p0 .LBB2_116-.Ltmp88, $4  }
0x454: {  	[tilespmem:$0x18140] =	vst v4;
	v4 =	vadd.f32 v10, v5  }
0x455: {  	[tilespmem:$0x18150] =	vst v7;
	v5 =	vadd.f32 v11, v6  }
0x456: {  	v9 =	vimm.f32 $0.0e+00;
	v7 =	vimm.f32 $0.0e+00;
	[tilespmem:$0x18160] =	vst v4  }
0x457: {  	v6 =	vimm.f32 $0.0e+00;
	v4 =	vimm.f32 $0.0e+00;
	[tilespmem:$0x18170] =	vst v5;
	v5 =	vimm.f32 $0.0e+00  }
0x458: {  	p0 =	sgt.s32 s25, s6;
	s7 =	smov.u32 s6  }
0x459: {  	s7 =	smov.u32 @p0 s25  }
0x45a: {  	s7 =	sadd.s32 s8, s7  }
0x45b: {  	s7 =	sshll.u32 s7, $0x8  }
0x45c: {  	s7 =	sshra.s32 s7, $0x2  }
0x45d: {  	s10 =	sadd.s32 $0x1, s10;
	s7 =	sadd.s32 $0x10020, s7  }
0x45e: {  	p0 =	slt.s32 s10, s4;
	v5 =	vld [tilespmem:s7+$0x0]  }
.Ltmp89:
0x45f: {  	_ = 	snop;
	(pc) =	sbr.rel @!p0 .LBB2_115-.Ltmp89, $4  }
0x460: {  	v6 =	vld [tilespmem:s7+$0xFFFFFFE0]  }
0x461: {  	v7 =	vld [tilespmem:s7+$0xFFFFFFF0]  }
0x462: {  	v9 =	vimm.f32 $0.0e+00;
	v8 =	vld [tilespmem:s7+$0x10]  }
0x463: {  	v10 =	vimm.f32 $0.0e+00;
	v11 =	vimm.f32 $0.0e+00;
	s11 =	sadd.s32 $0x40, s7;
	v5 =	vadd.f32 v5, v4  }
.LBB2_114:
0x464: {  	s10 =	sadd.s32 $0x1, s10  }
0x465: {  	v12 =	vld [tilespmem:s11+$0x0];
	v9 =	vadd.f32 v6, v9;
	p0 =	slt.s32 s10, s4  }
.Ltmp90:
0x466: {  	v6 =	vld [tilespmem:s11+$0xFFFFFFE0];
	v10 =	vadd.f32 v7, v10;
	(pc) =	sbr.rel @p0 .LBB2_114-.Ltmp90, $3  }
0x467: {  	v7 =	vld [tilespmem:s11+$0xFFFFFFF0];
	v11 =	vadd.f32 v8, v11  }
0x468: {  	v8 =	vld [tilespmem:s11+$0x10];
	_ =	sdelay $0x1  }
0x469: {  	s11 =	sadd.s32 $0x40, s11;
	v5 =	vadd.f32 v12, v5  }
.LBB2_115:
0x46a: {  	_ =	sdelay $0x1  }
0x46b: {  	v9 =	vadd.f32 v6, v9  }
0x46c: {  	v7 =	vadd.f32 v7, v10;
	v6 =	vadd.f32 v8, v11  }
.LBB2_116:
0x46d: {  	v8 =	vld [tilespmem:$0x18180]  }
0x46e: {  	v10 =	vld [tilespmem:$0x18190]  }
0x46f: {  	v11 =	vld [tilespmem:$0x181A0];
	p0 =	sgt.s32 s26, s18  }
0x470: {  	v12 =	vld [tilespmem:$0x181B0];
	s10 =	smov.u32 s18;
	p1 =	slt.s32 s28, s14;
	s4 =	smov.u32 s14  }
0x471: {  	s10 =	smov.u32 @p0 s26;
	s4 =	smov.u32 @p1 s28  }
0x472: {  	p0 =	sge.s32 s10, s4;
	v8 =	vadd.f32 v8, v9  }
.Ltmp91:
0x473: {  	v7 =	vadd.f32 v10, v7;
	(pc) =	sbr.rel @p0 .LBB2_117-.Ltmp91, $4  }
0x474: {  	v5 =	vadd.f32 v11, v5;
	[tilespmem:$0x18180] =	vst v8  }
0x475: {  	v6 =	vadd.f32 v12, v6;
	[tilespmem:$0x18190] =	vst v7  }
0x476: {  	[tilespmem:$0x181A0] =	vst v5  }
0x477: {  	[tilespmem:$0x181B0] =	vst v6  }
0x478: {  	p0 =	sgt.s32 s26, s6;
	s7 =	smov.u32 s6  }
0x479: {  	s7 =	smov.u32 @p0 s26  }
0x47a: {  	s7 =	sadd.s32 s8, s7  }
0x47b: {  	s7 =	sshll.u32 s7, $0x8  }
0x47c: {  	s7 =	sshra.s32 s7, $0x2  }
0x47d: {  	s10 =	sadd.s32 $0x1, s10;
	s7 =	sadd.s32 $0x10020, s7  }
0x47e: {  	p0 =	slt.s32 s10, s4;
	v5 =	vld [tilespmem:s7+$0x0]  }
.Ltmp92:
0x47f: {  	_ = 	snop;
	(pc) =	sbr.rel @!p0 .LBB2_120-.Ltmp92, $4  }
0x480: {  	v6 =	vld [tilespmem:s7+$0xFFFFFFE0]  }
0x481: {  	v7 =	vld [tilespmem:s7+$0xFFFFFFF0]  }
0x482: {  	v8 =	vld [tilespmem:s7+$0x10]  }
0x483: {  	v9 =	vimm.f32 $0.0e+00;
	v10 =	vimm.f32 $0.0e+00;
	s11 =	sadd.s32 $0x40, s7;
	v5 =	vadd.f32 v5, v4  }
.LBB2_119:
0x484: {  	s10 =	sadd.s32 $0x1, s10  }
0x485: {  	v11 =	vld [tilespmem:s11+$0x0];
	v4 =	vadd.f32 v6, v4;
	p0 =	slt.s32 s10, s4  }
.Ltmp93:
0x486: {  	v6 =	vld [tilespmem:s11+$0xFFFFFFE0];
	v9 =	vadd.f32 v7, v9;
	(pc) =	sbr.rel @p0 .LBB2_119-.Ltmp93, $3  }
0x487: {  	v7 =	vld [tilespmem:s11+$0xFFFFFFF0];
	v10 =	vadd.f32 v8, v10  }
0x488: {  	v8 =	vld [tilespmem:s11+$0x10];
	_ =	sdelay $0x1  }
0x489: {  	s11 =	sadd.s32 $0x40, s11;
	v5 =	vadd.f32 v11, v5  }
.LBB2_120:
.Ltmp94:
0x48a: {  	(pc) =	sbr.rel .LBB2_121-.Ltmp94, $3  }
0x48b: {  	_ =	sdelay $0x1  }
0x48c: {  	v4 =	vadd.f32 v6, v4  }
0x48d: {  	v7 =	vadd.f32 v7, v9;
	v6 =	vadd.f32 v8, v10  }
.LBB2_117:
0x48e: {  	v7 =	vimm.f32 $0.0e+00;
	v5 =	vimm.f32 $0.0e+00;
	v6 =	vimm.f32 $0.0e+00  }
.LBB2_121:
0x48f: {  	v8 =	vld [tilespmem:$0x181C0]  }
0x490: {  	v9 =	vld [tilespmem:$0x181D0]  }
0x491: {  	v10 =	vld [tilespmem:$0x181E0];
	p0 =	sgt.s32 s28, s18  }
0x492: {  	v11 =	vld [tilespmem:$0x181F0];
	s10 =	smov.u32 s18;
	p1 =	slt.s32 s29, s14;
	s4 =	smov.u32 s14  }
0x493: {  	s10 =	smov.u32 @p0 s28;
	s4 =	smov.u32 @p1 s29  }
0x494: {  	p0 =	sge.s32 s10, s4;
	v4 =	vadd.f32 v8, v4  }
.Ltmp95:
0x495: {  	v7 =	vadd.f32 v9, v7;
	(pc) =	sbr.rel @p0 .LBB2_125-.Ltmp95, $4  }
0x496: {  	[tilespmem:$0x181C0] =	vst v4;
	v4 =	vadd.f32 v10, v5  }
0x497: {  	[tilespmem:$0x181D0] =	vst v7;
	v5 =	vadd.f32 v11, v6  }
0x498: {  	v9 =	vimm.f32 $0.0e+00;
	v7 =	vimm.f32 $0.0e+00;
	[tilespmem:$0x181E0] =	vst v4  }
0x499: {  	v6 =	vimm.f32 $0.0e+00;
	v4 =	vimm.f32 $0.0e+00;
	[tilespmem:$0x181F0] =	vst v5;
	v5 =	vimm.f32 $0.0e+00  }
0x49a: {  	p0 =	sgt.s32 s28, s6;
	s7 =	smov.u32 s6  }
0x49b: {  	s7 =	smov.u32 @p0 s28  }
0x49c: {  	s7 =	sadd.s32 s8, s7  }
0x49d: {  	s7 =	sshll.u32 s7, $0x8  }
0x49e: {  	s7 =	sshra.s32 s7, $0x2  }
0x49f: {  	s10 =	sadd.s32 $0x1, s10;
	s7 =	sadd.s32 $0x10020, s7  }
0x4a0: {  	p0 =	slt.s32 s10, s4;
	v5 =	vld [tilespmem:s7+$0x0]  }
.Ltmp96:
0x4a1: {  	_ = 	snop;
	(pc) =	sbr.rel @!p0 .LBB2_124-.Ltmp96, $4  }
0x4a2: {  	v6 =	vld [tilespmem:s7+$0xFFFFFFE0]  }
0x4a3: {  	v7 =	vld [tilespmem:s7+$0xFFFFFFF0]  }
0x4a4: {  	v9 =	vimm.f32 $0.0e+00;
	v8 =	vld [tilespmem:s7+$0x10]  }
0x4a5: {  	v10 =	vimm.f32 $0.0e+00;
	v11 =	vimm.f32 $0.0e+00;
	s11 =	sadd.s32 $0x40, s7;
	v5 =	vadd.f32 v5, v4  }
.LBB2_123:
0x4a6: {  	s10 =	sadd.s32 $0x1, s10  }
0x4a7: {  	v12 =	vld [tilespmem:s11+$0x0];
	v9 =	vadd.f32 v6, v9;
	p0 =	slt.s32 s10, s4  }
.Ltmp97:
0x4a8: {  	v6 =	vld [tilespmem:s11+$0xFFFFFFE0];
	v10 =	vadd.f32 v7, v10;
	(pc) =	sbr.rel @p0 .LBB2_123-.Ltmp97, $3  }
0x4a9: {  	v7 =	vld [tilespmem:s11+$0xFFFFFFF0];
	v11 =	vadd.f32 v8, v11  }
0x4aa: {  	v8 =	vld [tilespmem:s11+$0x10];
	_ =	sdelay $0x1  }
0x4ab: {  	s11 =	sadd.s32 $0x40, s11;
	v5 =	vadd.f32 v12, v5  }
.LBB2_124:
0x4ac: {  	_ =	sdelay $0x1  }
0x4ad: {  	v9 =	vadd.f32 v6, v9  }
0x4ae: {  	v7 =	vadd.f32 v7, v10;
	v6 =	vadd.f32 v8, v11  }
.LBB2_125:
0x4af: {  	v8 =	vld [tilespmem:$0x18200]  }
0x4b0: {  	v10 =	vld [tilespmem:$0x18210]  }
0x4b1: {  	v11 =	vld [tilespmem:$0x18220];
	p0 =	sgt.s32 s29, s18  }
0x4b2: {  	v12 =	vld [tilespmem:$0x18230];
	s10 =	smov.u32 s18;
	p1 =	slt.s32 s30, s14;
	s4 =	smov.u32 s14  }
0x4b3: {  	s10 =	smov.u32 @p0 s29;
	s4 =	smov.u32 @p1 s30  }
0x4b4: {  	p0 =	sge.s32 s10, s4;
	v8 =	vadd.f32 v8, v9  }
.Ltmp98:
0x4b5: {  	v7 =	vadd.f32 v10, v7;
	(pc) =	sbr.rel @p0 .LBB2_126-.Ltmp98, $4  }
0x4b6: {  	v5 =	vadd.f32 v11, v5;
	[tilespmem:$0x18200] =	vst v8  }
0x4b7: {  	v6 =	vadd.f32 v12, v6;
	[tilespmem:$0x18210] =	vst v7  }
0x4b8: {  	[tilespmem:$0x18220] =	vst v5  }
0x4b9: {  	[tilespmem:$0x18230] =	vst v6  }
0x4ba: {  	p0 =	sgt.s32 s29, s6;
	s7 =	smov.u32 s6  }
0x4bb: {  	s7 =	smov.u32 @p0 s29  }
0x4bc: {  	s7 =	sadd.s32 s8, s7  }
0x4bd: {  	s7 =	sshll.u32 s7, $0x8  }
0x4be: {  	s7 =	sshra.s32 s7, $0x2  }
0x4bf: {  	s10 =	sadd.s32 $0x1, s10;
	s7 =	sadd.s32 $0x10020, s7  }
0x4c0: {  	p0 =	slt.s32 s10, s4;
	v5 =	vld [tilespmem:s7+$0x0]  }
.Ltmp99:
0x4c1: {  	_ = 	snop;
	(pc) =	sbr.rel @!p0 .LBB2_129-.Ltmp99, $4  }
0x4c2: {  	v6 =	vld [tilespmem:s7+$0xFFFFFFE0]  }
0x4c3: {  	v7 =	vld [tilespmem:s7+$0xFFFFFFF0]  }
0x4c4: {  	v8 =	vld [tilespmem:s7+$0x10]  }
0x4c5: {  	v9 =	vimm.f32 $0.0e+00;
	v10 =	vimm.f32 $0.0e+00;
	s11 =	sadd.s32 $0x40, s7;
	v5 =	vadd.f32 v5, v4  }
.LBB2_128:
0x4c6: {  	s10 =	sadd.s32 $0x1, s10  }
0x4c7: {  	v11 =	vld [tilespmem:s11+$0x0];
	v4 =	vadd.f32 v6, v4;
	p0 =	slt.s32 s10, s4  }
.Ltmp100:
0x4c8: {  	v6 =	vld [tilespmem:s11+$0xFFFFFFE0];
	v9 =	vadd.f32 v7, v9;
	(pc) =	sbr.rel @p0 .LBB2_128-.Ltmp100, $3  }
0x4c9: {  	v7 =	vld [tilespmem:s11+$0xFFFFFFF0];
	v10 =	vadd.f32 v8, v10  }
0x4ca: {  	v8 =	vld [tilespmem:s11+$0x10];
	_ =	sdelay $0x1  }
0x4cb: {  	s11 =	sadd.s32 $0x40, s11;
	v5 =	vadd.f32 v11, v5  }
.LBB2_129:
.Ltmp101:
0x4cc: {  	(pc) =	sbr.rel .LBB2_130-.Ltmp101, $3  }
0x4cd: {  	_ =	sdelay $0x1  }
0x4ce: {  	v4 =	vadd.f32 v6, v4  }
0x4cf: {  	v7 =	vadd.f32 v7, v9;
	v6 =	vadd.f32 v8, v10  }
.LBB2_126:
0x4d0: {  	v7 =	vimm.f32 $0.0e+00;
	v5 =	vimm.f32 $0.0e+00;
	v6 =	vimm.f32 $0.0e+00  }
.LBB2_130:
0x4d1: {  	v8 =	vld [tilespmem:$0x18240]  }
0x4d2: {  	v9 =	vld [tilespmem:$0x18250]  }
0x4d3: {  	v10 =	vld [tilespmem:$0x18260];
	p0 =	sgt.s32 s30, s18  }
0x4d4: {  	v11 =	vld [tilespmem:$0x18270];
	s10 =	smov.u32 s18;
	p1 =	slt.s32 s31, s14;
	s4 =	smov.u32 s14  }
0x4d5: {  	s10 =	smov.u32 @p0 s30;
	s4 =	smov.u32 @p1 s31  }
0x4d6: {  	p0 =	sge.s32 s10, s4;
	v4 =	vadd.f32 v8, v4  }
.Ltmp102:
0x4d7: {  	v7 =	vadd.f32 v9, v7;
	(pc) =	sbr.rel @p0 .LBB2_134-.Ltmp102, $4  }
0x4d8: {  	[tilespmem:$0x18240] =	vst v4;
	v4 =	vadd.f32 v10, v5  }
0x4d9: {  	[tilespmem:$0x18250] =	vst v7;
	v5 =	vadd.f32 v11, v6  }
0x4da: {  	v9 =	vimm.f32 $0.0e+00;
	v7 =	vimm.f32 $0.0e+00;
	[tilespmem:$0x18260] =	vst v4  }
0x4db: {  	v6 =	vimm.f32 $0.0e+00;
	v4 =	vimm.f32 $0.0e+00;
	[tilespmem:$0x18270] =	vst v5;
	v5 =	vimm.f32 $0.0e+00  }
0x4dc: {  	p0 =	sgt.s32 s30, s6;
	s7 =	smov.u32 s6  }
0x4dd: {  	s7 =	smov.u32 @p0 s30  }
0x4de: {  	s7 =	sadd.s32 s8, s7  }
0x4df: {  	s7 =	sshll.u32 s7, $0x8  }
0x4e0: {  	s7 =	sshra.s32 s7, $0x2  }
0x4e1: {  	s10 =	sadd.s32 $0x1, s10;
	s7 =	sadd.s32 $0x10020, s7  }
0x4e2: {  	p0 =	slt.s32 s10, s4;
	v5 =	vld [tilespmem:s7+$0x0]  }
.Ltmp103:
0x4e3: {  	_ = 	snop;
	(pc) =	sbr.rel @!p0 .LBB2_133-.Ltmp103, $4  }
0x4e4: {  	v6 =	vld [tilespmem:s7+$0xFFFFFFE0]  }
0x4e5: {  	v7 =	vld [tilespmem:s7+$0xFFFFFFF0]  }
0x4e6: {  	v9 =	vimm.f32 $0.0e+00;
	v8 =	vld [tilespmem:s7+$0x10]  }
0x4e7: {  	v10 =	vimm.f32 $0.0e+00;
	v11 =	vimm.f32 $0.0e+00;
	s11 =	sadd.s32 $0x40, s7;
	v5 =	vadd.f32 v5, v4  }
.LBB2_132:
0x4e8: {  	s10 =	sadd.s32 $0x1, s10  }
0x4e9: {  	v12 =	vld [tilespmem:s11+$0x0];
	v9 =	vadd.f32 v6, v9;
	p0 =	slt.s32 s10, s4  }
.Ltmp104:
0x4ea: {  	v6 =	vld [tilespmem:s11+$0xFFFFFFE0];
	v10 =	vadd.f32 v7, v10;
	(pc) =	sbr.rel @p0 .LBB2_132-.Ltmp104, $3  }
0x4eb: {  	v7 =	vld [tilespmem:s11+$0xFFFFFFF0];
	v11 =	vadd.f32 v8, v11  }
0x4ec: {  	v8 =	vld [tilespmem:s11+$0x10];
	_ =	sdelay $0x1  }
0x4ed: {  	s11 =	sadd.s32 $0x40, s11;
	v5 =	vadd.f32 v12, v5  }
.LBB2_133:
0x4ee: {  	_ =	sdelay $0x1  }
0x4ef: {  	v9 =	vadd.f32 v6, v9  }
0x4f0: {  	v7 =	vadd.f32 v7, v10;
	v6 =	vadd.f32 v8, v11  }
.LBB2_134:
0x4f1: {  	v8 =	vld [tilespmem:$0x18280]  }
0x4f2: {  	v10 =	vld [tilespmem:$0x18290]  }
0x4f3: {  	v11 =	vld [tilespmem:$0x182A0];
	p0 =	sgt.s32 s31, s18  }
0x4f4: {  	v12 =	vld [tilespmem:$0x182B0];
	s10 =	smov.u32 s18;
	p1 =	slt.s32 s0, s14;
	s4 =	smov.u32 s14  }
0x4f5: {  	s10 =	smov.u32 @p0 s31;
	s4 =	smov.u32 @p1 s0  }
0x4f6: {  	p0 =	sge.s32 s10, s4;
	v8 =	vadd.f32 v8, v9  }
.Ltmp105:
0x4f7: {  	v7 =	vadd.f32 v10, v7;
	(pc) =	sbr.rel @p0 .LBB2_135-.Ltmp105, $4  }
0x4f8: {  	v5 =	vadd.f32 v11, v5;
	[tilespmem:$0x18280] =	vst v8  }
0x4f9: {  	v6 =	vadd.f32 v12, v6;
	[tilespmem:$0x18290] =	vst v7  }
0x4fa: {  	[tilespmem:$0x182A0] =	vst v5  }
0x4fb: {  	[tilespmem:$0x182B0] =	vst v6  }
0x4fc: {  	p0 =	sgt.s32 s31, s6;
	s7 =	smov.u32 s6  }
0x4fd: {  	s7 =	smov.u32 @p0 s31  }
0x4fe: {  	s7 =	sadd.s32 s8, s7  }
0x4ff: {  	s7 =	sshll.u32 s7, $0x8  }
0x500: {  	s7 =	sshra.s32 s7, $0x2  }
0x501: {  	s10 =	sadd.s32 $0x1, s10;
	s7 =	sadd.s32 $0x10020, s7  }
0x502: {  	p0 =	slt.s32 s10, s4;
	v5 =	vld [tilespmem:s7+$0x0]  }
.Ltmp106:
0x503: {  	_ = 	snop;
	(pc) =	sbr.rel @!p0 .LBB2_138-.Ltmp106, $4  }
0x504: {  	v6 =	vld [tilespmem:s7+$0xFFFFFFE0]  }
0x505: {  	v7 =	vld [tilespmem:s7+$0xFFFFFFF0]  }
0x506: {  	v8 =	vld [tilespmem:s7+$0x10]  }
0x507: {  	v9 =	vimm.f32 $0.0e+00;
	v10 =	vimm.f32 $0.0e+00;
	s11 =	sadd.s32 $0x40, s7;
	v5 =	vadd.f32 v5, v4  }
.LBB2_137:
0x508: {  	s10 =	sadd.s32 $0x1, s10  }
0x509: {  	v11 =	vld [tilespmem:s11+$0x0];
	v4 =	vadd.f32 v6, v4;
	p0 =	slt.s32 s10, s4  }
.Ltmp107:
0x50a: {  	v6 =	vld [tilespmem:s11+$0xFFFFFFE0];
	v9 =	vadd.f32 v7, v9;
	(pc) =	sbr.rel @p0 .LBB2_137-.Ltmp107, $3  }
0x50b: {  	v7 =	vld [tilespmem:s11+$0xFFFFFFF0];
	v10 =	vadd.f32 v8, v10  }
0x50c: {  	v8 =	vld [tilespmem:s11+$0x10];
	_ =	sdelay $0x1  }
0x50d: {  	s11 =	sadd.s32 $0x40, s11;
	v5 =	vadd.f32 v11, v5  }
.LBB2_138:
.Ltmp108:
0x50e: {  	(pc) =	sbr.rel .LBB2_139-.Ltmp108, $3  }
0x50f: {  	_ =	sdelay $0x1  }
0x510: {  	v4 =	vadd.f32 v6, v4  }
0x511: {  	v7 =	vadd.f32 v7, v9;
	v6 =	vadd.f32 v8, v10  }
.LBB2_135:
0x512: {  	v7 =	vimm.f32 $0.0e+00;
	v5 =	vimm.f32 $0.0e+00;
	v6 =	vimm.f32 $0.0e+00  }
.LBB2_139:
0x513: {  	v8 =	vld [tilespmem:$0x182C0]  }
0x514: {  	v9 =	vld [tilespmem:$0x182D0]  }
0x515: {  	v10 =	vld [tilespmem:$0x182E0];
	p0 =	sgt.s32 s0, s18  }
0x516: {  	v11 =	vld [tilespmem:$0x182F0];
	s10 =	smov.u32 s18;
	p1 =	slt.s32 s1, s14;
	s4 =	smov.u32 s14  }
0x517: {  	s10 =	smov.u32 @p0 s0;
	s4 =	smov.u32 @p1 s1  }
0x518: {  	p0 =	sge.s32 s10, s4;
	v4 =	vadd.f32 v8, v4  }
.Ltmp109:
0x519: {  	v7 =	vadd.f32 v9, v7;
	(pc) =	sbr.rel @p0 .LBB2_143-.Ltmp109, $4  }
0x51a: {  	[tilespmem:$0x182C0] =	vst v4;
	v4 =	vadd.f32 v10, v5  }
0x51b: {  	[tilespmem:$0x182D0] =	vst v7;
	v5 =	vadd.f32 v11, v6  }
0x51c: {  	v9 =	vimm.f32 $0.0e+00;
	v7 =	vimm.f32 $0.0e+00;
	[tilespmem:$0x182E0] =	vst v4  }
0x51d: {  	v6 =	vimm.f32 $0.0e+00;
	v4 =	vimm.f32 $0.0e+00;
	[tilespmem:$0x182F0] =	vst v5;
	v5 =	vimm.f32 $0.0e+00  }
0x51e: {  	p0 =	sgt.s32 s0, s6;
	s7 =	smov.u32 s6  }
0x51f: {  	s7 =	smov.u32 @p0 s0  }
0x520: {  	s7 =	sadd.s32 s8, s7  }
0x521: {  	s7 =	sshll.u32 s7, $0x8  }
0x522: {  	s7 =	sshra.s32 s7, $0x2  }
0x523: {  	s10 =	sadd.s32 $0x1, s10;
	s7 =	sadd.s32 $0x10020, s7  }
0x524: {  	p0 =	slt.s32 s10, s4;
	v5 =	vld [tilespmem:s7+$0x0]  }
.Ltmp110:
0x525: {  	_ = 	snop;
	(pc) =	sbr.rel @!p0 .LBB2_142-.Ltmp110, $4  }
0x526: {  	v6 =	vld [tilespmem:s7+$0xFFFFFFE0]  }
0x527: {  	v7 =	vld [tilespmem:s7+$0xFFFFFFF0]  }
0x528: {  	v9 =	vimm.f32 $0.0e+00;
	v8 =	vld [tilespmem:s7+$0x10]  }
0x529: {  	v10 =	vimm.f32 $0.0e+00;
	v11 =	vimm.f32 $0.0e+00;
	s11 =	sadd.s32 $0x40, s7;
	v5 =	vadd.f32 v5, v4  }
.LBB2_141:
0x52a: {  	s10 =	sadd.s32 $0x1, s10  }
0x52b: {  	v12 =	vld [tilespmem:s11+$0x0];
	v9 =	vadd.f32 v6, v9;
	p0 =	slt.s32 s10, s4  }
.Ltmp111:
0x52c: {  	v6 =	vld [tilespmem:s11+$0xFFFFFFE0];
	v10 =	vadd.f32 v7, v10;
	(pc) =	sbr.rel @p0 .LBB2_141-.Ltmp111, $3  }
0x52d: {  	v7 =	vld [tilespmem:s11+$0xFFFFFFF0];
	v11 =	vadd.f32 v8, v11  }
0x52e: {  	v8 =	vld [tilespmem:s11+$0x10];
	_ =	sdelay $0x1  }
0x52f: {  	s11 =	sadd.s32 $0x40, s11;
	v5 =	vadd.f32 v12, v5  }
.LBB2_142:
0x530: {  	_ =	sdelay $0x1  }
0x531: {  	v9 =	vadd.f32 v6, v9  }
0x532: {  	v7 =	vadd.f32 v7, v10;
	v6 =	vadd.f32 v8, v11  }
.LBB2_143:
0x533: {  	v8 =	vld [tilespmem:$0x18300]  }
0x534: {  	v10 =	vld [tilespmem:$0x18310]  }
0x535: {  	v11 =	vld [tilespmem:$0x18320];
	p0 =	sgt.s32 s1, s18  }
0x536: {  	v12 =	vld [tilespmem:$0x18330];
	s10 =	smov.u32 s18;
	p1 =	slt.s32 s2, s14;
	s4 =	smov.u32 s14  }
0x537: {  	s10 =	smov.u32 @p0 s1;
	s4 =	smov.u32 @p1 s2  }
0x538: {  	p0 =	sge.s32 s10, s4;
	v8 =	vadd.f32 v8, v9  }
.Ltmp112:
0x539: {  	v7 =	vadd.f32 v10, v7;
	(pc) =	sbr.rel @p0 .LBB2_144-.Ltmp112, $4  }
0x53a: {  	v5 =	vadd.f32 v11, v5;
	[tilespmem:$0x18300] =	vst v8  }
0x53b: {  	v6 =	vadd.f32 v12, v6;
	[tilespmem:$0x18310] =	vst v7  }
0x53c: {  	[tilespmem:$0x18320] =	vst v5  }
0x53d: {  	[tilespmem:$0x18330] =	vst v6  }
0x53e: {  	p0 =	sgt.s32 s1, s6;
	s7 =	smov.u32 s6  }
0x53f: {  	s7 =	smov.u32 @p0 s1  }
0x540: {  	s7 =	sadd.s32 s8, s7  }
0x541: {  	s7 =	sshll.u32 s7, $0x8  }
0x542: {  	s7 =	sshra.s32 s7, $0x2  }
0x543: {  	s10 =	sadd.s32 $0x1, s10;
	s7 =	sadd.s32 $0x10020, s7  }
0x544: {  	p0 =	slt.s32 s10, s4;
	v5 =	vld [tilespmem:s7+$0x0]  }
.Ltmp113:
0x545: {  	_ = 	snop;
	(pc) =	sbr.rel @!p0 .LBB2_147-.Ltmp113, $4  }
0x546: {  	v6 =	vld [tilespmem:s7+$0xFFFFFFE0]  }
0x547: {  	v7 =	vld [tilespmem:s7+$0xFFFFFFF0]  }
0x548: {  	v8 =	vld [tilespmem:s7+$0x10]  }
0x549: {  	v9 =	vimm.f32 $0.0e+00;
	v10 =	vimm.f32 $0.0e+00;
	s11 =	sadd.s32 $0x40, s7;
	v5 =	vadd.f32 v5, v4  }
.LBB2_146:
0x54a: {  	s10 =	sadd.s32 $0x1, s10  }
0x54b: {  	v11 =	vld [tilespmem:s11+$0x0];
	v4 =	vadd.f32 v6, v4;
	p0 =	slt.s32 s10, s4  }
.Ltmp114:
0x54c: {  	v6 =	vld [tilespmem:s11+$0xFFFFFFE0];
	v9 =	vadd.f32 v7, v9;
	(pc) =	sbr.rel @p0 .LBB2_146-.Ltmp114, $3  }
0x54d: {  	v7 =	vld [tilespmem:s11+$0xFFFFFFF0];
	v10 =	vadd.f32 v8, v10  }
0x54e: {  	v8 =	vld [tilespmem:s11+$0x10];
	_ =	sdelay $0x1  }
0x54f: {  	s11 =	sadd.s32 $0x40, s11;
	v5 =	vadd.f32 v11, v5  }
.LBB2_147:
.Ltmp115:
0x550: {  	(pc) =	sbr.rel .LBB2_148-.Ltmp115, $3  }
0x551: {  	_ =	sdelay $0x1  }
0x552: {  	v4 =	vadd.f32 v6, v4  }
0x553: {  	v7 =	vadd.f32 v7, v9;
	v6 =	vadd.f32 v8, v10  }
.LBB2_144:
0x554: {  	v7 =	vimm.f32 $0.0e+00;
	v5 =	vimm.f32 $0.0e+00;
	v6 =	vimm.f32 $0.0e+00  }
.LBB2_148:
0x555: {  	v8 =	vld [tilespmem:$0x18340]  }
0x556: {  	v9 =	vld [tilespmem:$0x18350]  }
0x557: {  	v10 =	vld [tilespmem:$0x18360];
	p0 =	sgt.s32 s2, s18  }
0x558: {  	v11 =	vld [tilespmem:$0x18370];
	s10 =	smov.u32 s18;
	p1 =	slt.s32 s12, s14;
	s4 =	smov.u32 s14  }
0x559: {  	s10 =	smov.u32 @p0 s2;
	s4 =	smov.u32 @p1 s12  }
0x55a: {  	p0 =	sge.s32 s10, s4;
	v4 =	vadd.f32 v8, v4  }
.Ltmp116:
0x55b: {  	v7 =	vadd.f32 v9, v7;
	(pc) =	sbr.rel @p0 .LBB2_152-.Ltmp116, $4  }
0x55c: {  	[tilespmem:$0x18340] =	vst v4;
	v4 =	vadd.f32 v10, v5  }
0x55d: {  	[tilespmem:$0x18350] =	vst v7;
	v5 =	vadd.f32 v11, v6  }
0x55e: {  	v9 =	vimm.f32 $0.0e+00;
	v6 =	vimm.f32 $0.0e+00;
	[tilespmem:$0x18360] =	vst v4  }
0x55f: {  	v7 =	vimm.f32 $0.0e+00;
	v4 =	vimm.f32 $0.0e+00;
	[tilespmem:$0x18370] =	vst v5;
	v5 =	vimm.f32 $0.0e+00  }
0x560: {  	p0 =	sgt.s32 s2, s6;
	s7 =	smov.u32 s6  }
0x561: {  	s7 =	smov.u32 @p0 s2  }
0x562: {  	s7 =	sadd.s32 s8, s7  }
0x563: {  	s7 =	sshll.u32 s7, $0x8  }
0x564: {  	s7 =	sshra.s32 s7, $0x2  }
0x565: {  	s10 =	sadd.s32 $0x1, s10;
	s7 =	sadd.s32 $0x10020, s7  }
0x566: {  	p0 =	slt.s32 s10, s4;
	v5 =	vld [tilespmem:s7+$0x0]  }
.Ltmp117:
0x567: {  	_ = 	snop;
	(pc) =	sbr.rel @!p0 .LBB2_151-.Ltmp117, $4  }
0x568: {  	v6 =	vld [tilespmem:s7+$0xFFFFFFE0]  }
0x569: {  	v7 =	vld [tilespmem:s7+$0xFFFFFFF0]  }
0x56a: {  	v9 =	vimm.f32 $0.0e+00;
	v8 =	vld [tilespmem:s7+$0x10]  }
0x56b: {  	v10 =	vimm.f32 $0.0e+00;
	v11 =	vimm.f32 $0.0e+00;
	s11 =	sadd.s32 $0x40, s7;
	v5 =	vadd.f32 v5, v4  }
.LBB2_150:
0x56c: {  	s10 =	sadd.s32 $0x1, s10  }
0x56d: {  	v12 =	vld [tilespmem:s11+$0x0];
	v9 =	vadd.f32 v6, v9;
	p0 =	slt.s32 s10, s4  }
.Ltmp118:
0x56e: {  	v6 =	vld [tilespmem:s11+$0xFFFFFFE0];
	v10 =	vadd.f32 v7, v10;
	(pc) =	sbr.rel @p0 .LBB2_150-.Ltmp118, $3  }
0x56f: {  	v7 =	vld [tilespmem:s11+$0xFFFFFFF0];
	v11 =	vadd.f32 v8, v11  }
0x570: {  	v8 =	vld [tilespmem:s11+$0x10];
	_ =	sdelay $0x1  }
0x571: {  	s11 =	sadd.s32 $0x40, s11;
	v5 =	vadd.f32 v12, v5  }
.LBB2_151:
0x572: {  	_ =	sdelay $0x1  }
0x573: {  	v6 =	vadd.f32 v6, v9  }
0x574: {  	v9 =	vadd.f32 v7, v10;
	v7 =	vadd.f32 v8, v11  }
.LBB2_152:
0x575: {  	v8 =	vld [tilespmem:$0x18380]  }
0x576: {  	v10 =	vld [tilespmem:$0x18390]  }
0x577: {  	v11 =	vld [tilespmem:$0x183A0]  }
0x578: {  	v12 =	vld [tilespmem:$0x183B0];
	p0 =	sgt.s32 s12, s18  }
0x579: {  	s18 =	smov.u32 @p0 s12  }
0x57a: {  	p0 =	sge.u32 s18, s14;
	v6 =	vadd.f32 v8, v6  }
.Ltmp119:
0x57b: {  	v63 =	vadd.f32 v10, v9;
	(pc) =	sbr.rel @p0 .LBB2_153-.Ltmp119, $4  }
0x57c: {  	v5 =	vadd.f32 v11, v5;
	[tilespmem:$0x18380] =	vst v6  }
0x57d: {  	[tilespmem:$0x18390] =	vst v63;
	v6 =	vadd.f32 v12, v7  }
0x57e: {  	[tilespmem:$0x183A0] =	vst v5  }
0x57f: {  	[tilespmem:$0x183B0] =	vst v6  }
0x580: {  	p0 =	sgt.s32 s12, s6;
	s4 =	smov.u32 s6  }
0x581: {  	s4 =	smov.u32 @p0 s12  }
0x582: {  	s4 =	sadd.s32 s8, s4  }
0x583: {  	s4 =	sshll.u32 s4, $0x8  }
0x584: {  	s4 =	sshra.s32 s4, $0x2  }
0x585: {  	s7 =	sadd.s32 $0x10020, s4;
	s4 =	sadd.s32 $0x1, s18  }
0x586: {  	v5 =	vld [tilespmem:s7+$0x0];
	p0 =	slt.u32 s4, s14  }
.Ltmp120:
0x587: {  	_ = 	snop;
	(pc) =	sbr.rel @!p0 .LBB2_156-.Ltmp120, $4  }
0x588: {  	v6 =	vld [tilespmem:s7+$0xFFFFFFE0]  }
0x589: {  	v7 =	vld [tilespmem:s7+$0xFFFFFFF0]  }
0x58a: {  	v8 =	vld [tilespmem:s7+$0x10]  }
0x58b: {  	v9 =	vimm.f32 $0.0e+00;
	v10 =	vimm.f32 $0.0e+00;
	s10 =	sadd.s32 $0x40, s7;
	v5 =	vadd.f32 v5, v4  }
.LBB2_155:
0x58c: {  	s4 =	sadd.s32 $0x1, s4  }
0x58d: {  	v11 =	vld [tilespmem:s10+$0x0];
	v4 =	vadd.f32 v6, v4;
	p0 =	slt.u32 s4, s14  }
.Ltmp121:
0x58e: {  	v6 =	vld [tilespmem:s10+$0xFFFFFFE0];
	v9 =	vadd.f32 v7, v9;
	(pc) =	sbr.rel @p0 .LBB2_155-.Ltmp121, $3  }
0x58f: {  	v7 =	vld [tilespmem:s10+$0xFFFFFFF0];
	v10 =	vadd.f32 v8, v10  }
0x590: {  	v8 =	vld [tilespmem:s10+$0x10];
	_ =	sdelay $0x1  }
0x591: {  	s10 =	sadd.s32 $0x40, s10;
	v5 =	vadd.f32 v11, v5  }
.LBB2_156:
.Ltmp122:
0x592: {  	(pc) =	sbr.rel .LBB2_157-.Ltmp122, $3  }
0x593: {  	_ =	sdelay $0x1  }
0x594: {  	v4 =	vadd.f32 v6, v4  }
0x595: {  	v7 =	vadd.f32 v7, v9;
	v6 =	vadd.f32 v8, v10  }
.LBB2_160:
0x596: {  	_ =	sfence.sel $0x180000  }
0x597: {  	[bflag:$0x0] =	sbarrier.arrive $0xFFFF  }
0x598: {  	_ =	strace $0x9000004A  }
0x599: {  	s0 =	stileid.u32;
	[bflag:$0x2] =	sbarrier.arrive $0xFFFF  }
0x59a: {  	p0 =	sne.s32 s0, $0x0;
	s0 =	rddreg [dreg:$0x2]  }
0x59b: {  	s0 =	sadd.s32 @!p0 $0x100000, s0  }
0x59c: {  	[sflag:s0] =	ssyncadd.tile.s32 @!p0 $0x1;
	_ =	shalt  }
.Lfunc_end2:
_tile_overlayer_lowered:
.L_overlay_start_2:
0x59d: {  	(tag) =	ssettag $0x2  }
0x59e: {  	s0 =	rddreg [dreg:$0x0];
	s2 =	stileid.u32  }
0x59f: {  	s1 =	rddreg [dreg:$0x1];
	p0 =	sne.s32 s2, $0x0  }
0x5a0: {  	s3 =	rddreg [dreg:$0x2];
	[bflag:$0x3] =	sbarrier.arrive $0xFFFF;
	s2 =	simm.s32 @!p0 $0x1C03  }
0x5a1: {  	[timem:s3], [sflag:s2] =	dma.local @!p0 [hbm:s0], s1  }
0x5a2: {  	s0 =	simm.s32 @!p0 $0x3  }
0x5a3: {  	_ =	swait.ge @!p0 [sflag:s0], s1  }
0x5a4: {  	s1 =	ssub.s32 @!p0 $0x0, s1;
	[sflag:s0] =	ssyncset.done @!p0 $0x0  }
0x5a5: {  	[sflag:s0] =	ssyncadd.s32 @!p0 s1  }
0x5a6: {  	[bflag:$0x3] =	sbarrier.arrive $0xFFFF  }
0x5a7: {  	_ =	shalt  }

// kernel: sparse-core-data-format-call.cloned.1.call-start
scs
called_computation_lowered:
.L_overlay_start_0:
0x0: {  	s2 =	sld [smem:$0x3FD9]  }
0x1: {  	s3 =	sld [smem:$0x3FFE];
	_ =	sdelay $0x1  }
0x2: {  	s1 =	srdreg.scid  }
0x3: {  	s0 =	sand.u32 $0x1, s1  }
0x4: {  	s18 =	sshll.u32 s0, $0xA;
	s2 =	sadd.s32 s3, s2  }
0x5: {  	s2 =	sadd.s32 s2, s18  }
0x6: {  	[smem:$0x3FC6] =	sst s2  }
0x7: {  	_ = 	snop  }
0x8: {  	s2 =	sld [smem:$0x3FC9];
	(tm) =	ssettm $0x1  }
0x9: {  	s19 =	sld [smem:$0x3FFB];
	_ =	sdelay $0x3  }
0xa: {  	_ =	strace s19  }
0xb: {  	s3 =	sld [smem:$0x3FFC];
	_ =	sdelay $0x3  }
0xc: {  	_ =	strace s3  }
0xd: {  	s3 =	sld [smem:$0x3FFD];
	_ =	sdelay $0x3  }
0xe: {  	_ =	strace s3  }
0xf: {  	_ =	strace $0x8FFFFFFF  }
0x10: {  	s20 =	sld [smem:$0x3FDB];
	_ =	sdelay $0x1  }
0x11: {  	s4 =	simm.s32 $_scs_section_size  }
0x12: {  	s5 =	simm.s32 $_size__tile_overlayer_lowered;
	s6 =	simm.s32 $_tile_overlayer_lowered  }
0x13: {  	s23 =	simm.s32 $0x1BFF;
	s22 =	sshll.u32 s6, $0x1;
	s3 =	sadd.s32 s4, s20  }
0x14: {  	s7 =	simm.s32 $0x0;
	s21 =	sshll.u32 s5, $0x1;
	s5 =	sadd.s32 s22, s3  }
0x15: {  	[timem:s7], [sflag:s23] =	dma.local [hbm:s5], s21  }
0x16: {  	_ =	swait.ge [sflag:s23], s21  }
0x17: {  	s4 =	ssub.s32 $0x0, s21;
	[sflag:s23] =	ssyncset.done $0x0  }
0x18: {  	[sflag:s23] =	ssyncadd.s32 s4;
	_ =	sdelay $0x1  }
0x19: {  	s24 =	simm.s32 $0x1B8B  }
0x1a: {  	_ =	swait.ge [sflag:s24], $0x1  }
0x1b: {  	[sflag:s24] =	ssyncset.done $0x0  }
0x1c: {  	s26 =	simm.s32 $0x1B8E;
	s25 =	sld [smem:$0x3FFE];
	[sflag:s24] =	ssyncadd.s32 $0xFFFFFFFF  }
0x1d: {  	s27 =	simm.s32 $execute0_lowered;
	[smem:$0x3FD2] =	sst s26  }
0x1e: {  	s5 =	sshll.u32 s27, $0x1;
	_ =	strace $0x80000046;
	[dreg:$0x1] =	wrdreg $0xFFFFFFFF  }
0x1f: {  	s28 =	simm.s32 $_size_execute0_lowered;
	s3 =	sadd.s32 s3, s5;
	[dreg:$0x0] =	wrdreg $0x0  }
0x20: {  	s5 =	sshll.u32 s28, $0x1;
	[dreg:$0x2] =	wrdreg s3  }
0x21: {  	[dreg:$0x3] =	wrdreg s5  }
0x22: {  	[dreg:$0x4] =	wrdreg $0xC0  }
0x23: {  	_ =	task [dreg:s7], $0x5FFFF  }
0x24: {  	[dreg:$0x1] =	wrdreg $0xFFFFFFFF  }
0x25: {  	[dreg:$0x0] =	wrdreg $0x60  }
0x26: {  	[dreg:$0x2] =	wrdreg s2  }
0x27: {  	[dreg:$0x3] =	wrdreg s25  }
0x28: {  	[dreg:$0x4] =	wrdreg $0x9  }
0x29: {  	_ =	task.clear_ibuf [dreg:s7], $0x5FFFF;
	_ =	strace $0x90000046  }
0x2a: {  	s29 =	simm.s32 $0x9;
	_ =	strace $0x80000048  }
0x2b: {  	_ =	swait.ge [sflag:s29], $0x1  }
0x2c: {  	[sflag:s29] =	ssyncadd.s32 $0xFFFFFFFF  }
0x2d: {  	_ =	strace $0x90000048  }
0x2e: {  	_ =	sfence  }
0x2f: {  	s30 =	sld [smem:$0x0];
	_ =	sdelay $0x2  }
0x30: {  	s31 =	sshll.u32 s1, $0xD;
	s1 =	sshrl.u32 s1, $0x2  }
0x31: {  	s3 =	sand.u32 $0x4000, s31;
	s1 =	sadd.s32 s1, s30  }
0x32: {  	s0 =	sor.u32 s3, s0;
	s1 =	sshll.u32 s1, $0x11  }
0x33: {  	s0 =	sor.u32 s1, s0  }
0x34: {  	s0 =	sadd.s32 $0x8F2B, s0  }
0x35: {  	[sflag:s0] =	ssyncadd.remote.s32 $0x1  }
0x36: {  	_ =	sfence.sel $0xFFFF  }
0x37: {  	[dreg:$0x0] =	wrdreg $0xFFFFFFFF;
	(pc) =	sbr.abs _section_cstart, $3  }
0x38: {  	[dreg:$0x1] =	wrdreg $0xFFFFFFFF  }
0x39: {  	_ =	task.clear_ibuf [dreg:s7], $0x2FFFF;
	_ =	strace $0x9FFFFFFF  }
0x3a: {  	(tm) =	ssettm $0x7FFFFFFF  }
0x3b: {  	_ =	shalt  }
tec
execute0_lowered:
.L_overlay_start_1:
0x0: {  	(tag) =	ssettag $0x1  }
0x1: {  	s2 =	rddreg [dreg:$0x0]  }
0x2: {  	s1 =	rddreg [dreg:$0x1]  }
0x3: {  	s0 =	rddreg [dreg:$0x2];
	_ =	strace $0x80000047;
	s4 =	srdreg.scid  }
.Ltmp0:
0x4: {  	s6 =	simm.s32 $0x2;
	p0 =	por $0x0, $0x0;
	(pc) =	sbr.rel .LBB1_1-.Ltmp0, $4  }
0x5: {  	s9 =	simm.s32 $0x0;
	s3 =	sadd.s32 $0x800, s1;
	s5 =	sshll.u32 s4, $0x4  }
0x6: {  	s1 =	stileid.u32;
	s4 =	simm.s32 $0x1;
	s5 =	sand.u32 $0x10, s5  }
0x7: {  	s7 =	simm.s32 $0x0;
	[sflag:s4] =	ssyncpa.u1 $0x0;
	s5 =	sor.u32 s1, s5  }
0x8: {  	[sflag:s6] =	ssyncpa.u1 $0x0;
	s6 =	simm.s32 $0x0;
	s8 =	smov.u32 s5  }
.LBB1_7:
0x9: {  	s11 =	sadd.s32 $0x20, s8  }
0xa: {  	p1 =	slt.u32 s7, $0x2;
	s7 =	sadd.s32 $0x1, s7;
	p2 =	sgt.s32 s11, $0xFFF  }
0xb: {  	s11 =	smov.u32 @p2 s5;
	p2 =	sne.s32 s7, $0x82  }
.Ltmp1:
0xc: {  	_ = 	snop;
	(pc) =	sbr.rel @!p2 .LBB1_8-.Ltmp1, $4  }
0xd: {  	s10 =	simm.s32 @!p1 $0x2  }
0xe: {  	_ =	swait.ge @!p1 [sflag:s10], $0x4000  }
0xf: {  	s9 =	smov.u32 s8;
	[sflag:s10] =	ssyncset.done @!p1 $0x0  }
0x10: {  	p0 =	por !p0, !p0;
	s8 =	smov.u32 s11;
	[sflag:s10] =	ssyncadd.s32 @!p1 $0xFFFFC000  }
.LBB1_1:
0x11: {  	p1 =	sgt.u32 s7, $0x7F  }
0x12: {  	s10 =	sxor.u32 @!p1 $0xFFFFFFFF, s7  }
0x13: {  	s11 =	sshll.u32 @!p1 s8, $0xB;
	s10 =	sshll.u32 @!p1 s10, $0xE  }
0x14: {  	s12 =	simm.s32 @!p1 $0x0;
	s11 =	sadd.s32 @!p1 s2, s11;
	s10 =	sand.u32 @!p1 $0x4000, s10  }
0x15: {  	[tilespmem:s10], [sflag:$0x1] =	stream.linear.gather @!p1 [hbm4b:s11+s12], $0x4000, $0x38;
	[tilespmem:$0x10000] =	vst v63  }
0x16: {  	p1 =	seq.s32 s7, $0x0  }
0x17: {  	p2 =	seq.s32 @!p1 s7, $0x81  }
0x18: {  	p1 =	por p1, p2  }
.Ltmp2:
0x19: {  	_ = 	snop;
	(pc) =	sbr.rel @p1 .LBB1_7-.Ltmp2, $1  }
0x1a: {  	_ =	sdelay $0x3  }
0x1b: {  	s10 =	simm.s32 $0x1;
	_ =	swait.ge [sflag:s4], $0x4000;
	s12 =	sshll.u32 s7, $0xE  }
0x1c: {  	s13 =	simm.s32 $0x0;
	s10 =	simm.s32 @!p0 $0x0;
	[sflag:s4] =	ssyncset.done $0x0  }
0x1d: {  	s12 =	sand.u32 $0x4000, s12;
	s11 =	sshll.u32 s10, $0xE;
	[sflag:s4] =	ssyncadd.s32 $0xFFFFC000  }
0x1e: {  	s12 =	sor.u32 $0x8000, s12;
	s10 =	sor.u32 $0x8040, s11;
	s11 =	sor.u32 $0x40, s11  }
.LBB1_3:
0x1f: {  	v0 =	vmov s11;
	_ =	sdelay $0x3  }
0x20: {  	s15 =	simm.s32 $0x0  }
0x21: {  	v6 =	vld.idx.msk [tilespmem:v0+s15+$0x30 ss:$0x1], $0xffff  }
0x22: {  	v7 =	vld.idx.msk [tilespmem:v0+s15+$0xFFFFFFC0 ss:$0x1], $0xffff  }
0x23: {  	v5 =	vld.idx.msk [tilespmem:v0+s15+$0xFFFFFFD0 ss:$0x1], $0xffff  }
0x24: {  	v4 =	vld.idx.msk [tilespmem:v0+s15+$0xFFFFFFE0 ss:$0x1], $0xffff  }
0x25: {  	v3 =	vld.idx.msk [tilespmem:v0+s15+$0xFFFFFFF0 ss:$0x1], $0xffff  }
0x26: {  	v1 =	vld.idx.msk [tilespmem:v0+s15+$0x0 ss:$0x1], $0xffff  }
0x27: {  	v2 =	vld.idx.msk [tilespmem:v0+s15+$0x10 ss:$0x1], $0xffff;
	[tilespmem:s10+$0x30] =	vst v6  }
0x28: {  	s14 =	simm.s32 $0x80;
	s16 =	simm.s32 $0x400;
	[tilespmem:s10+$0xFFFFFFC0] =	vst v7;
	v6 =	vld.idx.msk [tilespmem:v0+s15+$0x20 ss:$0x1], $0xffff;
	s15 =	smov.u32 s10  }
.LBB1_4:
0x29: {  	p1 =	sne.s32 s16, $0xE00;
	v7 =	vld.idx.msk [tilespmem:v0+s14+$0x30 ss:$0x1], $0xffff;
	[tilespmem:s15+$0xFFFFFFD0] =	vst v5  }
0x2a: {  	v8 =	vld.idx.msk [tilespmem:v0+s14+$0xFFFFFFC0 ss:$0x1], $0xffff;
	[tilespmem:s15+$0xFFFFFFE0] =	vst v4  }
0x2b: {  	v5 =	vld.idx.msk [tilespmem:v0+s14+$0xFFFFFFD0 ss:$0x1], $0xffff;
	[tilespmem:s15+$0xFFFFFFF0] =	vst v3  }
.Ltmp3:
0x2c: {  	v4 =	vld.idx.msk [tilespmem:v0+s14+$0xFFFFFFE0 ss:$0x1], $0xffff;
	[tilespmem:s15+$0x0] =	vst v1;
	(pc) =	sbr.rel @p1 .LBB1_4-.Ltmp3, $4  }
0x2d: {  	v3 =	vld.idx.msk [tilespmem:v0+s14+$0xFFFFFFF0 ss:$0x1], $0xffff;
	[tilespmem:s15+$0x10] =	vst v2  }
0x2e: {  	v1 =	vld.idx.msk [tilespmem:v0+s14+$0x0 ss:$0x1], $0xffff;
	[tilespmem:s15+$0x20] =	vst v6;
	s15 =	sadd.s32 $0x800, s15  }
0x2f: {  	v2 =	vld.idx.msk [tilespmem:v0+s14+$0x10 ss:$0x1], $0xffff;
	[tilespmem:s15+$0x30] =	vst v7  }
0x30: {  	[tilespmem:s15+$0xFFFFFFC0] =	vst v8;
	v6 =	vld.idx.msk [tilespmem:v0+s14+$0x20 ss:$0x1], $0xffff;
	s14 =	sshra.s32 s16, $0x2;
	s16 =	sadd.s32 $0x200, s16  }
0x31: {  	_ =	sdelay $0x2  }
0x32: {  	[tilespmem:s15+$0xFFFFFFD0] =	vst v5  }
0x33: {  	v56 =	vld.idx.msk [tilespmem:v0+s14+$0x30 ss:$0x1], $0xffff;
	[tilespmem:s15+$0xFFFFFFE0] =	vst v4  }
0x34: {  	v57 =	vld.idx.msk [tilespmem:v0+s14+$0xFFFFFFC0 ss:$0x1], $0xffff;
	[tilespmem:s15+$0xFFFFFFF0] =	vst v3  }
0x35: {  	v58 =	vld.idx.msk [tilespmem:v0+s14+$0xFFFFFFD0 ss:$0x1], $0xffff;
	[tilespmem:s15+$0x0] =	vst v1  }
0x36: {  	v59 =	vld.idx.msk [tilespmem:v0+s14+$0xFFFFFFE0 ss:$0x1], $0xffff;
	[tilespmem:s15+$0x10] =	vst v2  }
0x37: {  	v60 =	vld.idx.msk [tilespmem:v0+s14+$0xFFFFFFF0 ss:$0x1], $0xffff;
	s31 =	sadd.s32 $0x800, s15;
	[tilespmem:s15+$0x20] =	vst v6  }
0x38: {  	v61 =	vld.idx.msk [tilespmem:v0+s14+$0x0 ss:$0x1], $0xffff;
	[tilespmem:s31+$0x30] =	vst v56  }
0x39: {  	v62 =	vld.idx.msk [tilespmem:v0+s14+$0x10 ss:$0x1], $0xffff;
	s13 =	sadd.s32 $0x1, s13;
	[tilespmem:s31+$0xFFFFFFC0] =	vst v57  }
0x3a: {  	v63 =	vld.idx.msk [tilespmem:v0+s14+$0x20 ss:$0x1], $0xffff;
	p1 =	sne.s32 s13, $0x10;
	[tilespmem:s31+$0xFFFFFFD0] =	vst v58  }
.Ltmp4:
0x3b: {  	[tilespmem:s31+$0xFFFFFFE0] =	vst v59;
	(pc) =	sbr.rel @p1 .LBB1_3-.Ltmp4, $4  }
0x3c: {  	[tilespmem:s31+$0xFFFFFFF0] =	vst v60  }
0x3d: {  	[tilespmem:s31+$0x0] =	vst v61  }
0x3e: {  	[tilespmem:s31+$0x10] =	vst v62  }
0x3f: {  	s10 =	sadd.s32 $0x80, s10;
	s11 =	sadd.s32 $0x400, s11;
	[tilespmem:s31+$0x20] =	vst v63  }
.Ltmp5:
0x40: {  	(pc) =	sbr.rel .LBB1_7-.Ltmp5, $4  }
0x41: {  	_ = 	snop  }
0x42: {  	s9 =	sshll.u32 s9, $0xB  }
0x43: {  	s9 =	sadd.s32 s3, s9  }
0x44: {  	[hbm4b:s9+s6] =	stream.linear.scatter [tilespmem:s12], [sflag:$0x2], $0x4000, $0x38;
	[tilespmem:$0x10000] =	vst v63  }
.LBB1_8:
0x45: {  	_ =	sfence.sel $0x180000  }
0x46: {  	s2 =	simm.s32 $0x1;
	[bflag:$0x0] =	sbarrier.arrive $0xFFFF  }
0x47: {  	s31 =	simm.s32 $0x2;
	[sflag:s2] =	ssyncpa.u1 $0x1  }
0x48: {  	[sflag:s31] =	ssyncpa.u1 $0x1  }
0x49: {  	p0 =	sne.s32 s1, $0x0;
	_ =	strace $0x90000047  }
0x4a: {  	s0 =	sadd.s32 @!p0 $0x100000, s0;
	[bflag:$0x2] =	sbarrier.arrive $0xFFFF  }
0x4b: {  	[sflag:s0] =	ssyncadd.tile.s32 @!p0 $0x1;
	_ =	shalt  }
.Lfunc_end1:
_tile_overlayer_lowered:
.L_overlay_start_2:
0x4c: {  	(tag) =	ssettag $0x2  }
0x4d: {  	s0 =	rddreg [dreg:$0x0];
	s2 =	stileid.u32  }
0x4e: {  	s1 =	rddreg [dreg:$0x1];
	p0 =	sne.s32 s2, $0x0  }
0x4f: {  	s3 =	rddreg [dreg:$0x2];
	[bflag:$0x3] =	sbarrier.arrive $0xFFFF;
	s2 =	simm.s32 @!p0 $0x1C01  }
0x50: {  	[timem:s3], [sflag:s2] =	dma.local @!p0 [hbm:s0], s1  }
0x51: {  	s0 =	simm.s32 @!p0 $0x1  }
0x52: {  	_ =	swait.ge @!p0 [sflag:s0], s1  }
0x53: {  	s1 =	ssub.s32 @!p0 $0x0, s1;
	[sflag:s0] =	ssyncset.done @!p0 $0x0  }
0x54: {  	[sflag:s0] =	ssyncadd.s32 @!p0 s1  }
0x55: {  	[bflag:$0x3] =	sbarrier.arrive $0xFFFF  }
0x56: {  	_ =	shalt  }

</sc_bundles>
